<compile_context>
chip_gen: v7x
topology: tpu7x:2x2x1
jax: 0.10.2.dev20260603
libtpu: 0.0.44.dev20260713+nightly
codegen_flags: <defaults>
</compile_context>

<pallas_src>
import functools

import jax
import jax.numpy as jnp
from jax import lax
from jax.experimental import pallas as pl
from jax.experimental.pallas import tpu as pltpu
from jax.experimental.pallas import tpu_sc as plsc

N = 10000
D = 128
G = 64
OUT = 10
NC = 2
NS = 16
NW = NC * NS
CHUNK = 96
DBLK = 16
RING = 3
N_PAD = 10240
NPD = 10240
ZROWS = 16

_mesh = plsc.VectorSubcoreMesh(
    core_axis_name="c", subcore_axis_name="s", num_cores=NC, num_subcores=NS)


def _worker():
  c = lax.axis_index("c")
  s = lax.axis_index("s")
  return c, s, c * NS + s


def _deg_body(cpt, didx_hbm, out_hbm, didx_v, ones_v, deg_sh):
  c, s, w = _worker()
  zslice = NPD // NS
  zc = 32
  for q in range(CHUNK // 16):
    ones_v[pl.ds(q * 16, 16)] = jnp.zeros((16,), jnp.float32)
  for k in range(zslice // zc):
    pltpu.sync_copy(ones_v.at[pl.ds(0, zc)],
                    deg_sh.at[pl.ds(s * zslice + k * zc, zc)])
  for q in range(CHUNK // 16):
    ones_v[pl.ds(q * 16, 16)] = jnp.ones((16,), jnp.float32)
  plsc.subcore_barrier()

  def blk(b, carry):
    pltpu.sync_copy(didx_hbm.at[pl.ds(w * cpt + b * DBLK, DBLK)], didx_v)

    def body(j, carry2):
      pltpu.sync_copy(ones_v, deg_sh.at[didx_v.at[j]], add=True)
      return carry2

    return lax.fori_loop(0, DBLK, body, carry)

  lax.fori_loop(0, cpt // DBLK, blk, 0)
  plsc.subcore_barrier()
  pltpu.sync_copy(deg_sh.at[pl.ds(s * zslice, zslice)],
                  out_hbm.at[pl.ds(c * NPD + s * zslice, zslice)])


def _scat_body(cpt, g_hbm, sidx_hbm, didx_hbm, out_hbm,
               sidx_v, didx_v, rows_0, rows_1, rows_2, acc_sh,
               gs0, gs1, gs2, ss0, ss1, ss2):
  c, s, w = _worker()
  bufs = (rows_0, rows_1, rows_2)
  gsem = (gs0, gs1, gs2)
  ssem = (ss0, ss1, ss2)
  for r in range(ZROWS):
    for q in range(D // 16):
      rows_0[r, pl.ds(q * 16, 16)] = jnp.zeros((16,), jnp.float32)
  zslice = N_PAD // NS

  def zbody(k, carry):
    pltpu.sync_copy(rows_0.at[pl.ds(0, ZROWS)],
                    acc_sh.at[pl.ds(s * zslice + k * ZROWS, ZROWS)])
    return carry

  lax.fori_loop(0, zslice // ZROWS, zbody, 0)
  plsc.subcore_barrier()

  def block(b, carry):
    pltpu.sync_copy(sidx_hbm.at[pl.ds(w * cpt + b * DBLK, DBLK)], sidx_v)
    pltpu.sync_copy(didx_hbm.at[pl.ds(w * cpt + b * DBLK, DBLK)], didx_v)
    for l in range(RING - 1):
      pltpu.async_copy(g_hbm.at[sidx_v.at[l]], bufs[l], gsem[l])
    for l in range(DBLK):
      r = l % RING
      pltpu.make_async_copy(g_hbm.at[sidx_v.at[l]], bufs[r], gsem[r]).wait()
      pltpu.async_copy(bufs[r], acc_sh.at[didx_v.at[l]], ssem[r], add=True)
      nl = l + RING - 1
      if nl < DBLK:
        rn = nl % RING
        if nl >= RING:
          pltpu.make_async_copy(bufs[rn], acc_sh.at[didx_v.at[nl - RING]],
                                ssem[rn]).wait()
        pltpu.async_copy(g_hbm.at[sidx_v.at[nl]], bufs[rn], gsem[rn])
    for l in range(DBLK - RING, DBLK):
      r = l % RING
      pltpu.make_async_copy(bufs[r], acc_sh.at[didx_v.at[l]], ssem[r]).wait()
    return carry

  lax.fori_loop(0, cpt // DBLK, block, 0)
  plsc.subcore_barrier()
  pltpu.sync_copy(acc_sh.at[pl.ds(s * zslice, zslice)],
                  out_hbm.at[pl.ds(c * N_PAD + s * zslice, zslice)])


def _make_sc_kernels(cpt):
  deg = pl.kernel(
      functools.partial(_deg_body, cpt),
      out_type=jax.ShapeDtypeStruct((NC * NPD,), jnp.float32),
      mesh=_mesh,
      scratch_types=[
          pltpu.VMEM((DBLK, CHUNK), jnp.int32),
          pltpu.VMEM((CHUNK,), jnp.float32),
          pltpu.VMEM_SHARED((NPD,), jnp.float32),
      ],
  )
  scat = pl.kernel(
      functools.partial(_scat_body, cpt),
      out_type=jax.ShapeDtypeStruct((NC * N_PAD, D), jnp.float32),
      mesh=_mesh,
      scratch_types=[
          pltpu.VMEM((DBLK, CHUNK), jnp.int32),
          pltpu.VMEM((DBLK, CHUNK), jnp.int32),
          pltpu.VMEM((CHUNK, D), jnp.float32),
          pltpu.VMEM((CHUNK, D), jnp.float32),
          pltpu.VMEM((CHUNK, D), jnp.float32),
          pltpu.VMEM_SHARED((N_PAD, D), jnp.float32),
          pltpu.SemaphoreType.DMA,
          pltpu.SemaphoreType.DMA,
          pltpu.SemaphoreType.DMA,
          pltpu.SemaphoreType.DMA,
          pltpu.SemaphoreType.DMA,
          pltpu.SemaphoreType.DMA,
      ],
  )
  return deg, scat


def _pre_body(dp_ref, x_ref, w_ref, g_ref, dinv_ref):
  deg = dp_ref[:, 0:1] + dp_ref[:, 1:2] + 1.0
  dinv = lax.rsqrt(deg)
  dinv_ref[...] = dinv
  g_ref[...] = dinv * jnp.dot(x_ref[...], w_ref[...],
                              preferred_element_type=jnp.float32)


def _mid_body(p_ref, g_ref, dinv_ref, b_ref, a_ref, w_ref, go_ref):
  dinv = dinv_ref[...]
  h = dinv * (p_ref[0:N] + p_ref[N_PAD:N_PAD + N] + g_ref[...]) + b_ref[...]
  a = a_ref[0, 0]
  x2 = jnp.where(h > 0, h, a * h)
  go_ref[...] = dinv * jnp.dot(x2, w_ref[...],
                               preferred_element_type=jnp.float32)


def _post_body(p_ref, g_ref, dinv_ref, b_ref, batch_ref, lw_ref, lb_ref,
               out_ref):
  h = dinv_ref[...] * (p_ref[0:N] + p_ref[N_PAD:N_PAD + N] + g_ref[...]) \
      + b_ref[...]
  y = jnp.dot(h, lw_ref[...], preferred_element_type=jnp.float32)
  gid = lax.broadcasted_iota(jnp.int32, (G, 1), 0)
  oht = (gid == batch_ref[...]).astype(jnp.float32)
  seg = jnp.dot(oht, y, preferred_element_type=jnp.float32)
  cnt = jnp.sum(oht, axis=1, keepdims=True)
  logits = seg / jnp.maximum(cnt, 1.0) + lb_ref[...]
  m = jnp.max(logits, axis=1, keepdims=True)
  z = logits - m
  out_ref[...] = z - jnp.log(jnp.sum(jnp.exp(z), axis=1, keepdims=True))


_pre = pl.pallas_call(
    _pre_body,
    out_shape=(jax.ShapeDtypeStruct((N, D), jnp.float32),
               jax.ShapeDtypeStruct((N, 1), jnp.float32)))

_mid = pl.pallas_call(
    _mid_body, out_shape=jax.ShapeDtypeStruct((N, D), jnp.float32))

_post = pl.pallas_call(
    _post_body, out_shape=jax.ShapeDtypeStruct((G, OUT), jnp.float32))


def kernel(x, edge_index, batch, W0, b0, W1, b1, W2, b2, a0, a1, lin_W, lin_b):
  e = edge_index.shape[1]
  cpt = -(-e // (NW * CHUNK))
  cpt = -(-cpt // DBLK) * DBLK
  e_pad = NW * CHUNK * cpt
  pad = e_pad - e
  pid = jnp.arange(pad, dtype=jnp.int32)
  src = jnp.concatenate([edge_index[0], pid % N]).reshape(NW * cpt, CHUNK)
  dst = jnp.concatenate([edge_index[1], N + pid % (N_PAD - N)]
                        ).reshape(NW * cpt, CHUNK)

  deg_fn, scat_fn = _make_sc_kernels(cpt)

  degp = deg_fn(dst)
  dp = degp.reshape(NC, NPD)[:, :N].T

  g0, dinv = _pre(dp, x, W0)
  w_st = jnp.stack([W1, W2, W2])
  b_st = jnp.stack([b0.reshape(1, D), b1.reshape(1, D), b2.reshape(1, D)])
  a_st = jnp.stack([a0.reshape(1, 1), a1.reshape(1, 1), a1.reshape(1, 1)])
  pz = jnp.zeros((NC * N_PAD, D), jnp.float32)

  def layer(i, carry):
    g, _, _ = carry
    p = scat_fn(g, src, dst)
    go = _mid(p, g, dinv,
              lax.dynamic_index_in_dim(b_st, i, keepdims=False),
              lax.dynamic_index_in_dim(a_st, i, keepdims=False),
              lax.dynamic_index_in_dim(w_st, i, keepdims=False))
    return (go, g, p)

  trips = 3 + batch[0] // jnp.int32(2**31 - 1)
  _, g, p = lax.fori_loop(0, trips, layer, (g0, g0, pz))
  return _post(p, g, dinv, b2.reshape(1, D),
               batch.reshape(1, N), lin_W, lin_b.reshape(1, OUT))

# --- scband reference (transcript-rebuilt; emitter-appended) ---
"""Pipeline reference for scband-gnnbase-10900626997717 (READ-ONLY COPY).

The authoritative reference and input builder live on the scoring server;
editing this copy changes nothing except your own understanding.
"""

import jax, jax.numpy as jnp
import numpy as np

N = 10000
E = 320000
D = 128
OUT = 10
G = 64


def _glorot(k, shape):
    lim = float(np.sqrt(6.0 / (shape[0] + shape[1])))
    return jax.random.uniform(k, shape, jnp.float32, -lim, lim)


def setup_inputs(seed: int = 0) -> dict:
    key = jax.random.key(seed)
    ks = jax.random.split(key, 8)
    x = jax.random.normal(ks[0], (N, D), dtype=jnp.float32)
    edge_index = jax.random.randint(ks[1], (2, E), 0, N, dtype=jnp.int32)
    batch = jnp.sort(jax.random.randint(ks[2], (N,), 0, G, dtype=jnp.int32))
    W0 = _glorot(ks[3], (D, D)); b0 = jnp.zeros((D,), jnp.float32)
    W1 = _glorot(ks[4], (D, D)); b1 = jnp.zeros((D,), jnp.float32)
    W2 = _glorot(ks[5], (D, D)); b2 = jnp.zeros((D,), jnp.float32)
    a0 = jnp.full((1,), 0.25, jnp.float32)
    a1 = jnp.full((1,), 0.25, jnp.float32)
    lin_W = _glorot(ks[6], (D, OUT)); lin_b = jnp.zeros((OUT,), jnp.float32)
    return {"x": x, "edge_index": edge_index, "batch": batch,
            "W0": W0, "b0": b0, "W1": W1, "b1": b1, "W2": W2, "b2": b2,
            "a0": a0, "a1": a1, "lin_W": lin_W, "lin_b": lin_b}


def _gcn_conv(x, src, dst, W, b, n):
    # GCNConv with self-loops already appended in src/dst, symmetric normalization
    h = x @ W
    deg = jnp.zeros((n,), h.dtype).at[dst].add(1.0)
    dinv = jnp.where(deg > 0, 1.0 / jnp.sqrt(deg), 0.0)
    norm = dinv[src] * dinv[dst]
    out = jnp.zeros_like(h).at[dst].add(norm[:, None] * h[src])
    return out + b


def reference(x, edge_index, batch, W0, b0, W1, b1, W2, b2, a0, a1, lin_W, lin_b):
    n = x.shape[0]
    loops = jnp.arange(n, dtype=edge_index.dtype)
    src = jnp.concatenate([edge_index[0], loops])
    dst = jnp.concatenate([edge_index[1], loops])
    h = _gcn_conv(x, src, dst, W0, b0, n)
    h = jnp.where(h > 0, h, a0 * h)  # PReLU
    h = _gcn_conv(h, src, dst, W1, b1, n)
    h = jnp.where(h > 0, h, a1 * h)  # PReLU
    h = _gcn_conv(h, src, dst, W2, b2, n)
    # global_mean_pool over graph ids in `batch`
    sums = jax.ops.segment_sum(h, batch, num_segments=G)
    cnt = jax.ops.segment_sum(jnp.ones((n, 1), h.dtype), batch, num_segments=G)
    pooled = sums / jnp.maximum(cnt, 1.0)
    logits = pooled @ lin_W + lin_b
    return jax.nn.log_softmax(logits, axis=1)

if __name__ == "__main__":
    import jax
    _d = setup_inputs()
    print(jax.jit(kernel)(*tuple(_d.values())))

</pallas_src>

<mosaic_0001>
#map = affine_map<(d0, d1) -> (0, 0)>
#map1 = affine_map<(d0, d1) -> (0)>
module attributes {stable_mosaic.version = 14 : i64} {
  func.func @_deg_body(%arg0: i32, %arg1: i32, %arg2: memref<3584x96xi32, #tpu.memory_space<hbm>>, %arg3: memref<20480xf32, #tpu.memory_space<hbm>>, %arg4: memref<16x96xi32, #tpu.memory_space<vmem>>, %arg5: memref<96xf32, #tpu.memory_space<vmem>>, %arg6: memref<10240xf32, #tpu.memory_space<vmem_shared>>) attributes {dimension_semantics = [#tpu.dimension_semantics<core_parallel>, #tpu.dimension_semantics<subcore_parallel>], iteration_bounds = array<i64: 2, 16>, scalar_prefetch = 0 : i64, scratch_operands = 3 : i64, tpu.core_type = #tpu.core_type<sc_vector_subcore>, window_params = [{transform_indices = #map}, {transform_indices = #map1}]} {
    %mul3A = arith.constant 16 : i32
    %mul3A_0 = arith.muli %arg0, %mul3A : i32
    %add3A = arith.addi %mul3A_0, %arg1 : i32
    %broadcast_in_dim3A = arith.constant 0.000000e+00 : f32
    %broadcast_in_dim3A_1 = vector.broadcast %broadcast_in_dim3A : f32 to vector<16xf32>
    %swap3A = arith.constant 0 : index
    %swap3A_2 = tpu.vector_load %arg5[%swap3A] {strides = array<i32>} : memref<96xf32, #tpu.memory_space<vmem>>, vector<16xf32>,
    %swap3A_3 = vector.shape_cast %swap3A_2 : vector<16xf32> to vector<16xf32>
    %swap3A_4 = vector.shape_cast %broadcast_in_dim3A_1 : vector<16xf32> to vector<16xf32>
    tpu.vector_store %arg5[%swap3A], %swap3A_4 {strides = array<i32>} : memref<96xf32, #tpu.memory_space<vmem>>, vector<16xf32>,
    %broadcast_in_dim3A_5 = arith.constant 0.000000e+00 : f32
    %broadcast_in_dim3A_6 = vector.broadcast %broadcast_in_dim3A_5 : f32 to vector<16xf32>
    %swap3A_7 = arith.constant 16 : index
    %swap3A_8 = tpu.vector_load %arg5[%swap3A_7] {strides = array<i32>} : memref<96xf32, #tpu.memory_space<vmem>>, vector<16xf32>,
    %swap3A_9 = vector.shape_cast %swap3A_8 : vector<16xf32> to vector<16xf32>
    %swap3A_10 = vector.shape_cast %broadcast_in_dim3A_6 : vector<16xf32> to vector<16xf32>
    tpu.vector_store %arg5[%swap3A_7], %swap3A_10 {strides = array<i32>} : memref<96xf32, #tpu.memory_space<vmem>>, vector<16xf32>,
    %broadcast_in_dim3A_11 = arith.constant 0.000000e+00 : f32
    %broadcast_in_dim3A_12 = vector.broadcast %broadcast_in_dim3A_11 : f32 to vector<16xf32>
    %swap3A_13 = arith.constant 32 : index
    %swap3A_14 = tpu.vector_load %arg5[%swap3A_13] {strides = array<i32>} : memref<96xf32, #tpu.memory_space<vmem>>, vector<16xf32>,
    %swap3A_15 = vector.shape_cast %swap3A_14 : vector<16xf32> to vector<16xf32>
    %swap3A_16 = vector.shape_cast %broadcast_in_dim3A_12 : vector<16xf32> to vector<16xf32>
    tpu.vector_store %arg5[%swap3A_13], %swap3A_16 {strides = array<i32>} : memref<96xf32, #tpu.memory_space<vmem>>, vector<16xf32>,
    %broadcast_in_dim3A_17 = arith.constant 0.000000e+00 : f32
    %broadcast_in_dim3A_18 = vector.broadcast %broadcast_in_dim3A_17 : f32 to vector<16xf32>
    %swap3A_19 = arith.constant 48 : index
    %swap3A_20 = tpu.vector_load %arg5[%swap3A_19] {strides = array<i32>} : memref<96xf32, #tpu.memory_space<vmem>>, vector<16xf32>,
    %swap3A_21 = vector.shape_cast %swap3A_20 : vector<16xf32> to vector<16xf32>
    %swap3A_22 = vector.shape_cast %broadcast_in_dim3A_18 : vector<16xf32> to vector<16xf32>
    tpu.vector_store %arg5[%swap3A_19], %swap3A_22 {strides = array<i32>} : memref<96xf32, #tpu.memory_space<vmem>>, vector<16xf32>,
    %broadcast_in_dim3A_23 = arith.constant 0.000000e+00 : f32
    %broadcast_in_dim3A_24 = vector.broadcast %broadcast_in_dim3A_23 : f32 to vector<16xf32>
    %swap3A_25 = arith.constant 64 : index
    %swap3A_26 = tpu.vector_load %arg5[%swap3A_25] {strides = array<i32>} : memref<96xf32, #tpu.memory_space<vmem>>, vector<16xf32>,
    %swap3A_27 = vector.shape_cast %swap3A_26 : vector<16xf32> to vector<16xf32>
    %swap3A_28 = vector.shape_cast %broadcast_in_dim3A_24 : vector<16xf32> to vector<16xf32>
    tpu.vector_store %arg5[%swap3A_25], %swap3A_28 {strides = array<i32>} : memref<96xf32, #tpu.memory_space<vmem>>, vector<16xf32>,
    %broadcast_in_dim3A_29 = arith.constant 0.000000e+00 : f32
    %broadcast_in_dim3A_30 = vector.broadcast %broadcast_in_dim3A_29 : f32 to vector<16xf32>
    %swap3A_31 = arith.constant 80 : index
    %swap3A_32 = tpu.vector_load %arg5[%swap3A_31] {strides = array<i32>} : memref<96xf32, #tpu.memory_space<vmem>>, vector<16xf32>,
    %swap3A_33 = vector.shape_cast %swap3A_32 : vector<16xf32> to vector<16xf32>
    %swap3A_34 = vector.shape_cast %broadcast_in_dim3A_30 : vector<16xf32> to vector<16xf32>
    tpu.vector_store %arg5[%swap3A_31], %swap3A_34 {strides = array<i32>} : memref<96xf32, #tpu.memory_space<vmem>>, vector<16xf32>,
    %mul3A_35 = arith.constant 640 : i32
    %mul3A_36 = arith.muli %arg1, %mul3A_35 : i32
    %add3A_37 = arith.constant 0 : i32
    %add3A_38 = arith.addi %mul3A_36, %add3A_37 : i32
    "tpu.region"() ({
      %run_scoped3A = tpu.sem_alloc : memref<!tpu.dma_semaphore, #tpu.memory_space<semaphore_mem>>
      %dma_start3A = arith.constant 0 : i32
      %dma_start3A_164 = tpu.memref_slice %arg5[%dma_start3A] : memref<96xf32, #tpu.memory_space<vmem>> -> memref<32xf32, #tpu.memory_space<vmem>>
      %dma_start3A_165 = tpu.memref_slice %arg6[%add3A_38] : memref<10240xf32, #tpu.memory_space<vmem_shared>> -> memref<32xf32, #tpu.memory_space<vmem_shared>>
      %dma_start3A_166 = tpu.memref_slice %arg6[%add3A_38] : memref<10240xf32, #tpu.memory_space<vmem_shared>> -> memref<32xf32, #tpu.memory_space<vmem_shared>>
      %dma_start3A_167 = arith.constant 0 : i32
      %dma_start3A_168 = tpu.memref_slice %arg5[%dma_start3A_167] : memref<96xf32, #tpu.memory_space<vmem>> -> memref<32xf32, #tpu.memory_space<vmem>>
      tpu.enqueue_dma source(%dma_start3A_168 : memref<32xf32, #tpu.memory_space<vmem>>) target(%dma_start3A_166 : memref<32xf32, #tpu.memory_space<vmem_shared>>) target_semaphore(%run_scoped3A : memref<!tpu.dma_semaphore, #tpu.memory_space<semaphore_mem>>)
      %dma_wait3A = arith.constant 0 : i32
      %dma_wait3A_169 = tpu.memref_slice %arg5[%dma_wait3A] : memref<96xf32, #tpu.memory_space<vmem>> -> memref<32xf32, #tpu.memory_space<vmem>>
      %dma_wait3A_170 = tpu.memref_slice %arg6[%add3A_38] : memref<10240xf32, #tpu.memory_space<vmem_shared>> -> memref<32xf32, #tpu.memory_space<vmem_shared>>
      %dma_wait3A_171 = tpu.memref_slice %arg6[%add3A_38] : memref<10240xf32, #tpu.memory_space<vmem_shared>> -> memref<32xf32, #tpu.memory_space<vmem_shared>>
      %dma_wait3A_172 = arith.constant 0 : i32
      %dma_wait3A_173 = tpu.memref_slice %arg5[%dma_wait3A_172] : memref<96xf32, #tpu.memory_space<vmem>> -> memref<32xf32, #tpu.memory_space<vmem>>
      tpu.wait_dma2 semaphore(%run_scoped3A : memref<!tpu.dma_semaphore, #tpu.memory_space<semaphore_mem>>) src(%dma_wait3A_173 : memref<32xf32, #tpu.memory_space<vmem>>) dst(%dma_wait3A_171 : memref<32xf32, #tpu.memory_space<vmem_shared>>)
      tpu.yield
    }) : () -> ()
    %mul3A_39 = arith.constant 640 : i32
    %mul3A_40 = arith.muli %arg1, %mul3A_39 : i32
    %add3A_41 = arith.constant 32 : i32
    %add3A_42 = arith.addi %mul3A_40, %add3A_41 : i32
    "tpu.region"() ({
      %run_scoped3A = tpu.sem_alloc : memref<!tpu.dma_semaphore, #tpu.memory_space<semaphore_mem>>
      %dma_start3A = arith.constant 0 : i32
      %dma_start3A_164 = tpu.memref_slice %arg5[%dma_start3A] : memref<96xf32, #tpu.memory_space<vmem>> -> memref<32xf32, #tpu.memory_space<vmem>>
      %dma_start3A_165 = tpu.memref_slice %arg6[%add3A_42] : memref<10240xf32, #tpu.memory_space<vmem_shared>> -> memref<32xf32, #tpu.memory_space<vmem_shared>>
      %dma_start3A_166 = tpu.memref_slice %arg6[%add3A_42] : memref<10240xf32, #tpu.memory_space<vmem_shared>> -> memref<32xf32, #tpu.memory_space<vmem_shared>>
      %dma_start3A_167 = arith.constant 0 : i32
      %dma_start3A_168 = tpu.memref_slice %arg5[%dma_start3A_167] : memref<96xf32, #tpu.memory_space<vmem>> -> memref<32xf32, #tpu.memory_space<vmem>>
      tpu.enqueue_dma source(%dma_start3A_168 : memref<32xf32, #tpu.memory_space<vmem>>) target(%dma_start3A_166 : memref<32xf32, #tpu.memory_space<vmem_shared>>) target_semaphore(%run_scoped3A : memref<!tpu.dma_semaphore, #tpu.memory_space<semaphore_mem>>)
      %dma_wait3A = arith.constant 0 : i32
      %dma_wait3A_169 = tpu.memref_slice %arg5[%dma_wait3A] : memref<96xf32, #tpu.memory_space<vmem>> -> memref<32xf32, #tpu.memory_space<vmem>>
      %dma_wait3A_170 = tpu.memref_slice %arg6[%add3A_42] : memref<10240xf32, #tpu.memory_space<vmem_shared>> -> memref<32xf32, #tpu.memory_space<vmem_shared>>
      %dma_wait3A_171 = tpu.memref_slice %arg6[%add3A_42] : memref<10240xf32, #tpu.memory_space<vmem_shared>> -> memref<32xf32, #tpu.memory_space<vmem_shared>>
      %dma_wait3A_172 = arith.constant 0 : i32
      %dma_wait3A_173 = tpu.memref_slice %arg5[%dma_wait3A_172] : memref<96xf32, #tpu.memory_space<vmem>> -> memref<32xf32, #tpu.memory_space<vmem>>
      tpu.wait_dma2 semaphore(%run_scoped3A : memref<!tpu.dma_semaphore, #tpu.memory_space<semaphore_mem>>) src(%dma_wait3A_173 : memref<32xf32, #tpu.memory_space<vmem>>) dst(%dma_wait3A_171 : memref<32xf32, #tpu.memory_space<vmem_shared>>)
      tpu.yield
    }) : () -> ()
    %mul3A_43 = arith.constant 640 : i32
    %mul3A_44 = arith.muli %arg1, %mul3A_43 : i32
    %add3A_45 = arith.constant 64 : i32
    %add3A_46 = arith.addi %mul3A_44, %add3A_45 : i32
    "tpu.region"() ({
      %run_scoped3A = tpu.sem_alloc : memref<!tpu.dma_semaphore, #tpu.memory_space<semaphore_mem>>
      %dma_start3A = arith.constant 0 : i32
      %dma_start3A_164 = tpu.memref_slice %arg5[%dma_start3A] : memref<96xf32, #tpu.memory_space<vmem>> -> memref<32xf32, #tpu.memory_space<vmem>>
      %dma_start3A_165 = tpu.memref_slice %arg6[%add3A_46] : memref<10240xf32, #tpu.memory_space<vmem_shared>> -> memref<32xf32, #tpu.memory_space<vmem_shared>>
      %dma_start3A_166 = tpu.memref_slice %arg6[%add3A_46] : memref<10240xf32, #tpu.memory_space<vmem_shared>> -> memref<32xf32, #tpu.memory_space<vmem_shared>>
      %dma_start3A_167 = arith.constant 0 : i32
      %dma_start3A_168 = tpu.memref_slice %arg5[%dma_start3A_167] : memref<96xf32, #tpu.memory_space<vmem>> -> memref<32xf32, #tpu.memory_space<vmem>>
      tpu.enqueue_dma source(%dma_start3A_168 : memref<32xf32, #tpu.memory_space<vmem>>) target(%dma_start3A_166 : memref<32xf32, #tpu.memory_space<vmem_shared>>) target_semaphore(%run_scoped3A : memref<!tpu.dma_semaphore, #tpu.memory_space<semaphore_mem>>)
      %dma_wait3A = arith.constant 0 : i32
      %dma_wait3A_169 = tpu.memref_slice %arg5[%dma_wait3A] : memref<96xf32, #tpu.memory_space<vmem>> -> memref<32xf32, #tpu.memory_space<vmem>>
      %dma_wait3A_170 = tpu.memref_slice %arg6[%add3A_46] : memref<10240xf32, #tpu.memory_space<vmem_shared>> -> memref<32xf32, #tpu.memory_space<vmem_shared>>
      %dma_wait3A_171 = tpu.memref_slice %arg6[%add3A_46] : memref<10240xf32, #tpu.memory_space<vmem_shared>> -> memref<32xf32, #tpu.memory_space<vmem_shared>>
      %dma_wait3A_172 = arith.constant 0 : i32
      %dma_wait3A_173 = tpu.memref_slice %arg5[%dma_wait3A_172] : memref<96xf32, #tpu.memory_space<vmem>> -> memref<32xf32, #tpu.memory_space<vmem>>
      tpu.wait_dma2 semaphore(%run_scoped3A : memref<!tpu.dma_semaphore, #tpu.memory_space<semaphore_mem>>) src(%dma_wait3A_173 : memref<32xf32, #tpu.memory_space<vmem>>) dst(%dma_wait3A_171 : memref<32xf32, #tpu.memory_space<vmem_shared>>)
      tpu.yield
    }) : () -> ()
    %mul3A_47 = arith.constant 640 : i32
    %mul3A_48 = arith.muli %arg1, %mul3A_47 : i32
    %add3A_49 = arith.constant 96 : i32
    %add3A_50 = arith.addi %mul3A_48, %add3A_49 : i32
    "tpu.region"() ({
      %run_scoped3A = tpu.sem_alloc : memref<!tpu.dma_semaphore, #tpu.memory_space<semaphore_mem>>
      %dma_start3A = arith.constant 0 : i32
      %dma_start3A_164 = tpu.memref_slice %arg5[%dma_start3A] : memref<96xf32, #tpu.memory_space<vmem>> -> memref<32xf32, #tpu.memory_space<vmem>>
      %dma_start3A_165 = tpu.memref_slice %arg6[%add3A_50] : memref<10240xf32, #tpu.memory_space<vmem_shared>> -> memref<32xf32, #tpu.memory_space<vmem_shared>>
      %dma_start3A_166 = tpu.memref_slice %arg6[%add3A_50] : memref<10240xf32, #tpu.memory_space<vmem_shared>> -> memref<32xf32, #tpu.memory_space<vmem_shared>>
      %dma_start3A_167 = arith.constant 0 : i32
      %dma_start3A_168 = tpu.memref_slice %arg5[%dma_start3A_167] : memref<96xf32, #tpu.memory_space<vmem>> -> memref<32xf32, #tpu.memory_space<vmem>>
      tpu.enqueue_dma source(%dma_start3A_168 : memref<32xf32, #tpu.memory_space<vmem>>) target(%dma_start3A_166 : memref<32xf32, #tpu.memory_space<vmem_shared>>) target_semaphore(%run_scoped3A : memref<!tpu.dma_semaphore, #tpu.memory_space<semaphore_mem>>)
      %dma_wait3A = arith.constant 0 : i32
      %dma_wait3A_169 = tpu.memref_slice %arg5[%dma_wait3A] : memref<96xf32, #tpu.memory_space<vmem>> -> memref<32xf32, #tpu.memory_space<vmem>>
      %dma_wait3A_170 = tpu.memref_slice %arg6[%add3A_50] : memref<10240xf32, #tpu.memory_space<vmem_shared>> -> memref<32xf32, #tpu.memory_space<vmem_shared>>
      %dma_wait3A_171 = tpu.memref_slice %arg6[%add3A_50] : memref<10240xf32, #tpu.memory_space<vmem_shared>> -> memref<32xf32, #tpu.memory_space<vmem_shared>>
      %dma_wait3A_172 = arith.constant 0 : i32
      %dma_wait3A_173 = tpu.memref_slice %arg5[%dma_wait3A_172] : memref<96xf32, #tpu.memory_space<vmem>> -> memref<32xf32, #tpu.memory_space<vmem>>
      tpu.wait_dma2 semaphore(%run_scoped3A : memref<!tpu.dma_semaphore, #tpu.memory_space<semaphore_mem>>) src(%dma_wait3A_173 : memref<32xf32, #tpu.memory_space<vmem>>) dst(%dma_wait3A_171 : memref<32xf32, #tpu.memory_space<vmem_shared>>)
      tpu.yield
    }) : () -> ()
    %mul3A_51 = arith.constant 640 : i32
    %mul3A_52 = arith.muli %arg1, %mul3A_51 : i32
    %add3A_53 = arith.constant 128 : i32
    %add3A_54 = arith.addi %mul3A_52, %add3A_53 : i32
    "tpu.region"() ({
      %run_scoped3A = tpu.sem_alloc : memref<!tpu.dma_semaphore, #tpu.memory_space<semaphore_mem>>
      %dma_start3A = arith.constant 0 : i32
      %dma_start3A_164 = tpu.memref_slice %arg5[%dma_start3A] : memref<96xf32, #tpu.memory_space<vmem>> -> memref<32xf32, #tpu.memory_space<vmem>>
      %dma_start3A_165 = tpu.memref_slice %arg6[%add3A_54] : memref<10240xf32, #tpu.memory_space<vmem_shared>> -> memref<32xf32, #tpu.memory_space<vmem_shared>>
      %dma_start3A_166 = tpu.memref_slice %arg6[%add3A_54] : memref<10240xf32, #tpu.memory_space<vmem_shared>> -> memref<32xf32, #tpu.memory_space<vmem_shared>>
      %dma_start3A_167 = arith.constant 0 : i32
      %dma_start3A_168 = tpu.memref_slice %arg5[%dma_start3A_167] : memref<96xf32, #tpu.memory_space<vmem>> -> memref<32xf32, #tpu.memory_space<vmem>>
      tpu.enqueue_dma source(%dma_start3A_168 : memref<32xf32, #tpu.memory_space<vmem>>) target(%dma_start3A_166 : memref<32xf32, #tpu.memory_space<vmem_shared>>) target_semaphore(%run_scoped3A : memref<!tpu.dma_semaphore, #tpu.memory_space<semaphore_mem>>)
      %dma_wait3A = arith.constant 0 : i32
      %dma_wait3A_169 = tpu.memref_slice %arg5[%dma_wait3A] : memref<96xf32, #tpu.memory_space<vmem>> -> memref<32xf32, #tpu.memory_space<vmem>>
      %dma_wait3A_170 = tpu.memref_slice %arg6[%add3A_54] : memref<10240xf32, #tpu.memory_space<vmem_shared>> -> memref<32xf32, #tpu.memory_space<vmem_shared>>
      %dma_wait3A_171 = tpu.memref_slice %arg6[%add3A_54] : memref<10240xf32, #tpu.memory_space<vmem_shared>> -> memref<32xf32, #tpu.memory_space<vmem_shared>>
      %dma_wait3A_172 = arith.constant 0 : i32
      %dma_wait3A_173 = tpu.memref_slice %arg5[%dma_wait3A_172] : memref<96xf32, #tpu.memory_space<vmem>> -> memref<32xf32, #tpu.memory_space<vmem>>
      tpu.wait_dma2 semaphore(%run_scoped3A : memref<!tpu.dma_semaphore, #tpu.memory_space<semaphore_mem>>) src(%dma_wait3A_173 : memref<32xf32, #tpu.memory_space<vmem>>) dst(%dma_wait3A_171 : memref<32xf32, #tpu.memory_space<vmem_shared>>)
      tpu.yield
    }) : () -> ()
    %mul3A_55 = arith.constant 640 : i32
    %mul3A_56 = arith.muli %arg1, %mul3A_55 : i32
    %add3A_57 = arith.constant 160 : i32
    %add3A_58 = arith.addi %mul3A_56, %add3A_57 : i32
    "tpu.region"() ({
      %run_scoped3A = tpu.sem_alloc : memref<!tpu.dma_semaphore, #tpu.memory_space<semaphore_mem>>
      %dma_start3A = arith.constant 0 : i32
      %dma_start3A_164 = tpu.memref_slice %arg5[%dma_start3A] : memref<96xf32, #tpu.memory_space<vmem>> -> memref<32xf32, #tpu.memory_space<vmem>>
      %dma_start3A_165 = tpu.memref_slice %arg6[%add3A_58] : memref<10240xf32, #tpu.memory_space<vmem_shared>> -> memref<32xf32, #tpu.memory_space<vmem_shared>>
      %dma_start3A_166 = tpu.memref_slice %arg6[%add3A_58] : memref<10240xf32, #tpu.memory_space<vmem_shared>> -> memref<32xf32, #tpu.memory_space<vmem_shared>>
      %dma_start3A_167 = arith.constant 0 : i32
      %dma_start3A_168 = tpu.memref_slice %arg5[%dma_start3A_167] : memref<96xf32, #tpu.memory_space<vmem>> -> memref<32xf32, #tpu.memory_space<vmem>>
      tpu.enqueue_dma source(%dma_start3A_168 : memref<32xf32, #tpu.memory_space<vmem>>) target(%dma_start3A_166 : memref<32xf32, #tpu.memory_space<vmem_shared>>) target_semaphore(%run_scoped3A : memref<!tpu.dma_semaphore, #tpu.memory_space<semaphore_mem>>)
      %dma_wait3A = arith.constant 0 : i32
      %dma_wait3A_169 = tpu.memref_slice %arg5[%dma_wait3A] : memref<96xf32, #tpu.memory_space<vmem>> -> memref<32xf32, #tpu.memory_space<vmem>>
      %dma_wait3A_170 = tpu.memref_slice %arg6[%add3A_58] : memref<10240xf32, #tpu.memory_space<vmem_shared>> -> memref<32xf32, #tpu.memory_space<vmem_shared>>
      %dma_wait3A_171 = tpu.memref_slice %arg6[%add3A_58] : memref<10240xf32, #tpu.memory_space<vmem_shared>> -> memref<32xf32, #tpu.memory_space<vmem_shared>>
      %dma_wait3A_172 = arith.constant 0 : i32
      %dma_wait3A_173 = tpu.memref_slice %arg5[%dma_wait3A_172] : memref<96xf32, #tpu.memory_space<vmem>> -> memref<32xf32, #tpu.memory_space<vmem>>
      tpu.wait_dma2 semaphore(%run_scoped3A : memref<!tpu.dma_semaphore, #tpu.memory_space<semaphore_mem>>) src(%dma_wait3A_173 : memref<32xf32, #tpu.memory_space<vmem>>) dst(%dma_wait3A_171 : memref<32xf32, #tpu.memory_space<vmem_shared>>)
      tpu.yield
    }) : () -> ()
    %mul3A_59 = arith.constant 640 : i32
    %mul3A_60 = arith.muli %arg1, %mul3A_59 : i32
    %add3A_61 = arith.constant 192 : i32
    %add3A_62 = arith.addi %mul3A_60, %add3A_61 : i32
    "tpu.region"() ({
      %run_scoped3A = tpu.sem_alloc : memref<!tpu.dma_semaphore, #tpu.memory_space<semaphore_mem>>
      %dma_start3A = arith.constant 0 : i32
      %dma_start3A_164 = tpu.memref_slice %arg5[%dma_start3A] : memref<96xf32, #tpu.memory_space<vmem>> -> memref<32xf32, #tpu.memory_space<vmem>>
      %dma_start3A_165 = tpu.memref_slice %arg6[%add3A_62] : memref<10240xf32, #tpu.memory_space<vmem_shared>> -> memref<32xf32, #tpu.memory_space<vmem_shared>>
      %dma_start3A_166 = tpu.memref_slice %arg6[%add3A_62] : memref<10240xf32, #tpu.memory_space<vmem_shared>> -> memref<32xf32, #tpu.memory_space<vmem_shared>>
      %dma_start3A_167 = arith.constant 0 : i32
      %dma_start3A_168 = tpu.memref_slice %arg5[%dma_start3A_167] : memref<96xf32, #tpu.memory_space<vmem>> -> memref<32xf32, #tpu.memory_space<vmem>>
      tpu.enqueue_dma source(%dma_start3A_168 : memref<32xf32, #tpu.memory_space<vmem>>) target(%dma_start3A_166 : memref<32xf32, #tpu.memory_space<vmem_shared>>) target_semaphore(%run_scoped3A : memref<!tpu.dma_semaphore, #tpu.memory_space<semaphore_mem>>)
      %dma_wait3A = arith.constant 0 : i32
      %dma_wait3A_169 = tpu.memref_slice %arg5[%dma_wait3A] : memref<96xf32, #tpu.memory_space<vmem>> -> memref<32xf32, #tpu.memory_space<vmem>>
      %dma_wait3A_170 = tpu.memref_slice %arg6[%add3A_62] : memref<10240xf32, #tpu.memory_space<vmem_shared>> -> memref<32xf32, #tpu.memory_space<vmem_shared>>
      %dma_wait3A_171 = tpu.memref_slice %arg6[%add3A_62] : memref<10240xf32, #tpu.memory_space<vmem_shared>> -> memref<32xf32, #tpu.memory_space<vmem_shared>>
      %dma_wait3A_172 = arith.constant 0 : i32
      %dma_wait3A_173 = tpu.memref_slice %arg5[%dma_wait3A_172] : memref<96xf32, #tpu.memory_space<vmem>> -> memref<32xf32, #tpu.memory_space<vmem>>
      tpu.wait_dma2 semaphore(%run_scoped3A : memref<!tpu.dma_semaphore, #tpu.memory_space<semaphore_mem>>) src(%dma_wait3A_173 : memref<32xf32, #tpu.memory_space<vmem>>) dst(%dma_wait3A_171 : memref<32xf32, #tpu.memory_space<vmem_shared>>)
      tpu.yield
    }) : () -> ()
    %mul3A_63 = arith.constant 640 : i32
    %mul3A_64 = arith.muli %arg1, %mul3A_63 : i32
    %add3A_65 = arith.constant 224 : i32
    %add3A_66 = arith.addi %mul3A_64, %add3A_65 : i32
    "tpu.region"() ({
      %run_scoped3A = tpu.sem_alloc : memref<!tpu.dma_semaphore, #tpu.memory_space<semaphore_mem>>
      %dma_start3A = arith.constant 0 : i32
      %dma_start3A_164 = tpu.memref_slice %arg5[%dma_start3A] : memref<96xf32, #tpu.memory_space<vmem>> -> memref<32xf32, #tpu.memory_space<vmem>>
      %dma_start3A_165 = tpu.memref_slice %arg6[%add3A_66] : memref<10240xf32, #tpu.memory_space<vmem_shared>> -> memref<32xf32, #tpu.memory_space<vmem_shared>>
      %dma_start3A_166 = tpu.memref_slice %arg6[%add3A_66] : memref<10240xf32, #tpu.memory_space<vmem_shared>> -> memref<32xf32, #tpu.memory_space<vmem_shared>>
      %dma_start3A_167 = arith.constant 0 : i32
      %dma_start3A_168 = tpu.memref_slice %arg5[%dma_start3A_167] : memref<96xf32, #tpu.memory_space<vmem>> -> memref<32xf32, #tpu.memory_space<vmem>>
      tpu.enqueue_dma source(%dma_start3A_168 : memref<32xf32, #tpu.memory_space<vmem>>) target(%dma_start3A_166 : memref<32xf32, #tpu.memory_space<vmem_shared>>) target_semaphore(%run_scoped3A : memref<!tpu.dma_semaphore, #tpu.memory_space<semaphore_mem>>)
      %dma_wait3A = arith.constant 0 : i32
      %dma_wait3A_169 = tpu.memref_slice %arg5[%dma_wait3A] : memref<96xf32, #tpu.memory_space<vmem>> -> memref<32xf32, #tpu.memory_space<vmem>>
      %dma_wait3A_170 = tpu.memref_slice %arg6[%add3A_66] : memref<10240xf32, #tpu.memory_space<vmem_shared>> -> memref<32xf32, #tpu.memory_space<vmem_shared>>
      %dma_wait3A_171 = tpu.memref_slice %arg6[%add3A_66] : memref<10240xf32, #tpu.memory_space<vmem_shared>> -> memref<32xf32, #tpu.memory_space<vmem_shared>>
      %dma_wait3A_172 = arith.constant 0 : i32
      %dma_wait3A_173 = tpu.memref_slice %arg5[%dma_wait3A_172] : memref<96xf32, #tpu.memory_space<vmem>> -> memref<32xf32, #tpu.memory_space<vmem>>
      tpu.wait_dma2 semaphore(%run_scoped3A : memref<!tpu.dma_semaphore, #tpu.memory_space<semaphore_mem>>) src(%dma_wait3A_173 : memref<32xf32, #tpu.memory_space<vmem>>) dst(%dma_wait3A_171 : memref<32xf32, #tpu.memory_space<vmem_shared>>)
      tpu.yield
    }) : () -> ()
    %mul3A_67 = arith.constant 640 : i32
    %mul3A_68 = arith.muli %arg1, %mul3A_67 : i32
    %add3A_69 = arith.constant 256 : i32
    %add3A_70 = arith.addi %mul3A_68, %add3A_69 : i32
    "tpu.region"() ({
      %run_scoped3A = tpu.sem_alloc : memref<!tpu.dma_semaphore, #tpu.memory_space<semaphore_mem>>
      %dma_start3A = arith.constant 0 : i32
      %dma_start3A_164 = tpu.memref_slice %arg5[%dma_start3A] : memref<96xf32, #tpu.memory_space<vmem>> -> memref<32xf32, #tpu.memory_space<vmem>>
      %dma_start3A_165 = tpu.memref_slice %arg6[%add3A_70] : memref<10240xf32, #tpu.memory_space<vmem_shared>> -> memref<32xf32, #tpu.memory_space<vmem_shared>>
      %dma_start3A_166 = tpu.memref_slice %arg6[%add3A_70] : memref<10240xf32, #tpu.memory_space<vmem_shared>> -> memref<32xf32, #tpu.memory_space<vmem_shared>>
      %dma_start3A_167 = arith.constant 0 : i32
      %dma_start3A_168 = tpu.memref_slice %arg5[%dma_start3A_167] : memref<96xf32, #tpu.memory_space<vmem>> -> memref<32xf32, #tpu.memory_space<vmem>>
      tpu.enqueue_dma source(%dma_start3A_168 : memref<32xf32, #tpu.memory_space<vmem>>) target(%dma_start3A_166 : memref<32xf32, #tpu.memory_space<vmem_shared>>) target_semaphore(%run_scoped3A : memref<!tpu.dma_semaphore, #tpu.memory_space<semaphore_mem>>)
      %dma_wait3A = arith.constant 0 : i32
      %dma_wait3A_169 = tpu.memref_slice %arg5[%dma_wait3A] : memref<96xf32, #tpu.memory_space<vmem>> -> memref<32xf32, #tpu.memory_space<vmem>>
      %dma_wait3A_170 = tpu.memref_slice %arg6[%add3A_70] : memref<10240xf32, #tpu.memory_space<vmem_shared>> -> memref<32xf32, #tpu.memory_space<vmem_shared>>
      %dma_wait3A_171 = tpu.memref_slice %arg6[%add3A_70] : memref<10240xf32, #tpu.memory_space<vmem_shared>> -> memref<32xf32, #tpu.memory_space<vmem_shared>>
      %dma_wait3A_172 = arith.constant 0 : i32
      %dma_wait3A_173 = tpu.memref_slice %arg5[%dma_wait3A_172] : memref<96xf32, #tpu.memory_space<vmem>> -> memref<32xf32, #tpu.memory_space<vmem>>
      tpu.wait_dma2 semaphore(%run_scoped3A : memref<!tpu.dma_semaphore, #tpu.memory_space<semaphore_mem>>) src(%dma_wait3A_173 : memref<32xf32, #tpu.memory_space<vmem>>) dst(%dma_wait3A_171 : memref<32xf32, #tpu.memory_space<vmem_shared>>)
      tpu.yield
    }) : () -> ()
    %mul3A_71 = arith.constant 640 : i32
    %mul3A_72 = arith.muli %arg1, %mul3A_71 : i32
    %add3A_73 = arith.constant 288 : i32
    %add3A_74 = arith.addi %mul3A_72, %add3A_73 : i32
    "tpu.region"() ({
      %run_scoped3A = tpu.sem_alloc : memref<!tpu.dma_semaphore, #tpu.memory_space<semaphore_mem>>
      %dma_start3A = arith.constant 0 : i32
      %dma_start3A_164 = tpu.memref_slice %arg5[%dma_start3A] : memref<96xf32, #tpu.memory_space<vmem>> -> memref<32xf32, #tpu.memory_space<vmem>>
      %dma_start3A_165 = tpu.memref_slice %arg6[%add3A_74] : memref<10240xf32, #tpu.memory_space<vmem_shared>> -> memref<32xf32, #tpu.memory_space<vmem_shared>>
      %dma_start3A_166 = tpu.memref_slice %arg6[%add3A_74] : memref<10240xf32, #tpu.memory_space<vmem_shared>> -> memref<32xf32, #tpu.memory_space<vmem_shared>>
      %dma_start3A_167 = arith.constant 0 : i32
      %dma_start3A_168 = tpu.memref_slice %arg5[%dma_start3A_167] : memref<96xf32, #tpu.memory_space<vmem>> -> memref<32xf32, #tpu.memory_space<vmem>>
      tpu.enqueue_dma source(%dma_start3A_168 : memref<32xf32, #tpu.memory_space<vmem>>) target(%dma_start3A_166 : memref<32xf32, #tpu.memory_space<vmem_shared>>) target_semaphore(%run_scoped3A : memref<!tpu.dma_semaphore, #tpu.memory_space<semaphore_mem>>)
      %dma_wait3A = arith.constant 0 : i32
      %dma_wait3A_169 = tpu.memref_slice %arg5[%dma_wait3A] : memref<96xf32, #tpu.memory_space<vmem>> -> memref<32xf32, #tpu.memory_space<vmem>>
      %dma_wait3A_170 = tpu.memref_slice %arg6[%add3A_74] : memref<10240xf32, #tpu.memory_space<vmem_shared>> -> memref<32xf32, #tpu.memory_space<vmem_shared>>
      %dma_wait3A_171 = tpu.memref_slice %arg6[%add3A_74] : memref<10240xf32, #tpu.memory_space<vmem_shared>> -> memref<32xf32, #tpu.memory_space<vmem_shared>>
      %dma_wait3A_172 = arith.constant 0 : i32
      %dma_wait3A_173 = tpu.memref_slice %arg5[%dma_wait3A_172] : memref<96xf32, #tpu.memory_space<vmem>> -> memref<32xf32, #tpu.memory_space<vmem>>
      tpu.wait_dma2 semaphore(%run_scoped3A : memref<!tpu.dma_semaphore, #tpu.memory_space<semaphore_mem>>) src(%dma_wait3A_173 : memref<32xf32, #tpu.memory_space<vmem>>) dst(%dma_wait3A_171 : memref<32xf32, #tpu.memory_space<vmem_shared>>)
      tpu.yield
    }) : () -> ()
    %mul3A_75 = arith.constant 640 : i32
    %mul3A_76 = arith.muli %arg1, %mul3A_75 : i32
    %add3A_77 = arith.constant 320 : i32
    %add3A_78 = arith.addi %mul3A_76, %add3A_77 : i32
    "tpu.region"() ({
      %run_scoped3A = tpu.sem_alloc : memref<!tpu.dma_semaphore, #tpu.memory_space<semaphore_mem>>
      %dma_start3A = arith.constant 0 : i32
      %dma_start3A_164 = tpu.memref_slice %arg5[%dma_start3A] : memref<96xf32, #tpu.memory_space<vmem>> -> memref<32xf32, #tpu.memory_space<vmem>>
      %dma_start3A_165 = tpu.memref_slice %arg6[%add3A_78] : memref<10240xf32, #tpu.memory_space<vmem_shared>> -> memref<32xf32, #tpu.memory_space<vmem_shared>>
      %dma_start3A_166 = tpu.memref_slice %arg6[%add3A_78] : memref<10240xf32, #tpu.memory_space<vmem_shared>> -> memref<32xf32, #tpu.memory_space<vmem_shared>>
      %dma_start3A_167 = arith.constant 0 : i32
      %dma_start3A_168 = tpu.memref_slice %arg5[%dma_start3A_167] : memref<96xf32, #tpu.memory_space<vmem>> -> memref<32xf32, #tpu.memory_space<vmem>>
      tpu.enqueue_dma source(%dma_start3A_168 : memref<32xf32, #tpu.memory_space<vmem>>) target(%dma_start3A_166 : memref<32xf32, #tpu.memory_space<vmem_shared>>) target_semaphore(%run_scoped3A : memref<!tpu.dma_semaphore, #tpu.memory_space<semaphore_mem>>)
      %dma_wait3A = arith.constant 0 : i32
      %dma_wait3A_169 = tpu.memref_slice %arg5[%dma_wait3A] : memref<96xf32, #tpu.memory_space<vmem>> -> memref<32xf32, #tpu.memory_space<vmem>>
      %dma_wait3A_170 = tpu.memref_slice %arg6[%add3A_78] : memref<10240xf32, #tpu.memory_space<vmem_shared>> -> memref<32xf32, #tpu.memory_space<vmem_shared>>
      %dma_wait3A_171 = tpu.memref_slice %arg6[%add3A_78] : memref<10240xf32, #tpu.memory_space<vmem_shared>> -> memref<32xf32, #tpu.memory_space<vmem_shared>>
      %dma_wait3A_172 = arith.constant 0 : i32
      %dma_wait3A_173 = tpu.memref_slice %arg5[%dma_wait3A_172] : memref<96xf32, #tpu.memory_space<vmem>> -> memref<32xf32, #tpu.memory_space<vmem>>
      tpu.wait_dma2 semaphore(%run_scoped3A : memref<!tpu.dma_semaphore, #tpu.memory_space<semaphore_mem>>) src(%dma_wait3A_173 : memref<32xf32, #tpu.memory_space<vmem>>) dst(%dma_wait3A_171 : memref<32xf32, #tpu.memory_space<vmem_shared>>)
      tpu.yield
    }) : () -> ()
    %mul3A_79 = arith.constant 640 : i32
    %mul3A_80 = arith.muli %arg1, %mul3A_79 : i32
    %add3A_81 = arith.constant 352 : i32
    %add3A_82 = arith.addi %mul3A_80, %add3A_81 : i32
    "tpu.region"() ({
      %run_scoped3A = tpu.sem_alloc : memref<!tpu.dma_semaphore, #tpu.memory_space<semaphore_mem>>
      %dma_start3A = arith.constant 0 : i32
      %dma_start3A_164 = tpu.memref_slice %arg5[%dma_start3A] : memref<96xf32, #tpu.memory_space<vmem>> -> memref<32xf32, #tpu.memory_space<vmem>>
      %dma_start3A_165 = tpu.memref_slice %arg6[%add3A_82] : memref<10240xf32, #tpu.memory_space<vmem_shared>> -> memref<32xf32, #tpu.memory_space<vmem_shared>>
      %dma_start3A_166 = tpu.memref_slice %arg6[%add3A_82] : memref<10240xf32, #tpu.memory_space<vmem_shared>> -> memref<32xf32, #tpu.memory_space<vmem_shared>>
      %dma_start3A_167 = arith.constant 0 : i32
      %dma_start3A_168 = tpu.memref_slice %arg5[%dma_start3A_167] : memref<96xf32, #tpu.memory_space<vmem>> -> memref<32xf32, #tpu.memory_space<vmem>>
      tpu.enqueue_dma source(%dma_start3A_168 : memref<32xf32, #tpu.memory_space<vmem>>) target(%dma_start3A_166 : memref<32xf32, #tpu.memory_space<vmem_shared>>) target_semaphore(%run_scoped3A : memref<!tpu.dma_semaphore, #tpu.memory_space<semaphore_mem>>)
      %dma_wait3A = arith.constant 0 : i32
      %dma_wait3A_169 = tpu.memref_slice %arg5[%dma_wait3A] : memref<96xf32, #tpu.memory_space<vmem>> -> memref<32xf32, #tpu.memory_space<vmem>>
      %dma_wait3A_170 = tpu.memref_slice %arg6[%add3A_82] : memref<10240xf32, #tpu.memory_space<vmem_shared>> -> memref<32xf32, #tpu.memory_space<vmem_shared>>
      %dma_wait3A_171 = tpu.memref_slice %arg6[%add3A_82] : memref<10240xf32, #tpu.memory_space<vmem_shared>> -> memref<32xf32, #tpu.memory_space<vmem_shared>>
      %dma_wait3A_172 = arith.constant 0 : i32
      %dma_wait3A_173 = tpu.memref_slice %arg5[%dma_wait3A_172] : memref<96xf32, #tpu.memory_space<vmem>> -> memref<32xf32, #tpu.memory_space<vmem>>
      tpu.wait_dma2 semaphore(%run_scoped3A : memref<!tpu.dma_semaphore, #tpu.memory_space<semaphore_mem>>) src(%dma_wait3A_173 : memref<32xf32, #tpu.memory_space<vmem>>) dst(%dma_wait3A_171 : memref<32xf32, #tpu.memory_space<vmem_shared>>)
      tpu.yield
    }) : () -> ()
    %mul3A_83 = arith.constant 640 : i32
    %mul3A_84 = arith.muli %arg1, %mul3A_83 : i32
    %add3A_85 = arith.constant 384 : i32
    %add3A_86 = arith.addi %mul3A_84, %add3A_85 : i32
    "tpu.region"() ({
      %run_scoped3A = tpu.sem_alloc : memref<!tpu.dma_semaphore, #tpu.memory_space<semaphore_mem>>
      %dma_start3A = arith.constant 0 : i32
      %dma_start3A_164 = tpu.memref_slice %arg5[%dma_start3A] : memref<96xf32, #tpu.memory_space<vmem>> -> memref<32xf32, #tpu.memory_space<vmem>>
      %dma_start3A_165 = tpu.memref_slice %arg6[%add3A_86] : memref<10240xf32, #tpu.memory_space<vmem_shared>> -> memref<32xf32, #tpu.memory_space<vmem_shared>>
      %dma_start3A_166 = tpu.memref_slice %arg6[%add3A_86] : memref<10240xf32, #tpu.memory_space<vmem_shared>> -> memref<32xf32, #tpu.memory_space<vmem_shared>>
      %dma_start3A_167 = arith.constant 0 : i32
      %dma_start3A_168 = tpu.memref_slice %arg5[%dma_start3A_167] : memref<96xf32, #tpu.memory_space<vmem>> -> memref<32xf32, #tpu.memory_space<vmem>>
      tpu.enqueue_dma source(%dma_start3A_168 : memref<32xf32, #tpu.memory_space<vmem>>) target(%dma_start3A_166 : memref<32xf32, #tpu.memory_space<vmem_shared>>) target_semaphore(%run_scoped3A : memref<!tpu.dma_semaphore, #tpu.memory_space<semaphore_mem>>)
      %dma_wait3A = arith.constant 0 : i32
      %dma_wait3A_169 = tpu.memref_slice %arg5[%dma_wait3A] : memref<96xf32, #tpu.memory_space<vmem>> -> memref<32xf32, #tpu.memory_space<vmem>>
      %dma_wait3A_170 = tpu.memref_slice %arg6[%add3A_86] : memref<10240xf32, #tpu.memory_space<vmem_shared>> -> memref<32xf32, #tpu.memory_space<vmem_shared>>
      %dma_wait3A_171 = tpu.memref_slice %arg6[%add3A_86] : memref<10240xf32, #tpu.memory_space<vmem_shared>> -> memref<32xf32, #tpu.memory_space<vmem_shared>>
      %dma_wait3A_172 = arith.constant 0 : i32
      %dma_wait3A_173 = tpu.memref_slice %arg5[%dma_wait3A_172] : memref<96xf32, #tpu.memory_space<vmem>> -> memref<32xf32, #tpu.memory_space<vmem>>
      tpu.wait_dma2 semaphore(%run_scoped3A : memref<!tpu.dma_semaphore, #tpu.memory_space<semaphore_mem>>) src(%dma_wait3A_173 : memref<32xf32, #tpu.memory_space<vmem>>) dst(%dma_wait3A_171 : memref<32xf32, #tpu.memory_space<vmem_shared>>)
      tpu.yield
    }) : () -> ()
    %mul3A_87 = arith.constant 640 : i32
    %mul3A_88 = arith.muli %arg1, %mul3A_87 : i32
    %add3A_89 = arith.constant 416 : i32
    %add3A_90 = arith.addi %mul3A_88, %add3A_89 : i32
    "tpu.region"() ({
      %run_scoped3A = tpu.sem_alloc : memref<!tpu.dma_semaphore, #tpu.memory_space<semaphore_mem>>
      %dma_start3A = arith.constant 0 : i32
      %dma_start3A_164 = tpu.memref_slice %arg5[%dma_start3A] : memref<96xf32, #tpu.memory_space<vmem>> -> memref<32xf32, #tpu.memory_space<vmem>>
      %dma_start3A_165 = tpu.memref_slice %arg6[%add3A_90] : memref<10240xf32, #tpu.memory_space<vmem_shared>> -> memref<32xf32, #tpu.memory_space<vmem_shared>>
      %dma_start3A_166 = tpu.memref_slice %arg6[%add3A_90] : memref<10240xf32, #tpu.memory_space<vmem_shared>> -> memref<32xf32, #tpu.memory_space<vmem_shared>>
      %dma_start3A_167 = arith.constant 0 : i32
      %dma_start3A_168 = tpu.memref_slice %arg5[%dma_start3A_167] : memref<96xf32, #tpu.memory_space<vmem>> -> memref<32xf32, #tpu.memory_space<vmem>>
      tpu.enqueue_dma source(%dma_start3A_168 : memref<32xf32, #tpu.memory_space<vmem>>) target(%dma_start3A_166 : memref<32xf32, #tpu.memory_space<vmem_shared>>) target_semaphore(%run_scoped3A : memref<!tpu.dma_semaphore, #tpu.memory_space<semaphore_mem>>)
      %dma_wait3A = arith.constant 0 : i32
      %dma_wait3A_169 = tpu.memref_slice %arg5[%dma_wait3A] : memref<96xf32, #tpu.memory_space<vmem>> -> memref<32xf32, #tpu.memory_space<vmem>>
      %dma_wait3A_170 = tpu.memref_slice %arg6[%add3A_90] : memref<10240xf32, #tpu.memory_space<vmem_shared>> -> memref<32xf32, #tpu.memory_space<vmem_shared>>
      %dma_wait3A_171 = tpu.memref_slice %arg6[%add3A_90] : memref<10240xf32, #tpu.memory_space<vmem_shared>> -> memref<32xf32, #tpu.memory_space<vmem_shared>>
      %dma_wait3A_172 = arith.constant 0 : i32
      %dma_wait3A_173 = tpu.memref_slice %arg5[%dma_wait3A_172] : memref<96xf32, #tpu.memory_space<vmem>> -> memref<32xf32, #tpu.memory_space<vmem>>
      tpu.wait_dma2 semaphore(%run_scoped3A : memref<!tpu.dma_semaphore, #tpu.memory_space<semaphore_mem>>) src(%dma_wait3A_173 : memref<32xf32, #tpu.memory_space<vmem>>) dst(%dma_wait3A_171 : memref<32xf32, #tpu.memory_space<vmem_shared>>)
      tpu.yield
    }) : () -> ()
    %mul3A_91 = arith.constant 640 : i32
    %mul3A_92 = arith.muli %arg1, %mul3A_91 : i32
    %add3A_93 = arith.constant 448 : i32
    %add3A_94 = arith.addi %mul3A_92, %add3A_93 : i32
    "tpu.region"() ({
      %run_scoped3A = tpu.sem_alloc : memref<!tpu.dma_semaphore, #tpu.memory_space<semaphore_mem>>
      %dma_start3A = arith.constant 0 : i32
      %dma_start3A_164 = tpu.memref_slice %arg5[%dma_start3A] : memref<96xf32, #tpu.memory_space<vmem>> -> memref<32xf32, #tpu.memory_space<vmem>>
      %dma_start3A_165 = tpu.memref_slice %arg6[%add3A_94] : memref<10240xf32, #tpu.memory_space<vmem_shared>> -> memref<32xf32, #tpu.memory_space<vmem_shared>>
      %dma_start3A_166 = tpu.memref_slice %arg6[%add3A_94] : memref<10240xf32, #tpu.memory_space<vmem_shared>> -> memref<32xf32, #tpu.memory_space<vmem_shared>>
      %dma_start3A_167 = arith.constant 0 : i32
      %dma_start3A_168 = tpu.memref_slice %arg5[%dma_start3A_167] : memref<96xf32, #tpu.memory_space<vmem>> -> memref<32xf32, #tpu.memory_space<vmem>>
      tpu.enqueue_dma source(%dma_start3A_168 : memref<32xf32, #tpu.memory_space<vmem>>) target(%dma_start3A_166 : memref<32xf32, #tpu.memory_space<vmem_shared>>) target_semaphore(%run_scoped3A : memref<!tpu.dma_semaphore, #tpu.memory_space<semaphore_mem>>)
      %dma_wait3A = arith.constant 0 : i32
      %dma_wait3A_169 = tpu.memref_slice %arg5[%dma_wait3A] : memref<96xf32, #tpu.memory_space<vmem>> -> memref<32xf32, #tpu.memory_space<vmem>>
      %dma_wait3A_170 = tpu.memref_slice %arg6[%add3A_94] : memref<10240xf32, #tpu.memory_space<vmem_shared>> -> memref<32xf32, #tpu.memory_space<vmem_shared>>
      %dma_wait3A_171 = tpu.memref_slice %arg6[%add3A_94] : memref<10240xf32, #tpu.memory_space<vmem_shared>> -> memref<32xf32, #tpu.memory_space<vmem_shared>>
      %dma_wait3A_172 = arith.constant 0 : i32
      %dma_wait3A_173 = tpu.memref_slice %arg5[%dma_wait3A_172] : memref<96xf32, #tpu.memory_space<vmem>> -> memref<32xf32, #tpu.memory_space<vmem>>
      tpu.wait_dma2 semaphore(%run_scoped3A : memref<!tpu.dma_semaphore, #tpu.memory_space<semaphore_mem>>) src(%dma_wait3A_173 : memref<32xf32, #tpu.memory_space<vmem>>) dst(%dma_wait3A_171 : memref<32xf32, #tpu.memory_space<vmem_shared>>)
      tpu.yield
    }) : () -> ()
    %mul3A_95 = arith.constant 640 : i32
    %mul3A_96 = arith.muli %arg1, %mul3A_95 : i32
    %add3A_97 = arith.constant 480 : i32
    %add3A_98 = arith.addi %mul3A_96, %add3A_97 : i32
    "tpu.region"() ({
      %run_scoped3A = tpu.sem_alloc : memref<!tpu.dma_semaphore, #tpu.memory_space<semaphore_mem>>
      %dma_start3A = arith.constant 0 : i32
      %dma_start3A_164 = tpu.memref_slice %arg5[%dma_start3A] : memref<96xf32, #tpu.memory_space<vmem>> -> memref<32xf32, #tpu.memory_space<vmem>>
      %dma_start3A_165 = tpu.memref_slice %arg6[%add3A_98] : memref<10240xf32, #tpu.memory_space<vmem_shared>> -> memref<32xf32, #tpu.memory_space<vmem_shared>>
      %dma_start3A_166 = tpu.memref_slice %arg6[%add3A_98] : memref<10240xf32, #tpu.memory_space<vmem_shared>> -> memref<32xf32, #tpu.memory_space<vmem_shared>>
      %dma_start3A_167 = arith.constant 0 : i32
      %dma_start3A_168 = tpu.memref_slice %arg5[%dma_start3A_167] : memref<96xf32, #tpu.memory_space<vmem>> -> memref<32xf32, #tpu.memory_space<vmem>>
      tpu.enqueue_dma source(%dma_start3A_168 : memref<32xf32, #tpu.memory_space<vmem>>) target(%dma_start3A_166 : memref<32xf32, #tpu.memory_space<vmem_shared>>) target_semaphore(%run_scoped3A : memref<!tpu.dma_semaphore, #tpu.memory_space<semaphore_mem>>)
      %dma_wait3A = arith.constant 0 : i32
      %dma_wait3A_169 = tpu.memref_slice %arg5[%dma_wait3A] : memref<96xf32, #tpu.memory_space<vmem>> -> memref<32xf32, #tpu.memory_space<vmem>>
      %dma_wait3A_170 = tpu.memref_slice %arg6[%add3A_98] : memref<10240xf32, #tpu.memory_space<vmem_shared>> -> memref<32xf32, #tpu.memory_space<vmem_shared>>
      %dma_wait3A_171 = tpu.memref_slice %arg6[%add3A_98] : memref<10240xf32, #tpu.memory_space<vmem_shared>> -> memref<32xf32, #tpu.memory_space<vmem_shared>>
      %dma_wait3A_172 = arith.constant 0 : i32
      %dma_wait3A_173 = tpu.memref_slice %arg5[%dma_wait3A_172] : memref<96xf32, #tpu.memory_space<vmem>> -> memref<32xf32, #tpu.memory_space<vmem>>
      tpu.wait_dma2 semaphore(%run_scoped3A : memref<!tpu.dma_semaphore, #tpu.memory_space<semaphore_mem>>) src(%dma_wait3A_173 : memref<32xf32, #tpu.memory_space<vmem>>) dst(%dma_wait3A_171 : memref<32xf32, #tpu.memory_space<vmem_shared>>)
      tpu.yield
    }) : () -> ()
    %mul3A_99 = arith.constant 640 : i32
    %mul3A_100 = arith.muli %arg1, %mul3A_99 : i32
    %add3A_101 = arith.constant 512 : i32
    %add3A_102 = arith.addi %mul3A_100, %add3A_101 : i32
    "tpu.region"() ({
      %run_scoped3A = tpu.sem_alloc : memref<!tpu.dma_semaphore, #tpu.memory_space<semaphore_mem>>
      %dma_start3A = arith.constant 0 : i32
      %dma_start3A_164 = tpu.memref_slice %arg5[%dma_start3A] : memref<96xf32, #tpu.memory_space<vmem>> -> memref<32xf32, #tpu.memory_space<vmem>>
      %dma_start3A_165 = tpu.memref_slice %arg6[%add3A_102] : memref<10240xf32, #tpu.memory_space<vmem_shared>> -> memref<32xf32, #tpu.memory_space<vmem_shared>>
      %dma_start3A_166 = tpu.memref_slice %arg6[%add3A_102] : memref<10240xf32, #tpu.memory_space<vmem_shared>> -> memref<32xf32, #tpu.memory_space<vmem_shared>>
      %dma_start3A_167 = arith.constant 0 : i32
      %dma_start3A_168 = tpu.memref_slice %arg5[%dma_start3A_167] : memref<96xf32, #tpu.memory_space<vmem>> -> memref<32xf32, #tpu.memory_space<vmem>>
      tpu.enqueue_dma source(%dma_start3A_168 : memref<32xf32, #tpu.memory_space<vmem>>) target(%dma_start3A_166 : memref<32xf32, #tpu.memory_space<vmem_shared>>) target_semaphore(%run_scoped3A : memref<!tpu.dma_semaphore, #tpu.memory_space<semaphore_mem>>)
      %dma_wait3A = arith.constant 0 : i32
      %dma_wait3A_169 = tpu.memref_slice %arg5[%dma_wait3A] : memref<96xf32, #tpu.memory_space<vmem>> -> memref<32xf32, #tpu.memory_space<vmem>>
      %dma_wait3A_170 = tpu.memref_slice %arg6[%add3A_102] : memref<10240xf32, #tpu.memory_space<vmem_shared>> -> memref<32xf32, #tpu.memory_space<vmem_shared>>
      %dma_wait3A_171 = tpu.memref_slice %arg6[%add3A_102] : memref<10240xf32, #tpu.memory_space<vmem_shared>> -> memref<32xf32, #tpu.memory_space<vmem_shared>>
      %dma_wait3A_172 = arith.constant 0 : i32
      %dma_wait3A_173 = tpu.memref_slice %arg5[%dma_wait3A_172] : memref<96xf32, #tpu.memory_space<vmem>> -> memref<32xf32, #tpu.memory_space<vmem>>
      tpu.wait_dma2 semaphore(%run_scoped3A : memref<!tpu.dma_semaphore, #tpu.memory_space<semaphore_mem>>) src(%dma_wait3A_173 : memref<32xf32, #tpu.memory_space<vmem>>) dst(%dma_wait3A_171 : memref<32xf32, #tpu.memory_space<vmem_shared>>)
      tpu.yield
    }) : () -> ()
    %mul3A_103 = arith.constant 640 : i32
    %mul3A_104 = arith.muli %arg1, %mul3A_103 : i32
    %add3A_105 = arith.constant 544 : i32
    %add3A_106 = arith.addi %mul3A_104, %add3A_105 : i32
    "tpu.region"() ({
      %run_scoped3A = tpu.sem_alloc : memref<!tpu.dma_semaphore, #tpu.memory_space<semaphore_mem>>
      %dma_start3A = arith.constant 0 : i32
      %dma_start3A_164 = tpu.memref_slice %arg5[%dma_start3A] : memref<96xf32, #tpu.memory_space<vmem>> -> memref<32xf32, #tpu.memory_space<vmem>>
      %dma_start3A_165 = tpu.memref_slice %arg6[%add3A_106] : memref<10240xf32, #tpu.memory_space<vmem_shared>> -> memref<32xf32, #tpu.memory_space<vmem_shared>>
      %dma_start3A_166 = tpu.memref_slice %arg6[%add3A_106] : memref<10240xf32, #tpu.memory_space<vmem_shared>> -> memref<32xf32, #tpu.memory_space<vmem_shared>>
      %dma_start3A_167 = arith.constant 0 : i32
      %dma_start3A_168 = tpu.memref_slice %arg5[%dma_start3A_167] : memref<96xf32, #tpu.memory_space<vmem>> -> memref<32xf32, #tpu.memory_space<vmem>>
      tpu.enqueue_dma source(%dma_start3A_168 : memref<32xf32, #tpu.memory_space<vmem>>) target(%dma_start3A_166 : memref<32xf32, #tpu.memory_space<vmem_shared>>) target_semaphore(%run_scoped3A : memref<!tpu.dma_semaphore, #tpu.memory_space<semaphore_mem>>)
      %dma_wait3A = arith.constant 0 : i32
      %dma_wait3A_169 = tpu.memref_slice %arg5[%dma_wait3A] : memref<96xf32, #tpu.memory_space<vmem>> -> memref<32xf32, #tpu.memory_space<vmem>>
      %dma_wait3A_170 = tpu.memref_slice %arg6[%add3A_106] : memref<10240xf32, #tpu.memory_space<vmem_shared>> -> memref<32xf32, #tpu.memory_space<vmem_shared>>
      %dma_wait3A_171 = tpu.memref_slice %arg6[%add3A_106] : memref<10240xf32, #tpu.memory_space<vmem_shared>> -> memref<32xf32, #tpu.memory_space<vmem_shared>>
      %dma_wait3A_172 = arith.constant 0 : i32
      %dma_wait3A_173 = tpu.memref_slice %arg5[%dma_wait3A_172] : memref<96xf32, #tpu.memory_space<vmem>> -> memref<32xf32, #tpu.memory_space<vmem>>
      tpu.wait_dma2 semaphore(%run_scoped3A : memref<!tpu.dma_semaphore, #tpu.memory_space<semaphore_mem>>) src(%dma_wait3A_173 : memref<32xf32, #tpu.memory_space<vmem>>) dst(%dma_wait3A_171 : memref<32xf32, #tpu.memory_space<vmem_shared>>)
      tpu.yield
    }) : () -> ()
    %mul3A_107 = arith.constant 640 : i32
    %mul3A_108 = arith.muli %arg1, %mul3A_107 : i32
    %add3A_109 = arith.constant 576 : i32
    %add3A_110 = arith.addi %mul3A_108, %add3A_109 : i32
    "tpu.region"() ({
      %run_scoped3A = tpu.sem_alloc : memref<!tpu.dma_semaphore, #tpu.memory_space<semaphore_mem>>
      %dma_start3A = arith.constant 0 : i32
      %dma_start3A_164 = tpu.memref_slice %arg5[%dma_start3A] : memref<96xf32, #tpu.memory_space<vmem>> -> memref<32xf32, #tpu.memory_space<vmem>>
      %dma_start3A_165 = tpu.memref_slice %arg6[%add3A_110] : memref<10240xf32, #tpu.memory_space<vmem_shared>> -> memref<32xf32, #tpu.memory_space<vmem_shared>>
      %dma_start3A_166 = tpu.memref_slice %arg6[%add3A_110] : memref<10240xf32, #tpu.memory_space<vmem_shared>> -> memref<32xf32, #tpu.memory_space<vmem_shared>>
      %dma_start3A_167 = arith.constant 0 : i32
      %dma_start3A_168 = tpu.memref_slice %arg5[%dma_start3A_167] : memref<96xf32, #tpu.memory_space<vmem>> -> memref<32xf32, #tpu.memory_space<vmem>>
      tpu.enqueue_dma source(%dma_start3A_168 : memref<32xf32, #tpu.memory_space<vmem>>) target(%dma_start3A_166 : memref<32xf32, #tpu.memory_space<vmem_shared>>) target_semaphore(%run_scoped3A : memref<!tpu.dma_semaphore, #tpu.memory_space<semaphore_mem>>)
      %dma_wait3A = arith.constant 0 : i32
      %dma_wait3A_169 = tpu.memref_slice %arg5[%dma_wait3A] : memref<96xf32, #tpu.memory_space<vmem>> -> memref<32xf32, #tpu.memory_space<vmem>>
      %dma_wait3A_170 = tpu.memref_slice %arg6[%add3A_110] : memref<10240xf32, #tpu.memory_space<vmem_shared>> -> memref<32xf32, #tpu.memory_space<vmem_shared>>
      %dma_wait3A_171 = tpu.memref_slice %arg6[%add3A_110] : memref<10240xf32, #tpu.memory_space<vmem_shared>> -> memref<32xf32, #tpu.memory_space<vmem_shared>>
      %dma_wait3A_172 = arith.constant 0 : i32
      %dma_wait3A_173 = tpu.memref_slice %arg5[%dma_wait3A_172] : memref<96xf32, #tpu.memory_space<vmem>> -> memref<32xf32, #tpu.memory_space<vmem>>
      tpu.wait_dma2 semaphore(%run_scoped3A : memref<!tpu.dma_semaphore, #tpu.memory_space<semaphore_mem>>) src(%dma_wait3A_173 : memref<32xf32, #tpu.memory_space<vmem>>) dst(%dma_wait3A_171 : memref<32xf32, #tpu.memory_space<vmem_shared>>)
      tpu.yield
    }) : () -> ()
    %mul3A_111 = arith.constant 640 : i32
    %mul3A_112 = arith.muli %arg1, %mul3A_111 : i32
    %add3A_113 = arith.constant 608 : i32
    %add3A_114 = arith.addi %mul3A_112, %add3A_113 : i32
    "tpu.region"() ({
      %run_scoped3A = tpu.sem_alloc : memref<!tpu.dma_semaphore, #tpu.memory_space<semaphore_mem>>
      %dma_start3A = arith.constant 0 : i32
      %dma_start3A_164 = tpu.memref_slice %arg5[%dma_start3A] : memref<96xf32, #tpu.memory_space<vmem>> -> memref<32xf32, #tpu.memory_space<vmem>>
      %dma_start3A_165 = tpu.memref_slice %arg6[%add3A_114] : memref<10240xf32, #tpu.memory_space<vmem_shared>> -> memref<32xf32, #tpu.memory_space<vmem_shared>>
      %dma_start3A_166 = tpu.memref_slice %arg6[%add3A_114] : memref<10240xf32, #tpu.memory_space<vmem_shared>> -> memref<32xf32, #tpu.memory_space<vmem_shared>>
      %dma_start3A_167 = arith.constant 0 : i32
      %dma_start3A_168 = tpu.memref_slice %arg5[%dma_start3A_167] : memref<96xf32, #tpu.memory_space<vmem>> -> memref<32xf32, #tpu.memory_space<vmem>>
      tpu.enqueue_dma source(%dma_start3A_168 : memref<32xf32, #tpu.memory_space<vmem>>) target(%dma_start3A_166 : memref<32xf32, #tpu.memory_space<vmem_shared>>) target_semaphore(%run_scoped3A : memref<!tpu.dma_semaphore, #tpu.memory_space<semaphore_mem>>)
      %dma_wait3A = arith.constant 0 : i32
      %dma_wait3A_169 = tpu.memref_slice %arg5[%dma_wait3A] : memref<96xf32, #tpu.memory_space<vmem>> -> memref<32xf32, #tpu.memory_space<vmem>>
      %dma_wait3A_170 = tpu.memref_slice %arg6[%add3A_114] : memref<10240xf32, #tpu.memory_space<vmem_shared>> -> memref<32xf32, #tpu.memory_space<vmem_shared>>
      %dma_wait3A_171 = tpu.memref_slice %arg6[%add3A_114] : memref<10240xf32, #tpu.memory_space<vmem_shared>> -> memref<32xf32, #tpu.memory_space<vmem_shared>>
      %dma_wait3A_172 = arith.constant 0 : i32
      %dma_wait3A_173 = tpu.memref_slice %arg5[%dma_wait3A_172] : memref<96xf32, #tpu.memory_space<vmem>> -> memref<32xf32, #tpu.memory_space<vmem>>
      tpu.wait_dma2 semaphore(%run_scoped3A : memref<!tpu.dma_semaphore, #tpu.memory_space<semaphore_mem>>) src(%dma_wait3A_173 : memref<32xf32, #tpu.memory_space<vmem>>) dst(%dma_wait3A_171 : memref<32xf32, #tpu.memory_space<vmem_shared>>)
      tpu.yield
    }) : () -> ()
    %broadcast_in_dim3A_115 = arith.constant 1.000000e+00 : f32
    %broadcast_in_dim3A_116 = vector.broadcast %broadcast_in_dim3A_115 : f32 to vector<16xf32>
    %swap3A_117 = arith.constant 0 : index
    %swap3A_118 = tpu.vector_load %arg5[%swap3A_117] {strides = array<i32>} : memref<96xf32, #tpu.memory_space<vmem>>, vector<16xf32>,
    %swap3A_119 = vector.shape_cast %swap3A_118 : vector<16xf32> to vector<16xf32>
    %swap3A_120 = vector.shape_cast %broadcast_in_dim3A_116 : vector<16xf32> to vector<16xf32>
    tpu.vector_store %arg5[%swap3A_117], %swap3A_120 {strides = array<i32>} : memref<96xf32, #tpu.memory_space<vmem>>, vector<16xf32>,
    %broadcast_in_dim3A_121 = arith.constant 1.000000e+00 : f32
    %broadcast_in_dim3A_122 = vector.broadcast %broadcast_in_dim3A_121 : f32 to vector<16xf32>
    %swap3A_123 = arith.constant 16 : index
    %swap3A_124 = tpu.vector_load %arg5[%swap3A_123] {strides = array<i32>} : memref<96xf32, #tpu.memory_space<vmem>>, vector<16xf32>,
    %swap3A_125 = vector.shape_cast %swap3A_124 : vector<16xf32> to vector<16xf32>
    %swap3A_126 = vector.shape_cast %broadcast_in_dim3A_122 : vector<16xf32> to vector<16xf32>
    tpu.vector_store %arg5[%swap3A_123], %swap3A_126 {strides = array<i32>} : memref<96xf32, #tpu.memory_space<vmem>>, vector<16xf32>,
    %broadcast_in_dim3A_127 = arith.constant 1.000000e+00 : f32
    %broadcast_in_dim3A_128 = vector.broadcast %broadcast_in_dim3A_127 : f32 to vector<16xf32>
    %swap3A_129 = arith.constant 32 : index
    %swap3A_130 = tpu.vector_load %arg5[%swap3A_129] {strides = array<i32>} : memref<96xf32, #tpu.memory_space<vmem>>, vector<16xf32>,
    %swap3A_131 = vector.shape_cast %swap3A_130 : vector<16xf32> to vector<16xf32>
    %swap3A_132 = vector.shape_cast %broadcast_in_dim3A_128 : vector<16xf32> to vector<16xf32>
    tpu.vector_store %arg5[%swap3A_129], %swap3A_132 {strides = array<i32>} : memref<96xf32, #tpu.memory_space<vmem>>, vector<16xf32>,
    %broadcast_in_dim3A_133 = arith.constant 1.000000e+00 : f32
    %broadcast_in_dim3A_134 = vector.broadcast %broadcast_in_dim3A_133 : f32 to vector<16xf32>
    %swap3A_135 = arith.constant 48 : index
    %swap3A_136 = tpu.vector_load %arg5[%swap3A_135] {strides = array<i32>} : memref<96xf32, #tpu.memory_space<vmem>>, vector<16xf32>,
    %swap3A_137 = vector.shape_cast %swap3A_136 : vector<16xf32> to vector<16xf32>
    %swap3A_138 = vector.shape_cast %broadcast_in_dim3A_134 : vector<16xf32> to vector<16xf32>
    tpu.vector_store %arg5[%swap3A_135], %swap3A_138 {strides = array<i32>} : memref<96xf32, #tpu.memory_space<vmem>>, vector<16xf32>,
    %broadcast_in_dim3A_139 = arith.constant 1.000000e+00 : f32
    %broadcast_in_dim3A_140 = vector.broadcast %broadcast_in_dim3A_139 : f32 to vector<16xf32>
    %swap3A_141 = arith.constant 64 : index
    %swap3A_142 = tpu.vector_load %arg5[%swap3A_141] {strides = array<i32>} : memref<96xf32, #tpu.memory_space<vmem>>, vector<16xf32>,
    %swap3A_143 = vector.shape_cast %swap3A_142 : vector<16xf32> to vector<16xf32>
    %swap3A_144 = vector.shape_cast %broadcast_in_dim3A_140 : vector<16xf32> to vector<16xf32>
    tpu.vector_store %arg5[%swap3A_141], %swap3A_144 {strides = array<i32>} : memref<96xf32, #tpu.memory_space<vmem>>, vector<16xf32>,
    %broadcast_in_dim3A_145 = arith.constant 1.000000e+00 : f32
    %broadcast_in_dim3A_146 = vector.broadcast %broadcast_in_dim3A_145 : f32 to vector<16xf32>
    %swap3A_147 = arith.constant 80 : index
    %swap3A_148 = tpu.vector_load %arg5[%swap3A_147] {strides = array<i32>} : memref<96xf32, #tpu.memory_space<vmem>>, vector<16xf32>,
    %swap3A_149 = vector.shape_cast %swap3A_148 : vector<16xf32> to vector<16xf32>
    %swap3A_150 = vector.shape_cast %broadcast_in_dim3A_146 : vector<16xf32> to vector<16xf32>
    tpu.vector_store %arg5[%swap3A_147], %swap3A_150 {strides = array<i32>} : memref<96xf32, #tpu.memory_space<vmem>>, vector<16xf32>,
    %barrier3A = arith.constant 0 : index
    tpu.barrier barrier_id(%barrier3A)
    %scan3A = arith.constant 0 : i32
    %scan3A_151 = arith.constant 0 : i32
    %scan3A_152 = arith.constant 7 : i32
    %scan3A_153 = arith.addi %scan3A_151, %scan3A_152 : i32
    %scan3A_154 = arith.constant 1 : i32
    scf.for %scan3A_164 = %scan3A_151 to %scan3A_153 step %scan3A_154  : i32 {
      %mul3A_165 = arith.constant 112 : i32
      %mul3A_166 = arith.muli %add3A, %mul3A_165 : i32
      %mul3A_167 = arith.constant 16 : i32
      %mul3A_168 = arith.muli %scan3A_164, %mul3A_167 : i32
      %add3A_169 = arith.addi %mul3A_166, %mul3A_168 : i32
      "tpu.region"() ({
        %run_scoped3A = tpu.sem_alloc : memref<!tpu.dma_semaphore, #tpu.memory_space<semaphore_mem>>
        %dma_start3A = arith.constant 0 : i32
        %dma_start3A_175 = tpu.memref_slice %arg2[%add3A_169, %dma_start3A] : memref<3584x96xi32, #tpu.memory_space<hbm>> -> memref<16x96xi32, #tpu.memory_space<hbm>>
        %dma_start3A_176 = arith.constant 0 : i32
        %dma_start3A_177 = tpu.memref_slice %arg2[%add3A_169, %dma_start3A_176] : memref<3584x96xi32, #tpu.memory_space<hbm>> -> memref<16x96xi32, #tpu.memory_space<hbm>>
        tpu.enqueue_dma source(%dma_start3A_177 : memref<16x96xi32, #tpu.memory_space<hbm>>) target(%arg4 : memref<16x96xi32, #tpu.memory_space<vmem>>) target_semaphore(%run_scoped3A : memref<!tpu.dma_semaphore, #tpu.memory_space<semaphore_mem>>)
        %dma_wait3A = arith.constant 0 : i32
        %dma_wait3A_178 = tpu.memref_slice %arg2[%add3A_169, %dma_wait3A] : memref<3584x96xi32, #tpu.memory_space<hbm>> -> memref<16x96xi32, #tpu.memory_space<hbm>>
        %dma_wait3A_179 = arith.constant 0 : i32
        %dma_wait3A_180 = tpu.memref_slice %arg2[%add3A_169, %dma_wait3A_179] : memref<3584x96xi32, #tpu.memory_space<hbm>> -> memref<16x96xi32, #tpu.memory_space<hbm>>
        tpu.wait_dma2 semaphore(%run_scoped3A : memref<!tpu.dma_semaphore, #tpu.memory_space<semaphore_mem>>) src(%dma_wait3A_180 : memref<16x96xi32, #tpu.memory_space<hbm>>) dst(%arg4 : memref<16x96xi32, #tpu.memory_space<vmem>>)
        tpu.yield
      }) : () -> ()
      %scan3A_170 = arith.constant 0 : i32
      %scan3A_171 = arith.constant 16 : i32
      %scan3A_172 = arith.addi %scan3A_170, %scan3A_171 : i32
      %scan3A_173 = arith.constant 1 : i32
      scf.for %scan3A_175 = %scan3A_170 to %scan3A_172 step %scan3A_173  : i32 {
        "tpu.region"() ({
          %run_scoped3A = tpu.sem_alloc : memref<!tpu.dma_semaphore, #tpu.memory_space<semaphore_mem>>
          %dma_start3A = arith.constant 0 : i32
          %dma_start3A_176 = tpu.memref_slice %arg4[%scan3A_175, %dma_start3A] : memref<16x96xi32, #tpu.memory_space<vmem>> -> memref<1x96xi32, #tpu.memory_space<vmem>>
          %dma_start3A_177 = tpu.memref_squeeze %dma_start3A_176 : memref<1x96xi32, #tpu.memory_space<vmem>> -> memref<96xi32, #tpu.memory_space<vmem>>
          %dma_start3A_178 = arith.constant 0 : i32
          %dma_start3A_179 = tpu.memref_slice %arg6[%dma_start3A_178] : memref<10240xf32, #tpu.memory_space<vmem_shared>> -> memref<10240xf32, #tpu.memory_space<vmem_shared>>
          tpu.enqueue_indirect_dma source(%arg5 : memref<96xf32, #tpu.memory_space<vmem>>) target(%dma_start3A_179 : memref<10240xf32, #tpu.memory_space<vmem_shared>>) offsets(%dma_start3A_177 : memref<96xi32, #tpu.memory_space<vmem>>) semaphore(%run_scoped3A : memref<!tpu.dma_semaphore, #tpu.memory_space<semaphore_mem>>) {add = true}
          %dma_wait3A = arith.constant 0 : i32
          %dma_wait3A_180 = tpu.memref_slice %arg4[%scan3A_175, %dma_wait3A] : memref<16x96xi32, #tpu.memory_space<vmem>> -> memref<1x96xi32, #tpu.memory_space<vmem>>
          %dma_wait3A_181 = tpu.memref_squeeze %dma_wait3A_180 : memref<1x96xi32, #tpu.memory_space<vmem>> -> memref<96xi32, #tpu.memory_space<vmem>>
          %dma_wait3A_182 = arith.constant 0 : i32
          %dma_wait3A_183 = tpu.memref_slice %arg6[%dma_wait3A_182] : memref<10240xf32, #tpu.memory_space<vmem_shared>> -> memref<10240xf32, #tpu.memory_space<vmem_shared>>
          tpu.wait_indirect_dma semaphore(%run_scoped3A : memref<!tpu.dma_semaphore, #tpu.memory_space<semaphore_mem>>) src(%arg5 : memref<96xf32, #tpu.memory_space<vmem>>) dst(%dma_wait3A_183 : memref<10240xf32, #tpu.memory_space<vmem_shared>>)
          tpu.yield
        }) : () -> ()
      }
      %scan3A_174 = arith.constant 16 : i32
    }
    %scan3A_155 = arith.constant 7 : i32
    %barrier3A_156 = arith.constant 0 : index
    tpu.barrier barrier_id(%barrier3A_156)
    %mul3A_157 = arith.constant 640 : i32
    %mul3A_158 = arith.muli %arg1, %mul3A_157 : i32
    %mul3A_159 = arith.constant 10240 : i32
    %mul3A_160 = arith.muli %arg0, %mul3A_159 : i32
    %mul3A_161 = arith.constant 640 : i32
    %mul3A_162 = arith.muli %arg1, %mul3A_161 : i32
    %add3A_163 = arith.addi %mul3A_160, %mul3A_162 : i32
    "tpu.region"() ({
      %run_scoped3A = tpu.sem_alloc : memref<!tpu.dma_semaphore, #tpu.memory_space<semaphore_mem>>
      %dma_start3A = tpu.memref_slice %arg3[%add3A_163] : memref<20480xf32, #tpu.memory_space<hbm>> -> memref<640xf32, #tpu.memory_space<hbm>>
      %dma_start3A_164 = tpu.memref_slice %arg6[%mul3A_158] : memref<10240xf32, #tpu.memory_space<vmem_shared>> -> memref<640xf32, #tpu.memory_space<vmem_shared>>
      tpu.enqueue_dma source(%dma_start3A_164 : memref<640xf32, #tpu.memory_space<vmem_shared>>) target(%dma_start3A : memref<640xf32, #tpu.memory_space<hbm>>) target_semaphore(%run_scoped3A : memref<!tpu.dma_semaphore, #tpu.memory_space<semaphore_mem>>)
      %dma_wait3A = tpu.memref_slice %arg3[%add3A_163] : memref<20480xf32, #tpu.memory_space<hbm>> -> memref<640xf32, #tpu.memory_space<hbm>>
      %dma_wait3A_165 = tpu.memref_slice %arg6[%mul3A_158] : memref<10240xf32, #tpu.memory_space<vmem_shared>> -> memref<640xf32, #tpu.memory_space<vmem_shared>>
      tpu.wait_dma2 semaphore(%run_scoped3A : memref<!tpu.dma_semaphore, #tpu.memory_space<semaphore_mem>>) src(%dma_wait3A_165 : memref<640xf32, #tpu.memory_space<vmem_shared>>) dst(%dma_wait3A : memref<640xf32, #tpu.memory_space<hbm>>)
      tpu.yield
    }) : () -> ()
    return
  }
}

#map = affine_map<(d0, d1) -> (0, 0)>
module attributes {stable_mosaic.version = 14 : i64} {
  func.func @_scat_body(%arg0: i32, %arg1: i32, %arg2: memref<10000x128xf32, #tpu.memory_space<hbm>>, %arg3: memref<3584x96xi32, #tpu.memory_space<hbm>>, %arg4: memref<3584x96xi32, #tpu.memory_space<hbm>>, %arg5: memref<20480x128xf32, #tpu.memory_space<hbm>>, %arg6: memref<16x96xi32, #tpu.memory_space<vmem>>, %arg7: memref<16x96xi32, #tpu.memory_space<vmem>>, %arg8: memref<96x128xf32, #tpu.memory_space<vmem>>, %arg9: memref<96x128xf32, #tpu.memory_space<vmem>>, %arg10: memref<96x128xf32, #tpu.memory_space<vmem>>, %arg11: memref<10240x128xf32, #tpu.memory_space<vmem_shared>>, %arg12: memref<!tpu.dma_semaphore, #tpu.memory_space<semaphore_mem>>, %arg13: memref<!tpu.dma_semaphore, #tpu.memory_space<semaphore_mem>>, %arg14: memref<!tpu.dma_semaphore, #tpu.memory_space<semaphore_mem>>, %arg15: memref<!tpu.dma_semaphore, #tpu.memory_space<semaphore_mem>>, %arg16: memref<!tpu.dma_semaphore, #tpu.memory_space<semaphore_mem>>, %arg17: memref<!tpu.dma_semaphore, #tpu.memory_space<semaphore_mem>>) attributes {dimension_semantics = [#tpu.dimension_semantics<core_parallel>, #tpu.dimension_semantics<subcore_parallel>], iteration_bounds = array<i64: 2, 16>, scalar_prefetch = 0 : i64, scratch_operands = 12 : i64, tpu.core_type = #tpu.core_type<sc_vector_subcore>, window_params = [{transform_indices = #map}, {transform_indices = #map}, {transform_indices = #map}, {transform_indices = #map}]} {
    %mul3A = arith.constant 16 : i32
    %mul3A_0 = arith.muli %arg0, %mul3A : i32
    %add3A = arith.addi %mul3A_0, %arg1 : i32
    %broadcast_in_dim3A = arith.constant 0.000000e+00 : f32
    %broadcast_in_dim3A_1 = vector.broadcast %broadcast_in_dim3A : f32 to vector<16xf32>
    %swap3A = arith.constant 0 : i32
    %swap3A_2 = arith.index_cast %swap3A : i32 to index
    %swap3A_3 = arith.constant 0 : index
    %swap3A_4 = tpu.vector_load %arg8[%swap3A_2, %swap3A_3] {strides = array<i32>} : memref<96x128xf32, #tpu.memory_space<vmem>>, vector<1x16xf32>,
    %swap3A_5 = vector.shape_cast %swap3A_4 : vector<1x16xf32> to vector<16xf32>
    %swap3A_6 = vector.shape_cast %broadcast_in_dim3A_1 : vector<16xf32> to vector<1x16xf32>
    tpu.vector_store %arg8[%swap3A_2, %swap3A_3], %swap3A_6 {strides = array<i32>} : memref<96x128xf32, #tpu.memory_space<vmem>>, vector<1x16xf32>,
    %broadcast_in_dim3A_7 = arith.constant 0.000000e+00 : f32
    %broadcast_in_dim3A_8 = vector.broadcast %broadcast_in_dim3A_7 : f32 to vector<16xf32>
    %swap3A_9 = arith.constant 0 : i32
    %swap3A_10 = arith.index_cast %swap3A_9 : i32 to index
    %swap3A_11 = arith.constant 16 : index
    %swap3A_12 = tpu.vector_load %arg8[%swap3A_10, %swap3A_11] {strides = array<i32>} : memref<96x128xf32, #tpu.memory_space<vmem>>, vector<1x16xf32>,
    %swap3A_13 = vector.shape_cast %swap3A_12 : vector<1x16xf32> to vector<16xf32>
    %swap3A_14 = vector.shape_cast %broadcast_in_dim3A_8 : vector<16xf32> to vector<1x16xf32>
    tpu.vector_store %arg8[%swap3A_10, %swap3A_11], %swap3A_14 {strides = array<i32>} : memref<96x128xf32, #tpu.memory_space<vmem>>, vector<1x16xf32>,
    %broadcast_in_dim3A_15 = arith.constant 0.000000e+00 : f32
    %broadcast_in_dim3A_16 = vector.broadcast %broadcast_in_dim3A_15 : f32 to vector<16xf32>
    %swap3A_17 = arith.constant 0 : i32
    %swap3A_18 = arith.index_cast %swap3A_17 : i32 to index
    %swap3A_19 = arith.constant 32 : index
    %swap3A_20 = tpu.vector_load %arg8[%swap3A_18, %swap3A_19] {strides = array<i32>} : memref<96x128xf32, #tpu.memory_space<vmem>>, vector<1x16xf32>,
    %swap3A_21 = vector.shape_cast %swap3A_20 : vector<1x16xf32> to vector<16xf32>
    %swap3A_22 = vector.shape_cast %broadcast_in_dim3A_16 : vector<16xf32> to vector<1x16xf32>
    tpu.vector_store %arg8[%swap3A_18, %swap3A_19], %swap3A_22 {strides = array<i32>} : memref<96x128xf32, #tpu.memory_space<vmem>>, vector<1x16xf32>,
    %broadcast_in_dim3A_23 = arith.constant 0.000000e+00 : f32
    %broadcast_in_dim3A_24 = vector.broadcast %broadcast_in_dim3A_23 : f32 to vector<16xf32>
    %swap3A_25 = arith.constant 0 : i32
    %swap3A_26 = arith.index_cast %swap3A_25 : i32 to index
    %swap3A_27 = arith.constant 48 : index
    %swap3A_28 = tpu.vector_load %arg8[%swap3A_26, %swap3A_27] {strides = array<i32>} : memref<96x128xf32, #tpu.memory_space<vmem>>, vector<1x16xf32>,
    %swap3A_29 = vector.shape_cast %swap3A_28 : vector<1x16xf32> to vector<16xf32>
    %swap3A_30 = vector.shape_cast %broadcast_in_dim3A_24 : vector<16xf32> to vector<1x16xf32>
    tpu.vector_store %arg8[%swap3A_26, %swap3A_27], %swap3A_30 {strides = array<i32>} : memref<96x128xf32, #tpu.memory_space<vmem>>, vector<1x16xf32>,
    %broadcast_in_dim3A_31 = arith.constant 0.000000e+00 : f32
    %broadcast_in_dim3A_32 = vector.broadcast %broadcast_in_dim3A_31 : f32 to vector<16xf32>
    %swap3A_33 = arith.constant 0 : i32
    %swap3A_34 = arith.index_cast %swap3A_33 : i32 to index
    %swap3A_35 = arith.constant 64 : index
    %swap3A_36 = tpu.vector_load %arg8[%swap3A_34, %swap3A_35] {strides = array<i32>} : memref<96x128xf32, #tpu.memory_space<vmem>>, vector<1x16xf32>,
    %swap3A_37 = vector.shape_cast %swap3A_36 : vector<1x16xf32> to vector<16xf32>
    %swap3A_38 = vector.shape_cast %broadcast_in_dim3A_32 : vector<16xf32> to vector<1x16xf32>
    tpu.vector_store %arg8[%swap3A_34, %swap3A_35], %swap3A_38 {strides = array<i32>} : memref<96x128xf32, #tpu.memory_space<vmem>>, vector<1x16xf32>,
    %broadcast_in_dim3A_39 = arith.constant 0.000000e+00 : f32
    %broadcast_in_dim3A_40 = vector.broadcast %broadcast_in_dim3A_39 : f32 to vector<16xf32>
    %swap3A_41 = arith.constant 0 : i32
    %swap3A_42 = arith.index_cast %swap3A_41 : i32 to index
    %swap3A_43 = arith.constant 80 : index
    %swap3A_44 = tpu.vector_load %arg8[%swap3A_42, %swap3A_43] {strides = array<i32>} : memref<96x128xf32, #tpu.memory_space<vmem>>, vector<1x16xf32>,
    %swap3A_45 = vector.shape_cast %swap3A_44 : vector<1x16xf32> to vector<16xf32>
    %swap3A_46 = vector.shape_cast %broadcast_in_dim3A_40 : vector<16xf32> to vector<1x16xf32>
    tpu.vector_store %arg8[%swap3A_42, %swap3A_43], %swap3A_46 {strides = array<i32>} : memref<96x128xf32, #tpu.memory_space<vmem>>, vector<1x16xf32>,
    %broadcast_in_dim3A_47 = arith.constant 0.000000e+00 : f32
    %broadcast_in_dim3A_48 = vector.broadcast %broadcast_in_dim3A_47 : f32 to vector<16xf32>
    %swap3A_49 = arith.constant 0 : i32
    %swap3A_50 = arith.index_cast %swap3A_49 : i32 to index
    %swap3A_51 = arith.constant 96 : index
    %swap3A_52 = tpu.vector_load %arg8[%swap3A_50, %swap3A_51] {strides = array<i32>} : memref<96x128xf32, #tpu.memory_space<vmem>>, vector<1x16xf32>,
    %swap3A_53 = vector.shape_cast %swap3A_52 : vector<1x16xf32> to vector<16xf32>
    %swap3A_54 = vector.shape_cast %broadcast_in_dim3A_48 : vector<16xf32> to vector<1x16xf32>
    tpu.vector_store %arg8[%swap3A_50, %swap3A_51], %swap3A_54 {strides = array<i32>} : memref<96x128xf32, #tpu.memory_space<vmem>>, vector<1x16xf32>,
    %broadcast_in_dim3A_55 = arith.constant 0.000000e+00 : f32
    %broadcast_in_dim3A_56 = vector.broadcast %broadcast_in_dim3A_55 : f32 to vector<16xf32>
    %swap3A_57 = arith.constant 0 : i32
    %swap3A_58 = arith.index_cast %swap3A_57 : i32 to index
    %swap3A_59 = arith.constant 112 : index
    %swap3A_60 = tpu.vector_load %arg8[%swap3A_58, %swap3A_59] {strides = array<i32>} : memref<96x128xf32, #tpu.memory_space<vmem>>, vector<1x16xf32>,
    %swap3A_61 = vector.shape_cast %swap3A_60 : vector<1x16xf32> to vector<16xf32>
    %swap3A_62 = vector.shape_cast %broadcast_in_dim3A_56 : vector<16xf32> to vector<1x16xf32>
    tpu.vector_store %arg8[%swap3A_58, %swap3A_59], %swap3A_62 {strides = array<i32>} : memref<96x128xf32, #tpu.memory_space<vmem>>, vector<1x16xf32>,
    %broadcast_in_dim3A_63 = arith.constant 0.000000e+00 : f32
    %broadcast_in_dim3A_64 = vector.broadcast %broadcast_in_dim3A_63 : f32 to vector<16xf32>
    %swap3A_65 = arith.constant 1 : i32
    %swap3A_66 = arith.index_cast %swap3A_65 : i32 to index
    %swap3A_67 = arith.constant 0 : index
    %swap3A_68 = tpu.vector_load %arg8[%swap3A_66, %swap3A_67] {strides = array<i32>} : memref<96x128xf32, #tpu.memory_space<vmem>>, vector<1x16xf32>,
    %swap3A_69 = vector.shape_cast %swap3A_68 : vector<1x16xf32> to vector<16xf32>
    %swap3A_70 = vector.shape_cast %broadcast_in_dim3A_64 : vector<16xf32> to vector<1x16xf32>
    tpu.vector_store %arg8[%swap3A_66, %swap3A_67], %swap3A_70 {strides = array<i32>} : memref<96x128xf32, #tpu.memory_space<vmem>>, vector<1x16xf32>,
    %broadcast_in_dim3A_71 = arith.constant 0.000000e+00 : f32
    %broadcast_in_dim3A_72 = vector.broadcast %broadcast_in_dim3A_71 : f32 to vector<16xf32>
    %swap3A_73 = arith.constant 1 : i32
    %swap3A_74 = arith.index_cast %swap3A_73 : i32 to index
    %swap3A_75 = arith.constant 16 : index
    %swap3A_76 = tpu.vector_load %arg8[%swap3A_74, %swap3A_75] {strides = array<i32>} : memref<96x128xf32, #tpu.memory_space<vmem>>, vector<1x16xf32>,
    %swap3A_77 = vector.shape_cast %swap3A_76 : vector<1x16xf32> to vector<16xf32>
    %swap3A_78 = vector.shape_cast %broadcast_in_dim3A_72 : vector<16xf32> to vector<1x16xf32>
    tpu.vector_store %arg8[%swap3A_74, %swap3A_75], %swap3A_78 {strides = array<i32>} : memref<96x128xf32, #tpu.memory_space<vmem>>, vector<1x16xf32>,
    %broadcast_in_dim3A_79 = arith.constant 0.000000e+00 : f32
    %broadcast_in_dim3A_80 = vector.broadcast %broadcast_in_dim3A_79 : f32 to vector<16xf32>
    %swap3A_81 = arith.constant 1 : i32
    %swap3A_82 = arith.index_cast %swap3A_81 : i32 to index
    %swap3A_83 = arith.constant 32 : index
    %swap3A_84 = tpu.vector_load %arg8[%swap3A_82, %swap3A_83] {strides = array<i32>} : memref<96x128xf32, #tpu.memory_space<vmem>>, vector<1x16xf32>,
    %swap3A_85 = vector.shape_cast %swap3A_84 : vector<1x16xf32> to vector<16xf32>
    %swap3A_86 = vector.shape_cast %broadcast_in_dim3A_80 : vector<16xf32> to vector<1x16xf32>
    tpu.vector_store %arg8[%swap3A_82, %swap3A_83], %swap3A_86 {strides = array<i32>} : memref<96x128xf32, #tpu.memory_space<vmem>>, vector<1x16xf32>,
    %broadcast_in_dim3A_87 = arith.constant 0.000000e+00 : f32
    %broadcast_in_dim3A_88 = vector.broadcast %broadcast_in_dim3A_87 : f32 to vector<16xf32>
    %swap3A_89 = arith.constant 1 : i32
    %swap3A_90 = arith.index_cast %swap3A_89 : i32 to index
    %swap3A_91 = arith.constant 48 : index
    %swap3A_92 = tpu.vector_load %arg8[%swap3A_90, %swap3A_91] {strides = array<i32>} : memref<96x128xf32, #tpu.memory_space<vmem>>, vector<1x16xf32>,
    %swap3A_93 = vector.shape_cast %swap3A_92 : vector<1x16xf32> to vector<16xf32>
    %swap3A_94 = vector.shape_cast %broadcast_in_dim3A_88 : vector<16xf32> to vector<1x16xf32>
    tpu.vector_store %arg8[%swap3A_90, %swap3A_91], %swap3A_94 {strides = array<i32>} : memref<96x128xf32, #tpu.memory_space<vmem>>, vector<1x16xf32>,
    %broadcast_in_dim3A_95 = arith.constant 0.000000e+00 : f32
    %broadcast_in_dim3A_96 = vector.broadcast %broadcast_in_dim3A_95 : f32 to vector<16xf32>
    %swap3A_97 = arith.constant 1 : i32
    %swap3A_98 = arith.index_cast %swap3A_97 : i32 to index
    %swap3A_99 = arith.constant 64 : index
    %swap3A_100 = tpu.vector_load %arg8[%swap3A_98, %swap3A_99] {strides = array<i32>} : memref<96x128xf32, #tpu.memory_space<vmem>>, vector<1x16xf32>,
    %swap3A_101 = vector.shape_cast %swap3A_100 : vector<1x16xf32> to vector<16xf32>
    %swap3A_102 = vector.shape_cast %broadcast_in_dim3A_96 : vector<16xf32> to vector<1x16xf32>
    tpu.vector_store %arg8[%swap3A_98, %swap3A_99], %swap3A_102 {strides = array<i32>} : memref<96x128xf32, #tpu.memory_space<vmem>>, vector<1x16xf32>,
    %broadcast_in_dim3A_103 = arith.constant 0.000000e+00 : f32
    %broadcast_in_dim3A_104 = vector.broadcast %broadcast_in_dim3A_103 : f32 to vector<16xf32>
    %swap3A_105 = arith.constant 1 : i32
    %swap3A_106 = arith.index_cast %swap3A_105 : i32 to index
    %swap3A_107 = arith.constant 80 : index
    %swap3A_108 = tpu.vector_load %arg8[%swap3A_106, %swap3A_107] {strides = array<i32>} : memref<96x128xf32, #tpu.memory_space<vmem>>, vector<1x16xf32>,
    %swap3A_109 = vector.shape_cast %swap3A_108 : vector<1x16xf32> to vector<16xf32>
    %swap3A_110 = vector.shape_cast %broadcast_in_dim3A_104 : vector<16xf32> to vector<1x16xf32>
    tpu.vector_store %arg8[%swap3A_106, %swap3A_107], %swap3A_110 {strides = array<i32>} : memref<96x128xf32, #tpu.memory_space<vmem>>, vector<1x16xf32>,
    %broadcast_in_dim3A_111 = arith.constant 0.000000e+00 : f32
    %broadcast_in_dim3A_112 = vector.broadcast %broadcast_in_dim3A_111 : f32 to vector<16xf32>
    %swap3A_113 = arith.constant 1 : i32
    %swap3A_114 = arith.index_cast %swap3A_113 : i32 to index
    %swap3A_115 = arith.constant 96 : index
    %swap3A_116 = tpu.vector_load %arg8[%swap3A_114, %swap3A_115] {strides = array<i32>} : memref<96x128xf32, #tpu.memory_space<vmem>>, vector<1x16xf32>,
    %swap3A_117 = vector.shape_cast %swap3A_116 : vector<1x16xf32> to vector<16xf32>
    %swap3A_118 = vector.shape_cast %broadcast_in_dim3A_112 : vector<16xf32> to vector<1x16xf32>
    tpu.vector_store %arg8[%swap3A_114, %swap3A_115], %swap3A_118 {strides = array<i32>} : memref<96x128xf32, #tpu.memory_space<vmem>>, vector<1x16xf32>,
    %broadcast_in_dim3A_119 = arith.constant 0.000000e+00 : f32
    %broadcast_in_dim3A_120 = vector.broadcast %broadcast_in_dim3A_119 : f32 to vector<16xf32>
    %swap3A_121 = arith.constant 1 : i32
    %swap3A_122 = arith.index_cast %swap3A_121 : i32 to index
    %swap3A_123 = arith.constant 112 : index
    %swap3A_124 = tpu.vector_load %arg8[%swap3A_122, %swap3A_123] {strides = array<i32>} : memref<96x128xf32, #tpu.memory_space<vmem>>, vector<1x16xf32>,
    %swap3A_125 = vector.shape_cast %swap3A_124 : vector<1x16xf32> to vector<16xf32>
    %swap3A_126 = vector.shape_cast %broadcast_in_dim3A_120 : vector<16xf32> to vector<1x16xf32>
    tpu.vector_store %arg8[%swap3A_122, %swap3A_123], %swap3A_126 {strides = array<i32>} : memref<96x128xf32, #tpu.memory_space<vmem>>, vector<1x16xf32>,
    %broadcast_in_dim3A_127 = arith.constant 0.000000e+00 : f32
    %broadcast_in_dim3A_128 = vector.broadcast %broadcast_in_dim3A_127 : f32 to vector<16xf32>
    %swap3A_129 = arith.constant 2 : i32
    %swap3A_130 = arith.index_cast %swap3A_129 : i32 to index
    %swap3A_131 = arith.constant 0 : index
    %swap3A_132 = tpu.vector_load %arg8[%swap3A_130, %swap3A_131] {strides = array<i32>} : memref<96x128xf32, #tpu.memory_space<vmem>>, vector<1x16xf32>,
    %swap3A_133 = vector.shape_cast %swap3A_132 : vector<1x16xf32> to vector<16xf32>
    %swap3A_134 = vector.shape_cast %broadcast_in_dim3A_128 : vector<16xf32> to vector<1x16xf32>
    tpu.vector_store %arg8[%swap3A_130, %swap3A_131], %swap3A_134 {strides = array<i32>} : memref<96x128xf32, #tpu.memory_space<vmem>>, vector<1x16xf32>,
    %broadcast_in_dim3A_135 = arith.constant 0.000000e+00 : f32
    %broadcast_in_dim3A_136 = vector.broadcast %broadcast_in_dim3A_135 : f32 to vector<16xf32>
    %swap3A_137 = arith.constant 2 : i32
    %swap3A_138 = arith.index_cast %swap3A_137 : i32 to index
    %swap3A_139 = arith.constant 16 : index
    %swap3A_140 = tpu.vector_load %arg8[%swap3A_138, %swap3A_139] {strides = array<i32>} : memref<96x128xf32, #tpu.memory_space<vmem>>, vector<1x16xf32>,
    %swap3A_141 = vector.shape_cast %swap3A_140 : vector<1x16xf32> to vector<16xf32>
    %swap3A_142 = vector.shape_cast %broadcast_in_dim3A_136 : vector<16xf32> to vector<1x16xf32>
    tpu.vector_store %arg8[%swap3A_138, %swap3A_139], %swap3A_142 {strides = array<i32>} : memref<96x128xf32, #tpu.memory_space<vmem>>, vector<1x16xf32>,
    %broadcast_in_dim3A_143 = arith.constant 0.000000e+00 : f32
    %broadcast_in_dim3A_144 = vector.broadcast %broadcast_in_dim3A_143 : f32 to vector<16xf32>
    %swap3A_145 = arith.constant 2 : i32
    %swap3A_146 = arith.index_cast %swap3A_145 : i32 to index
    %swap3A_147 = arith.constant 32 : index
    %swap3A_148 = tpu.vector_load %arg8[%swap3A_146, %swap3A_147] {strides = array<i32>} : memref<96x128xf32, #tpu.memory_space<vmem>>, vector<1x16xf32>,
    %swap3A_149 = vector.shape_cast %swap3A_148 : vector<1x16xf32> to vector<16xf32>
    %swap3A_150 = vector.shape_cast %broadcast_in_dim3A_144 : vector<16xf32> to vector<1x16xf32>
    tpu.vector_store %arg8[%swap3A_146, %swap3A_147], %swap3A_150 {strides = array<i32>} : memref<96x128xf32, #tpu.memory_space<vmem>>, vector<1x16xf32>,
    %broadcast_in_dim3A_151 = arith.constant 0.000000e+00 : f32
    %broadcast_in_dim3A_152 = vector.broadcast %broadcast_in_dim3A_151 : f32 to vector<16xf32>
    %swap3A_153 = arith.constant 2 : i32
    %swap3A_154 = arith.index_cast %swap3A_153 : i32 to index
    %swap3A_155 = arith.constant 48 : index
    %swap3A_156 = tpu.vector_load %arg8[%swap3A_154, %swap3A_155] {strides = array<i32>} : memref<96x128xf32, #tpu.memory_space<vmem>>, vector<1x16xf32>,
    %swap3A_157 = vector.shape_cast %swap3A_156 : vector<1x16xf32> to vector<16xf32>
    %swap3A_158 = vector.shape_cast %broadcast_in_dim3A_152 : vector<16xf32> to vector<1x16xf32>
    tpu.vector_store %arg8[%swap3A_154, %swap3A_155], %swap3A_158 {strides = array<i32>} : memref<96x128xf32, #tpu.memory_space<vmem>>, vector<1x16xf32>,
    %broadcast_in_dim3A_159 = arith.constant 0.000000e+00 : f32
    %broadcast_in_dim3A_160 = vector.broadcast %broadcast_in_dim3A_159 : f32 to vector<16xf32>
    %swap3A_161 = arith.constant 2 : i32
    %swap3A_162 = arith.index_cast %swap3A_161 : i32 to index
    %swap3A_163 = arith.constant 64 : index
    %swap3A_164 = tpu.vector_load %arg8[%swap3A_162, %swap3A_163] {strides = array<i32>} : memref<96x128xf32, #tpu.memory_space<vmem>>, vector<1x16xf32>,
    %swap3A_165 = vector.shape_cast %swap3A_164 : vector<1x16xf32> to vector<16xf32>
    %swap3A_166 = vector.shape_cast %broadcast_in_dim3A_160 : vector<16xf32> to vector<1x16xf32>
    tpu.vector_store %arg8[%swap3A_162, %swap3A_163], %swap3A_166 {strides = array<i32>} : memref<96x128xf32, #tpu.memory_space<vmem>>, vector<1x16xf32>,
    %broadcast_in_dim3A_167 = arith.constant 0.000000e+00 : f32
    %broadcast_in_dim3A_168 = vector.broadcast %broadcast_in_dim3A_167 : f32 to vector<16xf32>
    %swap3A_169 = arith.constant 2 : i32
    %swap3A_170 = arith.index_cast %swap3A_169 : i32 to index
    %swap3A_171 = arith.constant 80 : index
    %swap3A_172 = tpu.vector_load %arg8[%swap3A_170, %swap3A_171] {strides = array<i32>} : memref<96x128xf32, #tpu.memory_space<vmem>>, vector<1x16xf32>,
    %swap3A_173 = vector.shape_cast %swap3A_172 : vector<1x16xf32> to vector<16xf32>
    %swap3A_174 = vector.shape_cast %broadcast_in_dim3A_168 : vector<16xf32> to vector<1x16xf32>
    tpu.vector_store %arg8[%swap3A_170, %swap3A_171], %swap3A_174 {strides = array<i32>} : memref<96x128xf32, #tpu.memory_space<vmem>>, vector<1x16xf32>,
    %broadcast_in_dim3A_175 = arith.constant 0.000000e+00 : f32
    %broadcast_in_dim3A_176 = vector.broadcast %broadcast_in_dim3A_175 : f32 to vector<16xf32>
    %swap3A_177 = arith.constant 2 : i32
    %swap3A_178 = arith.index_cast %swap3A_177 : i32 to index
    %swap3A_179 = arith.constant 96 : index
    %swap3A_180 = tpu.vector_load %arg8[%swap3A_178, %swap3A_179] {strides = array<i32>} : memref<96x128xf32, #tpu.memory_space<vmem>>, vector<1x16xf32>,
    %swap3A_181 = vector.shape_cast %swap3A_180 : vector<1x16xf32> to vector<16xf32>
    %swap3A_182 = vector.shape_cast %broadcast_in_dim3A_176 : vector<16xf32> to vector<1x16xf32>
    tpu.vector_store %arg8[%swap3A_178, %swap3A_179], %swap3A_182 {strides = array<i32>} : memref<96x128xf32, #tpu.memory_space<vmem>>, vector<1x16xf32>,
    %broadcast_in_dim3A_183 = arith.constant 0.000000e+00 : f32
    %broadcast_in_dim3A_184 = vector.broadcast %broadcast_in_dim3A_183 : f32 to vector<16xf32>
    %swap3A_185 = arith.constant 2 : i32
    %swap3A_186 = arith.index_cast %swap3A_185 : i32 to index
    %swap3A_187 = arith.constant 112 : index
    %swap3A_188 = tpu.vector_load %arg8[%swap3A_186, %swap3A_187] {strides = array<i32>} : memref<96x128xf32, #tpu.memory_space<vmem>>, vector<1x16xf32>,
    %swap3A_189 = vector.shape_cast %swap3A_188 : vector<1x16xf32> to vector<16xf32>
    %swap3A_190 = vector.shape_cast %broadcast_in_dim3A_184 : vector<16xf32> to vector<1x16xf32>
    tpu.vector_store %arg8[%swap3A_186, %swap3A_187], %swap3A_190 {strides = array<i32>} : memref<96x128xf32, #tpu.memory_space<vmem>>, vector<1x16xf32>,
    %broadcast_in_dim3A_191 = arith.constant 0.000000e+00 : f32
    %broadcast_in_dim3A_192 = vector.broadcast %broadcast_in_dim3A_191 : f32 to vector<16xf32>
    %swap3A_193 = arith.constant 3 : i32
    %swap3A_194 = arith.index_cast %swap3A_193 : i32 to index
    %swap3A_195 = arith.constant 0 : index
    %swap3A_196 = tpu.vector_load %arg8[%swap3A_194, %swap3A_195] {strides = array<i32>} : memref<96x128xf32, #tpu.memory_space<vmem>>, vector<1x16xf32>,
    %swap3A_197 = vector.shape_cast %swap3A_196 : vector<1x16xf32> to vector<16xf32>
    %swap3A_198 = vector.shape_cast %broadcast_in_dim3A_192 : vector<16xf32> to vector<1x16xf32>
    tpu.vector_store %arg8[%swap3A_194, %swap3A_195], %swap3A_198 {strides = array<i32>} : memref<96x128xf32, #tpu.memory_space<vmem>>, vector<1x16xf32>,
    %broadcast_in_dim3A_199 = arith.constant 0.000000e+00 : f32
    %broadcast_in_dim3A_200 = vector.broadcast %broadcast_in_dim3A_199 : f32 to vector<16xf32>
    %swap3A_201 = arith.constant 3 : i32
    %swap3A_202 = arith.index_cast %swap3A_201 : i32 to index
    %swap3A_203 = arith.constant 16 : index
    %swap3A_204 = tpu.vector_load %arg8[%swap3A_202, %swap3A_203] {strides = array<i32>} : memref<96x128xf32, #tpu.memory_space<vmem>>, vector<1x16xf32>,
    %swap3A_205 = vector.shape_cast %swap3A_204 : vector<1x16xf32> to vector<16xf32>
    %swap3A_206 = vector.shape_cast %broadcast_in_dim3A_200 : vector<16xf32> to vector<1x16xf32>
    tpu.vector_store %arg8[%swap3A_202, %swap3A_203], %swap3A_206 {strides = array<i32>} : memref<96x128xf32, #tpu.memory_space<vmem>>, vector<1x16xf32>,
    %broadcast_in_dim3A_207 = arith.constant 0.000000e+00 : f32
    %broadcast_in_dim3A_208 = vector.broadcast %broadcast_in_dim3A_207 : f32 to vector<16xf32>
    %swap3A_209 = arith.constant 3 : i32
    %swap3A_210 = arith.index_cast %swap3A_209 : i32 to index
    %swap3A_211 = arith.constant 32 : index
    %swap3A_212 = tpu.vector_load %arg8[%swap3A_210, %swap3A_211] {strides = array<i32>} : memref<96x128xf32, #tpu.memory_space<vmem>>, vector<1x16xf32>,
    %swap3A_213 = vector.shape_cast %swap3A_212 : vector<1x16xf32> to vector<16xf32>
    %swap3A_214 = vector.shape_cast %broadcast_in_dim3A_208 : vector<16xf32> to vector<1x16xf32>
    tpu.vector_store %arg8[%swap3A_210, %swap3A_211], %swap3A_214 {strides = array<i32>} : memref<96x128xf32, #tpu.memory_space<vmem>>, vector<1x16xf32>,
    %broadcast_in_dim3A_215 = arith.constant 0.000000e+00 : f32
    %broadcast_in_dim3A_216 = vector.broadcast %broadcast_in_dim3A_215 : f32 to vector<16xf32>
    %swap3A_217 = arith.constant 3 : i32
    %swap3A_218 = arith.index_cast %swap3A_217 : i32 to index
    %swap3A_219 = arith.constant 48 : index
    %swap3A_220 = tpu.vector_load %arg8[%swap3A_218, %swap3A_219] {strides = array<i32>} : memref<96x128xf32, #tpu.memory_space<vmem>>, vector<1x16xf32>,
    %swap3A_221 = vector.shape_cast %swap3A_220 : vector<1x16xf32> to vector<16xf32>
    %swap3A_222 = vector.shape_cast %broadcast_in_dim3A_216 : vector<16xf32> to vector<1x16xf32>
    tpu.vector_store %arg8[%swap3A_218, %swap3A_219], %swap3A_222 {strides = array<i32>} : memref<96x128xf32, #tpu.memory_space<vmem>>, vector<1x16xf32>,
    %broadcast_in_dim3A_223 = arith.constant 0.000000e+00 : f32
    %broadcast_in_dim3A_224 = vector.broadcast %broadcast_in_dim3A_223 : f32 to vector<16xf32>
    %swap3A_225 = arith.constant 3 : i32
    %swap3A_226 = arith.index_cast %swap3A_225 : i32 to index
    %swap3A_227 = arith.constant 64 : index
    %swap3A_228 = tpu.vector_load %arg8[%swap3A_226, %swap3A_227] {strides = array<i32>} : memref<96x128xf32, #tpu.memory_space<vmem>>, vector<1x16xf32>,
    %swap3A_229 = vector.shape_cast %swap3A_228 : vector<1x16xf32> to vector<16xf32>
    %swap3A_230 = vector.shape_cast %broadcast_in_dim3A_224 : vector<16xf32> to vector<1x16xf32>
    tpu.vector_store %arg8[%swap3A_226, %swap3A_227], %swap3A_230 {strides = array<i32>} : memref<96x128xf32, #tpu.memory_space<vmem>>, vector<1x16xf32>,
    %broadcast_in_dim3A_231 = arith.constant 0.000000e+00 : f32
    %broadcast_in_dim3A_232 = vector.broadcast %broadcast_in_dim3A_231 : f32 to vector<16xf32>
    %swap3A_233 = arith.constant 3 : i32
    %swap3A_234 = arith.index_cast %swap3A_233 : i32 to index
    %swap3A_235 = arith.constant 80 : index
    %swap3A_236 = tpu.vector_load %arg8[%swap3A_234, %swap3A_235] {strides = array<i32>} : memref<96x128xf32, #tpu.memory_space<vmem>>, vector<1x16xf32>,
    %swap3A_237 = vector.shape_cast %swap3A_236 : vector<1x16xf32> to vector<16xf32>
    %swap3A_238 = vector.shape_cast %broadcast_in_dim3A_232 : vector<16xf32> to vector<1x16xf32>
    tpu.vector_store %arg8[%swap3A_234, %swap3A_235], %swap3A_238 {strides = array<i32>} : memref<96x128xf32, #tpu.memory_space<vmem>>, vector<1x16xf32>,
    %broadcast_in_dim3A_239 = arith.constant 0.000000e+00 : f32
    %broadcast_in_dim3A_240 = vector.broadcast %broadcast_in_dim3A_239 : f32 to vector<16xf32>
    %swap3A_241 = arith.constant 3 : i32
    %swap3A_242 = arith.index_cast %swap3A_241 : i32 to index
    %swap3A_243 = arith.constant 96 : index
    %swap3A_244 = tpu.vector_load %arg8[%swap3A_242, %swap3A_243] {strides = array<i32>} : memref<96x128xf32, #tpu.memory_space<vmem>>, vector<1x16xf32>,
    %swap3A_245 = vector.shape_cast %swap3A_244 : vector<1x16xf32> to vector<16xf32>
    %swap3A_246 = vector.shape_cast %broadcast_in_dim3A_240 : vector<16xf32> to vector<1x16xf32>
    tpu.vector_store %arg8[%swap3A_242, %swap3A_243], %swap3A_246 {strides = array<i32>} : memref<96x128xf32, #tpu.memory_space<vmem>>, vector<1x16xf32>,
    %broadcast_in_dim3A_247 = arith.constant 0.000000e+00 : f32
    %broadcast_in_dim3A_248 = vector.broadcast %broadcast_in_dim3A_247 : f32 to vector<16xf32>
    %swap3A_249 = arith.constant 3 : i32
    %swap3A_250 = arith.index_cast %swap3A_249 : i32 to index
    %swap3A_251 = arith.constant 112 : index
    %swap3A_252 = tpu.vector_load %arg8[%swap3A_250, %swap3A_251] {strides = array<i32>} : memref<96x128xf32, #tpu.memory_space<vmem>>, vector<1x16xf32>,
    %swap3A_253 = vector.shape_cast %swap3A_252 : vector<1x16xf32> to vector<16xf32>
    %swap3A_254 = vector.shape_cast %broadcast_in_dim3A_248 : vector<16xf32> to vector<1x16xf32>
    tpu.vector_store %arg8[%swap3A_250, %swap3A_251], %swap3A_254 {strides = array<i32>} : memref<96x128xf32, #tpu.memory_space<vmem>>, vector<1x16xf32>,
    %broadcast_in_dim3A_255 = arith.constant 0.000000e+00 : f32
    %broadcast_in_dim3A_256 = vector.broadcast %broadcast_in_dim3A_255 : f32 to vector<16xf32>
    %swap3A_257 = arith.constant 4 : i32
    %swap3A_258 = arith.index_cast %swap3A_257 : i32 to index
    %swap3A_259 = arith.constant 0 : index
    %swap3A_260 = tpu.vector_load %arg8[%swap3A_258, %swap3A_259] {strides = array<i32>} : memref<96x128xf32, #tpu.memory_space<vmem>>, vector<1x16xf32>,
    %swap3A_261 = vector.shape_cast %swap3A_260 : vector<1x16xf32> to vector<16xf32>
    %swap3A_262 = vector.shape_cast %broadcast_in_dim3A_256 : vector<16xf32> to vector<1x16xf32>
    tpu.vector_store %arg8[%swap3A_258, %swap3A_259], %swap3A_262 {strides = array<i32>} : memref<96x128xf32, #tpu.memory_space<vmem>>, vector<1x16xf32>,
    %broadcast_in_dim3A_263 = arith.constant 0.000000e+00 : f32
    %broadcast_in_dim3A_264 = vector.broadcast %broadcast_in_dim3A_263 : f32 to vector<16xf32>
    %swap3A_265 = arith.constant 4 : i32
    %swap3A_266 = arith.index_cast %swap3A_265 : i32 to index
    %swap3A_267 = arith.constant 16 : index
    %swap3A_268 = tpu.vector_load %arg8[%swap3A_266, %swap3A_267] {strides = array<i32>} : memref<96x128xf32, #tpu.memory_space<vmem>>, vector<1x16xf32>,
    %swap3A_269 = vector.shape_cast %swap3A_268 : vector<1x16xf32> to vector<16xf32>
    %swap3A_270 = vector.shape_cast %broadcast_in_dim3A_264 : vector<16xf32> to vector<1x16xf32>
    tpu.vector_store %arg8[%swap3A_266, %swap3A_267], %swap3A_270 {strides = array<i32>} : memref<96x128xf32, #tpu.memory_space<vmem>>, vector<1x16xf32>,
    %broadcast_in_dim3A_271 = arith.constant 0.000000e+00 : f32
    %broadcast_in_dim3A_272 = vector.broadcast %broadcast_in_dim3A_271 : f32 to vector<16xf32>
    %swap3A_273 = arith.constant 4 : i32
    %swap3A_274 = arith.index_cast %swap3A_273 : i32 to index
    %swap3A_275 = arith.constant 32 : index
    %swap3A_276 = tpu.vector_load %arg8[%swap3A_274, %swap3A_275] {strides = array<i32>} : memref<96x128xf32, #tpu.memory_space<vmem>>, vector<1x16xf32>,
    %swap3A_277 = vector.shape_cast %swap3A_276 : vector<1x16xf32> to vector<16xf32>
    %swap3A_278 = vector.shape_cast %broadcast_in_dim3A_272 : vector<16xf32> to vector<1x16xf32>
    tpu.vector_store %arg8[%swap3A_274, %swap3A_275], %swap3A_278 {strides = array<i32>} : memref<96x128xf32, #tpu.memory_space<vmem>>, vector<1x16xf32>,
    %broadcast_in_dim3A_279 = arith.constant 0.000000e+00 : f32
    %broadcast_in_dim3A_280 = vector.broadcast %broadcast_in_dim3A_279 : f32 to vector<16xf32>
    %swap3A_281 = arith.constant 4 : i32
    %swap3A_282 = arith.index_cast %swap3A_281 : i32 to index
    %swap3A_283 = arith.constant 48 : index
    %swap3A_284 = tpu.vector_load %arg8[%swap3A_282, %swap3A_283] {strides = array<i32>} : memref<96x128xf32, #tpu.memory_space<vmem>>, vector<1x16xf32>,
    %swap3A_285 = vector.shape_cast %swap3A_284 : vector<1x16xf32> to vector<16xf32>
    %swap3A_286 = vector.shape_cast %broadcast_in_dim3A_280 : vector<16xf32> to vector<1x16xf32>
    tpu.vector_store %arg8[%swap3A_282, %swap3A_283], %swap3A_286 {strides = array<i32>} : memref<96x128xf32, #tpu.memory_space<vmem>>, vector<1x16xf32>,
    %broadcast_in_dim3A_287 = arith.constant 0.000000e+00 : f32
    %broadcast_in_dim3A_288 = vector.broadcast %broadcast_in_dim3A_287 : f32 to vector<16xf32>
    %swap3A_289 = arith.constant 4 : i32
    %swap3A_290 = arith.index_cast %swap3A_289 : i32 to index
    %swap3A_291 = arith.constant 64 : index
    %swap3A_292 = tpu.vector_load %arg8[%swap3A_290, %swap3A_291] {strides = array<i32>} : memref<96x128xf32, #tpu.memory_space<vmem>>, vector<1x16xf32>,
    %swap3A_293 = vector.shape_cast %swap3A_292 : vector<1x16xf32> to vector<16xf32>
    %swap3A_294 = vector.shape_cast %broadcast_in_dim3A_288 : vector<16xf32> to vector<1x16xf32>
    tpu.vector_store %arg8[%swap3A_290, %swap3A_291], %swap3A_294 {strides = array<i32>} : memref<96x128xf32, #tpu.memory_space<vmem>>, vector<1x16xf32>,
    %broadcast_in_dim3A_295 = arith.constant 0.000000e+00 : f32
    %broadcast_in_dim3A_296 = vector.broadcast %broadcast_in_dim3A_295 : f32 to vector<16xf32>
    %swap3A_297 = arith.constant 4 : i32
    %swap3A_298 = arith.index_cast %swap3A_297 : i32 to index
    %swap3A_299 = arith.constant 80 : index
    %swap3A_300 = tpu.vector_load %arg8[%swap3A_298, %swap3A_299] {strides = array<i32>} : memref<96x128xf32, #tpu.memory_space<vmem>>, vector<1x16xf32>,
    %swap3A_301 = vector.shape_cast %swap3A_300 : vector<1x16xf32> to vector<16xf32>
    %swap3A_302 = vector.shape_cast %broadcast_in_dim3A_296 : vector<16xf32> to vector<1x16xf32>
    tpu.vector_store %arg8[%swap3A_298, %swap3A_299], %swap3A_302 {strides = array<i32>} : memref<96x128xf32, #tpu.memory_space<vmem>>, vector<1x16xf32>,
    %broadcast_in_dim3A_303 = arith.constant 0.000000e+00 : f32
    %broadcast_in_dim3A_304 = vector.broadcast %broadcast_in_dim3A_303 : f32 to vector<16xf32>
    %swap3A_305 = arith.constant 4 : i32
    %swap3A_306 = arith.index_cast %swap3A_305 : i32 to index
    %swap3A_307 = arith.constant 96 : index
    %swap3A_308 = tpu.vector_load %arg8[%swap3A_306, %swap3A_307] {strides = array<i32>} : memref<96x128xf32, #tpu.memory_space<vmem>>, vector<1x16xf32>,
    %swap3A_309 = vector.shape_cast %swap3A_308 : vector<1x16xf32> to vector<16xf32>
    %swap3A_310 = vector.shape_cast %broadcast_in_dim3A_304 : vector<16xf32> to vector<1x16xf32>
    tpu.vector_store %arg8[%swap3A_306, %swap3A_307], %swap3A_310 {strides = array<i32>} : memref<96x128xf32, #tpu.memory_space<vmem>>, vector<1x16xf32>,
    %broadcast_in_dim3A_311 = arith.constant 0.000000e+00 : f32
    %broadcast_in_dim3A_312 = vector.broadcast %broadcast_in_dim3A_311 : f32 to vector<16xf32>
    %swap3A_313 = arith.constant 4 : i32
    %swap3A_314 = arith.index_cast %swap3A_313 : i32 to index
    %swap3A_315 = arith.constant 112 : index
    %swap3A_316 = tpu.vector_load %arg8[%swap3A_314, %swap3A_315] {strides = array<i32>} : memref<96x128xf32, #tpu.memory_space<vmem>>, vector<1x16xf32>,
    %swap3A_317 = vector.shape_cast %swap3A_316 : vector<1x16xf32> to vector<16xf32>
    %swap3A_318 = vector.shape_cast %broadcast_in_dim3A_312 : vector<16xf32> to vector<1x16xf32>
    tpu.vector_store %arg8[%swap3A_314, %swap3A_315], %swap3A_318 {strides = array<i32>} : memref<96x128xf32, #tpu.memory_space<vmem>>, vector<1x16xf32>,
    %broadcast_in_dim3A_319 = arith.constant 0.000000e+00 : f32
    %broadcast_in_dim3A_320 = vector.broadcast %broadcast_in_dim3A_319 : f32 to vector<16xf32>
    %swap3A_321 = arith.constant 5 : i32
    %swap3A_322 = arith.index_cast %swap3A_321 : i32 to index
    %swap3A_323 = arith.constant 0 : index
    %swap3A_324 = tpu.vector_load %arg8[%swap3A_322, %swap3A_323] {strides = array<i32>} : memref<96x128xf32, #tpu.memory_space<vmem>>, vector<1x16xf32>,
    %swap3A_325 = vector.shape_cast %swap3A_324 : vector<1x16xf32> to vector<16xf32>
    %swap3A_326 = vector.shape_cast %broadcast_in_dim3A_320 : vector<16xf32> to vector<1x16xf32>
    tpu.vector_store %arg8[%swap3A_322, %swap3A_323], %swap3A_326 {strides = array<i32>} : memref<96x128xf32, #tpu.memory_space<vmem>>, vector<1x16xf32>,
    %broadcast_in_dim3A_327 = arith.constant 0.000000e+00 : f32
    %broadcast_in_dim3A_328 = vector.broadcast %broadcast_in_dim3A_327 : f32 to vector<16xf32>
    %swap3A_329 = arith.constant 5 : i32
    %swap3A_330 = arith.index_cast %swap3A_329 : i32 to index
    %swap3A_331 = arith.constant 16 : index
    %swap3A_332 = tpu.vector_load %arg8[%swap3A_330, %swap3A_331] {strides = array<i32>} : memref<96x128xf32, #tpu.memory_space<vmem>>, vector<1x16xf32>,
    %swap3A_333 = vector.shape_cast %swap3A_332 : vector<1x16xf32> to vector<16xf32>
    %swap3A_334 = vector.shape_cast %broadcast_in_dim3A_328 : vector<16xf32> to vector<1x16xf32>
    tpu.vector_store %arg8[%swap3A_330, %swap3A_331], %swap3A_334 {strides = array<i32>} : memref<96x128xf32, #tpu.memory_space<vmem>>, vector<1x16xf32>,
    %broadcast_in_dim3A_335 = arith.constant 0.000000e+00 : f32
    %broadcast_in_dim3A_336 = vector.broadcast %broadcast_in_dim3A_335 : f32 to vector<16xf32>
    %swap3A_337 = arith.constant 5 : i32
    %swap3A_338 = arith.index_cast %swap3A_337 : i32 to index
    %swap3A_339 = arith.constant 32 : index
    %swap3A_340 = tpu.vector_load %arg8[%swap3A_338, %swap3A_339] {strides = array<i32>} : memref<96x128xf32, #tpu.memory_space<vmem>>, vector<1x16xf32>,
    %swap3A_341 = vector.shape_cast %swap3A_340 : vector<1x16xf32> to vector<16xf32>
    %swap3A_342 = vector.shape_cast %broadcast_in_dim3A_336 : vector<16xf32> to vector<1x16xf32>
    tpu.vector_store %arg8[%swap3A_338, %swap3A_339], %swap3A_342 {strides = array<i32>} : memref<96x128xf32, #tpu.memory_space<vmem>>, vector<1x16xf32>,
    %broadcast_in_dim3A_343 = arith.constant 0.000000e+00 : f32
    %broadcast_in_dim3A_344 = vector.broadcast %broadcast_in_dim3A_343 : f32 to vector<16xf32>
    %swap3A_345 = arith.constant 5 : i32
    %swap3A_346 = arith.index_cast %swap3A_345 : i32 to index
    %swap3A_347 = arith.constant 48 : index
    %swap3A_348 = tpu.vector_load %arg8[%swap3A_346, %swap3A_347] {strides = array<i32>} : memref<96x128xf32, #tpu.memory_space<vmem>>, vector<1x16xf32>,
    %swap3A_349 = vector.shape_cast %swap3A_348 : vector<1x16xf32> to vector<16xf32>
    %swap3A_350 = vector.shape_cast %broadcast_in_dim3A_344 : vector<16xf32> to vector<1x16xf32>
    tpu.vector_store %arg8[%swap3A_346, %swap3A_347], %swap3A_350 {strides = array<i32>} : memref<96x128xf32, #tpu.memory_space<vmem>>, vector<1x16xf32>,
    %broadcast_in_dim3A_351 = arith.constant 0.000000e+00 : f32
    %broadcast_in_dim3A_352 = vector.broadcast %broadcast_in_dim3A_351 : f32 to vector<16xf32>
    %swap3A_353 = arith.constant 5 : i32
    %swap3A_354 = arith.index_cast %swap3A_353 : i32 to index
    %swap3A_355 = arith.constant 64 : index
    %swap3A_356 = tpu.vector_load %arg8[%swap3A_354, %swap3A_355] {strides = array<i32>} : memref<96x128xf32, #tpu.memory_space<vmem>>, vector<1x16xf32>,
    %swap3A_357 = vector.shape_cast %swap3A_356 : vector<1x16xf32> to vector<16xf32>
    %swap3A_358 = vector.shape_cast %broadcast_in_dim3A_352 : vector<16xf32> to vector<1x16xf32>
    tpu.vector_store %arg8[%swap3A_354, %swap3A_355], %swap3A_358 {strides = array<i32>} : memref<96x128xf32, #tpu.memory_space<vmem>>, vector<1x16xf32>,
    %broadcast_in_dim3A_359 = arith.constant 0.000000e+00 : f32
    %broadcast_in_dim3A_360 = vector.broadcast %broadcast_in_dim3A_359 : f32 to vector<16xf32>
    %swap3A_361 = arith.constant 5 : i32
    %swap3A_362 = arith.index_cast %swap3A_361 : i32 to index
    %swap3A_363 = arith.constant 80 : index
    %swap3A_364 = tpu.vector_load %arg8[%swap3A_362, %swap3A_363] {strides = array<i32>} : memref<96x128xf32, #tpu.memory_space<vmem>>, vector<1x16xf32>,
    %swap3A_365 = vector.shape_cast %swap3A_364 : vector<1x16xf32> to vector<16xf32>
    %swap3A_366 = vector.shape_cast %broadcast_in_dim3A_360 : vector<16xf32> to vector<1x16xf32>
    tpu.vector_store %arg8[%swap3A_362, %swap3A_363], %swap3A_366 {strides = array<i32>} : memref<96x128xf32, #tpu.memory_space<vmem>>, vector<1x16xf32>,
    %broadcast_in_dim3A_367 = arith.constant 0.000000e+00 : f32
    %broadcast_in_dim3A_368 = vector.broadcast %broadcast_in_dim3A_367 : f32 to vector<16xf32>
    %swap3A_369 = arith.constant 5 : i32
    %swap3A_370 = arith.index_cast %swap3A_369 : i32 to index
    %swap3A_371 = arith.constant 96 : index
    %swap3A_372 = tpu.vector_load %arg8[%swap3A_370, %swap3A_371] {strides = array<i32>} : memref<96x128xf32, #tpu.memory_space<vmem>>, vector<1x16xf32>,
    %swap3A_373 = vector.shape_cast %swap3A_372 : vector<1x16xf32> to vector<16xf32>
    %swap3A_374 = vector.shape_cast %broadcast_in_dim3A_368 : vector<16xf32> to vector<1x16xf32>
    tpu.vector_store %arg8[%swap3A_370, %swap3A_371], %swap3A_374 {strides = array<i32>} : memref<96x128xf32, #tpu.memory_space<vmem>>, vector<1x16xf32>,
    %broadcast_in_dim3A_375 = arith.constant 0.000000e+00 : f32
    %broadcast_in_dim3A_376 = vector.broadcast %broadcast_in_dim3A_375 : f32 to vector<16xf32>
    %swap3A_377 = arith.constant 5 : i32
    %swap3A_378 = arith.index_cast %swap3A_377 : i32 to index
    %swap3A_379 = arith.constant 112 : index
    %swap3A_380 = tpu.vector_load %arg8[%swap3A_378, %swap3A_379] {strides = array<i32>} : memref<96x128xf32, #tpu.memory_space<vmem>>, vector<1x16xf32>,
    %swap3A_381 = vector.shape_cast %swap3A_380 : vector<1x16xf32> to vector<16xf32>
    %swap3A_382 = vector.shape_cast %broadcast_in_dim3A_376 : vector<16xf32> to vector<1x16xf32>
    tpu.vector_store %arg8[%swap3A_378, %swap3A_379], %swap3A_382 {strides = array<i32>} : memref<96x128xf32, #tpu.memory_space<vmem>>, vector<1x16xf32>,
    %broadcast_in_dim3A_383 = arith.constant 0.000000e+00 : f32
    %broadcast_in_dim3A_384 = vector.broadcast %broadcast_in_dim3A_383 : f32 to vector<16xf32>
    %swap3A_385 = arith.constant 6 : i32
    %swap3A_386 = arith.index_cast %swap3A_385 : i32 to index
    %swap3A_387 = arith.constant 0 : index
    %swap3A_388 = tpu.vector_load %arg8[%swap3A_386, %swap3A_387] {strides = array<i32>} : memref<96x128xf32, #tpu.memory_space<vmem>>, vector<1x16xf32>,
    %swap3A_389 = vector.shape_cast %swap3A_388 : vector<1x16xf32> to vector<16xf32>
    %swap3A_390 = vector.shape_cast %broadcast_in_dim3A_384 : vector<16xf32> to vector<1x16xf32>
    tpu.vector_store %arg8[%swap3A_386, %swap3A_387], %swap3A_390 {strides = array<i32>} : memref<96x128xf32, #tpu.memory_space<vmem>>, vector<1x16xf32>,
    %broadcast_in_dim3A_391 = arith.constant 0.000000e+00 : f32
    %broadcast_in_dim3A_392 = vector.broadcast %broadcast_in_dim3A_391 : f32 to vector<16xf32>
    %swap3A_393 = arith.constant 6 : i32
    %swap3A_394 = arith.index_cast %swap3A_393 : i32 to index
    %swap3A_395 = arith.constant 16 : index
    %swap3A_396 = tpu.vector_load %arg8[%swap3A_394, %swap3A_395] {strides = array<i32>} : memref<96x128xf32, #tpu.memory_space<vmem>>, vector<1x16xf32>,
    %swap3A_397 = vector.shape_cast %swap3A_396 : vector<1x16xf32> to vector<16xf32>
    %swap3A_398 = vector.shape_cast %broadcast_in_dim3A_392 : vector<16xf32> to vector<1x16xf32>
    tpu.vector_store %arg8[%swap3A_394, %swap3A_395], %swap3A_398 {strides = array<i32>} : memref<96x128xf32, #tpu.memory_space<vmem>>, vector<1x16xf32>,
    %broadcast_in_dim3A_399 = arith.constant 0.000000e+00 : f32
    %broadcast_in_dim3A_400 = vector.broadcast %broadcast_in_dim3A_399 : f32 to vector<16xf32>
    %swap3A_401 = arith.constant 6 : i32
    %swap3A_402 = arith.index_cast %swap3A_401 : i32 to index
    %swap3A_403 = arith.constant 32 : index
    %swap3A_404 = tpu.vector_load %arg8[%swap3A_402, %swap3A_403] {strides = array<i32>} : memref<96x128xf32, #tpu.memory_space<vmem>>, vector<1x16xf32>,
    %swap3A_405 = vector.shape_cast %swap3A_404 : vector<1x16xf32> to vector<16xf32>
    %swap3A_406 = vector.shape_cast %broadcast_in_dim3A_400 : vector<16xf32> to vector<1x16xf32>
    tpu.vector_store %arg8[%swap3A_402, %swap3A_403], %swap3A_406 {strides = array<i32>} : memref<96x128xf32, #tpu.memory_space<vmem>>, vector<1x16xf32>,
    %broadcast_in_dim3A_407 = arith.constant 0.000000e+00 : f32
    %broadcast_in_dim3A_408 = vector.broadcast %broadcast_in_dim3A_407 : f32 to vector<16xf32>
    %swap3A_409 = arith.constant 6 : i32
    %swap3A_410 = arith.index_cast %swap3A_409 : i32 to index
    %swap3A_411 = arith.constant 48 : index
    %swap3A_412 = tpu.vector_load %arg8[%swap3A_410, %swap3A_411] {strides = array<i32>} : memref<96x128xf32, #tpu.memory_space<vmem>>, vector<1x16xf32>,
    %swap3A_413 = vector.shape_cast %swap3A_412 : vector<1x16xf32> to vector<16xf32>
    %swap3A_414 = vector.shape_cast %broadcast_in_dim3A_408 : vector<16xf32> to vector<1x16xf32>
    tpu.vector_store %arg8[%swap3A_410, %swap3A_411], %swap3A_414 {strides = array<i32>} : memref<96x128xf32, #tpu.memory_space<vmem>>, vector<1x16xf32>,
    %broadcast_in_dim3A_415 = arith.constant 0.000000e+00 : f32
    %broadcast_in_dim3A_416 = vector.broadcast %broadcast_in_dim3A_415 : f32 to vector<16xf32>
    %swap3A_417 = arith.constant 6 : i32
    %swap3A_418 = arith.index_cast %swap3A_417 : i32 to index
    %swap3A_419 = arith.constant 64 : index
    %swap3A_420 = tpu.vector_load %arg8[%swap3A_418, %swap3A_419] {strides = array<i32>} : memref<96x128xf32, #tpu.memory_space<vmem>>, vector<1x16xf32>,
    %swap3A_421 = vector.shape_cast %swap3A_420 : vector<1x16xf32> to vector<16xf32>
    %swap3A_422 = vector.shape_cast %broadcast_in_dim3A_416 : vector<16xf32> to vector<1x16xf32>
    tpu.vector_store %arg8[%swap3A_418, %swap3A_419], %swap3A_422 {strides = array<i32>} : memref<96x128xf32, #tpu.memory_space<vmem>>, vector<1x16xf32>,
    %broadcast_in_dim3A_423 = arith.constant 0.000000e+00 : f32
    %broadcast_in_dim3A_424 = vector.broadcast %broadcast_in_dim3A_423 : f32 to vector<16xf32>
    %swap3A_425 = arith.constant 6 : i32
    %swap3A_426 = arith.index_cast %swap3A_425 : i32 to index
    %swap3A_427 = arith.constant 80 : index
    %swap3A_428 = tpu.vector_load %arg8[%swap3A_426, %swap3A_427] {strides = array<i32>} : memref<96x128xf32, #tpu.memory_space<vmem>>, vector<1x16xf32>,
    %swap3A_429 = vector.shape_cast %swap3A_428 : vector<1x16xf32> to vector<16xf32>
    %swap3A_430 = vector.shape_cast %broadcast_in_dim3A_424 : vector<16xf32> to vector<1x16xf32>
    tpu.vector_store %arg8[%swap3A_426, %swap3A_427], %swap3A_430 {strides = array<i32>} : memref<96x128xf32, #tpu.memory_space<vmem>>, vector<1x16xf32>,
    %broadcast_in_dim3A_431 = arith.constant 0.000000e+00 : f32
    %broadcast_in_dim3A_432 = vector.broadcast %broadcast_in_dim3A_431 : f32 to vector<16xf32>
    %swap3A_433 = arith.constant 6 : i32
    %swap3A_434 = arith.index_cast %swap3A_433 : i32 to index
    %swap3A_435 = arith.constant 96 : index
    %swap3A_436 = tpu.vector_load %arg8[%swap3A_434, %swap3A_435] {strides = array<i32>} : memref<96x128xf32, #tpu.memory_space<vmem>>, vector<1x16xf32>,
    %swap3A_437 = vector.shape_cast %swap3A_436 : vector<1x16xf32> to vector<16xf32>
    %swap3A_438 = vector.shape_cast %broadcast_in_dim3A_432 : vector<16xf32> to vector<1x16xf32>
    tpu.vector_store %arg8[%swap3A_434, %swap3A_435], %swap3A_438 {strides = array<i32>} : memref<96x128xf32, #tpu.memory_space<vmem>>, vector<1x16xf32>,
    %broadcast_in_dim3A_439 = arith.constant 0.000000e+00 : f32
    %broadcast_in_dim3A_440 = vector.broadcast %broadcast_in_dim3A_439 : f32 to vector<16xf32>
    %swap3A_441 = arith.constant 6 : i32
    %swap3A_442 = arith.index_cast %swap3A_441 : i32 to index
    %swap3A_443 = arith.constant 112 : index
    %swap3A_444 = tpu.vector_load %arg8[%swap3A_442, %swap3A_443] {strides = array<i32>} : memref<96x128xf32, #tpu.memory_space<vmem>>, vector<1x16xf32>,
    %swap3A_445 = vector.shape_cast %swap3A_444 : vector<1x16xf32> to vector<16xf32>
    %swap3A_446 = vector.shape_cast %broadcast_in_dim3A_440 : vector<16xf32> to vector<1x16xf32>
    tpu.vector_store %arg8[%swap3A_442, %swap3A_443], %swap3A_446 {strides = array<i32>} : memref<96x128xf32, #tpu.memory_space<vmem>>, vector<1x16xf32>,
    %broadcast_in_dim3A_447 = arith.constant 0.000000e+00 : f32
    %broadcast_in_dim3A_448 = vector.broadcast %broadcast_in_dim3A_447 : f32 to vector<16xf32>
    %swap3A_449 = arith.constant 7 : i32
    %swap3A_450 = arith.index_cast %swap3A_449 : i32 to index
    %swap3A_451 = arith.constant 0 : index
    %swap3A_452 = tpu.vector_load %arg8[%swap3A_450, %swap3A_451] {strides = array<i32>} : memref<96x128xf32, #tpu.memory_space<vmem>>, vector<1x16xf32>,
    %swap3A_453 = vector.shape_cast %swap3A_452 : vector<1x16xf32> to vector<16xf32>
    %swap3A_454 = vector.shape_cast %broadcast_in_dim3A_448 : vector<16xf32> to vector<1x16xf32>
    tpu.vector_store %arg8[%swap3A_450, %swap3A_451], %swap3A_454 {strides = array<i32>} : memref<96x128xf32, #tpu.memory_space<vmem>>, vector<1x16xf32>,
    %broadcast_in_dim3A_455 = arith.constant 0.000000e+00 : f32
    %broadcast_in_dim3A_456 = vector.broadcast %broadcast_in_dim3A_455 : f32 to vector<16xf32>
    %swap3A_457 = arith.constant 7 : i32
    %swap3A_458 = arith.index_cast %swap3A_457 : i32 to index
    %swap3A_459 = arith.constant 16 : index
    %swap3A_460 = tpu.vector_load %arg8[%swap3A_458, %swap3A_459] {strides = array<i32>} : memref<96x128xf32, #tpu.memory_space<vmem>>, vector<1x16xf32>,
    %swap3A_461 = vector.shape_cast %swap3A_460 : vector<1x16xf32> to vector<16xf32>
    %swap3A_462 = vector.shape_cast %broadcast_in_dim3A_456 : vector<16xf32> to vector<1x16xf32>
    tpu.vector_store %arg8[%swap3A_458, %swap3A_459], %swap3A_462 {strides = array<i32>} : memref<96x128xf32, #tpu.memory_space<vmem>>, vector<1x16xf32>,
    %broadcast_in_dim3A_463 = arith.constant 0.000000e+00 : f32
    %broadcast_in_dim3A_464 = vector.broadcast %broadcast_in_dim3A_463 : f32 to vector<16xf32>
    %swap3A_465 = arith.constant 7 : i32
    %swap3A_466 = arith.index_cast %swap3A_465 : i32 to index
    %swap3A_467 = arith.constant 32 : index
    %swap3A_468 = tpu.vector_load %arg8[%swap3A_466, %swap3A_467] {strides = array<i32>} : memref<96x128xf32, #tpu.memory_space<vmem>>, vector<1x16xf32>,
    %swap3A_469 = vector.shape_cast %swap3A_468 : vector<1x16xf32> to vector<16xf32>
    %swap3A_470 = vector.shape_cast %broadcast_in_dim3A_464 : vector<16xf32> to vector<1x16xf32>
    tpu.vector_store %arg8[%swap3A_466, %swap3A_467], %swap3A_470 {strides = array<i32>} : memref<96x128xf32, #tpu.memory_space<vmem>>, vector<1x16xf32>,
    %broadcast_in_dim3A_471 = arith.constant 0.000000e+00 : f32
    %broadcast_in_dim3A_472 = vector.broadcast %broadcast_in_dim3A_471 : f32 to vector<16xf32>
    %swap3A_473 = arith.constant 7 : i32
    %swap3A_474 = arith.index_cast %swap3A_473 : i32 to index
    %swap3A_475 = arith.constant 48 : index
    %swap3A_476 = tpu.vector_load %arg8[%swap3A_474, %swap3A_475] {strides = array<i32>} : memref<96x128xf32, #tpu.memory_space<vmem>>, vector<1x16xf32>,
    %swap3A_477 = vector.shape_cast %swap3A_476 : vector<1x16xf32> to vector<16xf32>
    %swap3A_478 = vector.shape_cast %broadcast_in_dim3A_472 : vector<16xf32> to vector<1x16xf32>
    tpu.vector_store %arg8[%swap3A_474, %swap3A_475], %swap3A_478 {strides = array<i32>} : memref<96x128xf32, #tpu.memory_space<vmem>>, vector<1x16xf32>,
    %broadcast_in_dim3A_479 = arith.constant 0.000000e+00 : f32
    %broadcast_in_dim3A_480 = vector.broadcast %broadcast_in_dim3A_479 : f32 to vector<16xf32>
    %swap3A_481 = arith.constant 7 : i32
    %swap3A_482 = arith.index_cast %swap3A_481 : i32 to index
    %swap3A_483 = arith.constant 64 : index
    %swap3A_484 = tpu.vector_load %arg8[%swap3A_482, %swap3A_483] {strides = array<i32>} : memref<96x128xf32, #tpu.memory_space<vmem>>, vector<1x16xf32>,
    %swap3A_485 = vector.shape_cast %swap3A_484 : vector<1x16xf32> to vector<16xf32>
    %swap3A_486 = vector.shape_cast %broadcast_in_dim3A_480 : vector<16xf32> to vector<1x16xf32>
    tpu.vector_store %arg8[%swap3A_482, %swap3A_483], %swap3A_486 {strides = array<i32>} : memref<96x128xf32, #tpu.memory_space<vmem>>, vector<1x16xf32>,
    %broadcast_in_dim3A_487 = arith.constant 0.000000e+00 : f32
    %broadcast_in_dim3A_488 = vector.broadcast %broadcast_in_dim3A_487 : f32 to vector<16xf32>
    %swap3A_489 = arith.constant 7 : i32
    %swap3A_490 = arith.index_cast %swap3A_489 : i32 to index
    %swap3A_491 = arith.constant 80 : index
    %swap3A_492 = tpu.vector_load %arg8[%swap3A_490, %swap3A_491] {strides = array<i32>} : memref<96x128xf32, #tpu.memory_space<vmem>>, vector<1x16xf32>,
    %swap3A_493 = vector.shape_cast %swap3A_492 : vector<1x16xf32> to vector<16xf32>
    %swap3A_494 = vector.shape_cast %broadcast_in_dim3A_488 : vector<16xf32> to vector<1x16xf32>
    tpu.vector_store %arg8[%swap3A_490, %swap3A_491], %swap3A_494 {strides = array<i32>} : memref<96x128xf32, #tpu.memory_space<vmem>>, vector<1x16xf32>,
    %broadcast_in_dim3A_495 = arith.constant 0.000000e+00 : f32
    %broadcast_in_dim3A_496 = vector.broadcast %broadcast_in_dim3A_495 : f32 to vector<16xf32>
    %swap3A_497 = arith.constant 7 : i32
    %swap3A_498 = arith.index_cast %swap3A_497 : i32 to index
    %swap3A_499 = arith.constant 96 : index
    %swap3A_500 = tpu.vector_load %arg8[%swap3A_498, %swap3A_499] {strides = array<i32>} : memref<96x128xf32, #tpu.memory_space<vmem>>, vector<1x16xf32>,
    %swap3A_501 = vector.shape_cast %swap3A_500 : vector<1x16xf32> to vector<16xf32>
    %swap3A_502 = vector.shape_cast %broadcast_in_dim3A_496 : vector<16xf32> to vector<1x16xf32>
    tpu.vector_store %arg8[%swap3A_498, %swap3A_499], %swap3A_502 {strides = array<i32>} : memref<96x128xf32, #tpu.memory_space<vmem>>, vector<1x16xf32>,
    %broadcast_in_dim3A_503 = arith.constant 0.000000e+00 : f32
    %broadcast_in_dim3A_504 = vector.broadcast %broadcast_in_dim3A_503 : f32 to vector<16xf32>
    %swap3A_505 = arith.constant 7 : i32
    %swap3A_506 = arith.index_cast %swap3A_505 : i32 to index
    %swap3A_507 = arith.constant 112 : index
    %swap3A_508 = tpu.vector_load %arg8[%swap3A_506, %swap3A_507] {strides = array<i32>} : memref<96x128xf32, #tpu.memory_space<vmem>>, vector<1x16xf32>,
    %swap3A_509 = vector.shape_cast %swap3A_508 : vector<1x16xf32> to vector<16xf32>
    %swap3A_510 = vector.shape_cast %broadcast_in_dim3A_504 : vector<16xf32> to vector<1x16xf32>
    tpu.vector_store %arg8[%swap3A_506, %swap3A_507], %swap3A_510 {strides = array<i32>} : memref<96x128xf32, #tpu.memory_space<vmem>>, vector<1x16xf32>,
    %broadcast_in_dim3A_511 = arith.constant 0.000000e+00 : f32
    %broadcast_in_dim3A_512 = vector.broadcast %broadcast_in_dim3A_511 : f32 to vector<16xf32>
    %swap3A_513 = arith.constant 8 : i32
    %swap3A_514 = arith.index_cast %swap3A_513 : i32 to index
    %swap3A_515 = arith.constant 0 : index
    %swap3A_516 = tpu.vector_load %arg8[%swap3A_514, %swap3A_515] {strides = array<i32>} : memref<96x128xf32, #tpu.memory_space<vmem>>, vector<1x16xf32>,
    %swap3A_517 = vector.shape_cast %swap3A_516 : vector<1x16xf32> to vector<16xf32>
    %swap3A_518 = vector.shape_cast %broadcast_in_dim3A_512 : vector<16xf32> to vector<1x16xf32>
    tpu.vector_store %arg8[%swap3A_514, %swap3A_515], %swap3A_518 {strides = array<i32>} : memref<96x128xf32, #tpu.memory_space<vmem>>, vector<1x16xf32>,
    %broadcast_in_dim3A_519 = arith.constant 0.000000e+00 : f32
    %broadcast_in_dim3A_520 = vector.broadcast %broadcast_in_dim3A_519 : f32 to vector<16xf32>
    %swap3A_521 = arith.constant 8 : i32
    %swap3A_522 = arith.index_cast %swap3A_521 : i32 to index
    %swap3A_523 = arith.constant 16 : index
    %swap3A_524 = tpu.vector_load %arg8[%swap3A_522, %swap3A_523] {strides = array<i32>} : memref<96x128xf32, #tpu.memory_space<vmem>>, vector<1x16xf32>,
    %swap3A_525 = vector.shape_cast %swap3A_524 : vector<1x16xf32> to vector<16xf32>
    %swap3A_526 = vector.shape_cast %broadcast_in_dim3A_520 : vector<16xf32> to vector<1x16xf32>
    tpu.vector_store %arg8[%swap3A_522, %swap3A_523], %swap3A_526 {strides = array<i32>} : memref<96x128xf32, #tpu.memory_space<vmem>>, vector<1x16xf32>,
    %broadcast_in_dim3A_527 = arith.constant 0.000000e+00 : f32
    %broadcast_in_dim3A_528 = vector.broadcast %broadcast_in_dim3A_527 : f32 to vector<16xf32>
    %swap3A_529 = arith.constant 8 : i32
    %swap3A_530 = arith.index_cast %swap3A_529 : i32 to index
    %swap3A_531 = arith.constant 32 : index
    %swap3A_532 = tpu.vector_load %arg8[%swap3A_530, %swap3A_531] {strides = array<i32>} : memref<96x128xf32, #tpu.memory_space<vmem>>, vector<1x16xf32>,
    %swap3A_533 = vector.shape_cast %swap3A_532 : vector<1x16xf32> to vector<16xf32>
    %swap3A_534 = vector.shape_cast %broadcast_in_dim3A_528 : vector<16xf32> to vector<1x16xf32>
    tpu.vector_store %arg8[%swap3A_530, %swap3A_531], %swap3A_534 {strides = array<i32>} : memref<96x128xf32, #tpu.memory_space<vmem>>, vector<1x16xf32>,
    %broadcast_in_dim3A_535 = arith.constant 0.000000e+00 : f32
    %broadcast_in_dim3A_536 = vector.broadcast %broadcast_in_dim3A_535 : f32 to vector<16xf32>
    %swap3A_537 = arith.constant 8 : i32
    %swap3A_538 = arith.index_cast %swap3A_537 : i32 to index
    %swap3A_539 = arith.constant 48 : index
    %swap3A_540 = tpu.vector_load %arg8[%swap3A_538, %swap3A_539] {strides = array<i32>} : memref<96x128xf32, #tpu.memory_space<vmem>>, vector<1x16xf32>,
    %swap3A_541 = vector.shape_cast %swap3A_540 : vector<1x16xf32> to vector<16xf32>
    %swap3A_542 = vector.shape_cast %broadcast_in_dim3A_536 : vector<16xf32> to vector<1x16xf32>
    tpu.vector_store %arg8[%swap3A_538, %swap3A_539], %swap3A_542 {strides = array<i32>} : memref<96x128xf32, #tpu.memory_space<vmem>>, vector<1x16xf32>,
    %broadcast_in_dim3A_543 = arith.constant 0.000000e+00 : f32
    %broadcast_in_dim3A_544 = vector.broadcast %broadcast_in_dim3A_543 : f32 to vector<16xf32>
    %swap3A_545 = arith.constant 8 : i32
    %swap3A_546 = arith.index_cast %swap3A_545 : i32 to index
    %swap3A_547 = arith.constant 64 : index
    %swap3A_548 = tpu.vector_load %arg8[%swap3A_546, %swap3A_547] {strides = array<i32>} : memref<96x128xf32, #tpu.memory_space<vmem>>, vector<1x16xf32>,
    %swap3A_549 = vector.shape_cast %swap3A_548 : vector<1x16xf32> to vector<16xf32>
    %swap3A_550 = vector.shape_cast %broadcast_in_dim3A_544 : vector<16xf32> to vector<1x16xf32>
    tpu.vector_store %arg8[%swap3A_546, %swap3A_547], %swap3A_550 {strides = array<i32>} : memref<96x128xf32, #tpu.memory_space<vmem>>, vector<1x16xf32>,
    %broadcast_in_dim3A_551 = arith.constant 0.000000e+00 : f32
    %broadcast_in_dim3A_552 = vector.broadcast %broadcast_in_dim3A_551 : f32 to vector<16xf32>
    %swap3A_553 = arith.constant 8 : i32
    %swap3A_554 = arith.index_cast %swap3A_553 : i32 to index
    %swap3A_555 = arith.constant 80 : index
    %swap3A_556 = tpu.vector_load %arg8[%swap3A_554, %swap3A_555] {strides = array<i32>} : memref<96x128xf32, #tpu.memory_space<vmem>>, vector<1x16xf32>,
    %swap3A_557 = vector.shape_cast %swap3A_556 : vector<1x16xf32> to vector<16xf32>
    %swap3A_558 = vector.shape_cast %broadcast_in_dim3A_552 : vector<16xf32> to vector<1x16xf32>
    tpu.vector_store %arg8[%swap3A_554, %swap3A_555], %swap3A_558 {strides = array<i32>} : memref<96x128xf32, #tpu.memory_space<vmem>>, vector<1x16xf32>,
    %broadcast_in_dim3A_559 = arith.constant 0.000000e+00 : f32
    %broadcast_in_dim3A_560 = vector.broadcast %broadcast_in_dim3A_559 : f32 to vector<16xf32>
    %swap3A_561 = arith.constant 8 : i32
    %swap3A_562 = arith.index_cast %swap3A_561 : i32 to index
    %swap3A_563 = arith.constant 96 : index
    %swap3A_564 = tpu.vector_load %arg8[%swap3A_562, %swap3A_563] {strides = array<i32>} : memref<96x128xf32, #tpu.memory_space<vmem>>, vector<1x16xf32>,
    %swap3A_565 = vector.shape_cast %swap3A_564 : vector<1x16xf32> to vector<16xf32>
    %swap3A_566 = vector.shape_cast %broadcast_in_dim3A_560 : vector<16xf32> to vector<1x16xf32>
    tpu.vector_store %arg8[%swap3A_562, %swap3A_563], %swap3A_566 {strides = array<i32>} : memref<96x128xf32, #tpu.memory_space<vmem>>, vector<1x16xf32>,
    %broadcast_in_dim3A_567 = arith.constant 0.000000e+00 : f32
    %broadcast_in_dim3A_568 = vector.broadcast %broadcast_in_dim3A_567 : f32 to vector<16xf32>
    %swap3A_569 = arith.constant 8 : i32
    %swap3A_570 = arith.index_cast %swap3A_569 : i32 to index
    %swap3A_571 = arith.constant 112 : index
    %swap3A_572 = tpu.vector_load %arg8[%swap3A_570, %swap3A_571] {strides = array<i32>} : memref<96x128xf32, #tpu.memory_space<vmem>>, vector<1x16xf32>,
    %swap3A_573 = vector.shape_cast %swap3A_572 : vector<1x16xf32> to vector<16xf32>
    %swap3A_574 = vector.shape_cast %broadcast_in_dim3A_568 : vector<16xf32> to vector<1x16xf32>
    tpu.vector_store %arg8[%swap3A_570, %swap3A_571], %swap3A_574 {strides = array<i32>} : memref<96x128xf32, #tpu.memory_space<vmem>>, vector<1x16xf32>,
    %broadcast_in_dim3A_575 = arith.constant 0.000000e+00 : f32
    %broadcast_in_dim3A_576 = vector.broadcast %broadcast_in_dim3A_575 : f32 to vector<16xf32>
    %swap3A_577 = arith.constant 9 : i32
    %swap3A_578 = arith.index_cast %swap3A_577 : i32 to index
    %swap3A_579 = arith.constant 0 : index
    %swap3A_580 = tpu.vector_load %arg8[%swap3A_578, %swap3A_579] {strides = array<i32>} : memref<96x128xf32, #tpu.memory_space<vmem>>, vector<1x16xf32>,
    %swap3A_581 = vector.shape_cast %swap3A_580 : vector<1x16xf32> to vector<16xf32>
    %swap3A_582 = vector.shape_cast %broadcast_in_dim3A_576 : vector<16xf32> to vector<1x16xf32>
    tpu.vector_store %arg8[%swap3A_578, %swap3A_579], %swap3A_582 {strides = array<i32>} : memref<96x128xf32, #tpu.memory_space<vmem>>, vector<1x16xf32>,
    %broadcast_in_dim3A_583 = arith.constant 0.000000e+00 : f32
    %broadcast_in_dim3A_584 = vector.broadcast %broadcast_in_dim3A_583 : f32 to vector<16xf32>
    %swap3A_585 = arith.constant 9 : i32
    %swap3A_586 = arith.index_cast %swap3A_585 : i32 to index
    %swap3A_587 = arith.constant 16 : index
    %swap3A_588 = tpu.vector_load %arg8[%swap3A_586, %swap3A_587] {strides = array<i32>} : memref<96x128xf32, #tpu.memory_space<vmem>>, vector<1x16xf32>,
    %swap3A_589 = vector.shape_cast %swap3A_588 : vector<1x16xf32> to vector<16xf32>
    %swap3A_590 = vector.shape_cast %broadcast_in_dim3A_584 : vector<16xf32> to vector<1x16xf32>
    tpu.vector_store %arg8[%swap3A_586, %swap3A_587], %swap3A_590 {strides = array<i32>} : memref<96x128xf32, #tpu.memory_space<vmem>>, vector<1x16xf32>,
    %broadcast_in_dim3A_591 = arith.constant 0.000000e+00 : f32
    %broadcast_in_dim3A_592 = vector.broadcast %broadcast_in_dim3A_591 : f32 to vector<16xf32>
    %swap3A_593 = arith.constant 9 : i32
    %swap3A_594 = arith.index_cast %swap3A_593 : i32 to index
    %swap3A_595 = arith.constant 32 : index
    %swap3A_596 = tpu.vector_load %arg8[%swap3A_594, %swap3A_595] {strides = array<i32>} : memref<96x128xf32, #tpu.memory_space<vmem>>, vector<1x16xf32>,
    %swap3A_597 = vector.shape_cast %swap3A_596 : vector<1x16xf32> to vector<16xf32>
    %swap3A_598 = vector.shape_cast %broadcast_in_dim3A_592 : vector<16xf32> to vector<1x16xf32>
    tpu.vector_store %arg8[%swap3A_594, %swap3A_595], %swap3A_598 {strides = array<i32>} : memref<96x128xf32, #tpu.memory_space<vmem>>, vector<1x16xf32>,
    %broadcast_in_dim3A_599 = arith.constant 0.000000e+00 : f32
    %broadcast_in_dim3A_600 = vector.broadcast %broadcast_in_dim3A_599 : f32 to vector<16xf32>
    %swap3A_601 = arith.constant 9 : i32
    %swap3A_602 = arith.index_cast %swap3A_601 : i32 to index
    %swap3A_603 = arith.constant 48 : index
    %swap3A_604 = tpu.vector_load %arg8[%swap3A_602, %swap3A_603] {strides = array<i32>} : memref<96x128xf32, #tpu.memory_space<vmem>>, vector<1x16xf32>,
    %swap3A_605 = vector.shape_cast %swap3A_604 : vector<1x16xf32> to vector<16xf32>
    %swap3A_606 = vector.shape_cast %broadcast_in_dim3A_600 : vector<16xf32> to vector<1x16xf32>
    tpu.vector_store %arg8[%swap3A_602, %swap3A_603], %swap3A_606 {strides = array<i32>} : memref<96x128xf32, #tpu.memory_space<vmem>>, vector<1x16xf32>,
    %broadcast_in_dim3A_607 = arith.constant 0.000000e+00 : f32
    %broadcast_in_dim3A_608 = vector.broadcast %broadcast_in_dim3A_607 : f32 to vector<16xf32>
    %swap3A_609 = arith.constant 9 : i32
    %swap3A_610 = arith.index_cast %swap3A_609 : i32 to index
    %swap3A_611 = arith.constant 64 : index
    %swap3A_612 = tpu.vector_load %arg8[%swap3A_610, %swap3A_611] {strides = array<i32>} : memref<96x128xf32, #tpu.memory_space<vmem>>, vector<1x16xf32>,
    %swap3A_613 = vector.shape_cast %swap3A_612 : vector<1x16xf32> to vector<16xf32>
    %swap3A_614 = vector.shape_cast %broadcast_in_dim3A_608 : vector<16xf32> to vector<1x16xf32>
    tpu.vector_store %arg8[%swap3A_610, %swap3A_611], %swap3A_614 {strides = array<i32>} : memref<96x128xf32, #tpu.memory_space<vmem>>, vector<1x16xf32>,
    %broadcast_in_dim3A_615 = arith.constant 0.000000e+00 : f32
    %broadcast_in_dim3A_616 = vector.broadcast %broadcast_in_dim3A_615 : f32 to vector<16xf32>
    %swap3A_617 = arith.constant 9 : i32
    %swap3A_618 = arith.index_cast %swap3A_617 : i32 to index
    %swap3A_619 = arith.constant 80 : index
    %swap3A_620 = tpu.vector_load %arg8[%swap3A_618, %swap3A_619] {strides = array<i32>} : memref<96x128xf32, #tpu.memory_space<vmem>>, vector<1x16xf32>,
    %swap3A_621 = vector.shape_cast %swap3A_620 : vector<1x16xf32> to vector<16xf32>
    %swap3A_622 = vector.shape_cast %broadcast_in_dim3A_616 : vector<16xf32> to vector<1x16xf32>
    tpu.vector_store %arg8[%swap3A_618, %swap3A_619], %swap3A_622 {strides = array<i32>} : memref<96x128xf32, #tpu.memory_space<vmem>>, vector<1x16xf32>,
    %broadcast_in_dim3A_623 = arith.constant 0.000000e+00 : f32
    %broadcast_in_dim3A_624 = vector.broadcast %broadcast_in_dim3A_623 : f32 to vector<16xf32>
    %swap3A_625 = arith.constant 9 : i32
    %swap3A_626 = arith.index_cast %swap3A_625 : i32 to index
    %swap3A_627 = arith.constant 96 : index
    %swap3A_628 = tpu.vector_load %arg8[%swap3A_626, %swap3A_627] {strides = array<i32>} : memref<96x128xf32, #tpu.memory_space<vmem>>, vector<1x16xf32>,
    %swap3A_629 = vector.shape_cast %swap3A_628 : vector<1x16xf32> to vector<16xf32>
    %swap3A_630 = vector.shape_cast %broadcast_in_dim3A_624 : vector<16xf32> to vector<1x16xf32>
    tpu.vector_store %arg8[%swap3A_626, %swap3A_627], %swap3A_630 {strides = array<i32>} : memref<96x128xf32, #tpu.memory_space<vmem>>, vector<1x16xf32>,
    %broadcast_in_dim3A_631 = arith.constant 0.000000e+00 : f32
    %broadcast_in_dim3A_632 = vector.broadcast %broadcast_in_dim3A_631 : f32 to vector<16xf32>
    %swap3A_633 = arith.constant 9 : i32
    %swap3A_634 = arith.index_cast %swap3A_633 : i32 to index
    %swap3A_635 = arith.constant 112 : index
    %swap3A_636 = tpu.vector_load %arg8[%swap3A_634, %swap3A_635] {strides = array<i32>} : memref<96x128xf32, #tpu.memory_space<vmem>>, vector<1x16xf32>,
    %swap3A_637 = vector.shape_cast %swap3A_636 : vector<1x16xf32> to vector<16xf32>
    %swap3A_638 = vector.shape_cast %broadcast_in_dim3A_632 : vector<16xf32> to vector<1x16xf32>
    tpu.vector_store %arg8[%swap3A_634, %swap3A_635], %swap3A_638 {strides = array<i32>} : memref<96x128xf32, #tpu.memory_space<vmem>>, vector<1x16xf32>,
    %broadcast_in_dim3A_639 = arith.constant 0.000000e+00 : f32
    %broadcast_in_dim3A_640 = vector.broadcast %broadcast_in_dim3A_639 : f32 to vector<16xf32>
    %swap3A_641 = arith.constant 10 : i32
    %swap3A_642 = arith.index_cast %swap3A_641 : i32 to index
    %swap3A_643 = arith.constant 0 : index
    %swap3A_644 = tpu.vector_load %arg8[%swap3A_642, %swap3A_643] {strides = array<i32>} : memref<96x128xf32, #tpu.memory_space<vmem>>, vector<1x16xf32>,
    %swap3A_645 = vector.shape_cast %swap3A_644 : vector<1x16xf32> to vector<16xf32>
    %swap3A_646 = vector.shape_cast %broadcast_in_dim3A_640 : vector<16xf32> to vector<1x16xf32>
    tpu.vector_store %arg8[%swap3A_642, %swap3A_643], %swap3A_646 {strides = array<i32>} : memref<96x128xf32, #tpu.memory_space<vmem>>, vector<1x16xf32>,
    %broadcast_in_dim3A_647 = arith.constant 0.000000e+00 : f32
    %broadcast_in_dim3A_648 = vector.broadcast %broadcast_in_dim3A_647 : f32 to vector<16xf32>
    %swap3A_649 = arith.constant 10 : i32
    %swap3A_650 = arith.index_cast %swap3A_649 : i32 to index
    %swap3A_651 = arith.constant 16 : index
    %swap3A_652 = tpu.vector_load %arg8[%swap3A_650, %swap3A_651] {strides = array<i32>} : memref<96x128xf32, #tpu.memory_space<vmem>>, vector<1x16xf32>,
    %swap3A_653 = vector.shape_cast %swap3A_652 : vector<1x16xf32> to vector<16xf32>
    %swap3A_654 = vector.shape_cast %broadcast_in_dim3A_648 : vector<16xf32> to vector<1x16xf32>
    tpu.vector_store %arg8[%swap3A_650, %swap3A_651], %swap3A_654 {strides = array<i32>} : memref<96x128xf32, #tpu.memory_space<vmem>>, vector<1x16xf32>,
    %broadcast_in_dim3A_655 = arith.constant 0.000000e+00 : f32
    %broadcast_in_dim3A_656 = vector.broadcast %broadcast_in_dim3A_655 : f32 to vector<16xf32>
    %swap3A_657 = arith.constant 10 : i32
    %swap3A_658 = arith.index_cast %swap3A_657 : i32 to index
    %swap3A_659 = arith.constant 32 : index
    %swap3A_660 = tpu.vector_load %arg8[%swap3A_658, %swap3A_659] {strides = array<i32>} : memref<96x128xf32, #tpu.memory_space<vmem>>, vector<1x16xf32>,
    %swap3A_661 = vector.shape_cast %swap3A_660 : vector<1x16xf32> to vector<16xf32>
    %swap3A_662 = vector.shape_cast %broadcast_in_dim3A_656 : vector<16xf32> to vector<1x16xf32>
    tpu.vector_store %arg8[%swap3A_658, %swap3A_659], %swap3A_662 {strides = array<i32>} : memref<96x128xf32, #tpu.memory_space<vmem>>, vector<1x16xf32>,
    %broadcast_in_dim3A_663 = arith.constant 0.000000e+00 : f32
    %broadcast_in_dim3A_664 = vector.broadcast %broadcast_in_dim3A_663 : f32 to vector<16xf32>
    %swap3A_665 = arith.constant 10 : i32
    %swap3A_666 = arith.index_cast %swap3A_665 : i32 to index
    %swap3A_667 = arith.constant 48 : index
    %swap3A_668 = tpu.vector_load %arg8[%swap3A_666, %swap3A_667] {strides = array<i32>} : memref<96x128xf32, #tpu.memory_space<vmem>>, vector<1x16xf32>,
    %swap3A_669 = vector.shape_cast %swap3A_668 : vector<1x16xf32> to vector<16xf32>
    %swap3A_670 = vector.shape_cast %broadcast_in_dim3A_664 : vector<16xf32> to vector<1x16xf32>
    tpu.vector_store %arg8[%swap3A_666, %swap3A_667], %swap3A_670 {strides = array<i32>} : memref<96x128xf32, #tpu.memory_space<vmem>>, vector<1x16xf32>,
    %broadcast_in_dim3A_671 = arith.constant 0.000000e+00 : f32
    %broadcast_in_dim3A_672 = vector.broadcast %broadcast_in_dim3A_671 : f32 to vector<16xf32>
    %swap3A_673 = arith.constant 10 : i32
    %swap3A_674 = arith.index_cast %swap3A_673 : i32 to index
    %swap3A_675 = arith.constant 64 : index
    %swap3A_676 = tpu.vector_load %arg8[%swap3A_674, %swap3A_675] {strides = array<i32>} : memref<96x128xf32, #tpu.memory_space<vmem>>, vector<1x16xf32>,
    %swap3A_677 = vector.shape_cast %swap3A_676 : vector<1x16xf32> to vector<16xf32>
    %swap3A_678 = vector.shape_cast %broadcast_in_dim3A_672 : vector<16xf32> to vector<1x16xf32>
    tpu.vector_store %arg8[%swap3A_674, %swap3A_675], %swap3A_678 {strides = array<i32>} : memref<96x128xf32, #tpu.memory_space<vmem>>, vector<1x16xf32>,
    %broadcast_in_dim3A_679 = arith.constant 0.000000e+00 : f32
    %broadcast_in_dim3A_680 = vector.broadcast %broadcast_in_dim3A_679 : f32 to vector<16xf32>
    %swap3A_681 = arith.constant 10 : i32
    %swap3A_682 = arith.index_cast %swap3A_681 : i32 to index
    %swap3A_683 = arith.constant 80 : index
    %swap3A_684 = tpu.vector_load %arg8[%swap3A_682, %swap3A_683] {strides = array<i32>} : memref<96x128xf32, #tpu.memory_space<vmem>>, vector<1x16xf32>,
    %swap3A_685 = vector.shape_cast %swap3A_684 : vector<1x16xf32> to vector<16xf32>
    %swap3A_686 = vector.shape_cast %broadcast_in_dim3A_680 : vector<16xf32> to vector<1x16xf32>
    tpu.vector_store %arg8[%swap3A_682, %swap3A_683], %swap3A_686 {strides = array<i32>} : memref<96x128xf32, #tpu.memory_space<vmem>>, vector<1x16xf32>,
    %broadcast_in_dim3A_687 = arith.constant 0.000000e+00 : f32
    %broadcast_in_dim3A_688 = vector.broadcast %broadcast_in_dim3A_687 : f32 to vector<16xf32>
    %swap3A_689 = arith.constant 10 : i32
    %swap3A_690 = arith.index_cast %swap3A_689 : i32 to index
    %swap3A_691 = arith.constant 96 : index
    %swap3A_692 = tpu.vector_load %arg8[%swap3A_690, %swap3A_691] {strides = array<i32>} : memref<96x128xf32, #tpu.memory_space<vmem>>, vector<1x16xf32>,
    %swap3A_693 = vector.shape_cast %swap3A_692 : vector<1x16xf32> to vector<16xf32>
    %swap3A_694 = vector.shape_cast %broadcast_in_dim3A_688 : vector<16xf32> to vector<1x16xf32>
    tpu.vector_store %arg8[%swap3A_690, %swap3A_691], %swap3A_694 {strides = array<i32>} : memref<96x128xf32, #tpu.memory_space<vmem>>, vector<1x16xf32>,
    %broadcast_in_dim3A_695 = arith.constant 0.000000e+00 : f32
    %broadcast_in_dim3A_696 = vector.broadcast %broadcast_in_dim3A_695 : f32 to vector<16xf32>
    %swap3A_697 = arith.constant 10 : i32
    %swap3A_698 = arith.index_cast %swap3A_697 : i32 to index
    %swap3A_699 = arith.constant 112 : index
    %swap3A_700 = tpu.vector_load %arg8[%swap3A_698, %swap3A_699] {strides = array<i32>} : memref<96x128xf32, #tpu.memory_space<vmem>>, vector<1x16xf32>,
    %swap3A_701 = vector.shape_cast %swap3A_700 : vector<1x16xf32> to vector<16xf32>
    %swap3A_702 = vector.shape_cast %broadcast_in_dim3A_696 : vector<16xf32> to vector<1x16xf32>
    tpu.vector_store %arg8[%swap3A_698, %swap3A_699], %swap3A_702 {strides = array<i32>} : memref<96x128xf32, #tpu.memory_space<vmem>>, vector<1x16xf32>,
    %broadcast_in_dim3A_703 = arith.constant 0.000000e+00 : f32
    %broadcast_in_dim3A_704 = vector.broadcast %broadcast_in_dim3A_703 : f32 to vector<16xf32>
    %swap3A_705 = arith.constant 11 : i32
    %swap3A_706 = arith.index_cast %swap3A_705 : i32 to index
    %swap3A_707 = arith.constant 0 : index
    %swap3A_708 = tpu.vector_load %arg8[%swap3A_706, %swap3A_707] {strides = array<i32>} : memref<96x128xf32, #tpu.memory_space<vmem>>, vector<1x16xf32>,
    %swap3A_709 = vector.shape_cast %swap3A_708 : vector<1x16xf32> to vector<16xf32>
    %swap3A_710 = vector.shape_cast %broadcast_in_dim3A_704 : vector<16xf32> to vector<1x16xf32>
    tpu.vector_store %arg8[%swap3A_706, %swap3A_707], %swap3A_710 {strides = array<i32>} : memref<96x128xf32, #tpu.memory_space<vmem>>, vector<1x16xf32>,
    %broadcast_in_dim3A_711 = arith.constant 0.000000e+00 : f32
    %broadcast_in_dim3A_712 = vector.broadcast %broadcast_in_dim3A_711 : f32 to vector<16xf32>
    %swap3A_713 = arith.constant 11 : i32
    %swap3A_714 = arith.index_cast %swap3A_713 : i32 to index
    %swap3A_715 = arith.constant 16 : index
    %swap3A_716 = tpu.vector_load %arg8[%swap3A_714, %swap3A_715] {strides = array<i32>} : memref<96x128xf32, #tpu.memory_space<vmem>>, vector<1x16xf32>,
    %swap3A_717 = vector.shape_cast %swap3A_716 : vector<1x16xf32> to vector<16xf32>
    %swap3A_718 = vector.shape_cast %broadcast_in_dim3A_712 : vector<16xf32> to vector<1x16xf32>
    tpu.vector_store %arg8[%swap3A_714, %swap3A_715], %swap3A_718 {strides = array<i32>} : memref<96x128xf32, #tpu.memory_space<vmem>>, vector<1x16xf32>,
    %broadcast_in_dim3A_719 = arith.constant 0.000000e+00 : f32
    %broadcast_in_dim3A_720 = vector.broadcast %broadcast_in_dim3A_719 : f32 to vector<16xf32>
    %swap3A_721 = arith.constant 11 : i32
    %swap3A_722 = arith.index_cast %swap3A_721 : i32 to index
    %swap3A_723 = arith.constant 32 : index
    %swap3A_724 = tpu.vector_load %arg8[%swap3A_722, %swap3A_723] {strides = array<i32>} : memref<96x128xf32, #tpu.memory_space<vmem>>, vector<1x16xf32>,
    %swap3A_725 = vector.shape_cast %swap3A_724 : vector<1x16xf32> to vector<16xf32>
    %swap3A_726 = vector.shape_cast %broadcast_in_dim3A_720 : vector<16xf32> to vector<1x16xf32>
    tpu.vector_store %arg8[%swap3A_722, %swap3A_723], %swap3A_726 {strides = array<i32>} : memref<96x128xf32, #tpu.memory_space<vmem>>, vector<1x16xf32>,
    %broadcast_in_dim3A_727 = arith.constant 0.000000e+00 : f32
    %broadcast_in_dim3A_728 = vector.broadcast %broadcast_in_dim3A_727 : f32 to vector<16xf32>
    %swap3A_729 = arith.constant 11 : i32
    %swap3A_730 = arith.index_cast %swap3A_729 : i32 to index
    %swap3A_731 = arith.constant 48 : index
    %swap3A_732 = tpu.vector_load %arg8[%swap3A_730, %swap3A_731] {strides = array<i32>} : memref<96x128xf32, #tpu.memory_space<vmem>>, vector<1x16xf32>,
    %swap3A_733 = vector.shape_cast %swap3A_732 : vector<1x16xf32> to vector<16xf32>
    %swap3A_734 = vector.shape_cast %broadcast_in_dim3A_728 : vector<16xf32> to vector<1x16xf32>
    tpu.vector_store %arg8[%swap3A_730, %swap3A_731], %swap3A_734 {strides = array<i32>} : memref<96x128xf32, #tpu.memory_space<vmem>>, vector<1x16xf32>,
    %broadcast_in_dim3A_735 = arith.constant 0.000000e+00 : f32
    %broadcast_in_dim3A_736 = vector.broadcast %broadcast_in_dim3A_735 : f32 to vector<16xf32>
    %swap3A_737 = arith.constant 11 : i32
    %swap3A_738 = arith.index_cast %swap3A_737 : i32 to index
    %swap3A_739 = arith.constant 64 : index
    %swap3A_740 = tpu.vector_load %arg8[%swap3A_738, %swap3A_739] {strides = array<i32>} : memref<96x128xf32, #tpu.memory_space<vmem>>, vector<1x16xf32>,
    %swap3A_741 = vector.shape_cast %swap3A_740 : vector<1x16xf32> to vector<16xf32>
    %swap3A_742 = vector.shape_cast %broadcast_in_dim3A_736 : vector<16xf32> to vector<1x16xf32>
    tpu.vector_store %arg8[%swap3A_738, %swap3A_739], %swap3A_742 {strides = array<i32>} : memref<96x128xf32, #tpu.memory_space<vmem>>, vector<1x16xf32>,
    %broadcast_in_dim3A_743 = arith.constant 0.000000e+00 : f32
    %broadcast_in_dim3A_744 = vector.broadcast %broadcast_in_dim3A_743 : f32 to vector<16xf32>
    %swap3A_745 = arith.constant 11 : i32
    %swap3A_746 = arith.index_cast %swap3A_745 : i32 to index
    %swap3A_747 = arith.constant 80 : index
    %swap3A_748 = tpu.vector_load %arg8[%swap3A_746, %swap3A_747] {strides = array<i32>} : memref<96x128xf32, #tpu.memory_space<vmem>>, vector<1x16xf32>,
    %swap3A_749 = vector.shape_cast %swap3A_748 : vector<1x16xf32> to vector<16xf32>
    %swap3A_750 = vector.shape_cast %broadcast_in_dim3A_744 : vector<16xf32> to vector<1x16xf32>
    tpu.vector_store %arg8[%swap3A_746, %swap3A_747], %swap3A_750 {strides = array<i32>} : memref<96x128xf32, #tpu.memory_space<vmem>>, vector<1x16xf32>,
    %broadcast_in_dim3A_751 = arith.constant 0.000000e+00 : f32
    %broadcast_in_dim3A_752 = vector.broadcast %broadcast_in_dim3A_751 : f32 to vector<16xf32>
    %swap3A_753 = arith.constant 11 : i32
    %swap3A_754 = arith.index_cast %swap3A_753 : i32 to index
    %swap3A_755 = arith.constant 96 : index
    %swap3A_756 = tpu.vector_load %arg8[%swap3A_754, %swap3A_755] {strides = array<i32>} : memref<96x128xf32, #tpu.memory_space<vmem>>, vector<1x16xf32>,
    %swap3A_757 = vector.shape_cast %swap3A_756 : vector<1x16xf32> to vector<16xf32>
    %swap3A_758 = vector.shape_cast %broadcast_in_dim3A_752 : vector<16xf32> to vector<1x16xf32>
    tpu.vector_store %arg8[%swap3A_754, %swap3A_755], %swap3A_758 {strides = array<i32>} : memref<96x128xf32, #tpu.memory_space<vmem>>, vector<1x16xf32>,
    %broadcast_in_dim3A_759 = arith.constant 0.000000e+00 : f32
    %broadcast_in_dim3A_760 = vector.broadcast %broadcast_in_dim3A_759 : f32 to vector<16xf32>
    %swap3A_761 = arith.constant 11 : i32
    %swap3A_762 = arith.index_cast %swap3A_761 : i32 to index
    %swap3A_763 = arith.constant 112 : index
    %swap3A_764 = tpu.vector_load %arg8[%swap3A_762, %swap3A_763] {strides = array<i32>} : memref<96x128xf32, #tpu.memory_space<vmem>>, vector<1x16xf32>,
    %swap3A_765 = vector.shape_cast %swap3A_764 : vector<1x16xf32> to vector<16xf32>
    %swap3A_766 = vector.shape_cast %broadcast_in_dim3A_760 : vector<16xf32> to vector<1x16xf32>
    tpu.vector_store %arg8[%swap3A_762, %swap3A_763], %swap3A_766 {strides = array<i32>} : memref<96x128xf32, #tpu.memory_space<vmem>>, vector<1x16xf32>,
    %broadcast_in_dim3A_767 = arith.constant 0.000000e+00 : f32
    %broadcast_in_dim3A_768 = vector.broadcast %broadcast_in_dim3A_767 : f32 to vector<16xf32>
    %swap3A_769 = arith.constant 12 : i32
    %swap3A_770 = arith.index_cast %swap3A_769 : i32 to index
    %swap3A_771 = arith.constant 0 : index
    %swap3A_772 = tpu.vector_load %arg8[%swap3A_770, %swap3A_771] {strides = array<i32>} : memref<96x128xf32, #tpu.memory_space<vmem>>, vector<1x16xf32>,
    %swap3A_773 = vector.shape_cast %swap3A_772 : vector<1x16xf32> to vector<16xf32>
    %swap3A_774 = vector.shape_cast %broadcast_in_dim3A_768 : vector<16xf32> to vector<1x16xf32>
    tpu.vector_store %arg8[%swap3A_770, %swap3A_771], %swap3A_774 {strides = array<i32>} : memref<96x128xf32, #tpu.memory_space<vmem>>, vector<1x16xf32>,
    %broadcast_in_dim3A_775 = arith.constant 0.000000e+00 : f32
    %broadcast_in_dim3A_776 = vector.broadcast %broadcast_in_dim3A_775 : f32 to vector<16xf32>
    %swap3A_777 = arith.constant 12 : i32
    %swap3A_778 = arith.index_cast %swap3A_777 : i32 to index
    %swap3A_779 = arith.constant 16 : index
    %swap3A_780 = tpu.vector_load %arg8[%swap3A_778, %swap3A_779] {strides = array<i32>} : memref<96x128xf32, #tpu.memory_space<vmem>>, vector<1x16xf32>,
    %swap3A_781 = vector.shape_cast %swap3A_780 : vector<1x16xf32> to vector<16xf32>
    %swap3A_782 = vector.shape_cast %broadcast_in_dim3A_776 : vector<16xf32> to vector<1x16xf32>
    tpu.vector_store %arg8[%swap3A_778, %swap3A_779], %swap3A_782 {strides = array<i32>} : memref<96x128xf32, #tpu.memory_space<vmem>>, vector<1x16xf32>,
    %broadcast_in_dim3A_783 = arith.constant 0.000000e+00 : f32
    %broadcast_in_dim3A_784 = vector.broadcast %broadcast_in_dim3A_783 : f32 to vector<16xf32>
    %swap3A_785 = arith.constant 12 : i32
    %swap3A_786 = arith.index_cast %swap3A_785 : i32 to index
    %swap3A_787 = arith.constant 32 : index
    %swap3A_788 = tpu.vector_load %arg8[%swap3A_786, %swap3A_787] {strides = array<i32>} : memref<96x128xf32, #tpu.memory_space<vmem>>, vector<1x16xf32>,
    %swap3A_789 = vector.shape_cast %swap3A_788 : vector<1x16xf32> to vector<16xf32>
    %swap3A_790 = vector.shape_cast %broadcast_in_dim3A_784 : vector<16xf32> to vector<1x16xf32>
    tpu.vector_store %arg8[%swap3A_786, %swap3A_787], %swap3A_790 {strides = array<i32>} : memref<96x128xf32, #tpu.memory_space<vmem>>, vector<1x16xf32>,
    %broadcast_in_dim3A_791 = arith.constant 0.000000e+00 : f32
    %broadcast_in_dim3A_792 = vector.broadcast %broadcast_in_dim3A_791 : f32 to vector<16xf32>
    %swap3A_793 = arith.constant 12 : i32
    %swap3A_794 = arith.index_cast %swap3A_793 : i32 to index
    %swap3A_795 = arith.constant 48 : index
    %swap3A_796 = tpu.vector_load %arg8[%swap3A_794, %swap3A_795] {strides = array<i32>} : memref<96x128xf32, #tpu.memory_space<vmem>>, vector<1x16xf32>,
    %swap3A_797 = vector.shape_cast %swap3A_796 : vector<1x16xf32> to vector<16xf32>
    %swap3A_798 = vector.shape_cast %broadcast_in_dim3A_792 : vector<16xf32> to vector<1x16xf32>
    tpu.vector_store %arg8[%swap3A_794, %swap3A_795], %swap3A_798 {strides = array<i32>} : memref<96x128xf32, #tpu.memory_space<vmem>>, vector<1x16xf32>,
    %broadcast_in_dim3A_799 = arith.constant 0.000000e+00 : f32
    %broadcast_in_dim3A_800 = vector.broadcast %broadcast_in_dim3A_799 : f32 to vector<16xf32>
    %swap3A_801 = arith.constant 12 : i32
    %swap3A_802 = arith.index_cast %swap3A_801 : i32 to index
    %swap3A_803 = arith.constant 64 : index
    %swap3A_804 = tpu.vector_load %arg8[%swap3A_802, %swap3A_803] {strides = array<i32>} : memref<96x128xf32, #tpu.memory_space<vmem>>, vector<1x16xf32>,
    %swap3A_805 = vector.shape_cast %swap3A_804 : vector<1x16xf32> to vector<16xf32>
    %swap3A_806 = vector.shape_cast %broadcast_in_dim3A_800 : vector<16xf32> to vector<1x16xf32>
    tpu.vector_store %arg8[%swap3A_802, %swap3A_803], %swap3A_806 {strides = array<i32>} : memref<96x128xf32, #tpu.memory_space<vmem>>, vector<1x16xf32>,
    %broadcast_in_dim3A_807 = arith.constant 0.000000e+00 : f32
    %broadcast_in_dim3A_808 = vector.broadcast %broadcast_in_dim3A_807 : f32 to vector<16xf32>
    %swap3A_809 = arith.constant 12 : i32
    %swap3A_810 = arith.index_cast %swap3A_809 : i32 to index
    %swap3A_811 = arith.constant 80 : index
    %swap3A_812 = tpu.vector_load %arg8[%swap3A_810, %swap3A_811] {strides = array<i32>} : memref<96x128xf32, #tpu.memory_space<vmem>>, vector<1x16xf32>,
    %swap3A_813 = vector.shape_cast %swap3A_812 : vector<1x16xf32> to vector<16xf32>
    %swap3A_814 = vector.shape_cast %broadcast_in_dim3A_808 : vector<16xf32> to vector<1x16xf32>
    tpu.vector_store %arg8[%swap3A_810, %swap3A_811], %swap3A_814 {strides = array<i32>} : memref<96x128xf32, #tpu.memory_space<vmem>>, vector<1x16xf32>,
    %broadcast_in_dim3A_815 = arith.constant 0.000000e+00 : f32
    %broadcast_in_dim3A_816 = vector.broadcast %broadcast_in_dim3A_815 : f32 to vector<16xf32>
    %swap3A_817 = arith.constant 12 : i32
    %swap3A_818 = arith.index_cast %swap3A_817 : i32 to index
    %swap3A_819 = arith.constant 96 : index
    %swap3A_820 = tpu.vector_load %arg8[%swap3A_818, %swap3A_819] {strides = array<i32>} : memref<96x128xf32, #tpu.memory_space<vmem>>, vector<1x16xf32>,
    %swap3A_821 = vector.shape_cast %swap3A_820 : vector<1x16xf32> to vector<16xf32>
    %swap3A_822 = vector.shape_cast %broadcast_in_dim3A_816 : vector<16xf32> to vector<1x16xf32>
    tpu.vector_store %arg8[%swap3A_818, %swap3A_819], %swap3A_822 {strides = array<i32>} : memref<96x128xf32, #tpu.memory_space<vmem>>, vector<1x16xf32>,
    %broadcast_in_dim3A_823 = arith.constant 0.000000e+00 : f32
    %broadcast_in_dim3A_824 = vector.broadcast %broadcast_in_dim3A_823 : f32 to vector<16xf32>
    %swap3A_825 = arith.constant 12 : i32
    %swap3A_826 = arith.index_cast %swap3A_825 : i32 to index
    %swap3A_827 = arith.constant 112 : index
    %swap3A_828 = tpu.vector_load %arg8[%swap3A_826, %swap3A_827] {strides = array<i32>} : memref<96x128xf32, #tpu.memory_space<vmem>>, vector<1x16xf32>,
    %swap3A_829 = vector.shape_cast %swap3A_828 : vector<1x16xf32> to vector<16xf32>
    %swap3A_830 = vector.shape_cast %broadcast_in_dim3A_824 : vector<16xf32> to vector<1x16xf32>
    tpu.vector_store %arg8[%swap3A_826, %swap3A_827], %swap3A_830 {strides = array<i32>} : memref<96x128xf32, #tpu.memory_space<vmem>>, vector<1x16xf32>,
    %broadcast_in_dim3A_831 = arith.constant 0.000000e+00 : f32
    %broadcast_in_dim3A_832 = vector.broadcast %broadcast_in_dim3A_831 : f32 to vector<16xf32>
    %swap3A_833 = arith.constant 13 : i32
    %swap3A_834 = arith.index_cast %swap3A_833 : i32 to index
    %swap3A_835 = arith.constant 0 : index
    %swap3A_836 = tpu.vector_load %arg8[%swap3A_834, %swap3A_835] {strides = array<i32>} : memref<96x128xf32, #tpu.memory_space<vmem>>, vector<1x16xf32>,
    %swap3A_837 = vector.shape_cast %swap3A_836 : vector<1x16xf32> to vector<16xf32>
    %swap3A_838 = vector.shape_cast %broadcast_in_dim3A_832 : vector<16xf32> to vector<1x16xf32>
    tpu.vector_store %arg8[%swap3A_834, %swap3A_835], %swap3A_838 {strides = array<i32>} : memref<96x128xf32, #tpu.memory_space<vmem>>, vector<1x16xf32>,
    %broadcast_in_dim3A_839 = arith.constant 0.000000e+00 : f32
    %broadcast_in_dim3A_840 = vector.broadcast %broadcast_in_dim3A_839 : f32 to vector<16xf32>
    %swap3A_841 = arith.constant 13 : i32
    %swap3A_842 = arith.index_cast %swap3A_841 : i32 to index
    %swap3A_843 = arith.constant 16 : index
    %swap3A_844 = tpu.vector_load %arg8[%swap3A_842, %swap3A_843] {strides = array<i32>} : memref<96x128xf32, #tpu.memory_space<vmem>>, vector<1x16xf32>,
    %swap3A_845 = vector.shape_cast %swap3A_844 : vector<1x16xf32> to vector<16xf32>
    %swap3A_846 = vector.shape_cast %broadcast_in_dim3A_840 : vector<16xf32> to vector<1x16xf32>
    tpu.vector_store %arg8[%swap3A_842, %swap3A_843], %swap3A_846 {strides = array<i32>} : memref<96x128xf32, #tpu.memory_space<vmem>>, vector<1x16xf32>,
    %broadcast_in_dim3A_847 = arith.constant 0.000000e+00 : f32
    %broadcast_in_dim3A_848 = vector.broadcast %broadcast_in_dim3A_847 : f32 to vector<16xf32>
    %swap3A_849 = arith.constant 13 : i32
    %swap3A_850 = arith.index_cast %swap3A_849 : i32 to index
    %swap3A_851 = arith.constant 32 : index
    %swap3A_852 = tpu.vector_load %arg8[%swap3A_850, %swap3A_851] {strides = array<i32>} : memref<96x128xf32, #tpu.memory_space<vmem>>, vector<1x16xf32>,
    %swap3A_853 = vector.shape_cast %swap3A_852 : vector<1x16xf32> to vector<16xf32>
    %swap3A_854 = vector.shape_cast %broadcast_in_dim3A_848 : vector<16xf32> to vector<1x16xf32>
    tpu.vector_store %arg8[%swap3A_850, %swap3A_851], %swap3A_854 {strides = array<i32>} : memref<96x128xf32, #tpu.memory_space<vmem>>, vector<1x16xf32>,
    %broadcast_in_dim3A_855 = arith.constant 0.000000e+00 : f32
    %broadcast_in_dim3A_856 = vector.broadcast %broadcast_in_dim3A_855 : f32 to vector<16xf32>
    %swap3A_857 = arith.constant 13 : i32
    %swap3A_858 = arith.index_cast %swap3A_857 : i32 to index
    %swap3A_859 = arith.constant 48 : index
    %swap3A_860 = tpu.vector_load %arg8[%swap3A_858, %swap3A_859] {strides = array<i32>} : memref<96x128xf32, #tpu.memory_space<vmem>>, vector<1x16xf32>,
    %swap3A_861 = vector.shape_cast %swap3A_860 : vector<1x16xf32> to vector<16xf32>
    %swap3A_862 = vector.shape_cast %broadcast_in_dim3A_856 : vector<16xf32> to vector<1x16xf32>
    tpu.vector_store %arg8[%swap3A_858, %swap3A_859], %swap3A_862 {strides = array<i32>} : memref<96x128xf32, #tpu.memory_space<vmem>>, vector<1x16xf32>,
    %broadcast_in_dim3A_863 = arith.constant 0.000000e+00 : f32
    %broadcast_in_dim3A_864 = vector.broadcast %broadcast_in_dim3A_863 : f32 to vector<16xf32>
    %swap3A_865 = arith.constant 13 : i32
    %swap3A_866 = arith.index_cast %swap3A_865 : i32 to index
    %swap3A_867 = arith.constant 64 : index
    %swap3A_868 = tpu.vector_load %arg8[%swap3A_866, %swap3A_867] {strides = array<i32>} : memref<96x128xf32, #tpu.memory_space<vmem>>, vector<1x16xf32>,
    %swap3A_869 = vector.shape_cast %swap3A_868 : vector<1x16xf32> to vector<16xf32>
    %swap3A_870 = vector.shape_cast %broadcast_in_dim3A_864 : vector<16xf32> to vector<1x16xf32>
    tpu.vector_store %arg8[%swap3A_866, %swap3A_867], %swap3A_870 {strides = array<i32>} : memref<96x128xf32, #tpu.memory_space<vmem>>, vector<1x16xf32>,
    %broadcast_in_dim3A_871 = arith.constant 0.000000e+00 : f32
    %broadcast_in_dim3A_872 = vector.broadcast %broadcast_in_dim3A_871 : f32 to vector<16xf32>
    %swap3A_873 = arith.constant 13 : i32
    %swap3A_874 = arith.index_cast %swap3A_873 : i32 to index
    %swap3A_875 = arith.constant 80 : index
    %swap3A_876 = tpu.vector_load %arg8[%swap3A_874, %swap3A_875] {strides = array<i32>} : memref<96x128xf32, #tpu.memory_space<vmem>>, vector<1x16xf32>,
    %swap3A_877 = vector.shape_cast %swap3A_876 : vector<1x16xf32> to vector<16xf32>
    %swap3A_878 = vector.shape_cast %broadcast_in_dim3A_872 : vector<16xf32> to vector<1x16xf32>
    tpu.vector_store %arg8[%swap3A_874, %swap3A_875], %swap3A_878 {strides = array<i32>} : memref<96x128xf32, #tpu.memory_space<vmem>>, vector<1x16xf32>,
    %broadcast_in_dim3A_879 = arith.constant 0.000000e+00 : f32
    %broadcast_in_dim3A_880 = vector.broadcast %broadcast_in_dim3A_879 : f32 to vector<16xf32>
    %swap3A_881 = arith.constant 13 : i32
    %swap3A_882 = arith.index_cast %swap3A_881 : i32 to index
    %swap3A_883 = arith.constant 96 : index
    %swap3A_884 = tpu.vector_load %arg8[%swap3A_882, %swap3A_883] {strides = array<i32>} : memref<96x128xf32, #tpu.memory_space<vmem>>, vector<1x16xf32>,
    %swap3A_885 = vector.shape_cast %swap3A_884 : vector<1x16xf32> to vector<16xf32>
    %swap3A_886 = vector.shape_cast %broadcast_in_dim3A_880 : vector<16xf32> to vector<1x16xf32>
    tpu.vector_store %arg8[%swap3A_882, %swap3A_883], %swap3A_886 {strides = array<i32>} : memref<96x128xf32, #tpu.memory_space<vmem>>, vector<1x16xf32>,
    %broadcast_in_dim3A_887 = arith.constant 0.000000e+00 : f32
    %broadcast_in_dim3A_888 = vector.broadcast %broadcast_in_dim3A_887 : f32 to vector<16xf32>
    %swap3A_889 = arith.constant 13 : i32
    %swap3A_890 = arith.index_cast %swap3A_889 : i32 to index
    %swap3A_891 = arith.constant 112 : index
    %swap3A_892 = tpu.vector_load %arg8[%swap3A_890, %swap3A_891] {strides = array<i32>} : memref<96x128xf32, #tpu.memory_space<vmem>>, vector<1x16xf32>,
    %swap3A_893 = vector.shape_cast %swap3A_892 : vector<1x16xf32> to vector<16xf32>
    %swap3A_894 = vector.shape_cast %broadcast_in_dim3A_888 : vector<16xf32> to vector<1x16xf32>
    tpu.vector_store %arg8[%swap3A_890, %swap3A_891], %swap3A_894 {strides = array<i32>} : memref<96x128xf32, #tpu.memory_space<vmem>>, vector<1x16xf32>,
    %broadcast_in_dim3A_895 = arith.constant 0.000000e+00 : f32
    %broadcast_in_dim3A_896 = vector.broadcast %broadcast_in_dim3A_895 : f32 to vector<16xf32>
    %swap3A_897 = arith.constant 14 : i32
    %swap3A_898 = arith.index_cast %swap3A_897 : i32 to index
    %swap3A_899 = arith.constant 0 : index
    %swap3A_900 = tpu.vector_load %arg8[%swap3A_898, %swap3A_899] {strides = array<i32>} : memref<96x128xf32, #tpu.memory_space<vmem>>, vector<1x16xf32>,
    %swap3A_901 = vector.shape_cast %swap3A_900 : vector<1x16xf32> to vector<16xf32>
    %swap3A_902 = vector.shape_cast %broadcast_in_dim3A_896 : vector<16xf32> to vector<1x16xf32>
    tpu.vector_store %arg8[%swap3A_898, %swap3A_899], %swap3A_902 {strides = array<i32>} : memref<96x128xf32, #tpu.memory_space<vmem>>, vector<1x16xf32>,
    %broadcast_in_dim3A_903 = arith.constant 0.000000e+00 : f32
    %broadcast_in_dim3A_904 = vector.broadcast %broadcast_in_dim3A_903 : f32 to vector<16xf32>
    %swap3A_905 = arith.constant 14 : i32
    %swap3A_906 = arith.index_cast %swap3A_905 : i32 to index
    %swap3A_907 = arith.constant 16 : index
    %swap3A_908 = tpu.vector_load %arg8[%swap3A_906, %swap3A_907] {strides = array<i32>} : memref<96x128xf32, #tpu.memory_space<vmem>>, vector<1x16xf32>,
    %swap3A_909 = vector.shape_cast %swap3A_908 : vector<1x16xf32> to vector<16xf32>
    %swap3A_910 = vector.shape_cast %broadcast_in_dim3A_904 : vector<16xf32> to vector<1x16xf32>
    tpu.vector_store %arg8[%swap3A_906, %swap3A_907], %swap3A_910 {strides = array<i32>} : memref<96x128xf32, #tpu.memory_space<vmem>>, vector<1x16xf32>,
    %broadcast_in_dim3A_911 = arith.constant 0.000000e+00 : f32
    %broadcast_in_dim3A_912 = vector.broadcast %broadcast_in_dim3A_911 : f32 to vector<16xf32>
    %swap3A_913 = arith.constant 14 : i32
    %swap3A_914 = arith.index_cast %swap3A_913 : i32 to index
    %swap3A_915 = arith.constant 32 : index
    %swap3A_916 = tpu.vector_load %arg8[%swap3A_914, %swap3A_915] {strides = array<i32>} : memref<96x128xf32, #tpu.memory_space<vmem>>, vector<1x16xf32>,
    %swap3A_917 = vector.shape_cast %swap3A_916 : vector<1x16xf32> to vector<16xf32>
    %swap3A_918 = vector.shape_cast %broadcast_in_dim3A_912 : vector<16xf32> to vector<1x16xf32>
    tpu.vector_store %arg8[%swap3A_914, %swap3A_915], %swap3A_918 {strides = array<i32>} : memref<96x128xf32, #tpu.memory_space<vmem>>, vector<1x16xf32>,
    %broadcast_in_dim3A_919 = arith.constant 0.000000e+00 : f32
    %broadcast_in_dim3A_920 = vector.broadcast %broadcast_in_dim3A_919 : f32 to vector<16xf32>
    %swap3A_921 = arith.constant 14 : i32
    %swap3A_922 = arith.index_cast %swap3A_921 : i32 to index
    %swap3A_923 = arith.constant 48 : index
    %swap3A_924 = tpu.vector_load %arg8[%swap3A_922, %swap3A_923] {strides = array<i32>} : memref<96x128xf32, #tpu.memory_space<vmem>>, vector<1x16xf32>,
    %swap3A_925 = vector.shape_cast %swap3A_924 : vector<1x16xf32> to vector<16xf32>
    %swap3A_926 = vector.shape_cast %broadcast_in_dim3A_920 : vector<16xf32> to vector<1x16xf32>
    tpu.vector_store %arg8[%swap3A_922, %swap3A_923], %swap3A_926 {strides = array<i32>} : memref<96x128xf32, #tpu.memory_space<vmem>>, vector<1x16xf32>,
    %broadcast_in_dim3A_927 = arith.constant 0.000000e+00 : f32
    %broadcast_in_dim3A_928 = vector.broadcast %broadcast_in_dim3A_927 : f32 to vector<16xf32>
    %swap3A_929 = arith.constant 14 : i32
    %swap3A_930 = arith.index_cast %swap3A_929 : i32 to index
    %swap3A_931 = arith.constant 64 : index
    %swap3A_932 = tpu.vector_load %arg8[%swap3A_930, %swap3A_931] {strides = array<i32>} : memref<96x128xf32, #tpu.memory_space<vmem>>, vector<1x16xf32>,
    %swap3A_933 = vector.shape_cast %swap3A_932 : vector<1x16xf32> to vector<16xf32>
    %swap3A_934 = vector.shape_cast %broadcast_in_dim3A_928 : vector<16xf32> to vector<1x16xf32>
    tpu.vector_store %arg8[%swap3A_930, %swap3A_931], %swap3A_934 {strides = array<i32>} : memref<96x128xf32, #tpu.memory_space<vmem>>, vector<1x16xf32>,
    %broadcast_in_dim3A_935 = arith.constant 0.000000e+00 : f32
    %broadcast_in_dim3A_936 = vector.broadcast %broadcast_in_dim3A_935 : f32 to vector<16xf32>
    %swap3A_937 = arith.constant 14 : i32
    %swap3A_938 = arith.index_cast %swap3A_937 : i32 to index
    %swap3A_939 = arith.constant 80 : index
    %swap3A_940 = tpu.vector_load %arg8[%swap3A_938, %swap3A_939] {strides = array<i32>} : memref<96x128xf32, #tpu.memory_space<vmem>>, vector<1x16xf32>,
    %swap3A_941 = vector.shape_cast %swap3A_940 : vector<1x16xf32> to vector<16xf32>
    %swap3A_942 = vector.shape_cast %broadcast_in_dim3A_936 : vector<16xf32> to vector<1x16xf32>
    tpu.vector_store %arg8[%swap3A_938, %swap3A_939], %swap3A_942 {strides = array<i32>} : memref<96x128xf32, #tpu.memory_space<vmem>>, vector<1x16xf32>,
    %broadcast_in_dim3A_943 = arith.constant 0.000000e+00 : f32
    %broadcast_in_dim3A_944 = vector.broadcast %broadcast_in_dim3A_943 : f32 to vector<16xf32>
    %swap3A_945 = arith.constant 14 : i32
    %swap3A_946 = arith.index_cast %swap3A_945 : i32 to index
    %swap3A_947 = arith.constant 96 : index
    %swap3A_948 = tpu.vector_load %arg8[%swap3A_946, %swap3A_947] {strides = array<i32>} : memref<96x128xf32, #tpu.memory_space<vmem>>, vector<1x16xf32>,
    %swap3A_949 = vector.shape_cast %swap3A_948 : vector<1x16xf32> to vector<16xf32>
    %swap3A_950 = vector.shape_cast %broadcast_in_dim3A_944 : vector<16xf32> to vector<1x16xf32>
    tpu.vector_store %arg8[%swap3A_946, %swap3A_947], %swap3A_950 {strides = array<i32>} : memref<96x128xf32, #tpu.memory_space<vmem>>, vector<1x16xf32>,
    %broadcast_in_dim3A_951 = arith.constant 0.000000e+00 : f32
    %broadcast_in_dim3A_952 = vector.broadcast %broadcast_in_dim3A_951 : f32 to vector<16xf32>
    %swap3A_953 = arith.constant 14 : i32
    %swap3A_954 = arith.index_cast %swap3A_953 : i32 to index
    %swap3A_955 = arith.constant 112 : index
    %swap3A_956 = tpu.vector_load %arg8[%swap3A_954, %swap3A_955] {strides = array<i32>} : memref<96x128xf32, #tpu.memory_space<vmem>>, vector<1x16xf32>,
    %swap3A_957 = vector.shape_cast %swap3A_956 : vector<1x16xf32> to vector<16xf32>
    %swap3A_958 = vector.shape_cast %broadcast_in_dim3A_952 : vector<16xf32> to vector<1x16xf32>
    tpu.vector_store %arg8[%swap3A_954, %swap3A_955], %swap3A_958 {strides = array<i32>} : memref<96x128xf32, #tpu.memory_space<vmem>>, vector<1x16xf32>,
    %broadcast_in_dim3A_959 = arith.constant 0.000000e+00 : f32
    %broadcast_in_dim3A_960 = vector.broadcast %broadcast_in_dim3A_959 : f32 to vector<16xf32>
    %swap3A_961 = arith.constant 15 : i32
    %swap3A_962 = arith.index_cast %swap3A_961 : i32 to index
    %swap3A_963 = arith.constant 0 : index
    %swap3A_964 = tpu.vector_load %arg8[%swap3A_962, %swap3A_963] {strides = array<i32>} : memref<96x128xf32, #tpu.memory_space<vmem>>, vector<1x16xf32>,
    %swap3A_965 = vector.shape_cast %swap3A_964 : vector<1x16xf32> to vector<16xf32>
    %swap3A_966 = vector.shape_cast %broadcast_in_dim3A_960 : vector<16xf32> to vector<1x16xf32>
    tpu.vector_store %arg8[%swap3A_962, %swap3A_963], %swap3A_966 {strides = array<i32>} : memref<96x128xf32, #tpu.memory_space<vmem>>, vector<1x16xf32>,
    %broadcast_in_dim3A_967 = arith.constant 0.000000e+00 : f32
    %broadcast_in_dim3A_968 = vector.broadcast %broadcast_in_dim3A_967 : f32 to vector<16xf32>
    %swap3A_969 = arith.constant 15 : i32
    %swap3A_970 = arith.index_cast %swap3A_969 : i32 to index
    %swap3A_971 = arith.constant 16 : index
    %swap3A_972 = tpu.vector_load %arg8[%swap3A_970, %swap3A_971] {strides = array<i32>} : memref<96x128xf32, #tpu.memory_space<vmem>>, vector<1x16xf32>,
    %swap3A_973 = vector.shape_cast %swap3A_972 : vector<1x16xf32> to vector<16xf32>
    %swap3A_974 = vector.shape_cast %broadcast_in_dim3A_968 : vector<16xf32> to vector<1x16xf32>
    tpu.vector_store %arg8[%swap3A_970, %swap3A_971], %swap3A_974 {strides = array<i32>} : memref<96x128xf32, #tpu.memory_space<vmem>>, vector<1x16xf32>,
    %broadcast_in_dim3A_975 = arith.constant 0.000000e+00 : f32
    %broadcast_in_dim3A_976 = vector.broadcast %broadcast_in_dim3A_975 : f32 to vector<16xf32>
    %swap3A_977 = arith.constant 15 : i32
    %swap3A_978 = arith.index_cast %swap3A_977 : i32 to index
    %swap3A_979 = arith.constant 32 : index
    %swap3A_980 = tpu.vector_load %arg8[%swap3A_978, %swap3A_979] {strides = array<i32>} : memref<96x128xf32, #tpu.memory_space<vmem>>, vector<1x16xf32>,
    %swap3A_981 = vector.shape_cast %swap3A_980 : vector<1x16xf32> to vector<16xf32>
    %swap3A_982 = vector.shape_cast %broadcast_in_dim3A_976 : vector<16xf32> to vector<1x16xf32>
    tpu.vector_store %arg8[%swap3A_978, %swap3A_979], %swap3A_982 {strides = array<i32>} : memref<96x128xf32, #tpu.memory_space<vmem>>, vector<1x16xf32>,
    %broadcast_in_dim3A_983 = arith.constant 0.000000e+00 : f32
    %broadcast_in_dim3A_984 = vector.broadcast %broadcast_in_dim3A_983 : f32 to vector<16xf32>
    %swap3A_985 = arith.constant 15 : i32
    %swap3A_986 = arith.index_cast %swap3A_985 : i32 to index
    %swap3A_987 = arith.constant 48 : index
    %swap3A_988 = tpu.vector_load %arg8[%swap3A_986, %swap3A_987] {strides = array<i32>} : memref<96x128xf32, #tpu.memory_space<vmem>>, vector<1x16xf32>,
    %swap3A_989 = vector.shape_cast %swap3A_988 : vector<1x16xf32> to vector<16xf32>
    %swap3A_990 = vector.shape_cast %broadcast_in_dim3A_984 : vector<16xf32> to vector<1x16xf32>
    tpu.vector_store %arg8[%swap3A_986, %swap3A_987], %swap3A_990 {strides = array<i32>} : memref<96x128xf32, #tpu.memory_space<vmem>>, vector<1x16xf32>,
    %broadcast_in_dim3A_991 = arith.constant 0.000000e+00 : f32
    %broadcast_in_dim3A_992 = vector.broadcast %broadcast_in_dim3A_991 : f32 to vector<16xf32>
    %swap3A_993 = arith.constant 15 : i32
    %swap3A_994 = arith.index_cast %swap3A_993 : i32 to index
    %swap3A_995 = arith.constant 64 : index
    %swap3A_996 = tpu.vector_load %arg8[%swap3A_994, %swap3A_995] {strides = array<i32>} : memref<96x128xf32, #tpu.memory_space<vmem>>, vector<1x16xf32>,
    %swap3A_997 = vector.shape_cast %swap3A_996 : vector<1x16xf32> to vector<16xf32>
    %swap3A_998 = vector.shape_cast %broadcast_in_dim3A_992 : vector<16xf32> to vector<1x16xf32>
    tpu.vector_store %arg8[%swap3A_994, %swap3A_995], %swap3A_998 {strides = array<i32>} : memref<96x128xf32, #tpu.memory_space<vmem>>, vector<1x16xf32>,
    %broadcast_in_dim3A_999 = arith.constant 0.000000e+00 : f32
    %broadcast_in_dim3A_1000 = vector.broadcast %broadcast_in_dim3A_999 : f32 to vector<16xf32>
    %swap3A_1001 = arith.constant 15 : i32
    %swap3A_1002 = arith.index_cast %swap3A_1001 : i32 to index
    %swap3A_1003 = arith.constant 80 : index
    %swap3A_1004 = tpu.vector_load %arg8[%swap3A_1002, %swap3A_1003] {strides = array<i32>} : memref<96x128xf32, #tpu.memory_space<vmem>>, vector<1x16xf32>,
    %swap3A_1005 = vector.shape_cast %swap3A_1004 : vector<1x16xf32> to vector<16xf32>
    %swap3A_1006 = vector.shape_cast %broadcast_in_dim3A_1000 : vector<16xf32> to vector<1x16xf32>
    tpu.vector_store %arg8[%swap3A_1002, %swap3A_1003], %swap3A_1006 {strides = array<i32>} : memref<96x128xf32, #tpu.memory_space<vmem>>, vector<1x16xf32>,
    %broadcast_in_dim3A_1007 = arith.constant 0.000000e+00 : f32
    %broadcast_in_dim3A_1008 = vector.broadcast %broadcast_in_dim3A_1007 : f32 to vector<16xf32>
    %swap3A_1009 = arith.constant 15 : i32
    %swap3A_1010 = arith.index_cast %swap3A_1009 : i32 to index
    %swap3A_1011 = arith.constant 96 : index
    %swap3A_1012 = tpu.vector_load %arg8[%swap3A_1010, %swap3A_1011] {strides = array<i32>} : memref<96x128xf32, #tpu.memory_space<vmem>>, vector<1x16xf32>,
    %swap3A_1013 = vector.shape_cast %swap3A_1012 : vector<1x16xf32> to vector<16xf32>
    %swap3A_1014 = vector.shape_cast %broadcast_in_dim3A_1008 : vector<16xf32> to vector<1x16xf32>
    tpu.vector_store %arg8[%swap3A_1010, %swap3A_1011], %swap3A_1014 {strides = array<i32>} : memref<96x128xf32, #tpu.memory_space<vmem>>, vector<1x16xf32>,
    %broadcast_in_dim3A_1015 = arith.constant 0.000000e+00 : f32
    %broadcast_in_dim3A_1016 = vector.broadcast %broadcast_in_dim3A_1015 : f32 to vector<16xf32>
    %swap3A_1017 = arith.constant 15 : i32
    %swap3A_1018 = arith.index_cast %swap3A_1017 : i32 to index
    %swap3A_1019 = arith.constant 112 : index
    %swap3A_1020 = tpu.vector_load %arg8[%swap3A_1018, %swap3A_1019] {strides = array<i32>} : memref<96x128xf32, #tpu.memory_space<vmem>>, vector<1x16xf32>,
    %swap3A_1021 = vector.shape_cast %swap3A_1020 : vector<1x16xf32> to vector<16xf32>
    %swap3A_1022 = vector.shape_cast %broadcast_in_dim3A_1016 : vector<16xf32> to vector<1x16xf32>
    tpu.vector_store %arg8[%swap3A_1018, %swap3A_1019], %swap3A_1022 {strides = array<i32>} : memref<96x128xf32, #tpu.memory_space<vmem>>, vector<1x16xf32>,
    %scan3A = arith.constant 0 : i32
    %scan3A_1023 = arith.constant 0 : i32
    %scan3A_1024 = arith.constant 40 : i32
    %scan3A_1025 = arith.addi %scan3A_1023, %scan3A_1024 : i32
    %scan3A_1026 = arith.constant 1 : i32
    scf.for %scan3A_1042 = %scan3A_1023 to %scan3A_1025 step %scan3A_1026  : i32 {
      %mul3A_1043 = arith.constant 640 : i32
      %mul3A_1044 = arith.muli %arg1, %mul3A_1043 : i32
      %mul3A_1045 = arith.constant 16 : i32
      %mul3A_1046 = arith.muli %scan3A_1042, %mul3A_1045 : i32
      %add3A_1047 = arith.addi %mul3A_1044, %mul3A_1046 : i32
      "tpu.region"() ({
        %run_scoped3A = tpu.sem_alloc : memref<!tpu.dma_semaphore, #tpu.memory_space<semaphore_mem>>
        %dma_start3A = arith.constant 0 : i32
        %dma_start3A_1048 = arith.constant 0 : i32
        %dma_start3A_1049 = tpu.memref_slice %arg8[%dma_start3A, %dma_start3A_1048] : memref<96x128xf32, #tpu.memory_space<vmem>> -> memref<16x128xf32, #tpu.memory_space<vmem>>
        %dma_start3A_1050 = arith.constant 0 : i32
        %dma_start3A_1051 = tpu.memref_slice %arg11[%add3A_1047, %dma_start3A_1050] : memref<10240x128xf32, #tpu.memory_space<vmem_shared>> -> memref<16x128xf32, #tpu.memory_space<vmem_shared>>
        %dma_start3A_1052 = arith.constant 0 : i32
        %dma_start3A_1053 = tpu.memref_slice %arg11[%add3A_1047, %dma_start3A_1052] : memref<10240x128xf32, #tpu.memory_space<vmem_shared>> -> memref<16x128xf32, #tpu.memory_space<vmem_shared>>
        %dma_start3A_1054 = arith.constant 0 : i32
        %dma_start3A_1055 = arith.constant 0 : i32
        %dma_start3A_1056 = tpu.memref_slice %arg8[%dma_start3A_1054, %dma_start3A_1055] : memref<96x128xf32, #tpu.memory_space<vmem>> -> memref<16x128xf32, #tpu.memory_space<vmem>>
        tpu.enqueue_dma source(%dma_start3A_1056 : memref<16x128xf32, #tpu.memory_space<vmem>>) target(%dma_start3A_1053 : memref<16x128xf32, #tpu.memory_space<vmem_shared>>) target_semaphore(%run_scoped3A : memref<!tpu.dma_semaphore, #tpu.memory_space<semaphore_mem>>)
        %dma_wait3A = arith.constant 0 : i32
        %dma_wait3A_1057 = arith.constant 0 : i32
        %dma_wait3A_1058 = tpu.memref_slice %arg8[%dma_wait3A, %dma_wait3A_1057] : memref<96x128xf32, #tpu.memory_space<vmem>> -> memref<16x128xf32, #tpu.memory_space<vmem>>
        %dma_wait3A_1059 = arith.constant 0 : i32
        %dma_wait3A_1060 = tpu.memref_slice %arg11[%add3A_1047, %dma_wait3A_1059] : memref<10240x128xf32, #tpu.memory_space<vmem_shared>> -> memref<16x128xf32, #tpu.memory_space<vmem_shared>>
        %dma_wait3A_1061 = arith.constant 0 : i32
        %dma_wait3A_1062 = tpu.memref_slice %arg11[%add3A_1047, %dma_wait3A_1061] : memref<10240x128xf32, #tpu.memory_space<vmem_shared>> -> memref<16x128xf32, #tpu.memory_space<vmem_shared>>
        %dma_wait3A_1063 = arith.constant 0 : i32
        %dma_wait3A_1064 = arith.constant 0 : i32
        %dma_wait3A_1065 = tpu.memref_slice %arg8[%dma_wait3A_1063, %dma_wait3A_1064] : memref<96x128xf32, #tpu.memory_space<vmem>> -> memref<16x128xf32, #tpu.memory_space<vmem>>
        tpu.wait_dma2 semaphore(%run_scoped3A : memref<!tpu.dma_semaphore, #tpu.memory_space<semaphore_mem>>) src(%dma_wait3A_1065 : memref<16x128xf32, #tpu.memory_space<vmem>>) dst(%dma_wait3A_1062 : memref<16x128xf32, #tpu.memory_space<vmem_shared>>)
        tpu.yield
      }) : () -> ()
    }
    %scan3A_1027 = arith.constant 40 : i32
    %barrier3A = arith.constant 0 : index
    tpu.barrier barrier_id(%barrier3A)
    %scan3A_1028 = arith.constant 0 : i32
    %scan3A_1029 = arith.constant 0 : i32
    %scan3A_1030 = arith.constant 7 : i32
    %scan3A_1031 = arith.addi %scan3A_1029, %scan3A_1030 : i32
    %scan3A_1032 = arith.constant 1 : i32
    scf.for %scan3A_1042 = %scan3A_1029 to %scan3A_1031 step %scan3A_1032  : i32 {
      %mul3A_1043 = arith.constant 112 : i32
      %mul3A_1044 = arith.muli %add3A, %mul3A_1043 : i32
      %mul3A_1045 = arith.constant 16 : i32
      %mul3A_1046 = arith.muli %scan3A_1042, %mul3A_1045 : i32
      %add3A_1047 = arith.addi %mul3A_1044, %mul3A_1046 : i32
      "tpu.region"() ({
        %run_scoped3A = tpu.sem_alloc : memref<!tpu.dma_semaphore, #tpu.memory_space<semaphore_mem>>
        %dma_start3A_1499 = arith.constant 0 : i32
        %dma_start3A_1500 = tpu.memref_slice %arg3[%add3A_1047, %dma_start3A_1499] : memref<3584x96xi32, #tpu.memory_space<hbm>> -> memref<16x96xi32, #tpu.memory_space<hbm>>
        %dma_start3A_1501 = arith.constant 0 : i32
        %dma_start3A_1502 = tpu.memref_slice %arg3[%add3A_1047, %dma_start3A_1501] : memref<3584x96xi32, #tpu.memory_space<hbm>> -> memref<16x96xi32, #tpu.memory_space<hbm>>
        tpu.enqueue_dma source(%dma_start3A_1502 : memref<16x96xi32, #tpu.memory_space<hbm>>) target(%arg6 : memref<16x96xi32, #tpu.memory_space<vmem>>) target_semaphore(%run_scoped3A : memref<!tpu.dma_semaphore, #tpu.memory_space<semaphore_mem>>)
        %dma_wait3A_1503 = arith.constant 0 : i32
        %dma_wait3A_1504 = tpu.memref_slice %arg3[%add3A_1047, %dma_wait3A_1503] : memref<3584x96xi32, #tpu.memory_space<hbm>> -> memref<16x96xi32, #tpu.memory_space<hbm>>
        %dma_wait3A_1505 = arith.constant 0 : i32
        %dma_wait3A_1506 = tpu.memref_slice %arg3[%add3A_1047, %dma_wait3A_1505] : memref<3584x96xi32, #tpu.memory_space<hbm>> -> memref<16x96xi32, #tpu.memory_space<hbm>>
        tpu.wait_dma2 semaphore(%run_scoped3A : memref<!tpu.dma_semaphore, #tpu.memory_space<semaphore_mem>>) src(%dma_wait3A_1506 : memref<16x96xi32, #tpu.memory_space<hbm>>) dst(%arg6 : memref<16x96xi32, #tpu.memory_space<vmem>>)
        tpu.yield
      }) : () -> ()
      %mul3A_1048 = arith.constant 112 : i32
      %mul3A_1049 = arith.muli %add3A, %mul3A_1048 : i32
      %mul3A_1050 = arith.constant 16 : i32
      %mul3A_1051 = arith.muli %scan3A_1042, %mul3A_1050 : i32
      %add3A_1052 = arith.addi %mul3A_1049, %mul3A_1051 : i32
      "tpu.region"() ({
        %run_scoped3A = tpu.sem_alloc : memref<!tpu.dma_semaphore, #tpu.memory_space<semaphore_mem>>
        %dma_start3A_1499 = arith.constant 0 : i32
        %dma_start3A_1500 = tpu.memref_slice %arg4[%add3A_1052, %dma_start3A_1499] : memref<3584x96xi32, #tpu.memory_space<hbm>> -> memref<16x96xi32, #tpu.memory_space<hbm>>
        %dma_start3A_1501 = arith.constant 0 : i32
        %dma_start3A_1502 = tpu.memref_slice %arg4[%add3A_1052, %dma_start3A_1501] : memref<3584x96xi32, #tpu.memory_space<hbm>> -> memref<16x96xi32, #tpu.memory_space<hbm>>
        tpu.enqueue_dma source(%dma_start3A_1502 : memref<16x96xi32, #tpu.memory_space<hbm>>) target(%arg7 : memref<16x96xi32, #tpu.memory_space<vmem>>) target_semaphore(%run_scoped3A : memref<!tpu.dma_semaphore, #tpu.memory_space<semaphore_mem>>)
        %dma_wait3A_1503 = arith.constant 0 : i32
        %dma_wait3A_1504 = tpu.memref_slice %arg4[%add3A_1052, %dma_wait3A_1503] : memref<3584x96xi32, #tpu.memory_space<hbm>> -> memref<16x96xi32, #tpu.memory_space<hbm>>
        %dma_wait3A_1505 = arith.constant 0 : i32
        %dma_wait3A_1506 = tpu.memref_slice %arg4[%add3A_1052, %dma_wait3A_1505] : memref<3584x96xi32, #tpu.memory_space<hbm>> -> memref<16x96xi32, #tpu.memory_space<hbm>>
        tpu.wait_dma2 semaphore(%run_scoped3A : memref<!tpu.dma_semaphore, #tpu.memory_space<semaphore_mem>>) src(%dma_wait3A_1506 : memref<16x96xi32, #tpu.memory_space<hbm>>) dst(%arg7 : memref<16x96xi32, #tpu.memory_space<vmem>>)
        tpu.yield
      }) : () -> ()
      %dma_start3A = arith.constant 0 : i32
      %dma_start3A_1053 = arith.constant 0 : i32
      %dma_start3A_1054 = tpu.memref_slice %arg6[%dma_start3A, %dma_start3A_1053] : memref<16x96xi32, #tpu.memory_space<vmem>> -> memref<1x96xi32, #tpu.memory_space<vmem>>
      %dma_start3A_1055 = tpu.memref_squeeze %dma_start3A_1054 : memref<1x96xi32, #tpu.memory_space<vmem>> -> memref<96xi32, #tpu.memory_space<vmem>>
      %dma_start3A_1056 = arith.constant 0 : i32
      %dma_start3A_1057 = arith.constant 0 : i32
      %dma_start3A_1058 = tpu.memref_slice %arg2[%dma_start3A_1056, %dma_start3A_1057] : memref<10000x128xf32, #tpu.memory_space<hbm>> -> memref<10000x128xf32, #tpu.memory_space<hbm>>
      tpu.enqueue_indirect_dma source(%dma_start3A_1058 : memref<10000x128xf32, #tpu.memory_space<hbm>>) target(%arg8 : memref<96x128xf32, #tpu.memory_space<vmem>>) offsets(%dma_start3A_1055 : memref<96xi32, #tpu.memory_space<vmem>>) semaphore(%arg12 : memref<!tpu.dma_semaphore, #tpu.memory_space<semaphore_mem>>)
      %dma_start3A_1059 = arith.constant 1 : i32
      %dma_start3A_1060 = arith.constant 0 : i32
      %dma_start3A_1061 = tpu.memref_slice %arg6[%dma_start3A_1059, %dma_start3A_1060] : memref<16x96xi32, #tpu.memory_space<vmem>> -> memref<1x96xi32, #tpu.memory_space<vmem>>
      %dma_start3A_1062 = tpu.memref_squeeze %dma_start3A_1061 : memref<1x96xi32, #tpu.memory_space<vmem>> -> memref<96xi32, #tpu.memory_space<vmem>>
      %dma_start3A_1063 = arith.constant 0 : i32
      %dma_start3A_1064 = arith.constant 0 : i32
      %dma_start3A_1065 = tpu.memref_slice %arg2[%dma_start3A_1063, %dma_start3A_1064] : memref<10000x128xf32, #tpu.memory_space<hbm>> -> memref<10000x128xf32, #tpu.memory_space<hbm>>
      tpu.enqueue_indirect_dma source(%dma_start3A_1065 : memref<10000x128xf32, #tpu.memory_space<hbm>>) target(%arg9 : memref<96x128xf32, #tpu.memory_space<vmem>>) offsets(%dma_start3A_1062 : memref<96xi32, #tpu.memory_space<vmem>>) semaphore(%arg13 : memref<!tpu.dma_semaphore, #tpu.memory_space<semaphore_mem>>)
      %dma_wait3A = arith.constant 0 : i32
      %dma_wait3A_1066 = arith.constant 0 : i32
      %dma_wait3A_1067 = tpu.memref_slice %arg6[%dma_wait3A, %dma_wait3A_1066] : memref<16x96xi32, #tpu.memory_space<vmem>> -> memref<1x96xi32, #tpu.memory_space<vmem>>
      %dma_wait3A_1068 = tpu.memref_squeeze %dma_wait3A_1067 : memref<1x96xi32, #tpu.memory_space<vmem>> -> memref<96xi32, #tpu.memory_space<vmem>>
      %dma_wait3A_1069 = arith.constant 0 : i32
      %dma_wait3A_1070 = arith.constant 0 : i32
      %dma_wait3A_1071 = tpu.memref_slice %arg2[%dma_wait3A_1069, %dma_wait3A_1070] : memref<10000x128xf32, #tpu.memory_space<hbm>> -> memref<10000x128xf32, #tpu.memory_space<hbm>>
      tpu.wait_indirect_dma semaphore(%arg12 : memref<!tpu.dma_semaphore, #tpu.memory_space<semaphore_mem>>) src(%dma_wait3A_1071 : memref<10000x128xf32, #tpu.memory_space<hbm>>) dst(%arg8 : memref<96x128xf32, #tpu.memory_space<vmem>>)
      %dma_start3A_1072 = arith.constant 0 : i32
      %dma_start3A_1073 = arith.constant 0 : i32
      %dma_start3A_1074 = tpu.memref_slice %arg7[%dma_start3A_1072, %dma_start3A_1073] : memref<16x96xi32, #tpu.memory_space<vmem>> -> memref<1x96xi32, #tpu.memory_space<vmem>>
      %dma_start3A_1075 = tpu.memref_squeeze %dma_start3A_1074 : memref<1x96xi32, #tpu.memory_space<vmem>> -> memref<96xi32, #tpu.memory_space<vmem>>
      %dma_start3A_1076 = arith.constant 0 : i32
      %dma_start3A_1077 = arith.constant 0 : i32
      %dma_start3A_1078 = tpu.memref_slice %arg11[%dma_start3A_1076, %dma_start3A_1077] : memref<10240x128xf32, #tpu.memory_space<vmem_shared>> -> memref<10240x128xf32, #tpu.memory_space<vmem_shared>>
      tpu.enqueue_indirect_dma source(%arg8 : memref<96x128xf32, #tpu.memory_space<vmem>>) target(%dma_start3A_1078 : memref<10240x128xf32, #tpu.memory_space<vmem_shared>>) offsets(%dma_start3A_1075 : memref<96xi32, #tpu.memory_space<vmem>>) semaphore(%arg15 : memref<!tpu.dma_semaphore, #tpu.memory_space<semaphore_mem>>) {add = true}
      %dma_start3A_1079 = arith.constant 2 : i32
      %dma_start3A_1080 = arith.constant 0 : i32
      %dma_start3A_1081 = tpu.memref_slice %arg6[%dma_start3A_1079, %dma_start3A_1080] : memref<16x96xi32, #tpu.memory_space<vmem>> -> memref<1x96xi32, #tpu.memory_space<vmem>>
      %dma_start3A_1082 = tpu.memref_squeeze %dma_start3A_1081 : memref<1x96xi32, #tpu.memory_space<vmem>> -> memref<96xi32, #tpu.memory_space<vmem>>
      %dma_start3A_1083 = arith.constant 0 : i32
      %dma_start3A_1084 = arith.constant 0 : i32
      %dma_start3A_1085 = tpu.memref_slice %arg2[%dma_start3A_1083, %dma_start3A_1084] : memref<10000x128xf32, #tpu.memory_space<hbm>> -> memref<10000x128xf32, #tpu.memory_space<hbm>>
      tpu.enqueue_indirect_dma source(%dma_start3A_1085 : memref<10000x128xf32, #tpu.memory_space<hbm>>) target(%arg10 : memref<96x128xf32, #tpu.memory_space<vmem>>) offsets(%dma_start3A_1082 : memref<96xi32, #tpu.memory_space<vmem>>) semaphore(%arg14 : memref<!tpu.dma_semaphore, #tpu.memory_space<semaphore_mem>>)
      %dma_wait3A_1086 = arith.constant 1 : i32
      %dma_wait3A_1087 = arith.constant 0 : i32
      %dma_wait3A_1088 = tpu.memref_slice %arg6[%dma_wait3A_1086, %dma_wait3A_1087] : memref<16x96xi32, #tpu.memory_space<vmem>> -> memref<1x96xi32, #tpu.memory_space<vmem>>
      %dma_wait3A_1089 = tpu.memref_squeeze %dma_wait3A_1088 : memref<1x96xi32, #tpu.memory_space<vmem>> -> memref<96xi32, #tpu.memory_space<vmem>>
      %dma_wait3A_1090 = arith.constant 0 : i32
      %dma_wait3A_1091 = arith.constant 0 : i32
      %dma_wait3A_1092 = tpu.memref_slice %arg2[%dma_wait3A_1090, %dma_wait3A_1091] : memref<10000x128xf32, #tpu.memory_space<hbm>> -> memref<10000x128xf32, #tpu.memory_space<hbm>>
      tpu.wait_indirect_dma semaphore(%arg13 : memref<!tpu.dma_semaphore, #tpu.memory_space<semaphore_mem>>) src(%dma_wait3A_1092 : memref<10000x128xf32, #tpu.memory_space<hbm>>) dst(%arg9 : memref<96x128xf32, #tpu.memory_space<vmem>>)
      %dma_start3A_1093 = arith.constant 1 : i32
      %dma_start3A_1094 = arith.constant 0 : i32
      %dma_start3A_1095 = tpu.memref_slice %arg7[%dma_start3A_1093, %dma_start3A_1094] : memref<16x96xi32, #tpu.memory_space<vmem>> -> memref<1x96xi32, #tpu.memory_space<vmem>>
      %dma_start3A_1096 = tpu.memref_squeeze %dma_start3A_1095 : memref<1x96xi32, #tpu.memory_space<vmem>> -> memref<96xi32, #tpu.memory_space<vmem>>
      %dma_start3A_1097 = arith.constant 0 : i32
      %dma_start3A_1098 = arith.constant 0 : i32
      %dma_start3A_1099 = tpu.memref_slice %arg11[%dma_start3A_1097, %dma_start3A_1098] : memref<10240x128xf32, #tpu.memory_space<vmem_shared>> -> memref<10240x128xf32, #tpu.memory_space<vmem_shared>>
      tpu.enqueue_indirect_dma source(%arg9 : memref<96x128xf32, #tpu.memory_space<vmem>>) target(%dma_start3A_1099 : memref<10240x128xf32, #tpu.memory_space<vmem_shared>>) offsets(%dma_start3A_1096 : memref<96xi32, #tpu.memory_space<vmem>>) semaphore(%arg16 : memref<!tpu.dma_semaphore, #tpu.memory_space<semaphore_mem>>) {add = true}
      %dma_wait3A_1100 = arith.constant 0 : i32
      %dma_wait3A_1101 = arith.constant 0 : i32
      %dma_wait3A_1102 = tpu.memref_slice %arg7[%dma_wait3A_1100, %dma_wait3A_1101] : memref<16x96xi32, #tpu.memory_space<vmem>> -> memref<1x96xi32, #tpu.memory_space<vmem>>
      %dma_wait3A_1103 = tpu.memref_squeeze %dma_wait3A_1102 : memref<1x96xi32, #tpu.memory_space<vmem>> -> memref<96xi32, #tpu.memory_space<vmem>>
      %dma_wait3A_1104 = arith.constant 0 : i32
      %dma_wait3A_1105 = arith.constant 0 : i32
      %dma_wait3A_1106 = tpu.memref_slice %arg11[%dma_wait3A_1104, %dma_wait3A_1105] : memref<10240x128xf32, #tpu.memory_space<vmem_shared>> -> memref<10240x128xf32, #tpu.memory_space<vmem_shared>>
      tpu.wait_indirect_dma semaphore(%arg15 : memref<!tpu.dma_semaphore, #tpu.memory_space<semaphore_mem>>) src(%arg8 : memref<96x128xf32, #tpu.memory_space<vmem>>) dst(%dma_wait3A_1106 : memref<10240x128xf32, #tpu.memory_space<vmem_shared>>)
      %dma_start3A_1107 = arith.constant 3 : i32
      %dma_start3A_1108 = arith.constant 0 : i32
      %dma_start3A_1109 = tpu.memref_slice %arg6[%dma_start3A_1107, %dma_start3A_1108] : memref<16x96xi32, #tpu.memory_space<vmem>> -> memref<1x96xi32, #tpu.memory_space<vmem>>
      %dma_start3A_1110 = tpu.memref_squeeze %dma_start3A_1109 : memref<1x96xi32, #tpu.memory_space<vmem>> -> memref<96xi32, #tpu.memory_space<vmem>>
      %dma_start3A_1111 = arith.constant 0 : i32
      %dma_start3A_1112 = arith.constant 0 : i32
      %dma_start3A_1113 = tpu.memref_slice %arg2[%dma_start3A_1111, %dma_start3A_1112] : memref<10000x128xf32, #tpu.memory_space<hbm>> -> memref<10000x128xf32, #tpu.memory_space<hbm>>
      tpu.enqueue_indirect_dma source(%dma_start3A_1113 : memref<10000x128xf32, #tpu.memory_space<hbm>>) target(%arg8 : memref<96x128xf32, #tpu.memory_space<vmem>>) offsets(%dma_start3A_1110 : memref<96xi32, #tpu.memory_space<vmem>>) semaphore(%arg12 : memref<!tpu.dma_semaphore, #tpu.memory_space<semaphore_mem>>)
      %dma_wait3A_1114 = arith.constant 2 : i32
      %dma_wait3A_1115 = arith.constant 0 : i32
      %dma_wait3A_1116 = tpu.memref_slice %arg6[%dma_wait3A_1114, %dma_wait3A_1115] : memref<16x96xi32, #tpu.memory_space<vmem>> -> memref<1x96xi32, #tpu.memory_space<vmem>>
      %dma_wait3A_1117 = tpu.memref_squeeze %dma_wait3A_1116 : memref<1x96xi32, #tpu.memory_space<vmem>> -> memref<96xi32, #tpu.memory_space<vmem>>
      %dma_wait3A_1118 = arith.constant 0 : i32
      %dma_wait3A_1119 = arith.constant 0 : i32
      %dma_wait3A_1120 = tpu.memref_slice %arg2[%dma_wait3A_1118, %dma_wait3A_1119] : memref<10000x128xf32, #tpu.memory_space<hbm>> -> memref<10000x128xf32, #tpu.memory_space<hbm>>
      tpu.wait_indirect_dma semaphore(%arg14 : memref<!tpu.dma_semaphore, #tpu.memory_space<semaphore_mem>>) src(%dma_wait3A_1120 : memref<10000x128xf32, #tpu.memory_space<hbm>>) dst(%arg10 : memref<96x128xf32, #tpu.memory_space<vmem>>)
      %dma_start3A_1121 = arith.constant 2 : i32
      %dma_start3A_1122 = arith.constant 0 : i32
      %dma_start3A_1123 = tpu.memref_slice %arg7[%dma_start3A_1121, %dma_start3A_1122] : memref<16x96xi32, #tpu.memory_space<vmem>> -> memref<1x96xi32, #tpu.memory_space<vmem>>
      %dma_start3A_1124 = tpu.memref_squeeze %dma_start3A_1123 : memref<1x96xi32, #tpu.memory_space<vmem>> -> memref<96xi32, #tpu.memory_space<vmem>>
      %dma_start3A_1125 = arith.constant 0 : i32
      %dma_start3A_1126 = arith.constant 0 : i32
      %dma_start3A_1127 = tpu.memref_slice %arg11[%dma_start3A_1125, %dma_start3A_1126] : memref<10240x128xf32, #tpu.memory_space<vmem_shared>> -> memref<10240x128xf32, #tpu.memory_space<vmem_shared>>
      tpu.enqueue_indirect_dma source(%arg10 : memref<96x128xf32, #tpu.memory_space<vmem>>) target(%dma_start3A_1127 : memref<10240x128xf32, #tpu.memory_space<vmem_shared>>) offsets(%dma_start3A_1124 : memref<96xi32, #tpu.memory_space<vmem>>) semaphore(%arg17 : memref<!tpu.dma_semaphore, #tpu.memory_space<semaphore_mem>>) {add = true}
      %dma_wait3A_1128 = arith.constant 1 : i32
      %dma_wait3A_1129 = arith.constant 0 : i32
      %dma_wait3A_1130 = tpu.memref_slice %arg7[%dma_wait3A_1128, %dma_wait3A_1129] : memref<16x96xi32, #tpu.memory_space<vmem>> -> memref<1x96xi32, #tpu.memory_space<vmem>>
      %dma_wait3A_1131 = tpu.memref_squeeze %dma_wait3A_1130 : memref<1x96xi32, #tpu.memory_space<vmem>> -> memref<96xi32, #tpu.memory_space<vmem>>
      %dma_wait3A_1132 = arith.constant 0 : i32
      %dma_wait3A_1133 = arith.constant 0 : i32
      %dma_wait3A_1134 = tpu.memref_slice %arg11[%dma_wait3A_1132, %dma_wait3A_1133] : memref<10240x128xf32, #tpu.memory_space<vmem_shared>> -> memref<10240x128xf32, #tpu.memory_space<vmem_shared>>
      tpu.wait_indirect_dma semaphore(%arg16 : memref<!tpu.dma_semaphore, #tpu.memory_space<semaphore_mem>>) src(%arg9 : memref<96x128xf32, #tpu.memory_space<vmem>>) dst(%dma_wait3A_1134 : memref<10240x128xf32, #tpu.memory_space<vmem_shared>>)
      %dma_start3A_1135 = arith.constant 4 : i32
      %dma_start3A_1136 = arith.constant 0 : i32
      %dma_start3A_1137 = tpu.memref_slice %arg6[%dma_start3A_1135, %dma_start3A_1136] : memref<16x96xi32, #tpu.memory_space<vmem>> -> memref<1x96xi32, #tpu.memory_space<vmem>>
      %dma_start3A_1138 = tpu.memref_squeeze %dma_start3A_1137 : memref<1x96xi32, #tpu.memory_space<vmem>> -> memref<96xi32, #tpu.memory_space<vmem>>
      %dma_start3A_1139 = arith.constant 0 : i32
      %dma_start3A_1140 = arith.constant 0 : i32
      %dma_start3A_1141 = tpu.memref_slice %arg2[%dma_start3A_1139, %dma_start3A_1140] : memref<10000x128xf32, #tpu.memory_space<hbm>> -> memref<10000x128xf32, #tpu.memory_space<hbm>>
      tpu.enqueue_indirect_dma source(%dma_start3A_1141 : memref<10000x128xf32, #tpu.memory_space<hbm>>) target(%arg9 : memref<96x128xf32, #tpu.memory_space<vmem>>) offsets(%dma_start3A_1138 : memref<96xi32, #tpu.memory_space<vmem>>) semaphore(%arg13 : memref<!tpu.dma_semaphore, #tpu.memory_space<semaphore_mem>>)
      %dma_wait3A_1142 = arith.constant 3 : i32
      %dma_wait3A_1143 = arith.constant 0 : i32
      %dma_wait3A_1144 = tpu.memref_slice %arg6[%dma_wait3A_1142, %dma_wait3A_1143] : memref<16x96xi32, #tpu.memory_space<vmem>> -> memref<1x96xi32, #tpu.memory_space<vmem>>
      %dma_wait3A_1145 = tpu.memref_squeeze %dma_wait3A_1144 : memref<1x96xi32, #tpu.memory_space<vmem>> -> memref<96xi32, #tpu.memory_space<vmem>>
      %dma_wait3A_1146 = arith.constant 0 : i32
      %dma_wait3A_1147 = arith.constant 0 : i32
      %dma_wait3A_1148 = tpu.memref_slice %arg2[%dma_wait3A_1146, %dma_wait3A_1147] : memref<10000x128xf32, #tpu.memory_space<hbm>> -> memref<10000x128xf32, #tpu.memory_space<hbm>>
      tpu.wait_indirect_dma semaphore(%arg12 : memref<!tpu.dma_semaphore, #tpu.memory_space<semaphore_mem>>) src(%dma_wait3A_1148 : memref<10000x128xf32, #tpu.memory_space<hbm>>) dst(%arg8 : memref<96x128xf32, #tpu.memory_space<vmem>>)
      %dma_start3A_1149 = arith.constant 3 : i32
      %dma_start3A_1150 = arith.constant 0 : i32
      %dma_start3A_1151 = tpu.memref_slice %arg7[%dma_start3A_1149, %dma_start3A_1150] : memref<16x96xi32, #tpu.memory_space<vmem>> -> memref<1x96xi32, #tpu.memory_space<vmem>>
      %dma_start3A_1152 = tpu.memref_squeeze %dma_start3A_1151 : memref<1x96xi32, #tpu.memory_space<vmem>> -> memref<96xi32, #tpu.memory_space<vmem>>
      %dma_start3A_1153 = arith.constant 0 : i32
      %dma_start3A_1154 = arith.constant 0 : i32
      %dma_start3A_1155 = tpu.memref_slice %arg11[%dma_start3A_1153, %dma_start3A_1154] : memref<10240x128xf32, #tpu.memory_space<vmem_shared>> -> memref<10240x128xf32, #tpu.memory_space<vmem_shared>>
      tpu.enqueue_indirect_dma source(%arg8 : memref<96x128xf32, #tpu.memory_space<vmem>>) target(%dma_start3A_1155 : memref<10240x128xf32, #tpu.memory_space<vmem_shared>>) offsets(%dma_start3A_1152 : memref<96xi32, #tpu.memory_space<vmem>>) semaphore(%arg15 : memref<!tpu.dma_semaphore, #tpu.memory_space<semaphore_mem>>) {add = true}
      %dma_wait3A_1156 = arith.constant 2 : i32
      %dma_wait3A_1157 = arith.constant 0 : i32
      %dma_wait3A_1158 = tpu.memref_slice %arg7[%dma_wait3A_1156, %dma_wait3A_1157] : memref<16x96xi32, #tpu.memory_space<vmem>> -> memref<1x96xi32, #tpu.memory_space<vmem>>
      %dma_wait3A_1159 = tpu.memref_squeeze %dma_wait3A_1158 : memref<1x96xi32, #tpu.memory_space<vmem>> -> memref<96xi32, #tpu.memory_space<vmem>>
      %dma_wait3A_1160 = arith.constant 0 : i32
      %dma_wait3A_1161 = arith.constant 0 : i32
      %dma_wait3A_1162 = tpu.memref_slice %arg11[%dma_wait3A_1160, %dma_wait3A_1161] : memref<10240x128xf32, #tpu.memory_space<vmem_shared>> -> memref<10240x128xf32, #tpu.memory_space<vmem_shared>>
      tpu.wait_indirect_dma semaphore(%arg17 : memref<!tpu.dma_semaphore, #tpu.memory_space<semaphore_mem>>) src(%arg10 : memref<96x128xf32, #tpu.memory_space<vmem>>) dst(%dma_wait3A_1162 : memref<10240x128xf32, #tpu.memory_space<vmem_shared>>)
      %dma_start3A_1163 = arith.constant 5 : i32
      %dma_start3A_1164 = arith.constant 0 : i32
      %dma_start3A_1165 = tpu.memref_slice %arg6[%dma_start3A_1163, %dma_start3A_1164] : memref<16x96xi32, #tpu.memory_space<vmem>> -> memref<1x96xi32, #tpu.memory_space<vmem>>
      %dma_start3A_1166 = tpu.memref_squeeze %dma_start3A_1165 : memref<1x96xi32, #tpu.memory_space<vmem>> -> memref<96xi32, #tpu.memory_space<vmem>>
      %dma_start3A_1167 = arith.constant 0 : i32
      %dma_start3A_1168 = arith.constant 0 : i32
      %dma_start3A_1169 = tpu.memref_slice %arg2[%dma_start3A_1167, %dma_start3A_1168] : memref<10000x128xf32, #tpu.memory_space<hbm>> -> memref<10000x128xf32, #tpu.memory_space<hbm>>
      tpu.enqueue_indirect_dma source(%dma_start3A_1169 : memref<10000x128xf32, #tpu.memory_space<hbm>>) target(%arg10 : memref<96x128xf32, #tpu.memory_space<vmem>>) offsets(%dma_start3A_1166 : memref<96xi32, #tpu.memory_space<vmem>>) semaphore(%arg14 : memref<!tpu.dma_semaphore, #tpu.memory_space<semaphore_mem>>)
      %dma_wait3A_1170 = arith.constant 4 : i32
      %dma_wait3A_1171 = arith.constant 0 : i32
      %dma_wait3A_1172 = tpu.memref_slice %arg6[%dma_wait3A_1170, %dma_wait3A_1171] : memref<16x96xi32, #tpu.memory_space<vmem>> -> memref<1x96xi32, #tpu.memory_space<vmem>>
      %dma_wait3A_1173 = tpu.memref_squeeze %dma_wait3A_1172 : memref<1x96xi32, #tpu.memory_space<vmem>> -> memref<96xi32, #tpu.memory_space<vmem>>
      %dma_wait3A_1174 = arith.constant 0 : i32
      %dma_wait3A_1175 = arith.constant 0 : i32
      %dma_wait3A_1176 = tpu.memref_slice %arg2[%dma_wait3A_1174, %dma_wait3A_1175] : memref<10000x128xf32, #tpu.memory_space<hbm>> -> memref<10000x128xf32, #tpu.memory_space<hbm>>
      tpu.wait_indirect_dma semaphore(%arg13 : memref<!tpu.dma_semaphore, #tpu.memory_space<semaphore_mem>>) src(%dma_wait3A_1176 : memref<10000x128xf32, #tpu.memory_space<hbm>>) dst(%arg9 : memref<96x128xf32, #tpu.memory_space<vmem>>)
      %dma_start3A_1177 = arith.constant 4 : i32
      %dma_start3A_1178 = arith.constant 0 : i32
      %dma_start3A_1179 = tpu.memref_slice %arg7[%dma_start3A_1177, %dma_start3A_1178] : memref<16x96xi32, #tpu.memory_space<vmem>> -> memref<1x96xi32, #tpu.memory_space<vmem>>
      %dma_start3A_1180 = tpu.memref_squeeze %dma_start3A_1179 : memref<1x96xi32, #tpu.memory_space<vmem>> -> memref<96xi32, #tpu.memory_space<vmem>>
      %dma_start3A_1181 = arith.constant 0 : i32
      %dma_start3A_1182 = arith.constant 0 : i32
      %dma_start3A_1183 = tpu.memref_slice %arg11[%dma_start3A_1181, %dma_start3A_1182] : memref<10240x128xf32, #tpu.memory_space<vmem_shared>> -> memref<10240x128xf32, #tpu.memory_space<vmem_shared>>
      tpu.enqueue_indirect_dma source(%arg9 : memref<96x128xf32, #tpu.memory_space<vmem>>) target(%dma_start3A_1183 : memref<10240x128xf32, #tpu.memory_space<vmem_shared>>) offsets(%dma_start3A_1180 : memref<96xi32, #tpu.memory_space<vmem>>) semaphore(%arg16 : memref<!tpu.dma_semaphore, #tpu.memory_space<semaphore_mem>>) {add = true}
      %dma_wait3A_1184 = arith.constant 3 : i32
      %dma_wait3A_1185 = arith.constant 0 : i32
      %dma_wait3A_1186 = tpu.memref_slice %arg7[%dma_wait3A_1184, %dma_wait3A_1185] : memref<16x96xi32, #tpu.memory_space<vmem>> -> memref<1x96xi32, #tpu.memory_space<vmem>>
      %dma_wait3A_1187 = tpu.memref_squeeze %dma_wait3A_1186 : memref<1x96xi32, #tpu.memory_space<vmem>> -> memref<96xi32, #tpu.memory_space<vmem>>
      %dma_wait3A_1188 = arith.constant 0 : i32
      %dma_wait3A_1189 = arith.constant 0 : i32
      %dma_wait3A_1190 = tpu.memref_slice %arg11[%dma_wait3A_1188, %dma_wait3A_1189] : memref<10240x128xf32, #tpu.memory_space<vmem_shared>> -> memref<10240x128xf32, #tpu.memory_space<vmem_shared>>
      tpu.wait_indirect_dma semaphore(%arg15 : memref<!tpu.dma_semaphore, #tpu.memory_space<semaphore_mem>>) src(%arg8 : memref<96x128xf32, #tpu.memory_space<vmem>>) dst(%dma_wait3A_1190 : memref<10240x128xf32, #tpu.memory_space<vmem_shared>>)
      %dma_start3A_1191 = arith.constant 6 : i32
      %dma_start3A_1192 = arith.constant 0 : i32
      %dma_start3A_1193 = tpu.memref_slice %arg6[%dma_start3A_1191, %dma_start3A_1192] : memref<16x96xi32, #tpu.memory_space<vmem>> -> memref<1x96xi32, #tpu.memory_space<vmem>>
      %dma_start3A_1194 = tpu.memref_squeeze %dma_start3A_1193 : memref<1x96xi32, #tpu.memory_space<vmem>> -> memref<96xi32, #tpu.memory_space<vmem>>
      %dma_start3A_1195 = arith.constant 0 : i32
      %dma_start3A_1196 = arith.constant 0 : i32
      %dma_start3A_1197 = tpu.memref_slice %arg2[%dma_start3A_1195, %dma_start3A_1196] : memref<10000x128xf32, #tpu.memory_space<hbm>> -> memref<10000x128xf32, #tpu.memory_space<hbm>>
      tpu.enqueue_indirect_dma source(%dma_start3A_1197 : memref<10000x128xf32, #tpu.memory_space<hbm>>) target(%arg8 : memref<96x128xf32, #tpu.memory_space<vmem>>) offsets(%dma_start3A_1194 : memref<96xi32, #tpu.memory_space<vmem>>) semaphore(%arg12 : memref<!tpu.dma_semaphore, #tpu.memory_space<semaphore_mem>>)
      %dma_wait3A_1198 = arith.constant 5 : i32
      %dma_wait3A_1199 = arith.constant 0 : i32
      %dma_wait3A_1200 = tpu.memref_slice %arg6[%dma_wait3A_1198, %dma_wait3A_1199] : memref<16x96xi32, #tpu.memory_space<vmem>> -> memref<1x96xi32, #tpu.memory_space<vmem>>
      %dma_wait3A_1201 = tpu.memref_squeeze %dma_wait3A_1200 : memref<1x96xi32, #tpu.memory_space<vmem>> -> memref<96xi32, #tpu.memory_space<vmem>>
      %dma_wait3A_1202 = arith.constant 0 : i32
      %dma_wait3A_1203 = arith.constant 0 : i32
      %dma_wait3A_1204 = tpu.memref_slice %arg2[%dma_wait3A_1202, %dma_wait3A_1203] : memref<10000x128xf32, #tpu.memory_space<hbm>> -> memref<10000x128xf32, #tpu.memory_space<hbm>>
      tpu.wait_indirect_dma semaphore(%arg14 : memref<!tpu.dma_semaphore, #tpu.memory_space<semaphore_mem>>) src(%dma_wait3A_1204 : memref<10000x128xf32, #tpu.memory_space<hbm>>) dst(%arg10 : memref<96x128xf32, #tpu.memory_space<vmem>>)
      %dma_start3A_1205 = arith.constant 5 : i32
      %dma_start3A_1206 = arith.constant 0 : i32
      %dma_start3A_1207 = tpu.memref_slice %arg7[%dma_start3A_1205, %dma_start3A_1206] : memref<16x96xi32, #tpu.memory_space<vmem>> -> memref<1x96xi32, #tpu.memory_space<vmem>>
      %dma_start3A_1208 = tpu.memref_squeeze %dma_start3A_1207 : memref<1x96xi32, #tpu.memory_space<vmem>> -> memref<96xi32, #tpu.memory_space<vmem>>
      %dma_start3A_1209 = arith.constant 0 : i32
      %dma_start3A_1210 = arith.constant 0 : i32
      %dma_start3A_1211 = tpu.memref_slice %arg11[%dma_start3A_1209, %dma_start3A_1210] : memref<10240x128xf32, #tpu.memory_space<vmem_shared>> -> memref<10240x128xf32, #tpu.memory_space<vmem_shared>>
      tpu.enqueue_indirect_dma source(%arg10 : memref<96x128xf32, #tpu.memory_space<vmem>>) target(%dma_start3A_1211 : memref<10240x128xf32, #tpu.memory_space<vmem_shared>>) offsets(%dma_start3A_1208 : memref<96xi32, #tpu.memory_space<vmem>>) semaphore(%arg17 : memref<!tpu.dma_semaphore, #tpu.memory_space<semaphore_mem>>) {add = true}
      %dma_wait3A_1212 = arith.constant 4 : i32
      %dma_wait3A_1213 = arith.constant 0 : i32
      %dma_wait3A_1214 = tpu.memref_slice %arg7[%dma_wait3A_1212, %dma_wait3A_1213] : memref<16x96xi32, #tpu.memory_space<vmem>> -> memref<1x96xi32, #tpu.memory_space<vmem>>
      %dma_wait3A_1215 = tpu.memref_squeeze %dma_wait3A_1214 : memref<1x96xi32, #tpu.memory_space<vmem>> -> memref<96xi32, #tpu.memory_space<vmem>>
      %dma_wait3A_1216 = arith.constant 0 : i32
      %dma_wait3A_1217 = arith.constant 0 : i32
      %dma_wait3A_1218 = tpu.memref_slice %arg11[%dma_wait3A_1216, %dma_wait3A_1217] : memref<10240x128xf32, #tpu.memory_space<vmem_shared>> -> memref<10240x128xf32, #tpu.memory_space<vmem_shared>>
      tpu.wait_indirect_dma semaphore(%arg16 : memref<!tpu.dma_semaphore, #tpu.memory_space<semaphore_mem>>) src(%arg9 : memref<96x128xf32, #tpu.memory_space<vmem>>) dst(%dma_wait3A_1218 : memref<10240x128xf32, #tpu.memory_space<vmem_shared>>)
      %dma_start3A_1219 = arith.constant 7 : i32
      %dma_start3A_1220 = arith.constant 0 : i32
      %dma_start3A_1221 = tpu.memref_slice %arg6[%dma_start3A_1219, %dma_start3A_1220] : memref<16x96xi32, #tpu.memory_space<vmem>> -> memref<1x96xi32, #tpu.memory_space<vmem>>
      %dma_start3A_1222 = tpu.memref_squeeze %dma_start3A_1221 : memref<1x96xi32, #tpu.memory_space<vmem>> -> memref<96xi32, #tpu.memory_space<vmem>>
      %dma_start3A_1223 = arith.constant 0 : i32
      %dma_start3A_1224 = arith.constant 0 : i32
      %dma_start3A_1225 = tpu.memref_slice %arg2[%dma_start3A_1223, %dma_start3A_1224] : memref<10000x128xf32, #tpu.memory_space<hbm>> -> memref<10000x128xf32, #tpu.memory_space<hbm>>
      tpu.enqueue_indirect_dma source(%dma_start3A_1225 : memref<10000x128xf32, #tpu.memory_space<hbm>>) target(%arg9 : memref<96x128xf32, #tpu.memory_space<vmem>>) offsets(%dma_start3A_1222 : memref<96xi32, #tpu.memory_space<vmem>>) semaphore(%arg13 : memref<!tpu.dma_semaphore, #tpu.memory_space<semaphore_mem>>)
      %dma_wait3A_1226 = arith.constant 6 : i32
      %dma_wait3A_1227 = arith.constant 0 : i32
      %dma_wait3A_1228 = tpu.memref_slice %arg6[%dma_wait3A_1226, %dma_wait3A_1227] : memref<16x96xi32, #tpu.memory_space<vmem>> -> memref<1x96xi32, #tpu.memory_space<vmem>>
      %dma_wait3A_1229 = tpu.memref_squeeze %dma_wait3A_1228 : memref<1x96xi32, #tpu.memory_space<vmem>> -> memref<96xi32, #tpu.memory_space<vmem>>
      %dma_wait3A_1230 = arith.constant 0 : i32
      %dma_wait3A_1231 = arith.constant 0 : i32
      %dma_wait3A_1232 = tpu.memref_slice %arg2[%dma_wait3A_1230, %dma_wait3A_1231] : memref<10000x128xf32, #tpu.memory_space<hbm>> -> memref<10000x128xf32, #tpu.memory_space<hbm>>
      tpu.wait_indirect_dma semaphore(%arg12 : memref<!tpu.dma_semaphore, #tpu.memory_space<semaphore_mem>>) src(%dma_wait3A_1232 : memref<10000x128xf32, #tpu.memory_space<hbm>>) dst(%arg8 : memref<96x128xf32, #tpu.memory_space<vmem>>)
      %dma_start3A_1233 = arith.constant 6 : i32
      %dma_start3A_1234 = arith.constant 0 : i32
      %dma_start3A_1235 = tpu.memref_slice %arg7[%dma_start3A_1233, %dma_start3A_1234] : memref<16x96xi32, #tpu.memory_space<vmem>> -> memref<1x96xi32, #tpu.memory_space<vmem>>
      %dma_start3A_1236 = tpu.memref_squeeze %dma_start3A_1235 : memref<1x96xi32, #tpu.memory_space<vmem>> -> memref<96xi32, #tpu.memory_space<vmem>>
      %dma_start3A_1237 = arith.constant 0 : i32
      %dma_start3A_1238 = arith.constant 0 : i32
      %dma_start3A_1239 = tpu.memref_slice %arg11[%dma_start3A_1237, %dma_start3A_1238] : memref<10240x128xf32, #tpu.memory_space<vmem_shared>> -> memref<10240x128xf32, #tpu.memory_space<vmem_shared>>
      tpu.enqueue_indirect_dma source(%arg8 : memref<96x128xf32, #tpu.memory_space<vmem>>) target(%dma_start3A_1239 : memref<10240x128xf32, #tpu.memory_space<vmem_shared>>) offsets(%dma_start3A_1236 : memref<96xi32, #tpu.memory_space<vmem>>) semaphore(%arg15 : memref<!tpu.dma_semaphore, #tpu.memory_space<semaphore_mem>>) {add = true}
      %dma_wait3A_1240 = arith.constant 5 : i32
      %dma_wait3A_1241 = arith.constant 0 : i32
      %dma_wait3A_1242 = tpu.memref_slice %arg7[%dma_wait3A_1240, %dma_wait3A_1241] : memref<16x96xi32, #tpu.memory_space<vmem>> -> memref<1x96xi32, #tpu.memory_space<vmem>>
      %dma_wait3A_1243 = tpu.memref_squeeze %dma_wait3A_1242 : memref<1x96xi32, #tpu.memory_space<vmem>> -> memref<96xi32, #tpu.memory_space<vmem>>
      %dma_wait3A_1244 = arith.constant 0 : i32
      %dma_wait3A_1245 = arith.constant 0 : i32
      %dma_wait3A_1246 = tpu.memref_slice %arg11[%dma_wait3A_1244, %dma_wait3A_1245] : memref<10240x128xf32, #tpu.memory_space<vmem_shared>> -> memref<10240x128xf32, #tpu.memory_space<vmem_shared>>
      tpu.wait_indirect_dma semaphore(%arg17 : memref<!tpu.dma_semaphore, #tpu.memory_space<semaphore_mem>>) src(%arg10 : memref<96x128xf32, #tpu.memory_space<vmem>>) dst(%dma_wait3A_1246 : memref<10240x128xf32, #tpu.memory_space<vmem_shared>>)
      %dma_start3A_1247 = arith.constant 8 : i32
      %dma_start3A_1248 = arith.constant 0 : i32
      %dma_start3A_1249 = tpu.memref_slice %arg6[%dma_start3A_1247, %dma_start3A_1248] : memref<16x96xi32, #tpu.memory_space<vmem>> -> memref<1x96xi32, #tpu.memory_space<vmem>>
      %dma_start3A_1250 = tpu.memref_squeeze %dma_start3A_1249 : memref<1x96xi32, #tpu.memory_space<vmem>> -> memref<96xi32, #tpu.memory_space<vmem>>
      %dma_start3A_1251 = arith.constant 0 : i32
      %dma_start3A_1252 = arith.constant 0 : i32
      %dma_start3A_1253 = tpu.memref_slice %arg2[%dma_start3A_1251, %dma_start3A_1252] : memref<10000x128xf32, #tpu.memory_space<hbm>> -> memref<10000x128xf32, #tpu.memory_space<hbm>>
      tpu.enqueue_indirect_dma source(%dma_start3A_1253 : memref<10000x128xf32, #tpu.memory_space<hbm>>) target(%arg10 : memref<96x128xf32, #tpu.memory_space<vmem>>) offsets(%dma_start3A_1250 : memref<96xi32, #tpu.memory_space<vmem>>) semaphore(%arg14 : memref<!tpu.dma_semaphore, #tpu.memory_space<semaphore_mem>>)
      %dma_wait3A_1254 = arith.constant 7 : i32
      %dma_wait3A_1255 = arith.constant 0 : i32
      %dma_wait3A_1256 = tpu.memref_slice %arg6[%dma_wait3A_1254, %dma_wait3A_1255] : memref<16x96xi32, #tpu.memory_space<vmem>> -> memref<1x96xi32, #tpu.memory_space<vmem>>
      %dma_wait3A_1257 = tpu.memref_squeeze %dma_wait3A_1256 : memref<1x96xi32, #tpu.memory_space<vmem>> -> memref<96xi32, #tpu.memory_space<vmem>>
      %dma_wait3A_1258 = arith.constant 0 : i32
      %dma_wait3A_1259 = arith.constant 0 : i32
      %dma_wait3A_1260 = tpu.memref_slice %arg2[%dma_wait3A_1258, %dma_wait3A_1259] : memref<10000x128xf32, #tpu.memory_space<hbm>> -> memref<10000x128xf32, #tpu.memory_space<hbm>>
      tpu.wait_indirect_dma semaphore(%arg13 : memref<!tpu.dma_semaphore, #tpu.memory_space<semaphore_mem>>) src(%dma_wait3A_1260 : memref<10000x128xf32, #tpu.memory_space<hbm>>) dst(%arg9 : memref<96x128xf32, #tpu.memory_space<vmem>>)
      %dma_start3A_1261 = arith.constant 7 : i32
      %dma_start3A_1262 = arith.constant 0 : i32
      %dma_start3A_1263 = tpu.memref_slice %arg7[%dma_start3A_1261, %dma_start3A_1262] : memref<16x96xi32, #tpu.memory_space<vmem>> -> memref<1x96xi32, #tpu.memory_space<vmem>>
      %dma_start3A_1264 = tpu.memref_squeeze %dma_start3A_1263 : memref<1x96xi32, #tpu.memory_space<vmem>> -> memref<96xi32, #tpu.memory_space<vmem>>
      %dma_start3A_1265 = arith.constant 0 : i32
      %dma_start3A_1266 = arith.constant 0 : i32
      %dma_start3A_1267 = tpu.memref_slice %arg11[%dma_start3A_1265, %dma_start3A_1266] : memref<10240x128xf32, #tpu.memory_space<vmem_shared>> -> memref<10240x128xf32, #tpu.memory_space<vmem_shared>>
      tpu.enqueue_indirect_dma source(%arg9 : memref<96x128xf32, #tpu.memory_space<vmem>>) target(%dma_start3A_1267 : memref<10240x128xf32, #tpu.memory_space<vmem_shared>>) offsets(%dma_start3A_1264 : memref<96xi32, #tpu.memory_space<vmem>>) semaphore(%arg16 : memref<!tpu.dma_semaphore, #tpu.memory_space<semaphore_mem>>) {add = true}
      %dma_wait3A_1268 = arith.constant 6 : i32
      %dma_wait3A_1269 = arith.constant 0 : i32
      %dma_wait3A_1270 = tpu.memref_slice %arg7[%dma_wait3A_1268, %dma_wait3A_1269] : memref<16x96xi32, #tpu.memory_space<vmem>> -> memref<1x96xi32, #tpu.memory_space<vmem>>
      %dma_wait3A_1271 = tpu.memref_squeeze %dma_wait3A_1270 : memref<1x96xi32, #tpu.memory_space<vmem>> -> memref<96xi32, #tpu.memory_space<vmem>>
      %dma_wait3A_1272 = arith.constant 0 : i32
      %dma_wait3A_1273 = arith.constant 0 : i32
      %dma_wait3A_1274 = tpu.memref_slice %arg11[%dma_wait3A_1272, %dma_wait3A_1273] : memref<10240x128xf32, #tpu.memory_space<vmem_shared>> -> memref<10240x128xf32, #tpu.memory_space<vmem_shared>>
      tpu.wait_indirect_dma semaphore(%arg15 : memref<!tpu.dma_semaphore, #tpu.memory_space<semaphore_mem>>) src(%arg8 : memref<96x128xf32, #tpu.memory_space<vmem>>) dst(%dma_wait3A_1274 : memref<10240x128xf32, #tpu.memory_space<vmem_shared>>)
      %dma_start3A_1275 = arith.constant 9 : i32
      %dma_start3A_1276 = arith.constant 0 : i32
      %dma_start3A_1277 = tpu.memref_slice %arg6[%dma_start3A_1275, %dma_start3A_1276] : memref<16x96xi32, #tpu.memory_space<vmem>> -> memref<1x96xi32, #tpu.memory_space<vmem>>
      %dma_start3A_1278 = tpu.memref_squeeze %dma_start3A_1277 : memref<1x96xi32, #tpu.memory_space<vmem>> -> memref<96xi32, #tpu.memory_space<vmem>>
      %dma_start3A_1279 = arith.constant 0 : i32
      %dma_start3A_1280 = arith.constant 0 : i32
      %dma_start3A_1281 = tpu.memref_slice %arg2[%dma_start3A_1279, %dma_start3A_1280] : memref<10000x128xf32, #tpu.memory_space<hbm>> -> memref<10000x128xf32, #tpu.memory_space<hbm>>
      tpu.enqueue_indirect_dma source(%dma_start3A_1281 : memref<10000x128xf32, #tpu.memory_space<hbm>>) target(%arg8 : memref<96x128xf32, #tpu.memory_space<vmem>>) offsets(%dma_start3A_1278 : memref<96xi32, #tpu.memory_space<vmem>>) semaphore(%arg12 : memref<!tpu.dma_semaphore, #tpu.memory_space<semaphore_mem>>)
      %dma_wait3A_1282 = arith.constant 8 : i32
      %dma_wait3A_1283 = arith.constant 0 : i32
      %dma_wait3A_1284 = tpu.memref_slice %arg6[%dma_wait3A_1282, %dma_wait3A_1283] : memref<16x96xi32, #tpu.memory_space<vmem>> -> memref<1x96xi32, #tpu.memory_space<vmem>>
      %dma_wait3A_1285 = tpu.memref_squeeze %dma_wait3A_1284 : memref<1x96xi32, #tpu.memory_space<vmem>> -> memref<96xi32, #tpu.memory_space<vmem>>
      %dma_wait3A_1286 = arith.constant 0 : i32
      %dma_wait3A_1287 = arith.constant 0 : i32
      %dma_wait3A_1288 = tpu.memref_slice %arg2[%dma_wait3A_1286, %dma_wait3A_1287] : memref<10000x128xf32, #tpu.memory_space<hbm>> -> memref<10000x128xf32, #tpu.memory_space<hbm>>
      tpu.wait_indirect_dma semaphore(%arg14 : memref<!tpu.dma_semaphore, #tpu.memory_space<semaphore_mem>>) src(%dma_wait3A_1288 : memref<10000x128xf32, #tpu.memory_space<hbm>>) dst(%arg10 : memref<96x128xf32, #tpu.memory_space<vmem>>)
      %dma_start3A_1289 = arith.constant 8 : i32
      %dma_start3A_1290 = arith.constant 0 : i32
      %dma_start3A_1291 = tpu.memref_slice %arg7[%dma_start3A_1289, %dma_start3A_1290] : memref<16x96xi32, #tpu.memory_space<vmem>> -> memref<1x96xi32, #tpu.memory_space<vmem>>
      %dma_start3A_1292 = tpu.memref_squeeze %dma_start3A_1291 : memref<1x96xi32, #tpu.memory_space<vmem>> -> memref<96xi32, #tpu.memory_space<vmem>>
      %dma_start3A_1293 = arith.constant 0 : i32
      %dma_start3A_1294 = arith.constant 0 : i32
      %dma_start3A_1295 = tpu.memref_slice %arg11[%dma_start3A_1293, %dma_start3A_1294] : memref<10240x128xf32, #tpu.memory_space<vmem_shared>> -> memref<10240x128xf32, #tpu.memory_space<vmem_shared>>
      tpu.enqueue_indirect_dma source(%arg10 : memref<96x128xf32, #tpu.memory_space<vmem>>) target(%dma_start3A_1295 : memref<10240x128xf32, #tpu.memory_space<vmem_shared>>) offsets(%dma_start3A_1292 : memref<96xi32, #tpu.memory_space<vmem>>) semaphore(%arg17 : memref<!tpu.dma_semaphore, #tpu.memory_space<semaphore_mem>>) {add = true}
      %dma_wait3A_1296 = arith.constant 7 : i32
      %dma_wait3A_1297 = arith.constant 0 : i32
      %dma_wait3A_1298 = tpu.memref_slice %arg7[%dma_wait3A_1296, %dma_wait3A_1297] : memref<16x96xi32, #tpu.memory_space<vmem>> -> memref<1x96xi32, #tpu.memory_space<vmem>>
      %dma_wait3A_1299 = tpu.memref_squeeze %dma_wait3A_1298 : memref<1x96xi32, #tpu.memory_space<vmem>> -> memref<96xi32, #tpu.memory_space<vmem>>
      %dma_wait3A_1300 = arith.constant 0 : i32
      %dma_wait3A_1301 = arith.constant 0 : i32
      %dma_wait3A_1302 = tpu.memref_slice %arg11[%dma_wait3A_1300, %dma_wait3A_1301] : memref<10240x128xf32, #tpu.memory_space<vmem_shared>> -> memref<10240x128xf32, #tpu.memory_space<vmem_shared>>
      tpu.wait_indirect_dma semaphore(%arg16 : memref<!tpu.dma_semaphore, #tpu.memory_space<semaphore_mem>>) src(%arg9 : memref<96x128xf32, #tpu.memory_space<vmem>>) dst(%dma_wait3A_1302 : memref<10240x128xf32, #tpu.memory_space<vmem_shared>>)
      %dma_start3A_1303 = arith.constant 10 : i32
      %dma_start3A_1304 = arith.constant 0 : i32
      %dma_start3A_1305 = tpu.memref_slice %arg6[%dma_start3A_1303, %dma_start3A_1304] : memref<16x96xi32, #tpu.memory_space<vmem>> -> memref<1x96xi32, #tpu.memory_space<vmem>>
      %dma_start3A_1306 = tpu.memref_squeeze %dma_start3A_1305 : memref<1x96xi32, #tpu.memory_space<vmem>> -> memref<96xi32, #tpu.memory_space<vmem>>
      %dma_start3A_1307 = arith.constant 0 : i32
      %dma_start3A_1308 = arith.constant 0 : i32
      %dma_start3A_1309 = tpu.memref_slice %arg2[%dma_start3A_1307, %dma_start3A_1308] : memref<10000x128xf32, #tpu.memory_space<hbm>> -> memref<10000x128xf32, #tpu.memory_space<hbm>>
      tpu.enqueue_indirect_dma source(%dma_start3A_1309 : memref<10000x128xf32, #tpu.memory_space<hbm>>) target(%arg9 : memref<96x128xf32, #tpu.memory_space<vmem>>) offsets(%dma_start3A_1306 : memref<96xi32, #tpu.memory_space<vmem>>) semaphore(%arg13 : memref<!tpu.dma_semaphore, #tpu.memory_space<semaphore_mem>>)
      %dma_wait3A_1310 = arith.constant 9 : i32
      %dma_wait3A_1311 = arith.constant 0 : i32
      %dma_wait3A_1312 = tpu.memref_slice %arg6[%dma_wait3A_1310, %dma_wait3A_1311] : memref<16x96xi32, #tpu.memory_space<vmem>> -> memref<1x96xi32, #tpu.memory_space<vmem>>
      %dma_wait3A_1313 = tpu.memref_squeeze %dma_wait3A_1312 : memref<1x96xi32, #tpu.memory_space<vmem>> -> memref<96xi32, #tpu.memory_space<vmem>>
      %dma_wait3A_1314 = arith.constant 0 : i32
      %dma_wait3A_1315 = arith.constant 0 : i32
      %dma_wait3A_1316 = tpu.memref_slice %arg2[%dma_wait3A_1314, %dma_wait3A_1315] : memref<10000x128xf32, #tpu.memory_space<hbm>> -> memref<10000x128xf32, #tpu.memory_space<hbm>>
      tpu.wait_indirect_dma semaphore(%arg12 : memref<!tpu.dma_semaphore, #tpu.memory_space<semaphore_mem>>) src(%dma_wait3A_1316 : memref<10000x128xf32, #tpu.memory_space<hbm>>) dst(%arg8 : memref<96x128xf32, #tpu.memory_space<vmem>>)
      %dma_start3A_1317 = arith.constant 9 : i32
      %dma_start3A_1318 = arith.constant 0 : i32
      %dma_start3A_1319 = tpu.memref_slice %arg7[%dma_start3A_1317, %dma_start3A_1318] : memref<16x96xi32, #tpu.memory_space<vmem>> -> memref<1x96xi32, #tpu.memory_space<vmem>>
      %dma_start3A_1320 = tpu.memref_squeeze %dma_start3A_1319 : memref<1x96xi32, #tpu.memory_space<vmem>> -> memref<96xi32, #tpu.memory_space<vmem>>
      %dma_start3A_1321 = arith.constant 0 : i32
      %dma_start3A_1322 = arith.constant 0 : i32
      %dma_start3A_1323 = tpu.memref_slice %arg11[%dma_start3A_1321, %dma_start3A_1322] : memref<10240x128xf32, #tpu.memory_space<vmem_shared>> -> memref<10240x128xf32, #tpu.memory_space<vmem_shared>>
      tpu.enqueue_indirect_dma source(%arg8 : memref<96x128xf32, #tpu.memory_space<vmem>>) target(%dma_start3A_1323 : memref<10240x128xf32, #tpu.memory_space<vmem_shared>>) offsets(%dma_start3A_1320 : memref<96xi32, #tpu.memory_space<vmem>>) semaphore(%arg15 : memref<!tpu.dma_semaphore, #tpu.memory_space<semaphore_mem>>) {add = true}
      %dma_wait3A_1324 = arith.constant 8 : i32
      %dma_wait3A_1325 = arith.constant 0 : i32
      %dma_wait3A_1326 = tpu.memref_slice %arg7[%dma_wait3A_1324, %dma_wait3A_1325] : memref<16x96xi32, #tpu.memory_space<vmem>> -> memref<1x96xi32, #tpu.memory_space<vmem>>
      %dma_wait3A_1327 = tpu.memref_squeeze %dma_wait3A_1326 : memref<1x96xi32, #tpu.memory_space<vmem>> -> memref<96xi32, #tpu.memory_space<vmem>>
      %dma_wait3A_1328 = arith.constant 0 : i32
      %dma_wait3A_1329 = arith.constant 0 : i32
      %dma_wait3A_1330 = tpu.memref_slice %arg11[%dma_wait3A_1328, %dma_wait3A_1329] : memref<10240x128xf32, #tpu.memory_space<vmem_shared>> -> memref<10240x128xf32, #tpu.memory_space<vmem_shared>>
      tpu.wait_indirect_dma semaphore(%arg17 : memref<!tpu.dma_semaphore, #tpu.memory_space<semaphore_mem>>) src(%arg10 : memref<96x128xf32, #tpu.memory_space<vmem>>) dst(%dma_wait3A_1330 : memref<10240x128xf32, #tpu.memory_space<vmem_shared>>)
      %dma_start3A_1331 = arith.constant 11 : i32
      %dma_start3A_1332 = arith.constant 0 : i32
      %dma_start3A_1333 = tpu.memref_slice %arg6[%dma_start3A_1331, %dma_start3A_1332] : memref<16x96xi32, #tpu.memory_space<vmem>> -> memref<1x96xi32, #tpu.memory_space<vmem>>
      %dma_start3A_1334 = tpu.memref_squeeze %dma_start3A_1333 : memref<1x96xi32, #tpu.memory_space<vmem>> -> memref<96xi32, #tpu.memory_space<vmem>>
      %dma_start3A_1335 = arith.constant 0 : i32
      %dma_start3A_1336 = arith.constant 0 : i32
      %dma_start3A_1337 = tpu.memref_slice %arg2[%dma_start3A_1335, %dma_start3A_1336] : memref<10000x128xf32, #tpu.memory_space<hbm>> -> memref<10000x128xf32, #tpu.memory_space<hbm>>
      tpu.enqueue_indirect_dma source(%dma_start3A_1337 : memref<10000x128xf32, #tpu.memory_space<hbm>>) target(%arg10 : memref<96x128xf32, #tpu.memory_space<vmem>>) offsets(%dma_start3A_1334 : memref<96xi32, #tpu.memory_space<vmem>>) semaphore(%arg14 : memref<!tpu.dma_semaphore, #tpu.memory_space<semaphore_mem>>)
      %dma_wait3A_1338 = arith.constant 10 : i32
      %dma_wait3A_1339 = arith.constant 0 : i32
      %dma_wait3A_1340 = tpu.memref_slice %arg6[%dma_wait3A_1338, %dma_wait3A_1339] : memref<16x96xi32, #tpu.memory_space<vmem>> -> memref<1x96xi32, #tpu.memory_space<vmem>>
      %dma_wait3A_1341 = tpu.memref_squeeze %dma_wait3A_1340 : memref<1x96xi32, #tpu.memory_space<vmem>> -> memref<96xi32, #tpu.memory_space<vmem>>
      %dma_wait3A_1342 = arith.constant 0 : i32
      %dma_wait3A_1343 = arith.constant 0 : i32
      %dma_wait3A_1344 = tpu.memref_slice %arg2[%dma_wait3A_1342, %dma_wait3A_1343] : memref<10000x128xf32, #tpu.memory_space<hbm>> -> memref<10000x128xf32, #tpu.memory_space<hbm>>
      tpu.wait_indirect_dma semaphore(%arg13 : memref<!tpu.dma_semaphore, #tpu.memory_space<semaphore_mem>>) src(%dma_wait3A_1344 : memref<10000x128xf32, #tpu.memory_space<hbm>>) dst(%arg9 : memref<96x128xf32, #tpu.memory_space<vmem>>)
      %dma_start3A_1345 = arith.constant 10 : i32
      %dma_start3A_1346 = arith.constant 0 : i32
      %dma_start3A_1347 = tpu.memref_slice %arg7[%dma_start3A_1345, %dma_start3A_1346] : memref<16x96xi32, #tpu.memory_space<vmem>> -> memref<1x96xi32, #tpu.memory_space<vmem>>
      %dma_start3A_1348 = tpu.memref_squeeze %dma_start3A_1347 : memref<1x96xi32, #tpu.memory_space<vmem>> -> memref<96xi32, #tpu.memory_space<vmem>>
      %dma_start3A_1349 = arith.constant 0 : i32
      %dma_start3A_1350 = arith.constant 0 : i32
      %dma_start3A_1351 = tpu.memref_slice %arg11[%dma_start3A_1349, %dma_start3A_1350] : memref<10240x128xf32, #tpu.memory_space<vmem_shared>> -> memref<10240x128xf32, #tpu.memory_space<vmem_shared>>
      tpu.enqueue_indirect_dma source(%arg9 : memref<96x128xf32, #tpu.memory_space<vmem>>) target(%dma_start3A_1351 : memref<10240x128xf32, #tpu.memory_space<vmem_shared>>) offsets(%dma_start3A_1348 : memref<96xi32, #tpu.memory_space<vmem>>) semaphore(%arg16 : memref<!tpu.dma_semaphore, #tpu.memory_space<semaphore_mem>>) {add = true}
      %dma_wait3A_1352 = arith.constant 9 : i32
      %dma_wait3A_1353 = arith.constant 0 : i32
      %dma_wait3A_1354 = tpu.memref_slice %arg7[%dma_wait3A_1352, %dma_wait3A_1353] : memref<16x96xi32, #tpu.memory_space<vmem>> -> memref<1x96xi32, #tpu.memory_space<vmem>>
      %dma_wait3A_1355 = tpu.memref_squeeze %dma_wait3A_1354 : memref<1x96xi32, #tpu.memory_space<vmem>> -> memref<96xi32, #tpu.memory_space<vmem>>
      %dma_wait3A_1356 = arith.constant 0 : i32
      %dma_wait3A_1357 = arith.constant 0 : i32
      %dma_wait3A_1358 = tpu.memref_slice %arg11[%dma_wait3A_1356, %dma_wait3A_1357] : memref<10240x128xf32, #tpu.memory_space<vmem_shared>> -> memref<10240x128xf32, #tpu.memory_space<vmem_shared>>
      tpu.wait_indirect_dma semaphore(%arg15 : memref<!tpu.dma_semaphore, #tpu.memory_space<semaphore_mem>>) src(%arg8 : memref<96x128xf32, #tpu.memory_space<vmem>>) dst(%dma_wait3A_1358 : memref<10240x128xf32, #tpu.memory_space<vmem_shared>>)
      %dma_start3A_1359 = arith.constant 12 : i32
      %dma_start3A_1360 = arith.constant 0 : i32
      %dma_start3A_1361 = tpu.memref_slice %arg6[%dma_start3A_1359, %dma_start3A_1360] : memref<16x96xi32, #tpu.memory_space<vmem>> -> memref<1x96xi32, #tpu.memory_space<vmem>>
      %dma_start3A_1362 = tpu.memref_squeeze %dma_start3A_1361 : memref<1x96xi32, #tpu.memory_space<vmem>> -> memref<96xi32, #tpu.memory_space<vmem>>
      %dma_start3A_1363 = arith.constant 0 : i32
      %dma_start3A_1364 = arith.constant 0 : i32
      %dma_start3A_1365 = tpu.memref_slice %arg2[%dma_start3A_1363, %dma_start3A_1364] : memref<10000x128xf32, #tpu.memory_space<hbm>> -> memref<10000x128xf32, #tpu.memory_space<hbm>>
      tpu.enqueue_indirect_dma source(%dma_start3A_1365 : memref<10000x128xf32, #tpu.memory_space<hbm>>) target(%arg8 : memref<96x128xf32, #tpu.memory_space<vmem>>) offsets(%dma_start3A_1362 : memref<96xi32, #tpu.memory_space<vmem>>) semaphore(%arg12 : memref<!tpu.dma_semaphore, #tpu.memory_space<semaphore_mem>>)
      %dma_wait3A_1366 = arith.constant 11 : i32
      %dma_wait3A_1367 = arith.constant 0 : i32
      %dma_wait3A_1368 = tpu.memref_slice %arg6[%dma_wait3A_1366, %dma_wait3A_1367] : memref<16x96xi32, #tpu.memory_space<vmem>> -> memref<1x96xi32, #tpu.memory_space<vmem>>
      %dma_wait3A_1369 = tpu.memref_squeeze %dma_wait3A_1368 : memref<1x96xi32, #tpu.memory_space<vmem>> -> memref<96xi32, #tpu.memory_space<vmem>>
      %dma_wait3A_1370 = arith.constant 0 : i32
      %dma_wait3A_1371 = arith.constant 0 : i32
      %dma_wait3A_1372 = tpu.memref_slice %arg2[%dma_wait3A_1370, %dma_wait3A_1371] : memref<10000x128xf32, #tpu.memory_space<hbm>> -> memref<10000x128xf32, #tpu.memory_space<hbm>>
      tpu.wait_indirect_dma semaphore(%arg14 : memref<!tpu.dma_semaphore, #tpu.memory_space<semaphore_mem>>) src(%dma_wait3A_1372 : memref<10000x128xf32, #tpu.memory_space<hbm>>) dst(%arg10 : memref<96x128xf32, #tpu.memory_space<vmem>>)
      %dma_start3A_1373 = arith.constant 11 : i32
      %dma_start3A_1374 = arith.constant 0 : i32
      %dma_start3A_1375 = tpu.memref_slice %arg7[%dma_start3A_1373, %dma_start3A_1374] : memref<16x96xi32, #tpu.memory_space<vmem>> -> memref<1x96xi32, #tpu.memory_space<vmem>>
      %dma_start3A_1376 = tpu.memref_squeeze %dma_start3A_1375 : memref<1x96xi32, #tpu.memory_space<vmem>> -> memref<96xi32, #tpu.memory_space<vmem>>
      %dma_start3A_1377 = arith.constant 0 : i32
      %dma_start3A_1378 = arith.constant 0 : i32
      %dma_start3A_1379 = tpu.memref_slice %arg11[%dma_start3A_1377, %dma_start3A_1378] : memref<10240x128xf32, #tpu.memory_space<vmem_shared>> -> memref<10240x128xf32, #tpu.memory_space<vmem_shared>>
      tpu.enqueue_indirect_dma source(%arg10 : memref<96x128xf32, #tpu.memory_space<vmem>>) target(%dma_start3A_1379 : memref<10240x128xf32, #tpu.memory_space<vmem_shared>>) offsets(%dma_start3A_1376 : memref<96xi32, #tpu.memory_space<vmem>>) semaphore(%arg17 : memref<!tpu.dma_semaphore, #tpu.memory_space<semaphore_mem>>) {add = true}
      %dma_wait3A_1380 = arith.constant 10 : i32
      %dma_wait3A_1381 = arith.constant 0 : i32
      %dma_wait3A_1382 = tpu.memref_slice %arg7[%dma_wait3A_1380, %dma_wait3A_1381] : memref<16x96xi32, #tpu.memory_space<vmem>> -> memref<1x96xi32, #tpu.memory_space<vmem>>
      %dma_wait3A_1383 = tpu.memref_squeeze %dma_wait3A_1382 : memref<1x96xi32, #tpu.memory_space<vmem>> -> memref<96xi32, #tpu.memory_space<vmem>>
      %dma_wait3A_1384 = arith.constant 0 : i32
      %dma_wait3A_1385 = arith.constant 0 : i32
      %dma_wait3A_1386 = tpu.memref_slice %arg11[%dma_wait3A_1384, %dma_wait3A_1385] : memref<10240x128xf32, #tpu.memory_space<vmem_shared>> -> memref<10240x128xf32, #tpu.memory_space<vmem_shared>>
      tpu.wait_indirect_dma semaphore(%arg16 : memref<!tpu.dma_semaphore, #tpu.memory_space<semaphore_mem>>) src(%arg9 : memref<96x128xf32, #tpu.memory_space<vmem>>) dst(%dma_wait3A_1386 : memref<10240x128xf32, #tpu.memory_space<vmem_shared>>)
      %dma_start3A_1387 = arith.constant 13 : i32
      %dma_start3A_1388 = arith.constant 0 : i32
      %dma_start3A_1389 = tpu.memref_slice %arg6[%dma_start3A_1387, %dma_start3A_1388] : memref<16x96xi32, #tpu.memory_space<vmem>> -> memref<1x96xi32, #tpu.memory_space<vmem>>
      %dma_start3A_1390 = tpu.memref_squeeze %dma_start3A_1389 : memref<1x96xi32, #tpu.memory_space<vmem>> -> memref<96xi32, #tpu.memory_space<vmem>>
      %dma_start3A_1391 = arith.constant 0 : i32
      %dma_start3A_1392 = arith.constant 0 : i32
      %dma_start3A_1393 = tpu.memref_slice %arg2[%dma_start3A_1391, %dma_start3A_1392] : memref<10000x128xf32, #tpu.memory_space<hbm>> -> memref<10000x128xf32, #tpu.memory_space<hbm>>
      tpu.enqueue_indirect_dma source(%dma_start3A_1393 : memref<10000x128xf32, #tpu.memory_space<hbm>>) target(%arg9 : memref<96x128xf32, #tpu.memory_space<vmem>>) offsets(%dma_start3A_1390 : memref<96xi32, #tpu.memory_space<vmem>>) semaphore(%arg13 : memref<!tpu.dma_semaphore, #tpu.memory_space<semaphore_mem>>)
      %dma_wait3A_1394 = arith.constant 12 : i32
      %dma_wait3A_1395 = arith.constant 0 : i32
      %dma_wait3A_1396 = tpu.memref_slice %arg6[%dma_wait3A_1394, %dma_wait3A_1395] : memref<16x96xi32, #tpu.memory_space<vmem>> -> memref<1x96xi32, #tpu.memory_space<vmem>>
      %dma_wait3A_1397 = tpu.memref_squeeze %dma_wait3A_1396 : memref<1x96xi32, #tpu.memory_space<vmem>> -> memref<96xi32, #tpu.memory_space<vmem>>
      %dma_wait3A_1398 = arith.constant 0 : i32
      %dma_wait3A_1399 = arith.constant 0 : i32
      %dma_wait3A_1400 = tpu.memref_slice %arg2[%dma_wait3A_1398, %dma_wait3A_1399] : memref<10000x128xf32, #tpu.memory_space<hbm>> -> memref<10000x128xf32, #tpu.memory_space<hbm>>
      tpu.wait_indirect_dma semaphore(%arg12 : memref<!tpu.dma_semaphore, #tpu.memory_space<semaphore_mem>>) src(%dma_wait3A_1400 : memref<10000x128xf32, #tpu.memory_space<hbm>>) dst(%arg8 : memref<96x128xf32, #tpu.memory_space<vmem>>)
      %dma_start3A_1401 = arith.constant 12 : i32
      %dma_start3A_1402 = arith.constant 0 : i32
      %dma_start3A_1403 = tpu.memref_slice %arg7[%dma_start3A_1401, %dma_start3A_1402] : memref<16x96xi32, #tpu.memory_space<vmem>> -> memref<1x96xi32, #tpu.memory_space<vmem>>
      %dma_start3A_1404 = tpu.memref_squeeze %dma_start3A_1403 : memref<1x96xi32, #tpu.memory_space<vmem>> -> memref<96xi32, #tpu.memory_space<vmem>>
      %dma_start3A_1405 = arith.constant 0 : i32
      %dma_start3A_1406 = arith.constant 0 : i32
      %dma_start3A_1407 = tpu.memref_slice %arg11[%dma_start3A_1405, %dma_start3A_1406] : memref<10240x128xf32, #tpu.memory_space<vmem_shared>> -> memref<10240x128xf32, #tpu.memory_space<vmem_shared>>
      tpu.enqueue_indirect_dma source(%arg8 : memref<96x128xf32, #tpu.memory_space<vmem>>) target(%dma_start3A_1407 : memref<10240x128xf32, #tpu.memory_space<vmem_shared>>) offsets(%dma_start3A_1404 : memref<96xi32, #tpu.memory_space<vmem>>) semaphore(%arg15 : memref<!tpu.dma_semaphore, #tpu.memory_space<semaphore_mem>>) {add = true}
      %dma_wait3A_1408 = arith.constant 11 : i32
      %dma_wait3A_1409 = arith.constant 0 : i32
      %dma_wait3A_1410 = tpu.memref_slice %arg7[%dma_wait3A_1408, %dma_wait3A_1409] : memref<16x96xi32, #tpu.memory_space<vmem>> -> memref<1x96xi32, #tpu.memory_space<vmem>>
      %dma_wait3A_1411 = tpu.memref_squeeze %dma_wait3A_1410 : memref<1x96xi32, #tpu.memory_space<vmem>> -> memref<96xi32, #tpu.memory_space<vmem>>
      %dma_wait3A_1412 = arith.constant 0 : i32
      %dma_wait3A_1413 = arith.constant 0 : i32
      %dma_wait3A_1414 = tpu.memref_slice %arg11[%dma_wait3A_1412, %dma_wait3A_1413] : memref<10240x128xf32, #tpu.memory_space<vmem_shared>> -> memref<10240x128xf32, #tpu.memory_space<vmem_shared>>
      tpu.wait_indirect_dma semaphore(%arg17 : memref<!tpu.dma_semaphore, #tpu.memory_space<semaphore_mem>>) src(%arg10 : memref<96x128xf32, #tpu.memory_space<vmem>>) dst(%dma_wait3A_1414 : memref<10240x128xf32, #tpu.memory_space<vmem_shared>>)
      %dma_start3A_1415 = arith.constant 14 : i32
      %dma_start3A_1416 = arith.constant 0 : i32
      %dma_start3A_1417 = tpu.memref_slice %arg6[%dma_start3A_1415, %dma_start3A_1416] : memref<16x96xi32, #tpu.memory_space<vmem>> -> memref<1x96xi32, #tpu.memory_space<vmem>>
      %dma_start3A_1418 = tpu.memref_squeeze %dma_start3A_1417 : memref<1x96xi32, #tpu.memory_space<vmem>> -> memref<96xi32, #tpu.memory_space<vmem>>
      %dma_start3A_1419 = arith.constant 0 : i32
      %dma_start3A_1420 = arith.constant 0 : i32
      %dma_start3A_1421 = tpu.memref_slice %arg2[%dma_start3A_1419, %dma_start3A_1420] : memref<10000x128xf32, #tpu.memory_space<hbm>> -> memref<10000x128xf32, #tpu.memory_space<hbm>>
      tpu.enqueue_indirect_dma source(%dma_start3A_1421 : memref<10000x128xf32, #tpu.memory_space<hbm>>) target(%arg10 : memref<96x128xf32, #tpu.memory_space<vmem>>) offsets(%dma_start3A_1418 : memref<96xi32, #tpu.memory_space<vmem>>) semaphore(%arg14 : memref<!tpu.dma_semaphore, #tpu.memory_space<semaphore_mem>>)
      %dma_wait3A_1422 = arith.constant 13 : i32
      %dma_wait3A_1423 = arith.constant 0 : i32
      %dma_wait3A_1424 = tpu.memref_slice %arg6[%dma_wait3A_1422, %dma_wait3A_1423] : memref<16x96xi32, #tpu.memory_space<vmem>> -> memref<1x96xi32, #tpu.memory_space<vmem>>
      %dma_wait3A_1425 = tpu.memref_squeeze %dma_wait3A_1424 : memref<1x96xi32, #tpu.memory_space<vmem>> -> memref<96xi32, #tpu.memory_space<vmem>>
      %dma_wait3A_1426 = arith.constant 0 : i32
      %dma_wait3A_1427 = arith.constant 0 : i32
      %dma_wait3A_1428 = tpu.memref_slice %arg2[%dma_wait3A_1426, %dma_wait3A_1427] : memref<10000x128xf32, #tpu.memory_space<hbm>> -> memref<10000x128xf32, #tpu.memory_space<hbm>>
      tpu.wait_indirect_dma semaphore(%arg13 : memref<!tpu.dma_semaphore, #tpu.memory_space<semaphore_mem>>) src(%dma_wait3A_1428 : memref<10000x128xf32, #tpu.memory_space<hbm>>) dst(%arg9 : memref<96x128xf32, #tpu.memory_space<vmem>>)
      %dma_start3A_1429 = arith.constant 13 : i32
      %dma_start3A_1430 = arith.constant 0 : i32
      %dma_start3A_1431 = tpu.memref_slice %arg7[%dma_start3A_1429, %dma_start3A_1430] : memref<16x96xi32, #tpu.memory_space<vmem>> -> memref<1x96xi32, #tpu.memory_space<vmem>>
      %dma_start3A_1432 = tpu.memref_squeeze %dma_start3A_1431 : memref<1x96xi32, #tpu.memory_space<vmem>> -> memref<96xi32, #tpu.memory_space<vmem>>
      %dma_start3A_1433 = arith.constant 0 : i32
      %dma_start3A_1434 = arith.constant 0 : i32
      %dma_start3A_1435 = tpu.memref_slice %arg11[%dma_start3A_1433, %dma_start3A_1434] : memref<10240x128xf32, #tpu.memory_space<vmem_shared>> -> memref<10240x128xf32, #tpu.memory_space<vmem_shared>>
      tpu.enqueue_indirect_dma source(%arg9 : memref<96x128xf32, #tpu.memory_space<vmem>>) target(%dma_start3A_1435 : memref<10240x128xf32, #tpu.memory_space<vmem_shared>>) offsets(%dma_start3A_1432 : memref<96xi32, #tpu.memory_space<vmem>>) semaphore(%arg16 : memref<!tpu.dma_semaphore, #tpu.memory_space<semaphore_mem>>) {add = true}
      %dma_wait3A_1436 = arith.constant 12 : i32
      %dma_wait3A_1437 = arith.constant 0 : i32
      %dma_wait3A_1438 = tpu.memref_slice %arg7[%dma_wait3A_1436, %dma_wait3A_1437] : memref<16x96xi32, #tpu.memory_space<vmem>> -> memref<1x96xi32, #tpu.memory_space<vmem>>
      %dma_wait3A_1439 = tpu.memref_squeeze %dma_wait3A_1438 : memref<1x96xi32, #tpu.memory_space<vmem>> -> memref<96xi32, #tpu.memory_space<vmem>>
      %dma_wait3A_1440 = arith.constant 0 : i32
      %dma_wait3A_1441 = arith.constant 0 : i32
      %dma_wait3A_1442 = tpu.memref_slice %arg11[%dma_wait3A_1440, %dma_wait3A_1441] : memref<10240x128xf32, #tpu.memory_space<vmem_shared>> -> memref<10240x128xf32, #tpu.memory_space<vmem_shared>>
      tpu.wait_indirect_dma semaphore(%arg15 : memref<!tpu.dma_semaphore, #tpu.memory_space<semaphore_mem>>) src(%arg8 : memref<96x128xf32, #tpu.memory_space<vmem>>) dst(%dma_wait3A_1442 : memref<10240x128xf32, #tpu.memory_space<vmem_shared>>)
      %dma_start3A_1443 = arith.constant 15 : i32
      %dma_start3A_1444 = arith.constant 0 : i32
      %dma_start3A_1445 = tpu.memref_slice %arg6[%dma_start3A_1443, %dma_start3A_1444] : memref<16x96xi32, #tpu.memory_space<vmem>> -> memref<1x96xi32, #tpu.memory_space<vmem>>
      %dma_start3A_1446 = tpu.memref_squeeze %dma_start3A_1445 : memref<1x96xi32, #tpu.memory_space<vmem>> -> memref<96xi32, #tpu.memory_space<vmem>>
      %dma_start3A_1447 = arith.constant 0 : i32
      %dma_start3A_1448 = arith.constant 0 : i32
      %dma_start3A_1449 = tpu.memref_slice %arg2[%dma_start3A_1447, %dma_start3A_1448] : memref<10000x128xf32, #tpu.memory_space<hbm>> -> memref<10000x128xf32, #tpu.memory_space<hbm>>
      tpu.enqueue_indirect_dma source(%dma_start3A_1449 : memref<10000x128xf32, #tpu.memory_space<hbm>>) target(%arg8 : memref<96x128xf32, #tpu.memory_space<vmem>>) offsets(%dma_start3A_1446 : memref<96xi32, #tpu.memory_space<vmem>>) semaphore(%arg12 : memref<!tpu.dma_semaphore, #tpu.memory_space<semaphore_mem>>)
      %dma_wait3A_1450 = arith.constant 14 : i32
      %dma_wait3A_1451 = arith.constant 0 : i32
      %dma_wait3A_1452 = tpu.memref_slice %arg6[%dma_wait3A_1450, %dma_wait3A_1451] : memref<16x96xi32, #tpu.memory_space<vmem>> -> memref<1x96xi32, #tpu.memory_space<vmem>>
      %dma_wait3A_1453 = tpu.memref_squeeze %dma_wait3A_1452 : memref<1x96xi32, #tpu.memory_space<vmem>> -> memref<96xi32, #tpu.memory_space<vmem>>
      %dma_wait3A_1454 = arith.constant 0 : i32
      %dma_wait3A_1455 = arith.constant 0 : i32
      %dma_wait3A_1456 = tpu.memref_slice %arg2[%dma_wait3A_1454, %dma_wait3A_1455] : memref<10000x128xf32, #tpu.memory_space<hbm>> -> memref<10000x128xf32, #tpu.memory_space<hbm>>
      tpu.wait_indirect_dma semaphore(%arg14 : memref<!tpu.dma_semaphore, #tpu.memory_space<semaphore_mem>>) src(%dma_wait3A_1456 : memref<10000x128xf32, #tpu.memory_space<hbm>>) dst(%arg10 : memref<96x128xf32, #tpu.memory_space<vmem>>)
      %dma_start3A_1457 = arith.constant 14 : i32
      %dma_start3A_1458 = arith.constant 0 : i32
      %dma_start3A_1459 = tpu.memref_slice %arg7[%dma_start3A_1457, %dma_start3A_1458] : memref<16x96xi32, #tpu.memory_space<vmem>> -> memref<1x96xi32, #tpu.memory_space<vmem>>
      %dma_start3A_1460 = tpu.memref_squeeze %dma_start3A_1459 : memref<1x96xi32, #tpu.memory_space<vmem>> -> memref<96xi32, #tpu.memory_space<vmem>>
      %dma_start3A_1461 = arith.constant 0 : i32
      %dma_start3A_1462 = arith.constant 0 : i32
      %dma_start3A_1463 = tpu.memref_slice %arg11[%dma_start3A_1461, %dma_start3A_1462] : memref<10240x128xf32, #tpu.memory_space<vmem_shared>> -> memref<10240x128xf32, #tpu.memory_space<vmem_shared>>
      tpu.enqueue_indirect_dma source(%arg10 : memref<96x128xf32, #tpu.memory_space<vmem>>) target(%dma_start3A_1463 : memref<10240x128xf32, #tpu.memory_space<vmem_shared>>) offsets(%dma_start3A_1460 : memref<96xi32, #tpu.memory_space<vmem>>) semaphore(%arg17 : memref<!tpu.dma_semaphore, #tpu.memory_space<semaphore_mem>>) {add = true}
      %dma_wait3A_1464 = arith.constant 15 : i32
      %dma_wait3A_1465 = arith.constant 0 : i32
      %dma_wait3A_1466 = tpu.memref_slice %arg6[%dma_wait3A_1464, %dma_wait3A_1465] : memref<16x96xi32, #tpu.memory_space<vmem>> -> memref<1x96xi32, #tpu.memory_space<vmem>>
      %dma_wait3A_1467 = tpu.memref_squeeze %dma_wait3A_1466 : memref<1x96xi32, #tpu.memory_space<vmem>> -> memref<96xi32, #tpu.memory_space<vmem>>
      %dma_wait3A_1468 = arith.constant 0 : i32
      %dma_wait3A_1469 = arith.constant 0 : i32
      %dma_wait3A_1470 = tpu.memref_slice %arg2[%dma_wait3A_1468, %dma_wait3A_1469] : memref<10000x128xf32, #tpu.memory_space<hbm>> -> memref<10000x128xf32, #tpu.memory_space<hbm>>
      tpu.wait_indirect_dma semaphore(%arg12 : memref<!tpu.dma_semaphore, #tpu.memory_space<semaphore_mem>>) src(%dma_wait3A_1470 : memref<10000x128xf32, #tpu.memory_space<hbm>>) dst(%arg8 : memref<96x128xf32, #tpu.memory_space<vmem>>)
      %dma_start3A_1471 = arith.constant 15 : i32
      %dma_start3A_1472 = arith.constant 0 : i32
      %dma_start3A_1473 = tpu.memref_slice %arg7[%dma_start3A_1471, %dma_start3A_1472] : memref<16x96xi32, #tpu.memory_space<vmem>> -> memref<1x96xi32, #tpu.memory_space<vmem>>
      %dma_start3A_1474 = tpu.memref_squeeze %dma_start3A_1473 : memref<1x96xi32, #tpu.memory_space<vmem>> -> memref<96xi32, #tpu.memory_space<vmem>>
      %dma_start3A_1475 = arith.constant 0 : i32
      %dma_start3A_1476 = arith.constant 0 : i32
      %dma_start3A_1477 = tpu.memref_slice %arg11[%dma_start3A_1475, %dma_start3A_1476] : memref<10240x128xf32, #tpu.memory_space<vmem_shared>> -> memref<10240x128xf32, #tpu.memory_space<vmem_shared>>
      tpu.enqueue_indirect_dma source(%arg8 : memref<96x128xf32, #tpu.memory_space<vmem>>) target(%dma_start3A_1477 : memref<10240x128xf32, #tpu.memory_space<vmem_shared>>) offsets(%dma_start3A_1474 : memref<96xi32, #tpu.memory_space<vmem>>) semaphore(%arg15 : memref<!tpu.dma_semaphore, #tpu.memory_space<semaphore_mem>>) {add = true}
      %dma_wait3A_1478 = arith.constant 13 : i32
      %dma_wait3A_1479 = arith.constant 0 : i32
      %dma_wait3A_1480 = tpu.memref_slice %arg7[%dma_wait3A_1478, %dma_wait3A_1479] : memref<16x96xi32, #tpu.memory_space<vmem>> -> memref<1x96xi32, #tpu.memory_space<vmem>>
      %dma_wait3A_1481 = tpu.memref_squeeze %dma_wait3A_1480 : memref<1x96xi32, #tpu.memory_space<vmem>> -> memref<96xi32, #tpu.memory_space<vmem>>
      %dma_wait3A_1482 = arith.constant 0 : i32
      %dma_wait3A_1483 = arith.constant 0 : i32
      %dma_wait3A_1484 = tpu.memref_slice %arg11[%dma_wait3A_1482, %dma_wait3A_1483] : memref<10240x128xf32, #tpu.memory_space<vmem_shared>> -> memref<10240x128xf32, #tpu.memory_space<vmem_shared>>
      tpu.wait_indirect_dma semaphore(%arg16 : memref<!tpu.dma_semaphore, #tpu.memory_space<semaphore_mem>>) src(%arg9 : memref<96x128xf32, #tpu.memory_space<vmem>>) dst(%dma_wait3A_1484 : memref<10240x128xf32, #tpu.memory_space<vmem_shared>>)
      %dma_wait3A_1485 = arith.constant 14 : i32
      %dma_wait3A_1486 = arith.constant 0 : i32
      %dma_wait3A_1487 = tpu.memref_slice %arg7[%dma_wait3A_1485, %dma_wait3A_1486] : memref<16x96xi32, #tpu.memory_space<vmem>> -> memref<1x96xi32, #tpu.memory_space<vmem>>
      %dma_wait3A_1488 = tpu.memref_squeeze %dma_wait3A_1487 : memref<1x96xi32, #tpu.memory_space<vmem>> -> memref<96xi32, #tpu.memory_space<vmem>>
      %dma_wait3A_1489 = arith.constant 0 : i32
      %dma_wait3A_1490 = arith.constant 0 : i32
      %dma_wait3A_1491 = tpu.memref_slice %arg11[%dma_wait3A_1489, %dma_wait3A_1490] : memref<10240x128xf32, #tpu.memory_space<vmem_shared>> -> memref<10240x128xf32, #tpu.memory_space<vmem_shared>>
      tpu.wait_indirect_dma semaphore(%arg17 : memref<!tpu.dma_semaphore, #tpu.memory_space<semaphore_mem>>) src(%arg10 : memref<96x128xf32, #tpu.memory_space<vmem>>) dst(%dma_wait3A_1491 : memref<10240x128xf32, #tpu.memory_space<vmem_shared>>)
      %dma_wait3A_1492 = arith.constant 15 : i32
      %dma_wait3A_1493 = arith.constant 0 : i32
      %dma_wait3A_1494 = tpu.memref_slice %arg7[%dma_wait3A_1492, %dma_wait3A_1493] : memref<16x96xi32, #tpu.memory_space<vmem>> -> memref<1x96xi32, #tpu.memory_space<vmem>>
      %dma_wait3A_1495 = tpu.memref_squeeze %dma_wait3A_1494 : memref<1x96xi32, #tpu.memory_space<vmem>> -> memref<96xi32, #tpu.memory_space<vmem>>
      %dma_wait3A_1496 = arith.constant 0 : i32
      %dma_wait3A_1497 = arith.constant 0 : i32
      %dma_wait3A_1498 = tpu.memref_slice %arg11[%dma_wait3A_1496, %dma_wait3A_1497] : memref<10240x128xf32, #tpu.memory_space<vmem_shared>> -> memref<10240x128xf32, #tpu.memory_space<vmem_shared>>
      tpu.wait_indirect_dma semaphore(%arg15 : memref<!tpu.dma_semaphore, #tpu.memory_space<semaphore_mem>>) src(%arg8 : memref<96x128xf32, #tpu.memory_space<vmem>>) dst(%dma_wait3A_1498 : memref<10240x128xf32, #tpu.memory_space<vmem_shared>>)
    }
    %scan3A_1033 = arith.constant 7 : i32
    %barrier3A_1034 = arith.constant 0 : index
    tpu.barrier barrier_id(%barrier3A_1034)
    %mul3A_1035 = arith.constant 640 : i32
    %mul3A_1036 = arith.muli %arg1, %mul3A_1035 : i32
    %mul3A_1037 = arith.constant 10240 : i32
    %mul3A_1038 = arith.muli %arg0, %mul3A_1037 : i32
    %mul3A_1039 = arith.constant 640 : i32
    %mul3A_1040 = arith.muli %arg1, %mul3A_1039 : i32
    %add3A_1041 = arith.addi %mul3A_1038, %mul3A_1040 : i32
    "tpu.region"() ({
      %run_scoped3A = tpu.sem_alloc : memref<!tpu.dma_semaphore, #tpu.memory_space<semaphore_mem>>
      %dma_start3A = arith.constant 0 : i32
      %dma_start3A_1042 = tpu.memref_slice %arg5[%add3A_1041, %dma_start3A] : memref<20480x128xf32, #tpu.memory_space<hbm>> -> memref<640x128xf32, #tpu.memory_space<hbm>>
      %dma_start3A_1043 = arith.constant 0 : i32
      %dma_start3A_1044 = tpu.memref_slice %arg11[%mul3A_1036, %dma_start3A_1043] : memref<10240x128xf32, #tpu.memory_space<vmem_shared>> -> memref<640x128xf32, #tpu.memory_space<vmem_shared>>
      tpu.enqueue_dma source(%dma_start3A_1044 : memref<640x128xf32, #tpu.memory_space<vmem_shared>>) target(%dma_start3A_1042 : memref<640x128xf32, #tpu.memory_space<hbm>>) target_semaphore(%run_scoped3A : memref<!tpu.dma_semaphore, #tpu.memory_space<semaphore_mem>>)
      %dma_wait3A = arith.constant 0 : i32
      %dma_wait3A_1045 = tpu.memref_slice %arg5[%add3A_1041, %dma_wait3A] : memref<20480x128xf32, #tpu.memory_space<hbm>> -> memref<640x128xf32, #tpu.memory_space<hbm>>
      %dma_wait3A_1046 = arith.constant 0 : i32
      %dma_wait3A_1047 = tpu.memref_slice %arg11[%mul3A_1036, %dma_wait3A_1046] : memref<10240x128xf32, #tpu.memory_space<vmem_shared>> -> memref<640x128xf32, #tpu.memory_space<vmem_shared>>
      tpu.wait_dma2 semaphore(%run_scoped3A : memref<!tpu.dma_semaphore, #tpu.memory_space<semaphore_mem>>) src(%dma_wait3A_1047 : memref<640x128xf32, #tpu.memory_space<vmem_shared>>) dst(%dma_wait3A_1045 : memref<640x128xf32, #tpu.memory_space<hbm>>)
      tpu.yield
    }) : () -> ()
    return
  }
}

module attributes {stable_mosaic.version = 14 : i64} {
  func.func @_pre_body(%arg0: memref<10000x2xf32, #tpu.memory_space<vmem>>, %arg1: memref<10000x128xf32, #tpu.memory_space<vmem>>, %arg2: memref<128x128xf32, #tpu.memory_space<vmem>>, %arg3: memref<10000x128xf32, #tpu.memory_space<vmem>>, %arg4: memref<10000x1xf32, #tpu.memory_space<vmem>>) attributes {dimension_semantics = [], scalar_prefetch = 0 : i64, scratch_operands = 0 : i64, tpu.core_type = #tpu.core_type<tc>} {
    %get3A = arith.constant 0 : index
    %get3A_0 = arith.constant 0 : index
    %get3A_1 = vector.load %arg0[%get3A, %get3A_0] : memref<10000x2xf32, #tpu.memory_space<vmem>>, vector<10000x1xf32>
    %get3A_2 = arith.constant 0 : index
    %get3A_3 = arith.constant 1 : index
    %get3A_4 = vector.load %arg0[%get3A_2, %get3A_3] : memref<10000x2xf32, #tpu.memory_space<vmem>>, vector<10000x1xf32>
    %add3A = arith.addf %get3A_1, %get3A_4 : vector<10000x1xf32>
    %add3A_5 = arith.constant 1.000000e+00 : f32
    %add3A_6 = vector.broadcast %add3A_5 : f32 to vector<10000x1xf32>
    %add3A_7 = arith.addf %add3A, %add3A_6 : vector<10000x1xf32>
    %rsqrt3A = math.rsqrt %add3A_7 : vector<10000x1xf32>
    %swap3A = arith.constant 0 : index
    %swap3A_8 = arith.constant 0 : index
    %swap3A_9 = vector.load %arg4[%swap3A, %swap3A_8] : memref<10000x1xf32, #tpu.memory_space<vmem>>, vector<10000x1xf32>
    tpu.vector_store %arg4[%swap3A, %swap3A_8], %rsqrt3A {strides = array<i32>} : memref<10000x1xf32, #tpu.memory_space<vmem>>, vector<10000x1xf32>,
    %get3A_10 = arith.constant 0 : index
    %get3A_11 = arith.constant 0 : index
    %get3A_12 = vector.load %arg1[%get3A_10, %get3A_11] : memref<10000x128xf32, #tpu.memory_space<vmem>>, vector<10000x128xf32>
    %get3A_13 = arith.constant 0 : index
    %get3A_14 = arith.constant 0 : index
    %get3A_15 = vector.load %arg2[%get3A_13, %get3A_14] : memref<128x128xf32, #tpu.memory_space<vmem>>, vector<128x128xf32>
    %dot_general3A = arith.constant dense<0.000000e+00> : vector<10000x128xf32>
    %dot_general3A_16 = tpu.matmul %get3A_12, %get3A_15, %dot_general3A {dimension_numbers = #tpu.dot_dimension_numbers<[1], [0], [0], [1], [0, 0, 1, 1], [], []>, transpose_lhs_hint = false} : vector<10000x128xf32>, vector<128x128xf32>, vector<10000x128xf32> -> vector<10000x128xf32>
    %mul3A = vector.broadcast %rsqrt3A : vector<10000x1xf32> to vector<10000x128xf32>
    %mul3A_17 = arith.mulf %mul3A, %dot_general3A_16 : vector<10000x128xf32>
    %swap3A_18 = arith.constant 0 : index
    %swap3A_19 = arith.constant 0 : index
    %swap3A_20 = vector.load %arg3[%swap3A_18, %swap3A_19] : memref<10000x128xf32, #tpu.memory_space<vmem>>, vector<10000x128xf32>
    tpu.vector_store %arg3[%swap3A_18, %swap3A_19], %mul3A_17 {strides = array<i32>} : memref<10000x128xf32, #tpu.memory_space<vmem>>, vector<10000x128xf32>,
    return
  }
}

module attributes {stable_mosaic.version = 14 : i64} {
  func.func @_post_body(%arg0: memref<20480x128xf32, #tpu.memory_space<vmem>>, %arg1: memref<10000x128xf32, #tpu.memory_space<vmem>>, %arg2: memref<10000x1xf32, #tpu.memory_space<vmem>>, %arg3: memref<1x128xf32, #tpu.memory_space<vmem>>, %arg4: memref<1x10000xi32, #tpu.memory_space<vmem>>, %arg5: memref<128x10xf32, #tpu.memory_space<vmem>>, %arg6: memref<1x10xf32, #tpu.memory_space<vmem>>, %arg7: memref<64x10xf32, #tpu.memory_space<vmem>>) attributes {dimension_semantics = [], scalar_prefetch = 0 : i64, scratch_operands = 0 : i64, tpu.core_type = #tpu.core_type<tc>} {
    %get3A = arith.constant 0 : index
    %get3A_0 = arith.constant 0 : index
    %get3A_1 = vector.load %arg2[%get3A, %get3A_0] : memref<10000x1xf32, #tpu.memory_space<vmem>>, vector<10000x1xf32>
    %get3A_2 = arith.constant 0 : index
    %get3A_3 = arith.constant 0 : index
    %get3A_4 = vector.load %arg0[%get3A_2, %get3A_3] : memref<20480x128xf32, #tpu.memory_space<vmem>>, vector<10000x128xf32>
    %get3A_5 = arith.constant 10240 : index
    %get3A_6 = arith.constant 0 : index
    %get3A_7 = vector.load %arg0[%get3A_5, %get3A_6] : memref<20480x128xf32, #tpu.memory_space<vmem>>, vector<10000x128xf32>
    %add3A = arith.addf %get3A_4, %get3A_7 : vector<10000x128xf32>
    %get3A_8 = arith.constant 0 : index
    %get3A_9 = arith.constant 0 : index
    %get3A_10 = vector.load %arg1[%get3A_8, %get3A_9] : memref<10000x128xf32, #tpu.memory_space<vmem>>, vector<10000x128xf32>
    %add3A_11 = arith.addf %add3A, %get3A_10 : vector<10000x128xf32>
    %mul3A = vector.broadcast %get3A_1 : vector<10000x1xf32> to vector<10000x128xf32>
    %mul3A_12 = arith.mulf %mul3A, %add3A_11 : vector<10000x128xf32>
    %get3A_13 = arith.constant 0 : index
    %get3A_14 = arith.constant 0 : index
    %get3A_15 = vector.load %arg3[%get3A_13, %get3A_14] : memref<1x128xf32, #tpu.memory_space<vmem>>, vector<1x128xf32>
    %add3A_16 = vector.broadcast %get3A_15 : vector<1x128xf32> to vector<10000x128xf32>
    %add3A_17 = arith.addf %mul3A_12, %add3A_16 : vector<10000x128xf32>
    %get3A_18 = arith.constant 0 : index
    %get3A_19 = arith.constant 0 : index
    %get3A_20 = vector.load %arg5[%get3A_18, %get3A_19] : memref<128x10xf32, #tpu.memory_space<vmem>>, vector<128x10xf32>
    %dot_general3A = arith.constant dense<0.000000e+00> : vector<10000x10xf32>
    %dot_general3A_21 = tpu.matmul %add3A_17, %get3A_20, %dot_general3A {dimension_numbers = #tpu.dot_dimension_numbers<[1], [0], [0], [1], [0, 0, 1, 1], [], []>, transpose_lhs_hint = false} : vector<10000x128xf32>, vector<128x10xf32>, vector<10000x10xf32> -> vector<10000x10xf32>
    %iota3A = tpu.iota {dimensions = array<i32: 0>} : vector<64x1xi32>
    %get3A_22 = arith.constant 0 : index
    %get3A_23 = arith.constant 0 : index
    %get3A_24 = vector.load %arg4[%get3A_22, %get3A_23] : memref<1x10000xi32, #tpu.memory_space<vmem>>, vector<1x10000xi32>
    %eq3A = vector.broadcast %iota3A : vector<64x1xi32> to vector<64x10000xi32>
    %eq3A_25 = vector.broadcast %get3A_24 : vector<1x10000xi32> to vector<64x10000xi32>
    %eq3A_26 = arith.cmpi eq, %eq3A, %eq3A_25 : vector<64x10000xi32>
    %convert_element_type3A = arith.extui %eq3A_26 : vector<64x10000xi1> to vector<64x10000xi32>
    %convert_element_type3A_27 = arith.sitofp %convert_element_type3A : vector<64x10000xi32> to vector<64x10000xf32>
    %dot_general3A_28 = arith.constant dense<0.000000e+00> : vector<64x10xf32>
    %dot_general3A_29 = tpu.matmul %convert_element_type3A_27, %dot_general3A_21, %dot_general3A_28 {dimension_numbers = #tpu.dot_dimension_numbers<[1], [0], [0], [1], [0, 0, 1, 1], [], []>, transpose_lhs_hint = false} : vector<64x10000xf32>, vector<10000x10xf32>, vector<64x10xf32> -> vector<64x10xf32>
    %reduce_sum3A = arith.constant dense<0.000000e+00> : vector<64xf32>
    %reduce_sum3A_30 = vector.multi_reduction <add>, %convert_element_type3A_27, %reduce_sum3A [1] : vector<64x10000xf32> to vector<64xf32>
    %broadcast_in_dim3A = vector.shape_cast %reduce_sum3A_30 : vector<64xf32> to vector<64x1xf32>
    %max3A = arith.constant 1.000000e+00 : f32
    %max3A_31 = vector.broadcast %max3A : f32 to vector<64x1xf32>
    %max3A_32 = arith.maximumf %broadcast_in_dim3A, %max3A_31 : vector<64x1xf32>
    %div3A = vector.broadcast %max3A_32 : vector<64x1xf32> to vector<64x10xf32>
    %div3A_33 = arith.divf %dot_general3A_29, %div3A : vector<64x10xf32>
    %get3A_34 = arith.constant 0 : index
    %get3A_35 = arith.constant 0 : index
    %get3A_36 = vector.load %arg6[%get3A_34, %get3A_35] : memref<1x10xf32, #tpu.memory_space<vmem>>, vector<1x10xf32>
    %add3A_37 = vector.broadcast %get3A_36 : vector<1x10xf32> to vector<64x10xf32>
    %add3A_38 = arith.addf %div3A_33, %add3A_37 : vector<64x10xf32>
    %reduce_max3A = arith.constant dense<0xFF800000> : vector<64xf32>
    %reduce_max3A_39 = vector.multi_reduction <maximumf>, %add3A_38, %reduce_max3A [1] : vector<64x10xf32> to vector<64xf32>
    %broadcast_in_dim3A_40 = vector.shape_cast %reduce_max3A_39 : vector<64xf32> to vector<64x1xf32>
    %sub3A = vector.broadcast %broadcast_in_dim3A_40 : vector<64x1xf32> to vector<64x10xf32>
    %sub3A_41 = arith.subf %add3A_38, %sub3A : vector<64x10xf32>
    %exp3A = math.exp %sub3A_41 : vector<64x10xf32>
    %reduce_sum3A_42 = arith.constant dense<0.000000e+00> : vector<64xf32>
    %reduce_sum3A_43 = vector.multi_reduction <add>, %exp3A, %reduce_sum3A_42 [1] : vector<64x10xf32> to vector<64xf32>
    %broadcast_in_dim3A_44 = vector.shape_cast %reduce_sum3A_43 : vector<64xf32> to vector<64x1xf32>
    %log3A = math.log %broadcast_in_dim3A_44 : vector<64x1xf32>
    %sub3A_45 = vector.broadcast %log3A : vector<64x1xf32> to vector<64x10xf32>
    %sub3A_46 = arith.subf %sub3A_41, %sub3A_45 : vector<64x10xf32>
    %swap3A = arith.constant 0 : index
    %swap3A_47 = arith.constant 0 : index
    %swap3A_48 = vector.load %arg7[%swap3A, %swap3A_47] : memref<64x10xf32, #tpu.memory_space<vmem>>, vector<64x10xf32>
    tpu.vector_store %arg7[%swap3A, %swap3A_47], %sub3A_46 {strides = array<i32>} : memref<64x10xf32, #tpu.memory_space<vmem>>, vector<64x10xf32>,
    return
  }
}

module attributes {stable_mosaic.version = 14 : i64} {
  func.func @_mid_body(%arg0: memref<20480x128xf32, #tpu.memory_space<vmem>>, %arg1: memref<10000x128xf32, #tpu.memory_space<vmem>>, %arg2: memref<10000x1xf32, #tpu.memory_space<vmem>>, %arg3: memref<1x128xf32, #tpu.memory_space<vmem>>, %arg4: memref<1x1xf32, #tpu.memory_space<vmem>>, %arg5: memref<128x128xf32, #tpu.memory_space<vmem>>, %arg6: memref<10000x128xf32, #tpu.memory_space<vmem>>) attributes {dimension_semantics = [], scalar_prefetch = 0 : i64, scratch_operands = 0 : i64, tpu.core_type = #tpu.core_type<tc>} {
    %get3A = arith.constant 0 : index
    %get3A_0 = arith.constant 0 : index
    %get3A_1 = vector.load %arg2[%get3A, %get3A_0] : memref<10000x1xf32, #tpu.memory_space<vmem>>, vector<10000x1xf32>
    %get3A_2 = arith.constant 0 : index
    %get3A_3 = arith.constant 0 : index
    %get3A_4 = vector.load %arg0[%get3A_2, %get3A_3] : memref<20480x128xf32, #tpu.memory_space<vmem>>, vector<10000x128xf32>
    %get3A_5 = arith.constant 10240 : index
    %get3A_6 = arith.constant 0 : index
    %get3A_7 = vector.load %arg0[%get3A_5, %get3A_6] : memref<20480x128xf32, #tpu.memory_space<vmem>>, vector<10000x128xf32>
    %add3A = arith.addf %get3A_4, %get3A_7 : vector<10000x128xf32>
    %get3A_8 = arith.constant 0 : index
    %get3A_9 = arith.constant 0 : index
    %get3A_10 = vector.load %arg1[%get3A_8, %get3A_9] : memref<10000x128xf32, #tpu.memory_space<vmem>>, vector<10000x128xf32>
    %add3A_11 = arith.addf %add3A, %get3A_10 : vector<10000x128xf32>
    %mul3A = vector.broadcast %get3A_1 : vector<10000x1xf32> to vector<10000x128xf32>
    %mul3A_12 = arith.mulf %mul3A, %add3A_11 : vector<10000x128xf32>
    %get3A_13 = arith.constant 0 : index
    %get3A_14 = arith.constant 0 : index
    %get3A_15 = vector.load %arg3[%get3A_13, %get3A_14] : memref<1x128xf32, #tpu.memory_space<vmem>>, vector<1x128xf32>
    %add3A_16 = vector.broadcast %get3A_15 : vector<1x128xf32> to vector<10000x128xf32>
    %add3A_17 = arith.addf %mul3A_12, %add3A_16 : vector<10000x128xf32>
    %get3A_18 = arith.constant 0 : index
    %get3A_19 = arith.constant 0 : index
    %get3A_20 = vector.load %arg4[%get3A_18, %get3A_19] : memref<1x1xf32, #tpu.memory_space<vmem>>, vector<1x1xf32>
    %get3A_21 = vector.extract %get3A_20[0, 0] : f32 from vector<1x1xf32>
    %gt3A = arith.constant 0.000000e+00 : f32
    %gt3A_22 = vector.broadcast %gt3A : f32 to vector<10000x128xf32>
    %gt3A_23 = arith.cmpf ogt, %add3A_17, %gt3A_22 : vector<10000x128xf32>
    %mul3A_24 = vector.broadcast %get3A_21 : f32 to vector<10000x128xf32>
    %mul3A_25 = arith.mulf %mul3A_24, %add3A_17 : vector<10000x128xf32>
    %select_n3A = arith.select %gt3A_23, %add3A_17, %mul3A_25 : vector<10000x128xi1>, vector<10000x128xf32>
    %get3A_26 = arith.constant 0 : index
    %get3A_27 = arith.constant 0 : index
    %get3A_28 = vector.load %arg5[%get3A_26, %get3A_27] : memref<128x128xf32, #tpu.memory_space<vmem>>, vector<128x128xf32>
    %dot_general3A = arith.constant dense<0.000000e+00> : vector<10000x128xf32>
    %dot_general3A_29 = tpu.matmul %select_n3A, %get3A_28, %dot_general3A {dimension_numbers = #tpu.dot_dimension_numbers<[1], [0], [0], [1], [0, 0, 1, 1], [], []>, transpose_lhs_hint = false} : vector<10000x128xf32>, vector<128x128xf32>, vector<10000x128xf32> -> vector<10000x128xf32>
    %mul3A_30 = vector.broadcast %get3A_1 : vector<10000x1xf32> to vector<10000x128xf32>
    %mul3A_31 = arith.mulf %mul3A_30, %dot_general3A_29 : vector<10000x128xf32>
    %swap3A = arith.constant 0 : index
    %swap3A_32 = arith.constant 0 : index
    %swap3A_33 = vector.load %arg6[%swap3A, %swap3A_32] : memref<10000x128xf32, #tpu.memory_space<vmem>>, vector<10000x128xf32>
    tpu.vector_store %arg6[%swap3A, %swap3A_32], %mul3A_31 {strides = array<i32>} : memref<10000x128xf32, #tpu.memory_space<vmem>>, vector<10000x128xf32>,
    return
  }
}

</mosaic_0001>

<sc_bundles>
// kernel: body.8.cloned.1.call-start
scs
__scs_entry_jumppad:
0x0: {  	(pc) =	sbr.rel $0x88, $3  }
0x1: {  	(tag) =	ssettag $0x0;
	lr =	simm.s32 $0x1  }
0x2: {  	[smem:$0x3F94] =	sst lr;
	_ =	strace $0xD0000000  }
0x3: {  	_ = 	snop  }
0x4: {  	_ = 	snop  }
0x5: {  	_ = 	snop  }
0x6: {  	_ = 	snop  }
0x7: {  	_ = 	snop  }
__scs_overlays_trampoline_lowered:
0x8: {  	[smem:$0x3FA3] =	sst s0  }
0x9: {  	[smem:$0x3FA4] =	sst s1  }
0xa: {  	[smem:$0x3FA5] =	sst s2  }
0xb: {  	[smem:$0x3FA6] =	sst s3  }
0xc: {  	[smem:$0x3FA7] =	sst s4  }
0xd: {  	[smem:$0x3FA8] =	sst s5  }
0xe: {  	[smem:$0x3FA9] =	sst s6  }
0xf: {  	[smem:$0x3FAA] =	sst s7  }
0x10: {  	[smem:$0x3FAB] =	sst s8  }
0x11: {  	[smem:$0x3FAC] =	sst s9;
	s0 =	simm.s32 @!p0 $0x0  }
0x12: {  	s1 =	sld [smem:$0x3F92];
	s0 =	simm.s32 @p0 $0x1  }
0x13: {  	[smem:$0x3FAD] =	sst s0;
	s0 =	simm.s32 @!p1 $0x0  }
0x14: {  	s2 =	sld [smem:$0x3F91];
	s0 =	simm.s32 @p1 $0x1  }
0x15: {  	[smem:$0x3FAE] =	sst s0;
	s0 =	simm.s32 @!p2 $0x0  }
0x16: {  	s3 =	sld [smem:$0x3FDB];
	s0 =	simm.s32 @p2 $0x1  }
0x17: {  	s4 =	simm.s32 $0x1BF5;
	[smem:$0x3FB0] =	sst s0  }
0x18: {  	s0 =	sld [smem:$0x3F93];
	_ =	swait.ge [sflag:s4], $0x0  }
0x19: {  	s7 =	sld [smem:$0x3F94]  }
0x1a: {  	s8 =	sadd.s32 $0xFFFFE003, lr  }
0x1b: {  	s9 =	sadd.s32 $0xFFFFFEF7, lr;
	s5 =	simm.s32 $0xFFFFFFFF;
	p2 =	slt.u32 s8, $0xFFFFF086  }
0x1c: {  	p1 =	slt.u32 s9, $0xF7A;
	s5 =	simm.s32 @!p2 $0x0  }
0x1d: {  	s5 =	simm.s32 @p1 $0x1;
	p0 =	seq.s32 s7, s2  }
0x1e: {  	s7 =	smul.u32 @!p0 $0xF7A, s2;
	p2 =	seq.s32 @!p0 s5, $0x0  }
0x1f: {  	s9 =	smul.u32 $0xF7A, s1;
	s8 =	simm.s32 @!p0 $0x1BF5;
	p2 =	por !p2, p0  }
0x20: {  	[sflag:s8] =	ssyncset.s32 @!p0 $0xFFFFF086;
	s6 =	sadd.s32 @!p0 s3, s7;
	s7 =	simm.s32 @!p0 $0x108  }
0x21: {  	s3 =	sadd.s32 s3, s9;
	s6 =	sadd.s32 @!p0 $0x88, s6;
	s7 =	simm.s32 @p2 $0x1082  }
0x22: {  	[simem:s7], [sflag:s8] =	dma.local @!p0 [hbm:s6], $0xF7A  }
0x23: {  	s9 =	sor.u32 $0xD0000000, s2;
	s6 =	simm.s32 $0x108;
	_ =	swait.ge @!p0 [sflag:s8], $0x0  }
0x24: {  	s3 =	sadd.s32 $0x88, s3;
	s6 =	simm.s32 @!p1 $0x1082;
	[sflag:s4] =	ssyncset.s32 $0xFFFFF086  }
0x25: {  	[simem:s6], [sflag:s4] =	dma.local [hbm:s3], $0xF7A  }
0x26: {  	[smem:$0x3F94] =	sst s1;
	(tag) =	ssettag s2;
	_ =	strace s9  }
0x27: {  	s1 =	sld [smem:$0x3FA4]  }
0x28: {  	s2 =	sld [smem:$0x3FA5]  }
0x29: {  	s4 =	sld [smem:$0x3FA7]  }
0x2a: {  	p0 =	seq.s32 s5, $0x0;
	s5 =	sld [smem:$0x3FA8]  }
0x2b: {  	s6 =	sld [smem:$0x3FA9]  }
0x2c: {  	s7 =	sld [smem:$0x3FAA]  }
0x2d: {  	s3 =	simm.s32 $0x108;
	s8 =	sld [smem:$0x3FAB]  }
0x2e: {  	s3 =	simm.s32 @!p0 $0x1082;
	s9 =	sld [smem:$0x3FAC]  }
0x2f: {  	lr =	sadd.s32 s0, s3;
	s0 =	sld [smem:$0x3FA3]  }
0x30: {  	s3 =	sld [smem:$0x3FA6]  }
0x31: {  	[smem:$0x3FAF] =	sst s10  }
0x32: {  	s10 =	sld [smem:$0x3FAD];
	_ =	sdelay $0x3  }
0x33: {  	p0 =	seq.s32 s10, $0x1;
	s10 =	sld [smem:$0x3FAF];
	_ =	sdelay $0x3  }
0x34: {  	[smem:$0x3FAF] =	sst s10  }
0x35: {  	s10 =	sld [smem:$0x3FAE];
	_ =	sdelay $0x3  }
0x36: {  	p1 =	seq.s32 s10, $0x1;
	s10 =	sld [smem:$0x3FAF];
	_ =	sdelay $0x3  }
0x37: {  	[smem:$0x3FAF] =	sst s10  }
0x38: {  	s10 =	sld [smem:$0x3FB0]  }
0x39: {  	_ = 	snop;
	(pc) =	sbr.ind lr, $3  }
0x3a: {  	_ = 	snop  }
0x3b: {  	_ = 	snop  }
0x3c: {  	p2 =	seq.s32 s10, $0x1;
	s10 =	sld [smem:$0x3FAF]  }
0x3d: {  	_ =	shalt  }
0x3e: {  	_ =	shalt  }
0x3f: {  	_ =	shalt  }
0x40: {  	_ =	shalt  }
0x41: {  	_ =	shalt  }
0x42: {  	_ =	shalt  }
0x43: {  	_ =	shalt  }
0x44: {  	_ =	shalt  }
0x45: {  	_ =	shalt  }
0x46: {  	_ =	shalt  }
0x47: {  	_ =	shalt  }
0x48: {  	_ =	shalt  }
0x49: {  	_ =	shalt  }
0x4a: {  	_ =	shalt  }
0x4b: {  	_ =	shalt  }
0x4c: {  	_ =	shalt  }
0x4d: {  	_ =	shalt  }
0x4e: {  	_ =	shalt  }
0x4f: {  	_ =	shalt  }
0x50: {  	_ =	shalt  }
0x51: {  	_ =	shalt  }
0x52: {  	_ =	shalt  }
0x53: {  	_ =	shalt  }
0x54: {  	_ =	shalt  }
0x55: {  	_ =	shalt  }
0x56: {  	_ =	shalt  }
0x57: {  	_ =	shalt  }
0x58: {  	_ =	shalt  }
0x59: {  	_ =	shalt  }
0x5a: {  	_ =	shalt  }
0x5b: {  	_ =	shalt  }
0x5c: {  	_ =	shalt  }
0x5d: {  	_ =	shalt  }
0x5e: {  	_ =	shalt  }
0x5f: {  	_ =	shalt  }
0x60: {  	_ =	shalt  }
0x61: {  	_ =	shalt  }
0x62: {  	_ =	shalt  }
0x63: {  	_ =	shalt  }
0x64: {  	_ =	shalt  }
0x65: {  	_ =	shalt  }
0x66: {  	_ =	shalt  }
0x67: {  	_ =	shalt  }
0x68: {  	_ =	shalt  }
0x69: {  	_ =	shalt  }
0x6a: {  	_ =	shalt  }
0x6b: {  	_ =	shalt  }
0x6c: {  	_ =	shalt  }
0x6d: {  	_ =	shalt  }
0x6e: {  	_ =	shalt  }
0x6f: {  	_ =	shalt  }
0x70: {  	_ =	shalt  }
0x71: {  	_ =	shalt  }
0x72: {  	_ =	shalt  }
0x73: {  	_ =	shalt  }
0x74: {  	_ =	shalt  }
0x75: {  	_ =	shalt  }
0x76: {  	_ =	shalt  }
0x77: {  	_ =	shalt  }
0x78: {  	_ =	shalt  }
0x79: {  	_ =	shalt  }
0x7a: {  	_ =	shalt  }
0x7b: {  	_ =	shalt  }
0x7c: {  	_ =	shalt  }
0x7d: {  	_ =	shalt  }
0x7e: {  	_ =	shalt  }
0x7f: {  	_ =	shalt  }
0x80: {  	_ =	shalt  }
0x81: {  	_ =	shalt  }
0x82: {  	_ =	shalt  }
0x83: {  	_ =	shalt  }
0x84: {  	_ =	shalt  }
0x85: {  	_ =	shalt  }
0x86: {  	_ =	shalt  }
0x87: {  	_ =	shalt  }
.Lfunc_end0:
.L_simem_size_0:
called_computation_lowered:
.L_overlay_start_0:
0x88: {  	s2 =	sld [smem:$0x3FD9]  }
0x89: {  	s3 =	sld [smem:$0x3FFE];
	_ =	sdelay $0x1  }
0x8a: {  	s1 =	srdreg.scid  }
0x8b: {  	s0 =	sand.u32 $0x1, s1  }
0x8c: {  	s16 =	sshll.u32 s0, $0xA;
	s2 =	sadd.s32 s3, s2  }
0x8d: {  	s2 =	sadd.s32 s2, s16  }
0x8e: {  	[smem:$0x3FBB] =	sst s2  }
0x8f: {  	_ = 	snop  }
0x90: {  	(tm) =	ssettm $0x1  }
0x91: {  	s17 =	sld [smem:$0x3FFB];
	_ =	sdelay $0x3  }
0x92: {  	_ =	strace s17  }
0x93: {  	s2 =	sld [smem:$0x3FFC];
	_ =	sdelay $0x3  }
0x94: {  	_ =	strace s2  }
0x95: {  	s2 =	sld [smem:$0x3FFD];
	_ =	sdelay $0x3  }
0x96: {  	_ =	strace s2  }
0x97: {  	_ =	strace $0x8FFFFFFF  }
0x98: {  	s18 =	sld [smem:$0x3FDB];
	_ =	sdelay $0x1  }
0x99: {  	s19 =	simm.s32 $_scs_section_size  }
0x9a: {  	s4 =	simm.s32 $_size__tile_overlayer_lowered;
	s5 =	simm.s32 $_tile_overlayer_lowered  }
0x9b: {  	s22 =	simm.s32 $0x1BFF;
	s21 =	sshll.u32 s5, $0x1;
	s2 =	sadd.s32 s19, s18  }
0x9c: {  	s6 =	simm.s32 $0x0;
	s20 =	sshll.u32 s4, $0x1;
	s4 =	sadd.s32 s21, s2  }
0x9d: {  	[timem:s6], [sflag:s22] =	dma.local [hbm:s4], s20  }
0x9e: {  	_ =	swait.ge [sflag:s22], s20  }
0x9f: {  	s3 =	ssub.s32 $0x0, s20;
	[sflag:s22] =	ssyncset.done $0x0  }
0xa0: {  	[sflag:s22] =	ssyncadd.s32 s3;
	_ =	sdelay $0x1  }
0xa1: {  	s23 =	simm.s32 $0x1B8B  }
0xa2: {  	_ =	swait.ge [sflag:s23], $0x1  }
0xa3: {  	[sflag:s23] =	ssyncset.done $0x0  }
0xa4: {  	s25 =	simm.s32 $0x1B8E;
	s24 =	sld [smem:$0x3FFE];
	[sflag:s23] =	ssyncadd.s32 $0xFFFFFFFF  }
0xa5: {  	s26 =	simm.s32 $execute0_lowered;
	[smem:$0x3FD2] =	sst s25  }
0xa6: {  	s4 =	sshll.u32 s26, $0x1;
	_ =	strace $0x80000049;
	[dreg:$0x1] =	wrdreg $0xFFFFFFFF  }
0xa7: {  	s28 =	simm.s32 $_size_execute0_lowered;
	s2 =	sadd.s32 s2, s4;
	[dreg:$0x0] =	wrdreg $0x0  }
0xa8: {  	s4 =	sshll.u32 s28, $0x1;
	[dreg:$0x2] =	wrdreg s2  }
0xa9: {  	[dreg:$0x3] =	wrdreg s4  }
0xaa: {  	[dreg:$0x4] =	wrdreg $0xC0  }
0xab: {  	_ =	task [dreg:s6], $0x5FFFF  }
0xac: {  	[dreg:$0x1] =	wrdreg $0xFFFFFFFF  }
0xad: {  	[dreg:$0x0] =	wrdreg $0x60  }
0xae: {  	[dreg:$0x2] =	wrdreg s24  }
0xaf: {  	[dreg:$0x3] =	wrdreg $0xA0000  }
0xb0: {  	[dreg:$0x4] =	wrdreg $0x9  }
0xb1: {  	_ =	task.clear_ibuf [dreg:s6], $0x5FFFF;
	_ =	strace $0x90000049  }
0xb2: {  	s29 =	simm.s32 $0x9;
	_ =	strace $0x8000004B  }
0xb3: {  	_ =	swait.ge [sflag:s29], $0x1  }
0xb4: {  	[sflag:s29] =	ssyncadd.s32 $0xFFFFFFFF  }
0xb5: {  	_ =	strace $0x9000004B  }
0xb6: {  	_ =	sfence  }
0xb7: {  	s30 =	sld [smem:$0x0];
	_ =	sdelay $0x2  }
0xb8: {  	s31 =	sshll.u32 s1, $0xD;
	s1 =	sshrl.u32 s1, $0x2  }
0xb9: {  	s3 =	sand.u32 $0x4000, s31;
	s1 =	sadd.s32 s1, s30  }
0xba: {  	s0 =	sor.u32 s3, s0;
	s1 =	sshll.u32 s1, $0x11  }
0xbb: {  	s0 =	sor.u32 s1, s0  }
0xbc: {  	s0 =	sadd.s32 $0x8F2B, s0  }
0xbd: {  	[sflag:s0] =	ssyncadd.remote.s32 $0x1  }
0xbe: {  	_ =	sfence.sel $0xFFFF  }
0xbf: {  	[dreg:$0x0] =	wrdreg $0xFFFFFFFF;
	(pc) =	sbr.abs _section_cstart, $3  }
0xc0: {  	[dreg:$0x1] =	wrdreg $0xFFFFFFFF  }
0xc1: {  	_ =	task.clear_ibuf [dreg:s6], $0x2FFFF;
	_ =	strace $0x9FFFFFFF  }
0xc2: {  	(tm) =	ssettm $0x7FFFFFFF  }
0xc3: {  	_ =	shalt  }
tec
execute0_lowered:
.L_overlay_start_1:
0x0: {  	(tag) =	ssettag $0x1  }
0x1: {  	s0 =	srdreg.scid  }
0x2: {  	s1 =	rddreg [dreg:$0x0];
	s8 =	stileid.u32  }
0x3: {  	s2 =	rddreg [dreg:$0x1];
	s3 =	simm.s32 $0x0;
	s9 =	simm.s32 $0x100  }
0x4: {  	s10 =	simm.s32 $0x880;
	s12 =	simm.s32 $0x180;
	s13 =	simm.s32 $0x900  }
0x5: {  	s14 =	simm.s32 $0x200;
	s15 =	simm.s32 $0x980;
	[smem:$0x7FF] =	sst s3  }
0x6: {  	s16 =	simm.s32 $0x280;
	_ =	strace $0x8000004A;
	[dreg:$0x6] =	wrdreg s9  }
0x7: {  	s17 =	simm.s32 $0xA00;
	s18 =	simm.s32 $0x300;
	[dreg:$0x7] =	wrdreg s10  }
0x8: {  	s19 =	simm.s32 $0xA80;
	s20 =	simm.s32 $0x380;
	[dreg:$0x8] =	wrdreg s12  }
0x9: {  	s21 =	simm.s32 $0xB00;
	s22 =	simm.s32 $0x400;
	[dreg:$0x9] =	wrdreg s13  }
0xa: {  	s28 =	simm.s32 $0x700;
	s5 =	smul.u32 $0x3800, s8;
	[dreg:$0xa] =	wrdreg s14  }
0xb: {  	s29 =	simm.s32 $0xE80;
	s23 =	smul.u32 $0x2800, s8;
	[dreg:$0xb] =	wrdreg s15  }
0xc: {  	s0 =	sand.u32 $0x1, s0;
	s8 =	smul.u32 $0x50000, s8;
	[dreg:$0xc] =	wrdreg s16  }
0xd: {  	s30 =	simm.s32 $0x780;
	s4 =	smul.u32 $0x38000, s0;
	[dreg:$0xd] =	wrdreg s17  }
0xe: {  	s31 =	simm.s32 $0xF00;
	s6 =	smul.u32 $0x28000, s0;
	[dreg:$0xe] =	wrdreg s18  }
0xf: {  	s0 =	ssub.s32 $0x2, s0;
	s9 =	simm.s32 $0x7;
	[dreg:$0xf] =	wrdreg s19  }
0x10: {  	s10 =	simm.s32 $0x800;
	s12 =	simm.s32 $0x4000;
	[dreg:$0x10] =	wrdreg s20  }
0x11: {  	s13 =	simm.s32 $0x1;
	s14 =	simm.s32 $0x7000;
	[dreg:$0x11] =	wrdreg s21  }
0x12: {  	s15 =	simm.s32 $0x2;
	[dreg:$0x12] =	wrdreg s22;
	s16 =	simm.s32 $0x4  }
0x13: {  	s17 =	simm.s32 $0x3;
	s18 =	simm.s32 $0x5;
	s19 =	simm.s32 $0x6  }
0x14: {  	s20 =	simm.s32 $0xC80;
	s21 =	simm.s32 $0x580;
	s22 =	simm.s32 $0xD00  }
0x15: {  	s26 =	sshrl.u32 s0, $0x1;
	s11 =	sshrl.u32 s8, $0x2;
	s8 =	simm.s32 $0x1000  }
0x16: {  	s4 =	sadd.s32 s5, s4;
	s5 =	sadd.s32 s23, s6;
	s0 =	ssub.s32 s0, s26  }
0x17: {  	s23 =	simm.s32 $0xB80;
	s26 =	simm.s32 $0x500;
	s6 =	simm.s32 $0x0  }
0x18: {  	s4 =	sshrl.u32 s4, $0x3;
	s0 =	smax.u32 s0, $0x1;
	[dreg:$0x13] =	wrdreg s23  }
0x19: {  	[dreg:$0x16] =	wrdreg s26;
	s23 =	simm.s32 $0x600;
	s7 =	sadd.s32 s4, s1  }
0x1a: {  	s26 =	simm.s32 $0xE00;
	[dreg:$0x18] =	wrdreg s0;
	s24 =	sadd.s32 $0x3200, s7  }
0x1b: {  	s4 =	sadd.s32 $0x13000, s1;
	s25 =	sadd.s32 $0x8A200, s7;
	[dreg:$0x3] =	wrdreg s24  }
0x1c: {  	s1 =	sadd.s32 s5, s1;
	s7 =	simm.s32 $0x80;
	[dreg:$0x4] =	wrdreg s25  }
0x1d: {  	s5 =	sadd.s32 s11, s2;
	s1 =	sadd.s32 $0x3A200, s1;
	[dreg:$0x5] =	wrdreg s7  }
0x1e: {  	s11 =	simm.s32 $0x60;
	[dreg:$0x17] =	wrdreg s1;
	s24 =	simm.s32 $0x480  }
0x1f: {  	s25 =	simm.s32 $0xC00;
	s1 =	simm.s32 $0xF80;
	[dreg:$0x14] =	wrdreg s24  }
0x20: {  	v0 =	vimm.f32 $0.0e+00;
	[dreg:$0x15] =	wrdreg s25;
	s24 =	simm.s32 $0xD80;
	s25 =	simm.s32 $0x680  }
.LBB2_1:
0x21: {  	[tilespmem:$0x1000] =	vst v0  }
0x22: {  	[tilespmem:$0x1010] =	vst v0  }
0x23: {  	[tilespmem:$0x1020] =	vst v0  }
0x24: {  	[tilespmem:$0x1030] =	vst v0  }
0x25: {  	[tilespmem:$0x1040] =	vst v0  }
0x26: {  	[tilespmem:$0x1050] =	vst v0  }
0x27: {  	[tilespmem:$0x1060] =	vst v0  }
0x28: {  	[tilespmem:$0x1070] =	vst v0  }
0x29: {  	[tilespmem:$0x1080] =	vst v0  }
0x2a: {  	[tilespmem:$0x1090] =	vst v0  }
0x2b: {  	[tilespmem:$0x10A0] =	vst v0  }
0x2c: {  	[tilespmem:$0x10B0] =	vst v0  }
0x2d: {  	[tilespmem:$0x10C0] =	vst v0  }
0x2e: {  	[tilespmem:$0x10D0] =	vst v0  }
0x2f: {  	[tilespmem:$0x10E0] =	vst v0  }
0x30: {  	[tilespmem:$0x10F0] =	vst v0  }
0x31: {  	[tilespmem:$0x1100] =	vst v0  }
0x32: {  	[tilespmem:$0x1110] =	vst v0  }
0x33: {  	[tilespmem:$0x1120] =	vst v0  }
0x34: {  	[tilespmem:$0x1130] =	vst v0  }
0x35: {  	[tilespmem:$0x1140] =	vst v0  }
0x36: {  	[tilespmem:$0x1150] =	vst v0  }
0x37: {  	[tilespmem:$0x1160] =	vst v0  }
0x38: {  	[tilespmem:$0x1170] =	vst v0  }
0x39: {  	[tilespmem:$0x1180] =	vst v0  }
0x3a: {  	[tilespmem:$0x1190] =	vst v0  }
0x3b: {  	[tilespmem:$0x11A0] =	vst v0  }
0x3c: {  	[tilespmem:$0x11B0] =	vst v0  }
0x3d: {  	[tilespmem:$0x11C0] =	vst v0  }
0x3e: {  	[tilespmem:$0x11D0] =	vst v0  }
0x3f: {  	[tilespmem:$0x11E0] =	vst v0  }
0x40: {  	[tilespmem:$0x11F0] =	vst v0  }
0x41: {  	[tilespmem:$0x1200] =	vst v0  }
0x42: {  	[tilespmem:$0x1210] =	vst v0  }
0x43: {  	[tilespmem:$0x1220] =	vst v0  }
0x44: {  	[tilespmem:$0x1230] =	vst v0  }
0x45: {  	[tilespmem:$0x1240] =	vst v0  }
0x46: {  	[tilespmem:$0x1250] =	vst v0  }
0x47: {  	[tilespmem:$0x1260] =	vst v0  }
0x48: {  	[tilespmem:$0x1270] =	vst v0  }
0x49: {  	[tilespmem:$0x1280] =	vst v0  }
0x4a: {  	[tilespmem:$0x1290] =	vst v0  }
0x4b: {  	[tilespmem:$0x12A0] =	vst v0  }
0x4c: {  	[tilespmem:$0x12B0] =	vst v0  }
0x4d: {  	[tilespmem:$0x12C0] =	vst v0  }
0x4e: {  	[tilespmem:$0x12D0] =	vst v0  }
0x4f: {  	[tilespmem:$0x12E0] =	vst v0  }
0x50: {  	[tilespmem:$0x12F0] =	vst v0  }
0x51: {  	[tilespmem:$0x1300] =	vst v0  }
0x52: {  	[tilespmem:$0x1310] =	vst v0  }
0x53: {  	[tilespmem:$0x1320] =	vst v0  }
0x54: {  	[tilespmem:$0x1330] =	vst v0  }
0x55: {  	[tilespmem:$0x1340] =	vst v0  }
0x56: {  	[tilespmem:$0x1350] =	vst v0  }
0x57: {  	[tilespmem:$0x1360] =	vst v0  }
0x58: {  	[tilespmem:$0x1370] =	vst v0  }
0x59: {  	[tilespmem:$0x1380] =	vst v0  }
0x5a: {  	[tilespmem:$0x1390] =	vst v0  }
0x5b: {  	[tilespmem:$0x13A0] =	vst v0  }
0x5c: {  	[tilespmem:$0x13B0] =	vst v0  }
0x5d: {  	[tilespmem:$0x13C0] =	vst v0  }
0x5e: {  	[tilespmem:$0x13D0] =	vst v0  }
0x5f: {  	[tilespmem:$0x13E0] =	vst v0  }
0x60: {  	[tilespmem:$0x13F0] =	vst v0  }
0x61: {  	[tilespmem:$0x1400] =	vst v0  }
0x62: {  	[tilespmem:$0x1410] =	vst v0  }
0x63: {  	[tilespmem:$0x1420] =	vst v0  }
0x64: {  	[tilespmem:$0x1430] =	vst v0  }
0x65: {  	[tilespmem:$0x1440] =	vst v0  }
0x66: {  	[tilespmem:$0x1450] =	vst v0  }
0x67: {  	[tilespmem:$0x1460] =	vst v0  }
0x68: {  	[tilespmem:$0x1470] =	vst v0  }
0x69: {  	[tilespmem:$0x1480] =	vst v0  }
0x6a: {  	[tilespmem:$0x1490] =	vst v0  }
0x6b: {  	[tilespmem:$0x14A0] =	vst v0  }
0x6c: {  	[tilespmem:$0x14B0] =	vst v0  }
0x6d: {  	[tilespmem:$0x14C0] =	vst v0  }
0x6e: {  	[tilespmem:$0x14D0] =	vst v0  }
0x6f: {  	[tilespmem:$0x14E0] =	vst v0  }
0x70: {  	[tilespmem:$0x14F0] =	vst v0  }
0x71: {  	[tilespmem:$0x1500] =	vst v0  }
0x72: {  	[tilespmem:$0x1510] =	vst v0  }
0x73: {  	[tilespmem:$0x1520] =	vst v0  }
0x74: {  	[tilespmem:$0x1530] =	vst v0  }
0x75: {  	[tilespmem:$0x1540] =	vst v0  }
0x76: {  	[tilespmem:$0x1550] =	vst v0  }
0x77: {  	[tilespmem:$0x1560] =	vst v0  }
0x78: {  	[tilespmem:$0x1570] =	vst v0  }
0x79: {  	[tilespmem:$0x1580] =	vst v0  }
0x7a: {  	[tilespmem:$0x1590] =	vst v0  }
0x7b: {  	[tilespmem:$0x15A0] =	vst v0  }
0x7c: {  	[tilespmem:$0x15B0] =	vst v0  }
0x7d: {  	[tilespmem:$0x15C0] =	vst v0  }
0x7e: {  	[tilespmem:$0x15D0] =	vst v0  }
0x7f: {  	[tilespmem:$0x15E0] =	vst v0  }
0x80: {  	[tilespmem:$0x15F0] =	vst v0  }
0x81: {  	[tilespmem:$0x1600] =	vst v0  }
0x82: {  	[tilespmem:$0x1610] =	vst v0  }
0x83: {  	[tilespmem:$0x1620] =	vst v0  }
0x84: {  	[tilespmem:$0x1630] =	vst v0  }
0x85: {  	[tilespmem:$0x1640] =	vst v0  }
0x86: {  	[tilespmem:$0x1650] =	vst v0  }
0x87: {  	[tilespmem:$0x1660] =	vst v0  }
0x88: {  	[tilespmem:$0x1670] =	vst v0  }
0x89: {  	[tilespmem:$0x1680] =	vst v0  }
0x8a: {  	[tilespmem:$0x1690] =	vst v0  }
0x8b: {  	[tilespmem:$0x16A0] =	vst v0  }
0x8c: {  	[tilespmem:$0x16B0] =	vst v0  }
0x8d: {  	[tilespmem:$0x16C0] =	vst v0  }
0x8e: {  	[tilespmem:$0x16D0] =	vst v0  }
0x8f: {  	[tilespmem:$0x16E0] =	vst v0  }
0x90: {  	[tilespmem:$0x16F0] =	vst v0  }
0x91: {  	[tilespmem:$0x1700] =	vst v0  }
0x92: {  	[tilespmem:$0x1710] =	vst v0  }
0x93: {  	[tilespmem:$0x1720] =	vst v0  }
0x94: {  	[tilespmem:$0x1730] =	vst v0  }
0x95: {  	[tilespmem:$0x1740] =	vst v0  }
0x96: {  	[tilespmem:$0x1750] =	vst v0  }
0x97: {  	[tilespmem:$0x1760] =	vst v0  }
0x98: {  	[tilespmem:$0x1770] =	vst v0  }
0x99: {  	[tilespmem:$0x1780] =	vst v0  }
0x9a: {  	[tilespmem:$0x1790] =	vst v0  }
0x9b: {  	[tilespmem:$0x17A0] =	vst v0  }
0x9c: {  	[tilespmem:$0x17B0] =	vst v0  }
0x9d: {  	[tilespmem:$0x17C0] =	vst v0  }
0x9e: {  	[tilespmem:$0x17D0] =	vst v0  }
0x9f: {  	[tilespmem:$0x17E0] =	vst v0  }
0xa0: {  	[dreg:$0x19] =	wrdreg s6;
	[tilespmem:$0x17F0] =	vst v0;
	s0 =	sadd.s32 $0x0, s5  }
0xa1: {  	[spmem:s0] =	stream.linear.scatter [tilespmem:s8], [sflag:$0x7], $0x800, $0x38;
	[tilespmem:$0x1E000] =	vst v63  }
0xa2: {  	s6 =	simm.s32 $0x2000;
	_ =	swait.ge [sflag:s9], $0x800  }
.LBB2_2:
0xa3: {  	s0 =	sshra.s32 s6, $0x2;
	[sflag:s9] =	ssyncset.done $0x0;
	p0 =	sne.s32 s6, $0x4E000  }
.Ltmp0:
0xa4: {  	s0 =	sadd.s32 s0, s5;
	[sflag:s9] =	ssyncadd.s32 $0xFFFFF800;
	(pc) =	sbr.rel @p0 .LBB2_2-.Ltmp0, $3  }
0xa5: {  	[spmem:s0] =	stream.linear.scatter [tilespmem:s8], [sflag:$0x7], $0x800, $0x38;
	[tilespmem:$0x1E000] =	vst v63  }
0xa6: {  	s6 =	sadd.s32 $0x2000, s6;
	_ =	sdelay $0x1  }
0xa7: {  	_ =	swait.ge [sflag:s9], $0x800  }
0xa8: {  	[sflag:s9] =	ssyncset.done $0x0  }
0xa9: {  	[sflag:s9] =	ssyncadd.s32 $0xFFFFF800  }
0xaa: {  	[bflag:$0x0] =	sbarrier.arrive $0xFFFF  }
0xab: {  	s0 =	rddreg [dreg:$0x4]  }
0xac: {  	s0 =	sadd.s32 $0x0, s0  }
0xad: {  	[tilespmem:s3], [sflag:$0x7] =	stream.linear.gather [hbm4b:s0+s3], $0x800, $0x38;
	[tilespmem:$0x1E000] =	vst v63  }
0xae: {  	_ =	swait.ge [sflag:s9], $0x800  }
0xaf: {  	s7 =	rddreg [dreg:$0x3];
	[sflag:s9] =	ssyncset.done $0x0  }
0xb0: {  	[sflag:s9] =	ssyncadd.s32 $0xFFFFF800;
	s0 =	sadd.s32 $0x0, s7  }
0xb1: {  	[tilespmem:s10], [sflag:$0x7] =	stream.linear.gather [hbm4b:s0+s3], $0x800, $0x38;
	[tilespmem:$0x1E000] =	vst v63  }
0xb2: {  	_ =	swait.ge [sflag:s9], $0x800  }
0xb3: {  	[sflag:s9] =	ssyncset.done $0x0  }
0xb4: {  	[sflag:s9] =	ssyncadd.s32 $0xFFFFF800  }
0xb5: {  	[tilespmem:s8], [sflag:$0x1] =	stream.indirect.gather [hbm4b:s4+s11], $0x80, s3, s11, $0xb8;
	[tilespmem:$0x1E000] =	vst v63  }
0xb6: {  	s6 =	rddreg [dreg:$0x5]  }
0xb7: {  	[tilespmem:s12], [sflag:$0x2] =	stream.indirect.gather [hbm4b:s4+s11], $0x80, s6, s11, $0xb8;
	[tilespmem:$0x1E000] =	vst v63  }
0xb8: {  	_ =	swait.ge [sflag:s13], $0x3000  }
0xb9: {  	[sflag:s13] =	ssyncset.done $0x0  }
0xba: {  	[sflag:s13] =	ssyncadd.s32 $0xFFFFD000  }
0xbb: {  	[spmem:s2] =	stream.indirect.scatter.add.f32 [tilespmem:s8], [sflag:$0x4], $0x80, s10, s11, $0xb8;
	[tilespmem:$0x1E000] =	vst v63  }
0xbc: {  	s7 =	rddreg [dreg:$0x6]  }
0xbd: {  	[tilespmem:s14], [sflag:$0x3] =	stream.indirect.gather [hbm4b:s4+s11], $0x80, s7, s11, $0xb8;
	[tilespmem:$0x1E000] =	vst v63  }
0xbe: {  	_ =	swait.ge [sflag:s15], $0x3000  }
0xbf: {  	[sflag:s15] =	ssyncset.done $0x0  }
0xc0: {  	s6 =	rddreg [dreg:$0x7];
	[sflag:s15] =	ssyncadd.s32 $0xFFFFD000  }
0xc1: {  	[spmem:s2] =	stream.indirect.scatter.add.f32 [tilespmem:s12], [sflag:$0x5], $0x80, s6, s11, $0xb8;
	[tilespmem:$0x1E000] =	vst v63  }
0xc2: {  	_ =	swait.ge [sflag:s16], $0x3000  }
0xc3: {  	[sflag:s16] =	ssyncset.done $0x0  }
0xc4: {  	s7 =	rddreg [dreg:$0x8];
	[sflag:s16] =	ssyncadd.s32 $0xFFFFD000  }
0xc5: {  	[tilespmem:s8], [sflag:$0x1] =	stream.indirect.gather [hbm4b:s4+s11], $0x80, s7, s11, $0xb8;
	[tilespmem:$0x1E000] =	vst v63  }
0xc6: {  	_ =	swait.ge [sflag:s17], $0x3000  }
0xc7: {  	[sflag:s17] =	ssyncset.done $0x0  }
0xc8: {  	s6 =	rddreg [dreg:$0x9];
	[sflag:s17] =	ssyncadd.s32 $0xFFFFD000  }
0xc9: {  	[spmem:s2] =	stream.indirect.scatter.add.f32 [tilespmem:s14], [sflag:$0x6], $0x80, s6, s11, $0xb8;
	[tilespmem:$0x1E000] =	vst v63  }
0xca: {  	_ =	swait.ge [sflag:s18], $0x3000  }
0xcb: {  	[sflag:s18] =	ssyncset.done $0x0  }
0xcc: {  	s7 =	rddreg [dreg:$0xa];
	[sflag:s18] =	ssyncadd.s32 $0xFFFFD000  }
0xcd: {  	[tilespmem:s12], [sflag:$0x2] =	stream.indirect.gather [hbm4b:s4+s11], $0x80, s7, s11, $0xb8;
	[tilespmem:$0x1E000] =	vst v63  }
0xce: {  	_ =	swait.ge [sflag:s13], $0x3000  }
0xcf: {  	[sflag:s13] =	ssyncset.done $0x0  }
0xd0: {  	s6 =	rddreg [dreg:$0xb];
	[sflag:s13] =	ssyncadd.s32 $0xFFFFD000  }
0xd1: {  	[spmem:s2] =	stream.indirect.scatter.add.f32 [tilespmem:s8], [sflag:$0x4], $0x80, s6, s11, $0xb8;
	[tilespmem:$0x1E000] =	vst v63  }
0xd2: {  	_ =	swait.ge [sflag:s19], $0x3000  }
0xd3: {  	[sflag:s19] =	ssyncset.done $0x0  }
0xd4: {  	s7 =	rddreg [dreg:$0xc];
	[sflag:s19] =	ssyncadd.s32 $0xFFFFD000  }
0xd5: {  	[tilespmem:s14], [sflag:$0x3] =	stream.indirect.gather [hbm4b:s4+s11], $0x80, s7, s11, $0xb8;
	[tilespmem:$0x1E000] =	vst v63  }
0xd6: {  	_ =	swait.ge [sflag:s15], $0x3000  }
0xd7: {  	[sflag:s15] =	ssyncset.done $0x0  }
0xd8: {  	s6 =	rddreg [dreg:$0xd];
	[sflag:s15] =	ssyncadd.s32 $0xFFFFD000  }
0xd9: {  	[spmem:s2] =	stream.indirect.scatter.add.f32 [tilespmem:s12], [sflag:$0x5], $0x80, s6, s11, $0xb8;
	[tilespmem:$0x1E000] =	vst v63  }
0xda: {  	_ =	swait.ge [sflag:s16], $0x3000  }
0xdb: {  	[sflag:s16] =	ssyncset.done $0x0  }
0xdc: {  	s7 =	rddreg [dreg:$0xe];
	[sflag:s16] =	ssyncadd.s32 $0xFFFFD000  }
0xdd: {  	[tilespmem:s8], [sflag:$0x1] =	stream.indirect.gather [hbm4b:s4+s11], $0x80, s7, s11, $0xb8;
	[tilespmem:$0x1E000] =	vst v63  }
0xde: {  	_ =	swait.ge [sflag:s17], $0x3000  }
0xdf: {  	[sflag:s17] =	ssyncset.done $0x0  }
0xe0: {  	s6 =	rddreg [dreg:$0xf];
	[sflag:s17] =	ssyncadd.s32 $0xFFFFD000  }
0xe1: {  	[spmem:s2] =	stream.indirect.scatter.add.f32 [tilespmem:s14], [sflag:$0x6], $0x80, s6, s11, $0xb8;
	[tilespmem:$0x1E000] =	vst v63  }
0xe2: {  	_ =	swait.ge [sflag:s18], $0x3000  }
0xe3: {  	[sflag:s18] =	ssyncset.done $0x0  }
0xe4: {  	s7 =	rddreg [dreg:$0x10];
	[sflag:s18] =	ssyncadd.s32 $0xFFFFD000  }
0xe5: {  	[tilespmem:s12], [sflag:$0x2] =	stream.indirect.gather [hbm4b:s4+s11], $0x80, s7, s11, $0xb8;
	[tilespmem:$0x1E000] =	vst v63  }
0xe6: {  	_ =	swait.ge [sflag:s13], $0x3000  }
0xe7: {  	[sflag:s13] =	ssyncset.done $0x0  }
0xe8: {  	s6 =	rddreg [dreg:$0x11];
	[sflag:s13] =	ssyncadd.s32 $0xFFFFD000  }
0xe9: {  	[spmem:s2] =	stream.indirect.scatter.add.f32 [tilespmem:s8], [sflag:$0x4], $0x80, s6, s11, $0xb8;
	[tilespmem:$0x1E000] =	vst v63  }
0xea: {  	_ =	swait.ge [sflag:s19], $0x3000  }
0xeb: {  	[sflag:s19] =	ssyncset.done $0x0  }
0xec: {  	s7 =	rddreg [dreg:$0x12];
	[sflag:s19] =	ssyncadd.s32 $0xFFFFD000  }
0xed: {  	[tilespmem:s14], [sflag:$0x3] =	stream.indirect.gather [hbm4b:s4+s11], $0x80, s7, s11, $0xb8;
	[tilespmem:$0x1E000] =	vst v63  }
0xee: {  	_ =	swait.ge [sflag:s15], $0x3000  }
0xef: {  	[sflag:s15] =	ssyncset.done $0x0  }
0xf0: {  	s6 =	rddreg [dreg:$0x13];
	[sflag:s15] =	ssyncadd.s32 $0xFFFFD000  }
0xf1: {  	[spmem:s2] =	stream.indirect.scatter.add.f32 [tilespmem:s12], [sflag:$0x5], $0x80, s6, s11, $0xb8;
	[tilespmem:$0x1E000] =	vst v63  }
0xf2: {  	_ =	swait.ge [sflag:s16], $0x3000  }
0xf3: {  	[sflag:s16] =	ssyncset.done $0x0  }
0xf4: {  	s7 =	rddreg [dreg:$0x14];
	[sflag:s16] =	ssyncadd.s32 $0xFFFFD000  }
0xf5: {  	[tilespmem:s8], [sflag:$0x1] =	stream.indirect.gather [hbm4b:s4+s11], $0x80, s7, s11, $0xb8;
	[tilespmem:$0x1E000] =	vst v63  }
0xf6: {  	_ =	swait.ge [sflag:s17], $0x3000  }
0xf7: {  	[sflag:s17] =	ssyncset.done $0x0  }
0xf8: {  	s6 =	rddreg [dreg:$0x15];
	[sflag:s17] =	ssyncadd.s32 $0xFFFFD000  }
0xf9: {  	[spmem:s2] =	stream.indirect.scatter.add.f32 [tilespmem:s14], [sflag:$0x6], $0x80, s6, s11, $0xb8;
	[tilespmem:$0x1E000] =	vst v63  }
0xfa: {  	_ =	swait.ge [sflag:s18], $0x3000  }
0xfb: {  	[sflag:s18] =	ssyncset.done $0x0  }
0xfc: {  	s7 =	rddreg [dreg:$0x16];
	[sflag:s18] =	ssyncadd.s32 $0xFFFFD000  }
0xfd: {  	[tilespmem:s12], [sflag:$0x2] =	stream.indirect.gather [hbm4b:s4+s11], $0x80, s7, s11, $0xb8;
	[tilespmem:$0x1E000] =	vst v63  }
0xfe: {  	_ =	swait.ge [sflag:s13], $0x3000  }
0xff: {  	[sflag:s13] =	ssyncset.done $0x0  }
0x100: {  	[sflag:s13] =	ssyncadd.s32 $0xFFFFD000  }
0x101: {  	[spmem:s2] =	stream.indirect.scatter.add.f32 [tilespmem:s8], [sflag:$0x4], $0x80, s20, s11, $0xb8;
	[tilespmem:$0x1E000] =	vst v63  }
0x102: {  	_ =	swait.ge [sflag:s19], $0x3000  }
0x103: {  	[sflag:s19] =	ssyncset.done $0x0  }
0x104: {  	[sflag:s19] =	ssyncadd.s32 $0xFFFFD000  }
0x105: {  	[tilespmem:s14], [sflag:$0x3] =	stream.indirect.gather [hbm4b:s4+s11], $0x80, s21, s11, $0xb8;
	[tilespmem:$0x1E000] =	vst v63  }
0x106: {  	_ =	swait.ge [sflag:s15], $0x3000  }
0x107: {  	[sflag:s15] =	ssyncset.done $0x0  }
0x108: {  	[sflag:s15] =	ssyncadd.s32 $0xFFFFD000  }
0x109: {  	[spmem:s2] =	stream.indirect.scatter.add.f32 [tilespmem:s12], [sflag:$0x5], $0x80, s22, s11, $0xb8;
	[tilespmem:$0x1E000] =	vst v63  }
0x10a: {  	_ =	swait.ge [sflag:s16], $0x3000  }
0x10b: {  	[sflag:s16] =	ssyncset.done $0x0  }
0x10c: {  	[sflag:s16] =	ssyncadd.s32 $0xFFFFD000  }
0x10d: {  	[tilespmem:s8], [sflag:$0x1] =	stream.indirect.gather [hbm4b:s4+s11], $0x80, s23, s11, $0xb8;
	[tilespmem:$0x1E000] =	vst v63  }
0x10e: {  	_ =	swait.ge [sflag:s17], $0x3000  }
0x10f: {  	[sflag:s17] =	ssyncset.done $0x0  }
0x110: {  	[sflag:s17] =	ssyncadd.s32 $0xFFFFD000  }
0x111: {  	[spmem:s2] =	stream.indirect.scatter.add.f32 [tilespmem:s14], [sflag:$0x6], $0x80, s24, s11, $0xb8;
	[tilespmem:$0x1E000] =	vst v63  }
0x112: {  	_ =	swait.ge [sflag:s18], $0x3000  }
0x113: {  	[sflag:s18] =	ssyncset.done $0x0  }
0x114: {  	[sflag:s18] =	ssyncadd.s32 $0xFFFFD000  }
0x115: {  	[tilespmem:s12], [sflag:$0x2] =	stream.indirect.gather [hbm4b:s4+s11], $0x80, s25, s11, $0xb8;
	[tilespmem:$0x1E000] =	vst v63  }
0x116: {  	_ =	swait.ge [sflag:s13], $0x3000  }
0x117: {  	[sflag:s13] =	ssyncset.done $0x0  }
0x118: {  	[sflag:s13] =	ssyncadd.s32 $0xFFFFD000  }
0x119: {  	[spmem:s2] =	stream.indirect.scatter.add.f32 [tilespmem:s8], [sflag:$0x4], $0x80, s26, s11, $0xb8;
	[tilespmem:$0x1E000] =	vst v63  }
0x11a: {  	_ =	swait.ge [sflag:s19], $0x3000  }
0x11b: {  	[sflag:s19] =	ssyncset.done $0x0  }
0x11c: {  	[sflag:s19] =	ssyncadd.s32 $0xFFFFD000  }
0x11d: {  	[tilespmem:s14], [sflag:$0x3] =	stream.indirect.gather [hbm4b:s4+s11], $0x80, s28, s11, $0xb8;
	[tilespmem:$0x1E000] =	vst v63  }
0x11e: {  	_ =	swait.ge [sflag:s15], $0x3000  }
0x11f: {  	[sflag:s15] =	ssyncset.done $0x0  }
0x120: {  	[sflag:s15] =	ssyncadd.s32 $0xFFFFD000  }
0x121: {  	[spmem:s2] =	stream.indirect.scatter.add.f32 [tilespmem:s12], [sflag:$0x5], $0x80, s29, s11, $0xb8;
	[tilespmem:$0x1E000] =	vst v63  }
0x122: {  	_ =	swait.ge [sflag:s16], $0x3000  }
0x123: {  	[sflag:s16] =	ssyncset.done $0x0  }
0x124: {  	[sflag:s16] =	ssyncadd.s32 $0xFFFFD000  }
0x125: {  	[tilespmem:s8], [sflag:$0x1] =	stream.indirect.gather [hbm4b:s4+s11], $0x80, s30, s11, $0xb8;
	[tilespmem:$0x1E000] =	vst v63  }
0x126: {  	_ =	swait.ge [sflag:s17], $0x3000  }
0x127: {  	[sflag:s17] =	ssyncset.done $0x0  }
0x128: {  	[sflag:s17] =	ssyncadd.s32 $0xFFFFD000  }
0x129: {  	[spmem:s2] =	stream.indirect.scatter.add.f32 [tilespmem:s14], [sflag:$0x6], $0x80, s31, s11, $0xb8;
	[tilespmem:$0x1E000] =	vst v63  }
0x12a: {  	_ =	swait.ge [sflag:s13], $0x3000  }
0x12b: {  	[sflag:s13] =	ssyncset.done $0x0  }
0x12c: {  	[sflag:s13] =	ssyncadd.s32 $0xFFFFD000  }
0x12d: {  	[spmem:s2] =	stream.indirect.scatter.add.f32 [tilespmem:s8], [sflag:$0x4], $0x80, s1, s11, $0xb8;
	[tilespmem:$0x1E000] =	vst v63  }
0x12e: {  	_ =	swait.ge [sflag:s18], $0x3000  }
0x12f: {  	[sflag:s18] =	ssyncset.done $0x0  }
0x130: {  	[sflag:s18] =	ssyncadd.s32 $0xFFFFD000  }
0x131: {  	_ =	swait.ge [sflag:s19], $0x3000  }
0x132: {  	[sflag:s19] =	ssyncset.done $0x0  }
0x133: {  	[sflag:s19] =	ssyncadd.s32 $0xFFFFD000  }
0x134: {  	s6 =	simm.s32 $0x100;
	_ =	swait.ge [sflag:s16], $0x3000  }
0x135: {  	s7 =	simm.s32 $0x200;
	s0 =	rddreg [dreg:$0x4];
	[sflag:s16] =	ssyncset.done $0x0  }
.LBB2_4:
0x136: {  	[sflag:s16] =	ssyncadd.s32 $0xFFFFD000;
	s0 =	sadd.s32 s6, s0  }
0x137: {  	[tilespmem:s3], [sflag:$0x7] =	stream.linear.gather [hbm4b:s0+s3], $0x800, $0x38;
	[tilespmem:$0x1E000] =	vst v63  }
0x138: {  	_ =	swait.ge [sflag:s9], $0x800  }
0x139: {  	s0 =	rddreg [dreg:$0x3];
	[sflag:s9] =	ssyncset.done $0x0  }
0x13a: {  	[sflag:s9] =	ssyncadd.s32 $0xFFFFF800;
	s0 =	sadd.s32 s6, s0  }
0x13b: {  	[tilespmem:s10], [sflag:$0x7] =	stream.linear.gather [hbm4b:s0+s3], $0x800, $0x38;
	[tilespmem:$0x1E000] =	vst v63  }
0x13c: {  	_ =	swait.ge [sflag:s9], $0x800  }
0x13d: {  	[sflag:s9] =	ssyncset.done $0x0  }
0x13e: {  	[sflag:s9] =	ssyncadd.s32 $0xFFFFF800  }
0x13f: {  	[tilespmem:s8], [sflag:$0x1] =	stream.indirect.gather [hbm4b:s4+s11], $0x80, s3, s11, $0xb8;
	[tilespmem:$0x1E000] =	vst v63  }
0x140: {  	s0 =	rddreg [dreg:$0x5]  }
0x141: {  	[tilespmem:s12], [sflag:$0x2] =	stream.indirect.gather [hbm4b:s4+s11], $0x80, s0, s11, $0xb8;
	[tilespmem:$0x1E000] =	vst v63  }
0x142: {  	_ =	swait.ge [sflag:s13], $0x3000  }
0x143: {  	[sflag:s13] =	ssyncset.done $0x0  }
0x144: {  	[sflag:s13] =	ssyncadd.s32 $0xFFFFD000  }
0x145: {  	[spmem:s2] =	stream.indirect.scatter.add.f32 [tilespmem:s8], [sflag:$0x4], $0x80, s10, s11, $0xb8;
	[tilespmem:$0x1E000] =	vst v63  }
0x146: {  	s0 =	rddreg [dreg:$0x6]  }
0x147: {  	[tilespmem:s14], [sflag:$0x3] =	stream.indirect.gather [hbm4b:s4+s11], $0x80, s0, s11, $0xb8;
	[tilespmem:$0x1E000] =	vst v63  }
0x148: {  	_ =	swait.ge [sflag:s15], $0x3000  }
0x149: {  	[sflag:s15] =	ssyncset.done $0x0  }
0x14a: {  	s0 =	rddreg [dreg:$0x7];
	[sflag:s15] =	ssyncadd.s32 $0xFFFFD000  }
0x14b: {  	[spmem:s2] =	stream.indirect.scatter.add.f32 [tilespmem:s12], [sflag:$0x5], $0x80, s0, s11, $0xb8;
	[tilespmem:$0x1E000] =	vst v63  }
0x14c: {  	_ =	swait.ge [sflag:s16], $0x3000  }
0x14d: {  	[sflag:s16] =	ssyncset.done $0x0  }
0x14e: {  	s0 =	rddreg [dreg:$0x8];
	[sflag:s16] =	ssyncadd.s32 $0xFFFFD000  }
0x14f: {  	[tilespmem:s8], [sflag:$0x1] =	stream.indirect.gather [hbm4b:s4+s11], $0x80, s0, s11, $0xb8;
	[tilespmem:$0x1E000] =	vst v63  }
0x150: {  	_ =	swait.ge [sflag:s17], $0x3000  }
0x151: {  	[sflag:s17] =	ssyncset.done $0x0  }
0x152: {  	s0 =	rddreg [dreg:$0x9];
	[sflag:s17] =	ssyncadd.s32 $0xFFFFD000  }
0x153: {  	[spmem:s2] =	stream.indirect.scatter.add.f32 [tilespmem:s14], [sflag:$0x6], $0x80, s0, s11, $0xb8;
	[tilespmem:$0x1E000] =	vst v63  }
0x154: {  	_ =	swait.ge [sflag:s18], $0x3000  }
0x155: {  	[sflag:s18] =	ssyncset.done $0x0  }
0x156: {  	s0 =	rddreg [dreg:$0xa];
	[sflag:s18] =	ssyncadd.s32 $0xFFFFD000  }
0x157: {  	[tilespmem:s12], [sflag:$0x2] =	stream.indirect.gather [hbm4b:s4+s11], $0x80, s0, s11, $0xb8;
	[tilespmem:$0x1E000] =	vst v63  }
0x158: {  	_ =	swait.ge [sflag:s13], $0x3000  }
0x159: {  	[sflag:s13] =	ssyncset.done $0x0  }
0x15a: {  	s0 =	rddreg [dreg:$0xb];
	[sflag:s13] =	ssyncadd.s32 $0xFFFFD000  }
0x15b: {  	[spmem:s2] =	stream.indirect.scatter.add.f32 [tilespmem:s8], [sflag:$0x4], $0x80, s0, s11, $0xb8;
	[tilespmem:$0x1E000] =	vst v63  }
0x15c: {  	_ =	swait.ge [sflag:s19], $0x3000  }
0x15d: {  	[sflag:s19] =	ssyncset.done $0x0  }
0x15e: {  	s0 =	rddreg [dreg:$0xc];
	[sflag:s19] =	ssyncadd.s32 $0xFFFFD000  }
0x15f: {  	[tilespmem:s14], [sflag:$0x3] =	stream.indirect.gather [hbm4b:s4+s11], $0x80, s0, s11, $0xb8;
	[tilespmem:$0x1E000] =	vst v63  }
0x160: {  	_ =	swait.ge [sflag:s15], $0x3000  }
0x161: {  	[sflag:s15] =	ssyncset.done $0x0  }
0x162: {  	s0 =	rddreg [dreg:$0xd];
	[sflag:s15] =	ssyncadd.s32 $0xFFFFD000  }
0x163: {  	[spmem:s2] =	stream.indirect.scatter.add.f32 [tilespmem:s12], [sflag:$0x5], $0x80, s0, s11, $0xb8;
	[tilespmem:$0x1E000] =	vst v63  }
0x164: {  	_ =	swait.ge [sflag:s16], $0x3000  }
0x165: {  	[sflag:s16] =	ssyncset.done $0x0  }
0x166: {  	s0 =	rddreg [dreg:$0xe];
	[sflag:s16] =	ssyncadd.s32 $0xFFFFD000  }
0x167: {  	[tilespmem:s8], [sflag:$0x1] =	stream.indirect.gather [hbm4b:s4+s11], $0x80, s0, s11, $0xb8;
	[tilespmem:$0x1E000] =	vst v63  }
0x168: {  	_ =	swait.ge [sflag:s17], $0x3000  }
0x169: {  	[sflag:s17] =	ssyncset.done $0x0  }
0x16a: {  	s0 =	rddreg [dreg:$0xf];
	[sflag:s17] =	ssyncadd.s32 $0xFFFFD000  }
0x16b: {  	[spmem:s2] =	stream.indirect.scatter.add.f32 [tilespmem:s14], [sflag:$0x6], $0x80, s0, s11, $0xb8;
	[tilespmem:$0x1E000] =	vst v63  }
0x16c: {  	_ =	swait.ge [sflag:s18], $0x3000  }
0x16d: {  	[sflag:s18] =	ssyncset.done $0x0  }
0x16e: {  	s0 =	rddreg [dreg:$0x10];
	[sflag:s18] =	ssyncadd.s32 $0xFFFFD000  }
0x16f: {  	[tilespmem:s12], [sflag:$0x2] =	stream.indirect.gather [hbm4b:s4+s11], $0x80, s0, s11, $0xb8;
	[tilespmem:$0x1E000] =	vst v63  }
0x170: {  	_ =	swait.ge [sflag:s13], $0x3000  }
0x171: {  	[sflag:s13] =	ssyncset.done $0x0  }
0x172: {  	s0 =	rddreg [dreg:$0x11];
	[sflag:s13] =	ssyncadd.s32 $0xFFFFD000  }
0x173: {  	[spmem:s2] =	stream.indirect.scatter.add.f32 [tilespmem:s8], [sflag:$0x4], $0x80, s0, s11, $0xb8;
	[tilespmem:$0x1E000] =	vst v63  }
0x174: {  	_ =	swait.ge [sflag:s19], $0x3000  }
0x175: {  	[sflag:s19] =	ssyncset.done $0x0  }
0x176: {  	s0 =	rddreg [dreg:$0x12];
	[sflag:s19] =	ssyncadd.s32 $0xFFFFD000  }
0x177: {  	[tilespmem:s14], [sflag:$0x3] =	stream.indirect.gather [hbm4b:s4+s11], $0x80, s0, s11, $0xb8;
	[tilespmem:$0x1E000] =	vst v63  }
0x178: {  	_ =	swait.ge [sflag:s15], $0x3000  }
0x179: {  	[sflag:s15] =	ssyncset.done $0x0  }
0x17a: {  	s0 =	rddreg [dreg:$0x13];
	[sflag:s15] =	ssyncadd.s32 $0xFFFFD000  }
0x17b: {  	[spmem:s2] =	stream.indirect.scatter.add.f32 [tilespmem:s12], [sflag:$0x5], $0x80, s0, s11, $0xb8;
	[tilespmem:$0x1E000] =	vst v63  }
0x17c: {  	_ =	swait.ge [sflag:s16], $0x3000  }
0x17d: {  	[sflag:s16] =	ssyncset.done $0x0  }
0x17e: {  	s0 =	rddreg [dreg:$0x14];
	[sflag:s16] =	ssyncadd.s32 $0xFFFFD000  }
0x17f: {  	[tilespmem:s8], [sflag:$0x1] =	stream.indirect.gather [hbm4b:s4+s11], $0x80, s0, s11, $0xb8;
	[tilespmem:$0x1E000] =	vst v63  }
0x180: {  	_ =	swait.ge [sflag:s17], $0x3000  }
0x181: {  	[sflag:s17] =	ssyncset.done $0x0  }
0x182: {  	s0 =	rddreg [dreg:$0x15];
	[sflag:s17] =	ssyncadd.s32 $0xFFFFD000  }
0x183: {  	[spmem:s2] =	stream.indirect.scatter.add.f32 [tilespmem:s14], [sflag:$0x6], $0x80, s0, s11, $0xb8;
	[tilespmem:$0x1E000] =	vst v63  }
0x184: {  	_ =	swait.ge [sflag:s18], $0x3000  }
0x185: {  	[sflag:s18] =	ssyncset.done $0x0  }
0x186: {  	s0 =	rddreg [dreg:$0x16];
	[sflag:s18] =	ssyncadd.s32 $0xFFFFD000  }
0x187: {  	[tilespmem:s12], [sflag:$0x2] =	stream.indirect.gather [hbm4b:s4+s11], $0x80, s0, s11, $0xb8;
	[tilespmem:$0x1E000] =	vst v63  }
0x188: {  	_ =	swait.ge [sflag:s13], $0x3000  }
0x189: {  	s20 =	smov.u32 s7;
	[sflag:s13] =	ssyncset.done $0x0  }
0x18a: {  	s6 =	smov.u32 s20;
	s20 =	simm.s32 $0xC80;
	[sflag:s13] =	ssyncadd.s32 $0xFFFFD000  }
0x18b: {  	[spmem:s2] =	stream.indirect.scatter.add.f32 [tilespmem:s8], [sflag:$0x4], $0x80, s20, s11, $0xb8;
	[tilespmem:$0x1E000] =	vst v63  }
0x18c: {  	_ =	swait.ge [sflag:s19], $0x3000  }
0x18d: {  	[sflag:s19] =	ssyncset.done $0x0  }
0x18e: {  	[sflag:s19] =	ssyncadd.s32 $0xFFFFD000  }
0x18f: {  	[tilespmem:s14], [sflag:$0x3] =	stream.indirect.gather [hbm4b:s4+s11], $0x80, s21, s11, $0xb8;
	[tilespmem:$0x1E000] =	vst v63  }
0x190: {  	_ =	swait.ge [sflag:s15], $0x3000  }
0x191: {  	[sflag:s15] =	ssyncset.done $0x0  }
0x192: {  	[sflag:s15] =	ssyncadd.s32 $0xFFFFD000  }
0x193: {  	[spmem:s2] =	stream.indirect.scatter.add.f32 [tilespmem:s12], [sflag:$0x5], $0x80, s22, s11, $0xb8;
	[tilespmem:$0x1E000] =	vst v63  }
0x194: {  	_ =	swait.ge [sflag:s16], $0x3000  }
0x195: {  	[sflag:s16] =	ssyncset.done $0x0  }
0x196: {  	[sflag:s16] =	ssyncadd.s32 $0xFFFFD000  }
0x197: {  	[tilespmem:s8], [sflag:$0x1] =	stream.indirect.gather [hbm4b:s4+s11], $0x80, s23, s11, $0xb8;
	[tilespmem:$0x1E000] =	vst v63  }
0x198: {  	_ =	swait.ge [sflag:s17], $0x3000  }
0x199: {  	[sflag:s17] =	ssyncset.done $0x0  }
0x19a: {  	[sflag:s17] =	ssyncadd.s32 $0xFFFFD000  }
0x19b: {  	[spmem:s2] =	stream.indirect.scatter.add.f32 [tilespmem:s14], [sflag:$0x6], $0x80, s24, s11, $0xb8;
	[tilespmem:$0x1E000] =	vst v63  }
0x19c: {  	_ =	swait.ge [sflag:s18], $0x3000  }
0x19d: {  	[sflag:s18] =	ssyncset.done $0x0  }
0x19e: {  	[sflag:s18] =	ssyncadd.s32 $0xFFFFD000  }
0x19f: {  	[tilespmem:s12], [sflag:$0x2] =	stream.indirect.gather [hbm4b:s4+s11], $0x80, s25, s11, $0xb8;
	[tilespmem:$0x1E000] =	vst v63  }
0x1a0: {  	_ =	swait.ge [sflag:s13], $0x3000  }
0x1a1: {  	[sflag:s13] =	ssyncset.done $0x0  }
0x1a2: {  	[sflag:s13] =	ssyncadd.s32 $0xFFFFD000  }
0x1a3: {  	[spmem:s2] =	stream.indirect.scatter.add.f32 [tilespmem:s8], [sflag:$0x4], $0x80, s26, s11, $0xb8;
	[tilespmem:$0x1E000] =	vst v63  }
0x1a4: {  	_ =	swait.ge [sflag:s19], $0x3000  }
0x1a5: {  	[sflag:s19] =	ssyncset.done $0x0  }
0x1a6: {  	[sflag:s19] =	ssyncadd.s32 $0xFFFFD000  }
0x1a7: {  	[tilespmem:s14], [sflag:$0x3] =	stream.indirect.gather [hbm4b:s4+s11], $0x80, s28, s11, $0xb8;
	[tilespmem:$0x1E000] =	vst v63  }
0x1a8: {  	_ =	swait.ge [sflag:s15], $0x3000  }
0x1a9: {  	[sflag:s15] =	ssyncset.done $0x0  }
0x1aa: {  	[sflag:s15] =	ssyncadd.s32 $0xFFFFD000  }
0x1ab: {  	[spmem:s2] =	stream.indirect.scatter.add.f32 [tilespmem:s12], [sflag:$0x5], $0x80, s29, s11, $0xb8;
	[tilespmem:$0x1E000] =	vst v63  }
0x1ac: {  	_ =	swait.ge [sflag:s16], $0x3000  }
0x1ad: {  	[sflag:s16] =	ssyncset.done $0x0  }
0x1ae: {  	[sflag:s16] =	ssyncadd.s32 $0xFFFFD000  }
0x1af: {  	[tilespmem:s8], [sflag:$0x1] =	stream.indirect.gather [hbm4b:s4+s11], $0x80, s30, s11, $0xb8;
	[tilespmem:$0x1E000] =	vst v63  }
0x1b0: {  	_ =	swait.ge [sflag:s17], $0x3000  }
0x1b1: {  	[sflag:s17] =	ssyncset.done $0x0  }
0x1b2: {  	[sflag:s17] =	ssyncadd.s32 $0xFFFFD000  }
0x1b3: {  	[spmem:s2] =	stream.indirect.scatter.add.f32 [tilespmem:s14], [sflag:$0x6], $0x80, s31, s11, $0xb8;
	[tilespmem:$0x1E000] =	vst v63  }
0x1b4: {  	_ =	swait.ge [sflag:s13], $0x3000  }
0x1b5: {  	[sflag:s13] =	ssyncset.done $0x0  }
0x1b6: {  	[sflag:s13] =	ssyncadd.s32 $0xFFFFD000  }
0x1b7: {  	[spmem:s2] =	stream.indirect.scatter.add.f32 [tilespmem:s8], [sflag:$0x4], $0x80, s1, s11, $0xb8;
	[tilespmem:$0x1E000] =	vst v63  }
0x1b8: {  	_ =	swait.ge [sflag:s18], $0x3000  }
0x1b9: {  	[sflag:s18] =	ssyncset.done $0x0  }
0x1ba: {  	p0 =	sne.s32 s7, $0x600;
	[sflag:s18] =	ssyncadd.s32 $0xFFFFD000  }
.Ltmp1:
0x1bb: {  	_ =	swait.ge [sflag:s19], $0x3000;
	(pc) =	sbr.rel @p0 .LBB2_4-.Ltmp1, $4  }
0x1bc: {  	[sflag:s19] =	ssyncset.done $0x0  }
0x1bd: {  	[sflag:s19] =	ssyncadd.s32 $0xFFFFD000  }
0x1be: {  	_ =	swait.ge [sflag:s16], $0x3000  }
0x1bf: {  	s7 =	sadd.s32 $0x100, s7;
	s0 =	rddreg [dreg:$0x4];
	[sflag:s16] =	ssyncset.done $0x0  }
0x1c0: {  	[sflag:s16] =	ssyncadd.s32 $0xFFFFD000;
	s0 =	sadd.s32 s6, s0  }
0x1c1: {  	[tilespmem:s3], [sflag:$0x7] =	stream.linear.gather [hbm4b:s0+s3], $0x800, $0x38;
	[tilespmem:$0x1E000] =	vst v63  }
0x1c2: {  	_ =	swait.ge [sflag:s9], $0x800  }
0x1c3: {  	s7 =	rddreg [dreg:$0x3];
	[sflag:s9] =	ssyncset.done $0x0  }
0x1c4: {  	[sflag:s9] =	ssyncadd.s32 $0xFFFFF800;
	s0 =	sadd.s32 s6, s7  }
0x1c5: {  	[tilespmem:s10], [sflag:$0x7] =	stream.linear.gather [hbm4b:s0+s3], $0x800, $0x38;
	[tilespmem:$0x1E000] =	vst v63  }
0x1c6: {  	_ =	swait.ge [sflag:s9], $0x800  }
0x1c7: {  	[sflag:s9] =	ssyncset.done $0x0  }
0x1c8: {  	[sflag:s9] =	ssyncadd.s32 $0xFFFFF800  }
0x1c9: {  	[tilespmem:s8], [sflag:$0x1] =	stream.indirect.gather [hbm4b:s4+s11], $0x80, s3, s11, $0xb8;
	[tilespmem:$0x1E000] =	vst v63  }
0x1ca: {  	s7 =	rddreg [dreg:$0x5]  }
0x1cb: {  	[tilespmem:s12], [sflag:$0x2] =	stream.indirect.gather [hbm4b:s4+s11], $0x80, s7, s11, $0xb8;
	[tilespmem:$0x1E000] =	vst v63  }
0x1cc: {  	_ =	swait.ge [sflag:s13], $0x3000  }
0x1cd: {  	[sflag:s13] =	ssyncset.done $0x0  }
0x1ce: {  	[sflag:s13] =	ssyncadd.s32 $0xFFFFD000  }
0x1cf: {  	[spmem:s2] =	stream.indirect.scatter.add.f32 [tilespmem:s8], [sflag:$0x4], $0x80, s10, s11, $0xb8;
	[tilespmem:$0x1E000] =	vst v63  }
0x1d0: {  	s6 =	rddreg [dreg:$0x6]  }
0x1d1: {  	[tilespmem:s14], [sflag:$0x3] =	stream.indirect.gather [hbm4b:s4+s11], $0x80, s6, s11, $0xb8;
	[tilespmem:$0x1E000] =	vst v63  }
0x1d2: {  	_ =	swait.ge [sflag:s15], $0x3000  }
0x1d3: {  	[sflag:s15] =	ssyncset.done $0x0  }
0x1d4: {  	s7 =	rddreg [dreg:$0x7];
	[sflag:s15] =	ssyncadd.s32 $0xFFFFD000  }
0x1d5: {  	[spmem:s2] =	stream.indirect.scatter.add.f32 [tilespmem:s12], [sflag:$0x5], $0x80, s7, s11, $0xb8;
	[tilespmem:$0x1E000] =	vst v63  }
0x1d6: {  	_ =	swait.ge [sflag:s16], $0x3000  }
0x1d7: {  	[sflag:s16] =	ssyncset.done $0x0  }
0x1d8: {  	s6 =	rddreg [dreg:$0x8];
	[sflag:s16] =	ssyncadd.s32 $0xFFFFD000  }
0x1d9: {  	[tilespmem:s8], [sflag:$0x1] =	stream.indirect.gather [hbm4b:s4+s11], $0x80, s6, s11, $0xb8;
	[tilespmem:$0x1E000] =	vst v63  }
0x1da: {  	_ =	swait.ge [sflag:s17], $0x3000  }
0x1db: {  	[sflag:s17] =	ssyncset.done $0x0  }
0x1dc: {  	s7 =	rddreg [dreg:$0x9];
	[sflag:s17] =	ssyncadd.s32 $0xFFFFD000  }
0x1dd: {  	[spmem:s2] =	stream.indirect.scatter.add.f32 [tilespmem:s14], [sflag:$0x6], $0x80, s7, s11, $0xb8;
	[tilespmem:$0x1E000] =	vst v63  }
0x1de: {  	_ =	swait.ge [sflag:s18], $0x3000  }
0x1df: {  	[sflag:s18] =	ssyncset.done $0x0  }
0x1e0: {  	s6 =	rddreg [dreg:$0xa];
	[sflag:s18] =	ssyncadd.s32 $0xFFFFD000  }
0x1e1: {  	[tilespmem:s12], [sflag:$0x2] =	stream.indirect.gather [hbm4b:s4+s11], $0x80, s6, s11, $0xb8;
	[tilespmem:$0x1E000] =	vst v63  }
0x1e2: {  	_ =	swait.ge [sflag:s13], $0x3000  }
0x1e3: {  	[sflag:s13] =	ssyncset.done $0x0  }
0x1e4: {  	s7 =	rddreg [dreg:$0xb];
	[sflag:s13] =	ssyncadd.s32 $0xFFFFD000  }
0x1e5: {  	[spmem:s2] =	stream.indirect.scatter.add.f32 [tilespmem:s8], [sflag:$0x4], $0x80, s7, s11, $0xb8;
	[tilespmem:$0x1E000] =	vst v63  }
0x1e6: {  	_ =	swait.ge [sflag:s19], $0x3000  }
0x1e7: {  	[sflag:s19] =	ssyncset.done $0x0  }
0x1e8: {  	s6 =	rddreg [dreg:$0xc];
	[sflag:s19] =	ssyncadd.s32 $0xFFFFD000  }
0x1e9: {  	[tilespmem:s14], [sflag:$0x3] =	stream.indirect.gather [hbm4b:s4+s11], $0x80, s6, s11, $0xb8;
	[tilespmem:$0x1E000] =	vst v63  }
0x1ea: {  	_ =	swait.ge [sflag:s15], $0x3000  }
0x1eb: {  	[sflag:s15] =	ssyncset.done $0x0  }
0x1ec: {  	s7 =	rddreg [dreg:$0xd];
	[sflag:s15] =	ssyncadd.s32 $0xFFFFD000  }
0x1ed: {  	[spmem:s2] =	stream.indirect.scatter.add.f32 [tilespmem:s12], [sflag:$0x5], $0x80, s7, s11, $0xb8;
	[tilespmem:$0x1E000] =	vst v63  }
0x1ee: {  	_ =	swait.ge [sflag:s16], $0x3000  }
0x1ef: {  	[sflag:s16] =	ssyncset.done $0x0  }
0x1f0: {  	s6 =	rddreg [dreg:$0xe];
	[sflag:s16] =	ssyncadd.s32 $0xFFFFD000  }
0x1f1: {  	[tilespmem:s8], [sflag:$0x1] =	stream.indirect.gather [hbm4b:s4+s11], $0x80, s6, s11, $0xb8;
	[tilespmem:$0x1E000] =	vst v63  }
0x1f2: {  	_ =	swait.ge [sflag:s17], $0x3000  }
0x1f3: {  	[sflag:s17] =	ssyncset.done $0x0  }
0x1f4: {  	s7 =	rddreg [dreg:$0xf];
	[sflag:s17] =	ssyncadd.s32 $0xFFFFD000  }
0x1f5: {  	[spmem:s2] =	stream.indirect.scatter.add.f32 [tilespmem:s14], [sflag:$0x6], $0x80, s7, s11, $0xb8;
	[tilespmem:$0x1E000] =	vst v63  }
0x1f6: {  	_ =	swait.ge [sflag:s18], $0x3000  }
0x1f7: {  	[sflag:s18] =	ssyncset.done $0x0  }
0x1f8: {  	s6 =	rddreg [dreg:$0x10];
	[sflag:s18] =	ssyncadd.s32 $0xFFFFD000  }
0x1f9: {  	[tilespmem:s12], [sflag:$0x2] =	stream.indirect.gather [hbm4b:s4+s11], $0x80, s6, s11, $0xb8;
	[tilespmem:$0x1E000] =	vst v63  }
0x1fa: {  	_ =	swait.ge [sflag:s13], $0x3000  }
0x1fb: {  	[sflag:s13] =	ssyncset.done $0x0  }
0x1fc: {  	s7 =	rddreg [dreg:$0x11];
	[sflag:s13] =	ssyncadd.s32 $0xFFFFD000  }
0x1fd: {  	[spmem:s2] =	stream.indirect.scatter.add.f32 [tilespmem:s8], [sflag:$0x4], $0x80, s7, s11, $0xb8;
	[tilespmem:$0x1E000] =	vst v63  }
0x1fe: {  	_ =	swait.ge [sflag:s19], $0x3000  }
0x1ff: {  	[sflag:s19] =	ssyncset.done $0x0  }
0x200: {  	s6 =	rddreg [dreg:$0x12];
	[sflag:s19] =	ssyncadd.s32 $0xFFFFD000  }
0x201: {  	[tilespmem:s14], [sflag:$0x3] =	stream.indirect.gather [hbm4b:s4+s11], $0x80, s6, s11, $0xb8;
	[tilespmem:$0x1E000] =	vst v63  }
0x202: {  	_ =	swait.ge [sflag:s15], $0x3000  }
0x203: {  	[sflag:s15] =	ssyncset.done $0x0  }
0x204: {  	s7 =	rddreg [dreg:$0x13];
	[sflag:s15] =	ssyncadd.s32 $0xFFFFD000  }
0x205: {  	[spmem:s2] =	stream.indirect.scatter.add.f32 [tilespmem:s12], [sflag:$0x5], $0x80, s7, s11, $0xb8;
	[tilespmem:$0x1E000] =	vst v63  }
0x206: {  	_ =	swait.ge [sflag:s16], $0x3000  }
0x207: {  	[sflag:s16] =	ssyncset.done $0x0  }
0x208: {  	s6 =	rddreg [dreg:$0x14];
	[sflag:s16] =	ssyncadd.s32 $0xFFFFD000  }
0x209: {  	[tilespmem:s8], [sflag:$0x1] =	stream.indirect.gather [hbm4b:s4+s11], $0x80, s6, s11, $0xb8;
	[tilespmem:$0x1E000] =	vst v63  }
0x20a: {  	_ =	swait.ge [sflag:s17], $0x3000  }
0x20b: {  	[sflag:s17] =	ssyncset.done $0x0  }
0x20c: {  	s7 =	rddreg [dreg:$0x15];
	[sflag:s17] =	ssyncadd.s32 $0xFFFFD000  }
0x20d: {  	[spmem:s2] =	stream.indirect.scatter.add.f32 [tilespmem:s14], [sflag:$0x6], $0x80, s7, s11, $0xb8;
	[tilespmem:$0x1E000] =	vst v63  }
0x20e: {  	_ =	swait.ge [sflag:s18], $0x3000  }
0x20f: {  	[sflag:s18] =	ssyncset.done $0x0  }
0x210: {  	s6 =	rddreg [dreg:$0x16];
	[sflag:s18] =	ssyncadd.s32 $0xFFFFD000  }
0x211: {  	[tilespmem:s12], [sflag:$0x2] =	stream.indirect.gather [hbm4b:s4+s11], $0x80, s6, s11, $0xb8;
	[tilespmem:$0x1E000] =	vst v63  }
0x212: {  	_ =	swait.ge [sflag:s13], $0x3000  }
0x213: {  	[sflag:s13] =	ssyncset.done $0x0  }
0x214: {  	[sflag:s13] =	ssyncadd.s32 $0xFFFFD000  }
0x215: {  	[spmem:s2] =	stream.indirect.scatter.add.f32 [tilespmem:s8], [sflag:$0x4], $0x80, s20, s11, $0xb8;
	[tilespmem:$0x1E000] =	vst v63  }
0x216: {  	_ =	swait.ge [sflag:s19], $0x3000  }
0x217: {  	[sflag:s19] =	ssyncset.done $0x0  }
0x218: {  	[sflag:s19] =	ssyncadd.s32 $0xFFFFD000  }
0x219: {  	[tilespmem:s14], [sflag:$0x3] =	stream.indirect.gather [hbm4b:s4+s11], $0x80, s21, s11, $0xb8;
	[tilespmem:$0x1E000] =	vst v63  }
0x21a: {  	_ =	swait.ge [sflag:s15], $0x3000  }
0x21b: {  	[sflag:s15] =	ssyncset.done $0x0  }
0x21c: {  	[sflag:s15] =	ssyncadd.s32 $0xFFFFD000  }
0x21d: {  	[spmem:s2] =	stream.indirect.scatter.add.f32 [tilespmem:s12], [sflag:$0x5], $0x80, s22, s11, $0xb8;
	[tilespmem:$0x1E000] =	vst v63  }
0x21e: {  	_ =	swait.ge [sflag:s16], $0x3000  }
0x21f: {  	[sflag:s16] =	ssyncset.done $0x0  }
0x220: {  	[sflag:s16] =	ssyncadd.s32 $0xFFFFD000  }
0x221: {  	[tilespmem:s8], [sflag:$0x1] =	stream.indirect.gather [hbm4b:s4+s11], $0x80, s23, s11, $0xb8;
	[tilespmem:$0x1E000] =	vst v63  }
0x222: {  	_ =	swait.ge [sflag:s17], $0x3000  }
0x223: {  	[sflag:s17] =	ssyncset.done $0x0  }
0x224: {  	[sflag:s17] =	ssyncadd.s32 $0xFFFFD000  }
0x225: {  	[spmem:s2] =	stream.indirect.scatter.add.f32 [tilespmem:s14], [sflag:$0x6], $0x80, s24, s11, $0xb8;
	[tilespmem:$0x1E000] =	vst v63  }
0x226: {  	_ =	swait.ge [sflag:s18], $0x3000  }
0x227: {  	[sflag:s18] =	ssyncset.done $0x0  }
0x228: {  	[sflag:s18] =	ssyncadd.s32 $0xFFFFD000  }
0x229: {  	[tilespmem:s12], [sflag:$0x2] =	stream.indirect.gather [hbm4b:s4+s11], $0x80, s25, s11, $0xb8;
	[tilespmem:$0x1E000] =	vst v63  }
0x22a: {  	_ =	swait.ge [sflag:s13], $0x3000  }
0x22b: {  	[sflag:s13] =	ssyncset.done $0x0  }
0x22c: {  	[sflag:s13] =	ssyncadd.s32 $0xFFFFD000  }
0x22d: {  	[spmem:s2] =	stream.indirect.scatter.add.f32 [tilespmem:s8], [sflag:$0x4], $0x80, s26, s11, $0xb8;
	[tilespmem:$0x1E000] =	vst v63  }
0x22e: {  	_ =	swait.ge [sflag:s19], $0x3000  }
0x22f: {  	[sflag:s19] =	ssyncset.done $0x0  }
0x230: {  	[sflag:s19] =	ssyncadd.s32 $0xFFFFD000  }
0x231: {  	[tilespmem:s14], [sflag:$0x3] =	stream.indirect.gather [hbm4b:s4+s11], $0x80, s28, s11, $0xb8;
	[tilespmem:$0x1E000] =	vst v63  }
0x232: {  	_ =	swait.ge [sflag:s15], $0x3000  }
0x233: {  	[sflag:s15] =	ssyncset.done $0x0  }
0x234: {  	[sflag:s15] =	ssyncadd.s32 $0xFFFFD000  }
0x235: {  	[spmem:s2] =	stream.indirect.scatter.add.f32 [tilespmem:s12], [sflag:$0x5], $0x80, s29, s11, $0xb8;
	[tilespmem:$0x1E000] =	vst v63  }
0x236: {  	_ =	swait.ge [sflag:s16], $0x3000  }
0x237: {  	[sflag:s16] =	ssyncset.done $0x0  }
0x238: {  	[sflag:s16] =	ssyncadd.s32 $0xFFFFD000  }
0x239: {  	[tilespmem:s8], [sflag:$0x1] =	stream.indirect.gather [hbm4b:s4+s11], $0x80, s30, s11, $0xb8;
	[tilespmem:$0x1E000] =	vst v63  }
0x23a: {  	_ =	swait.ge [sflag:s17], $0x3000  }
0x23b: {  	[sflag:s17] =	ssyncset.done $0x0  }
0x23c: {  	[sflag:s17] =	ssyncadd.s32 $0xFFFFD000  }
0x23d: {  	[spmem:s2] =	stream.indirect.scatter.add.f32 [tilespmem:s14], [sflag:$0x6], $0x80, s31, s11, $0xb8;
	[tilespmem:$0x1E000] =	vst v63  }
0x23e: {  	_ =	swait.ge [sflag:s13], $0x3000  }
0x23f: {  	[sflag:s13] =	ssyncset.done $0x0  }
0x240: {  	[sflag:s13] =	ssyncadd.s32 $0xFFFFD000  }
0x241: {  	[spmem:s2] =	stream.indirect.scatter.add.f32 [tilespmem:s8], [sflag:$0x4], $0x80, s1, s11, $0xb8;
	[tilespmem:$0x1E000] =	vst v63  }
0x242: {  	_ =	swait.ge [sflag:s18], $0x3000  }
0x243: {  	[sflag:s18] =	ssyncset.done $0x0  }
0x244: {  	[sflag:s18] =	ssyncadd.s32 $0xFFFFD000  }
0x245: {  	_ =	swait.ge [sflag:s19], $0x3000  }
0x246: {  	[sflag:s19] =	ssyncset.done $0x0  }
0x247: {  	[sflag:s19] =	ssyncadd.s32 $0xFFFFD000  }
0x248: {  	_ =	swait.ge [sflag:s16], $0x3000  }
0x249: {  	[sflag:s16] =	ssyncset.done $0x0  }
0x24a: {  	s7 =	stileid.u32;
	[sflag:s16] =	ssyncadd.s32 $0xFFFFD000  }
0x24b: {  	s0 =	sshll.u32 s7, $0x6;
	[bflag:$0x0] =	sbarrier.arrive $0xFFFF  }
0x24c: {  	s0 =	sor.u32 $0x1C07, s0;
	s6 =	sshrl.u32 s5, $0x3;
	s7 =	rddreg [dreg:$0x17]  }
0x24d: {  	[hbm:s7], [sflag:s0] =	dma.local [spmem:s6], $0x2800  }
0x24e: {  	_ =	swait.ge [sflag:s9], $0x2800  }
0x24f: {  	s0 =	rddreg [dreg:$0x19]  }
0x250: {  	s7 =	rddreg [dreg:$0x18];
	s6 =	sadd.s32 $0x1, s0  }
0x251: {  	p0 =	sne.s32 s6, s7  }
.Ltmp2:
0x252: {  	_ = 	snop;
	(pc) =	sbr.rel @p0 .LBB2_1-.Ltmp2, $3  }
0x253: {  	_ =	sdelay $0x1  }
0x254: {  	[sflag:s9] =	ssyncset.done $0x0  }
0x255: {  	[sflag:s9] =	ssyncadd.s32 $0xFFFFD800  }
0x256: {  	_ =	sfence.sel $0x180000  }
0x257: {  	[bflag:$0x0] =	sbarrier.arrive $0xFFFF  }
0x258: {  	_ =	strace $0x9000004A  }
0x259: {  	s0 =	stileid.u32;
	[bflag:$0x2] =	sbarrier.arrive $0xFFFF  }
0x25a: {  	p0 =	sne.s32 s0, $0x0;
	s0 =	rddreg [dreg:$0x2]  }
0x25b: {  	s0 =	sadd.s32 @!p0 $0x100000, s0  }
0x25c: {  	[sflag:s0] =	ssyncadd.tile.s32 @!p0 $0x1;
	_ =	shalt  }
.Lfunc_end2:
_tile_overlayer_lowered:
.L_overlay_start_2:
0x25d: {  	(tag) =	ssettag $0x2  }
0x25e: {  	s0 =	rddreg [dreg:$0x0];
	s2 =	stileid.u32  }
0x25f: {  	s1 =	rddreg [dreg:$0x1];
	p0 =	sne.s32 s2, $0x0  }
0x260: {  	s3 =	rddreg [dreg:$0x2];
	[bflag:$0x3] =	sbarrier.arrive $0xFFFF;
	s2 =	simm.s32 @!p0 $0x1C07  }
0x261: {  	[timem:s3], [sflag:s2] =	dma.local @!p0 [hbm:s0], s1  }
0x262: {  	s0 =	simm.s32 @!p0 $0x7  }
0x263: {  	_ =	swait.ge @!p0 [sflag:s0], s1  }
0x264: {  	s1 =	ssub.s32 @!p0 $0x0, s1;
	[sflag:s0] =	ssyncset.done @!p0 $0x0  }
0x265: {  	[sflag:s0] =	ssyncadd.s32 @!p0 s1  }
0x266: {  	[bflag:$0x3] =	sbarrier.arrive $0xFFFF  }
0x267: {  	_ =	shalt  }

// kernel: kernel.5.cloned.1.call-start
scs
__scs_entry_jumppad:
0x0: {  	(pc) =	sbr.rel $0x88, $3  }
0x1: {  	(tag) =	ssettag $0x0;
	lr =	simm.s32 $0x1  }
0x2: {  	[smem:$0x3F94] =	sst lr;
	_ =	strace $0xD0000000  }
0x3: {  	_ = 	snop  }
0x4: {  	_ = 	snop  }
0x5: {  	_ = 	snop  }
0x6: {  	_ = 	snop  }
0x7: {  	_ = 	snop  }
__scs_overlays_trampoline_lowered:
0x8: {  	[smem:$0x3FA3] =	sst s0  }
0x9: {  	[smem:$0x3FA4] =	sst s1  }
0xa: {  	[smem:$0x3FA5] =	sst s2  }
0xb: {  	[smem:$0x3FA6] =	sst s3  }
0xc: {  	[smem:$0x3FA7] =	sst s4  }
0xd: {  	[smem:$0x3FA8] =	sst s5  }
0xe: {  	[smem:$0x3FA9] =	sst s6  }
0xf: {  	[smem:$0x3FAA] =	sst s7  }
0x10: {  	[smem:$0x3FAB] =	sst s8  }
0x11: {  	[smem:$0x3FAC] =	sst s9;
	s0 =	simm.s32 @!p0 $0x0  }
0x12: {  	s1 =	sld [smem:$0x3F92];
	s0 =	simm.s32 @p0 $0x1  }
0x13: {  	[smem:$0x3FAD] =	sst s0;
	s0 =	simm.s32 @!p1 $0x0  }
0x14: {  	s2 =	sld [smem:$0x3F91];
	s0 =	simm.s32 @p1 $0x1  }
0x15: {  	[smem:$0x3FAE] =	sst s0;
	s0 =	simm.s32 @!p2 $0x0  }
0x16: {  	s3 =	sld [smem:$0x3FDB];
	s0 =	simm.s32 @p2 $0x1  }
0x17: {  	s4 =	simm.s32 $0x1BF5;
	[smem:$0x3FB0] =	sst s0  }
0x18: {  	s0 =	sld [smem:$0x3F93];
	_ =	swait.ge [sflag:s4], $0x0  }
0x19: {  	s7 =	sld [smem:$0x3F94]  }
0x1a: {  	s8 =	sadd.s32 $0xFFFFE003, lr  }
0x1b: {  	s9 =	sadd.s32 $0xFFFFFEF7, lr;
	s5 =	simm.s32 $0xFFFFFFFF;
	p2 =	slt.u32 s8, $0xFFFFF086  }
0x1c: {  	p1 =	slt.u32 s9, $0xF7A;
	s5 =	simm.s32 @!p2 $0x0  }
0x1d: {  	s5 =	simm.s32 @p1 $0x1;
	p0 =	seq.s32 s7, s2  }
0x1e: {  	s7 =	smul.u32 @!p0 $0xF7A, s2;
	p2 =	seq.s32 @!p0 s5, $0x0  }
0x1f: {  	s9 =	smul.u32 $0xF7A, s1;
	s8 =	simm.s32 @!p0 $0x1BF5;
	p2 =	por !p2, p0  }
0x20: {  	[sflag:s8] =	ssyncset.s32 @!p0 $0xFFFFF086;
	s6 =	sadd.s32 @!p0 s3, s7;
	s7 =	simm.s32 @!p0 $0x108  }
0x21: {  	s3 =	sadd.s32 s3, s9;
	s6 =	sadd.s32 @!p0 $0x88, s6;
	s7 =	simm.s32 @p2 $0x1082  }
0x22: {  	[simem:s7], [sflag:s8] =	dma.local @!p0 [hbm:s6], $0xF7A  }
0x23: {  	s9 =	sor.u32 $0xD0000000, s2;
	s6 =	simm.s32 $0x108;
	_ =	swait.ge @!p0 [sflag:s8], $0x0  }
0x24: {  	s3 =	sadd.s32 $0x88, s3;
	s6 =	simm.s32 @!p1 $0x1082;
	[sflag:s4] =	ssyncset.s32 $0xFFFFF086  }
0x25: {  	[simem:s6], [sflag:s4] =	dma.local [hbm:s3], $0xF7A  }
0x26: {  	[smem:$0x3F94] =	sst s1;
	(tag) =	ssettag s2;
	_ =	strace s9  }
0x27: {  	s1 =	sld [smem:$0x3FA4]  }
0x28: {  	s2 =	sld [smem:$0x3FA5]  }
0x29: {  	s4 =	sld [smem:$0x3FA7]  }
0x2a: {  	p0 =	seq.s32 s5, $0x0;
	s5 =	sld [smem:$0x3FA8]  }
0x2b: {  	s6 =	sld [smem:$0x3FA9]  }
0x2c: {  	s7 =	sld [smem:$0x3FAA]  }
0x2d: {  	s3 =	simm.s32 $0x108;
	s8 =	sld [smem:$0x3FAB]  }
0x2e: {  	s3 =	simm.s32 @!p0 $0x1082;
	s9 =	sld [smem:$0x3FAC]  }
0x2f: {  	lr =	sadd.s32 s0, s3;
	s0 =	sld [smem:$0x3FA3]  }
0x30: {  	s3 =	sld [smem:$0x3FA6]  }
0x31: {  	[smem:$0x3FAF] =	sst s10  }
0x32: {  	s10 =	sld [smem:$0x3FAD];
	_ =	sdelay $0x3  }
0x33: {  	p0 =	seq.s32 s10, $0x1;
	s10 =	sld [smem:$0x3FAF];
	_ =	sdelay $0x3  }
0x34: {  	[smem:$0x3FAF] =	sst s10  }
0x35: {  	s10 =	sld [smem:$0x3FAE];
	_ =	sdelay $0x3  }
0x36: {  	p1 =	seq.s32 s10, $0x1;
	s10 =	sld [smem:$0x3FAF];
	_ =	sdelay $0x3  }
0x37: {  	[smem:$0x3FAF] =	sst s10  }
0x38: {  	s10 =	sld [smem:$0x3FB0]  }
0x39: {  	_ = 	snop;
	(pc) =	sbr.ind lr, $3  }
0x3a: {  	_ = 	snop  }
0x3b: {  	_ = 	snop  }
0x3c: {  	p2 =	seq.s32 s10, $0x1;
	s10 =	sld [smem:$0x3FAF]  }
0x3d: {  	_ =	shalt  }
0x3e: {  	_ =	shalt  }
0x3f: {  	_ =	shalt  }
0x40: {  	_ =	shalt  }
0x41: {  	_ =	shalt  }
0x42: {  	_ =	shalt  }
0x43: {  	_ =	shalt  }
0x44: {  	_ =	shalt  }
0x45: {  	_ =	shalt  }
0x46: {  	_ =	shalt  }
0x47: {  	_ =	shalt  }
0x48: {  	_ =	shalt  }
0x49: {  	_ =	shalt  }
0x4a: {  	_ =	shalt  }
0x4b: {  	_ =	shalt  }
0x4c: {  	_ =	shalt  }
0x4d: {  	_ =	shalt  }
0x4e: {  	_ =	shalt  }
0x4f: {  	_ =	shalt  }
0x50: {  	_ =	shalt  }
0x51: {  	_ =	shalt  }
0x52: {  	_ =	shalt  }
0x53: {  	_ =	shalt  }
0x54: {  	_ =	shalt  }
0x55: {  	_ =	shalt  }
0x56: {  	_ =	shalt  }
0x57: {  	_ =	shalt  }
0x58: {  	_ =	shalt  }
0x59: {  	_ =	shalt  }
0x5a: {  	_ =	shalt  }
0x5b: {  	_ =	shalt  }
0x5c: {  	_ =	shalt  }
0x5d: {  	_ =	shalt  }
0x5e: {  	_ =	shalt  }
0x5f: {  	_ =	shalt  }
0x60: {  	_ =	shalt  }
0x61: {  	_ =	shalt  }
0x62: {  	_ =	shalt  }
0x63: {  	_ =	shalt  }
0x64: {  	_ =	shalt  }
0x65: {  	_ =	shalt  }
0x66: {  	_ =	shalt  }
0x67: {  	_ =	shalt  }
0x68: {  	_ =	shalt  }
0x69: {  	_ =	shalt  }
0x6a: {  	_ =	shalt  }
0x6b: {  	_ =	shalt  }
0x6c: {  	_ =	shalt  }
0x6d: {  	_ =	shalt  }
0x6e: {  	_ =	shalt  }
0x6f: {  	_ =	shalt  }
0x70: {  	_ =	shalt  }
0x71: {  	_ =	shalt  }
0x72: {  	_ =	shalt  }
0x73: {  	_ =	shalt  }
0x74: {  	_ =	shalt  }
0x75: {  	_ =	shalt  }
0x76: {  	_ =	shalt  }
0x77: {  	_ =	shalt  }
0x78: {  	_ =	shalt  }
0x79: {  	_ =	shalt  }
0x7a: {  	_ =	shalt  }
0x7b: {  	_ =	shalt  }
0x7c: {  	_ =	shalt  }
0x7d: {  	_ =	shalt  }
0x7e: {  	_ =	shalt  }
0x7f: {  	_ =	shalt  }
0x80: {  	_ =	shalt  }
0x81: {  	_ =	shalt  }
0x82: {  	_ =	shalt  }
0x83: {  	_ =	shalt  }
0x84: {  	_ =	shalt  }
0x85: {  	_ =	shalt  }
0x86: {  	_ =	shalt  }
0x87: {  	_ =	shalt  }
.Lfunc_end0:
.L_simem_size_0:
called_computation.1_lowered:
.L_overlay_start_0:
0x88: {  	s2 =	sld [smem:$0x3FD9]  }
0x89: {  	s3 =	sld [smem:$0x3FFE];
	_ =	sdelay $0x1  }
0x8a: {  	s1 =	srdreg.scid  }
0x8b: {  	s0 =	sand.u32 $0x1, s1  }
0x8c: {  	s16 =	sshll.u32 s0, $0xA;
	s2 =	sadd.s32 s3, s2  }
0x8d: {  	s2 =	sadd.s32 s2, s16  }
0x8e: {  	[smem:$0x3FBB] =	sst s2  }
0x8f: {  	_ = 	snop  }
0x90: {  	(tm) =	ssettm $0x1  }
0x91: {  	s17 =	sld [smem:$0x3FFB];
	_ =	sdelay $0x3  }
0x92: {  	_ =	strace s17  }
0x93: {  	s2 =	sld [smem:$0x3FFC];
	_ =	sdelay $0x3  }
0x94: {  	_ =	strace s2  }
0x95: {  	s2 =	sld [smem:$0x3FFD];
	_ =	sdelay $0x3  }
0x96: {  	_ =	strace s2  }
0x97: {  	_ =	strace $0x8FFFFFFF  }
0x98: {  	s18 =	sld [smem:$0x3FDB];
	_ =	sdelay $0x1  }
0x99: {  	s19 =	simm.s32 $_scs_section_size  }
0x9a: {  	s4 =	simm.s32 $_size__tile_overlayer_lowered;
	s5 =	simm.s32 $_tile_overlayer_lowered  }
0x9b: {  	s22 =	simm.s32 $0x1BFF;
	s21 =	sshll.u32 s5, $0x1;
	s2 =	sadd.s32 s19, s18  }
0x9c: {  	s6 =	simm.s32 $0x0;
	s20 =	sshll.u32 s4, $0x1;
	s4 =	sadd.s32 s21, s2  }
0x9d: {  	[timem:s6], [sflag:s22] =	dma.local [hbm:s4], s20  }
0x9e: {  	_ =	swait.ge [sflag:s22], s20  }
0x9f: {  	s3 =	ssub.s32 $0x0, s20;
	[sflag:s22] =	ssyncset.done $0x0  }
0xa0: {  	[sflag:s22] =	ssyncadd.s32 s3;
	_ =	sdelay $0x1  }
0xa1: {  	s23 =	simm.s32 $0x1B8B  }
0xa2: {  	_ =	swait.ge [sflag:s23], $0x1  }
0xa3: {  	[sflag:s23] =	ssyncset.done $0x0  }
0xa4: {  	s25 =	simm.s32 $0x1B8E;
	s24 =	sld [smem:$0x3FFE];
	[sflag:s23] =	ssyncadd.s32 $0xFFFFFFFF  }
0xa5: {  	s26 =	simm.s32 $execute0_lowered;
	[smem:$0x3FD2] =	sst s25  }
0xa6: {  	s4 =	sshll.u32 s26, $0x1;
	_ =	strace $0x80000046;
	[dreg:$0x1] =	wrdreg $0xFFFFFFFF  }
0xa7: {  	s28 =	simm.s32 $_size_execute0_lowered;
	s2 =	sadd.s32 s2, s4;
	[dreg:$0x0] =	wrdreg $0x0  }
0xa8: {  	s4 =	sshll.u32 s28, $0x1;
	[dreg:$0x2] =	wrdreg s2  }
0xa9: {  	[dreg:$0x3] =	wrdreg s4  }
0xaa: {  	[dreg:$0x4] =	wrdreg $0xC0  }
0xab: {  	_ =	task [dreg:s6], $0x5FFFF  }
0xac: {  	[dreg:$0x1] =	wrdreg $0xFFFFFFFF  }
0xad: {  	[dreg:$0x0] =	wrdreg $0x60  }
0xae: {  	[dreg:$0x2] =	wrdreg s24  }
0xaf: {  	[dreg:$0x3] =	wrdreg $0x8800  }
0xb0: {  	[dreg:$0x4] =	wrdreg $0x9  }
0xb1: {  	_ =	task.clear_ibuf [dreg:s6], $0x5FFFF;
	_ =	strace $0x90000046  }
0xb2: {  	s29 =	simm.s32 $0x9;
	_ =	strace $0x80000048  }
0xb3: {  	_ =	swait.ge [sflag:s29], $0x1  }
0xb4: {  	[sflag:s29] =	ssyncadd.s32 $0xFFFFFFFF  }
0xb5: {  	_ =	strace $0x90000048  }
0xb6: {  	_ =	sfence  }
0xb7: {  	s30 =	sld [smem:$0x0];
	_ =	sdelay $0x2  }
0xb8: {  	s31 =	sshll.u32 s1, $0xD;
	s1 =	sshrl.u32 s1, $0x2  }
0xb9: {  	s3 =	sand.u32 $0x4000, s31;
	s1 =	sadd.s32 s1, s30  }
0xba: {  	s0 =	sor.u32 s3, s0;
	s1 =	sshll.u32 s1, $0x11  }
0xbb: {  	s0 =	sor.u32 s1, s0  }
0xbc: {  	s0 =	sadd.s32 $0x8F2B, s0  }
0xbd: {  	[sflag:s0] =	ssyncadd.remote.s32 $0x1  }
0xbe: {  	_ =	sfence.sel $0xFFFF  }
0xbf: {  	[dreg:$0x0] =	wrdreg $0xFFFFFFFF;
	(pc) =	sbr.abs _section_cstart, $3  }
0xc0: {  	[dreg:$0x1] =	wrdreg $0xFFFFFFFF  }
0xc1: {  	_ =	task.clear_ibuf [dreg:s6], $0x2FFFF;
	_ =	strace $0x9FFFFFFF  }
0xc2: {  	(tm) =	ssettm $0x7FFFFFFF  }
0xc3: {  	_ =	shalt  }
tec
execute0_lowered:
.L_overlay_start_1:
0x0: {  	(tag) =	ssettag $0x1  }
0x1: {  	s3 =	stileid.u32  }
0x2: {  	s0 =	srdreg.scid;
	s5 =	smul.u32 $0x3800, s3  }
0x3: {  	s0 =	sand.u32 $0x1, s0;
	s6 =	smul.u32 $0x280, s3  }
0x4: {  	s1 =	smul.u32 $0x38000, s0  }
0x5: {  	s7 =	smul.u32 $0x2800, s0  }
0x6: {  	s4 =	rddreg [dreg:$0x0]  }
0x7: {  	s2 =	rddreg [dreg:$0x1];
	s1 =	sadd.s32 s5, s1;
	s9 =	sadd.s32 s6, s7  }
0x8: {  	s3 =	simm.s32 $0x0;
	s1 =	sshrl.u32 s1, $0x3;
	s5 =	sshrl.u32 s9, $0x3  }
0x9: {  	s1 =	sadd.s32 s1, s4;
	s5 =	sadd.s32 s5, s4;
	s4 =	sadd.s32 s6, s2  }
0xa: {  	[smem:$0x7FF] =	sst s3;
	s6 =	sadd.s32 $0x20, s4  }
0xb: {  	_ =	strace $0x80000047;
	s11 =	sadd.s32 $0x40, s4;
	[dreg:$0x3] =	wrdreg s6  }
0xc: {  	s12 =	sadd.s32 $0x60, s4;
	[dreg:$0x4] =	wrdreg s11  }
0xd: {  	s13 =	sadd.s32 $0x80, s4;
	[dreg:$0x5] =	wrdreg s12  }
0xe: {  	s14 =	sadd.s32 $0xA0, s4;
	[dreg:$0x6] =	wrdreg s13  }
0xf: {  	s15 =	sadd.s32 $0xC0, s4;
	[dreg:$0x7] =	wrdreg s14  }
0x10: {  	s16 =	sadd.s32 $0xE0, s4;
	[dreg:$0x8] =	wrdreg s15  }
0x11: {  	s28 =	simm.s32 $0x800;
	s17 =	sadd.s32 $0x100, s4;
	[dreg:$0x9] =	wrdreg s16  }
0x12: {  	s29 =	simm.s32 $0x1;
	s18 =	sadd.s32 $0x120, s4;
	[dreg:$0xa] =	wrdreg s17  }
0x13: {  	s30 =	simm.s32 $0x60;
	s19 =	sadd.s32 $0x140, s4;
	[dreg:$0xb] =	wrdreg s18  }
0x14: {  	s31 =	simm.s32 $0x80;
	s20 =	sadd.s32 $0x160, s4;
	[dreg:$0xc] =	wrdreg s19  }
0x15: {  	s8 =	simm.s32 $0x380;
	s21 =	sadd.s32 $0x180, s4;
	[dreg:$0xd] =	wrdreg s20  }
0x16: {  	s0 =	ssub.s32 $0x2, s0;
	s22 =	sadd.s32 $0x1A0, s4;
	[dreg:$0xe] =	wrdreg s21  }
0x17: {  	s10 =	sshrl.u32 s0, $0x1;
	s23 =	sadd.s32 $0x1C0, s4;
	[dreg:$0xf] =	wrdreg s22  }
0x18: {  	s0 =	ssub.s32 s0, s10;
	s24 =	sadd.s32 $0x1E0, s4;
	[dreg:$0x10] =	wrdreg s23  }
0x19: {  	s7 =	simm.s32 $0x300;
	s25 =	sadd.s32 $0x200, s4;
	[dreg:$0x11] =	wrdreg s24  }
0x1a: {  	s10 =	simm.s32 $0x480;
	s26 =	sadd.s32 $0x220, s4;
	[dreg:$0x12] =	wrdreg s25  }
0x1b: {  	s9 =	simm.s32 $0x400;
	[dreg:$0x13] =	wrdreg s26;
	s22 =	sadd.s32 $0x240, s4  }
0x1c: {  	s23 =	sadd.s32 $0x11200, s5;
	s24 =	smax.u32 s0, $0x1;
	s25 =	sadd.s32 $0x3200, s1  }
0x1d: {  	s26 =	sadd.s32 $0x260, s4;
	s1 =	simm.s32 $0x100;
	s0 =	simm.s32 $0x180  }
0x1e: {  	s5 =	simm.s32 $0x200;
	s6 =	simm.s32 $0x280;
	s11 =	simm.s32 $0x500  }
0x1f: {  	s12 =	simm.s32 $0x580;
	s13 =	simm.s32 $0x600;
	s14 =	simm.s32 $0x680  }
0x20: {  	v0 =	vimm.f32 $0.0e+00;
	v1 =	vimm.f32 $1.000000000e+00;
	s15 =	simm.s32 $0x700;
	s16 =	simm.s32 $0x780;
	s17 =	simm.s32 $0x0  }
.LBB2_1:
0x21: {  	[tilespmem:$0x800] =	vst v0  }
0x22: {  	[tilespmem:$0x810] =	vst v0  }
0x23: {  	[tilespmem:$0x820] =	vst v0  }
0x24: {  	[tilespmem:$0x830] =	vst v0  }
0x25: {  	[tilespmem:$0x840] =	vst v0  }
0x26: {  	[tilespmem:$0x850] =	vst v0  }
0x27: {  	[spmem:s4] =	stream.linear.scatter [tilespmem:s28], [sflag:$0x1], $0x20, $0x38;
	[tilespmem:$0xB00] =	vst v63  }
0x28: {  	_ =	swait.ge [sflag:s29], $0x20  }
0x29: {  	[sflag:s29] =	ssyncset.done $0x0  }
0x2a: {  	s18 =	rddreg [dreg:$0x3];
	[sflag:s29] =	ssyncadd.s32 $0xFFFFFFE0  }
0x2b: {  	[spmem:s18] =	stream.linear.scatter [tilespmem:s28], [sflag:$0x1], $0x20, $0x38;
	[tilespmem:$0xB00] =	vst v63  }
0x2c: {  	_ =	swait.ge [sflag:s29], $0x20  }
0x2d: {  	[sflag:s29] =	ssyncset.done $0x0  }
0x2e: {  	s20 =	rddreg [dreg:$0x4];
	[sflag:s29] =	ssyncadd.s32 $0xFFFFFFE0  }
0x2f: {  	[spmem:s20] =	stream.linear.scatter [tilespmem:s28], [sflag:$0x1], $0x20, $0x38;
	[tilespmem:$0xB00] =	vst v63  }
0x30: {  	_ =	swait.ge [sflag:s29], $0x20  }
0x31: {  	[sflag:s29] =	ssyncset.done $0x0  }
0x32: {  	s21 =	rddreg [dreg:$0x5];
	[sflag:s29] =	ssyncadd.s32 $0xFFFFFFE0  }
0x33: {  	[spmem:s21] =	stream.linear.scatter [tilespmem:s28], [sflag:$0x1], $0x20, $0x38;
	[tilespmem:$0xB00] =	vst v63  }
0x34: {  	_ =	swait.ge [sflag:s29], $0x20  }
0x35: {  	[sflag:s29] =	ssyncset.done $0x0  }
0x36: {  	s19 =	rddreg [dreg:$0x6];
	[sflag:s29] =	ssyncadd.s32 $0xFFFFFFE0  }
0x37: {  	[spmem:s19] =	stream.linear.scatter [tilespmem:s28], [sflag:$0x1], $0x20, $0x38;
	[tilespmem:$0xB00] =	vst v63  }
0x38: {  	_ =	swait.ge [sflag:s29], $0x20  }
0x39: {  	[sflag:s29] =	ssyncset.done $0x0  }
0x3a: {  	s20 =	rddreg [dreg:$0x7];
	[sflag:s29] =	ssyncadd.s32 $0xFFFFFFE0  }
0x3b: {  	[spmem:s20] =	stream.linear.scatter [tilespmem:s28], [sflag:$0x1], $0x20, $0x38;
	[tilespmem:$0xB00] =	vst v63  }
0x3c: {  	_ =	swait.ge [sflag:s29], $0x20  }
0x3d: {  	[sflag:s29] =	ssyncset.done $0x0  }
0x3e: {  	s21 =	rddreg [dreg:$0x8];
	[sflag:s29] =	ssyncadd.s32 $0xFFFFFFE0  }
0x3f: {  	[spmem:s21] =	stream.linear.scatter [tilespmem:s28], [sflag:$0x1], $0x20, $0x38;
	[tilespmem:$0xB00] =	vst v63  }
0x40: {  	_ =	swait.ge [sflag:s29], $0x20  }
0x41: {  	[sflag:s29] =	ssyncset.done $0x0  }
0x42: {  	s19 =	rddreg [dreg:$0x9];
	[sflag:s29] =	ssyncadd.s32 $0xFFFFFFE0  }
0x43: {  	[spmem:s19] =	stream.linear.scatter [tilespmem:s28], [sflag:$0x1], $0x20, $0x38;
	[tilespmem:$0xB00] =	vst v63  }
0x44: {  	_ =	swait.ge [sflag:s29], $0x20  }
0x45: {  	[sflag:s29] =	ssyncset.done $0x0  }
0x46: {  	s20 =	rddreg [dreg:$0xa];
	[sflag:s29] =	ssyncadd.s32 $0xFFFFFFE0  }
0x47: {  	[spmem:s20] =	stream.linear.scatter [tilespmem:s28], [sflag:$0x1], $0x20, $0x38;
	[tilespmem:$0xB00] =	vst v63  }
0x48: {  	_ =	swait.ge [sflag:s29], $0x20  }
0x49: {  	[sflag:s29] =	ssyncset.done $0x0  }
0x4a: {  	s21 =	rddreg [dreg:$0xb];
	[sflag:s29] =	ssyncadd.s32 $0xFFFFFFE0  }
0x4b: {  	[spmem:s21] =	stream.linear.scatter [tilespmem:s28], [sflag:$0x1], $0x20, $0x38;
	[tilespmem:$0xB00] =	vst v63  }
0x4c: {  	_ =	swait.ge [sflag:s29], $0x20  }
0x4d: {  	[sflag:s29] =	ssyncset.done $0x0  }
0x4e: {  	s19 =	rddreg [dreg:$0xc];
	[sflag:s29] =	ssyncadd.s32 $0xFFFFFFE0  }
0x4f: {  	[spmem:s19] =	stream.linear.scatter [tilespmem:s28], [sflag:$0x1], $0x20, $0x38;
	[tilespmem:$0xB00] =	vst v63  }
0x50: {  	_ =	swait.ge [sflag:s29], $0x20  }
0x51: {  	[sflag:s29] =	ssyncset.done $0x0  }
0x52: {  	s20 =	rddreg [dreg:$0xd];
	[sflag:s29] =	ssyncadd.s32 $0xFFFFFFE0  }
0x53: {  	[spmem:s20] =	stream.linear.scatter [tilespmem:s28], [sflag:$0x1], $0x20, $0x38;
	[tilespmem:$0xB00] =	vst v63  }
0x54: {  	_ =	swait.ge [sflag:s29], $0x20  }
0x55: {  	[sflag:s29] =	ssyncset.done $0x0  }
0x56: {  	s21 =	rddreg [dreg:$0xe];
	[sflag:s29] =	ssyncadd.s32 $0xFFFFFFE0  }
0x57: {  	[spmem:s21] =	stream.linear.scatter [tilespmem:s28], [sflag:$0x1], $0x20, $0x38;
	[tilespmem:$0xB00] =	vst v63  }
0x58: {  	_ =	swait.ge [sflag:s29], $0x20  }
0x59: {  	[sflag:s29] =	ssyncset.done $0x0  }
0x5a: {  	s19 =	rddreg [dreg:$0xf];
	[sflag:s29] =	ssyncadd.s32 $0xFFFFFFE0  }
0x5b: {  	[spmem:s19] =	stream.linear.scatter [tilespmem:s28], [sflag:$0x1], $0x20, $0x38;
	[tilespmem:$0xB00] =	vst v63  }
0x5c: {  	_ =	swait.ge [sflag:s29], $0x20  }
0x5d: {  	[sflag:s29] =	ssyncset.done $0x0  }
0x5e: {  	s20 =	rddreg [dreg:$0x10];
	[sflag:s29] =	ssyncadd.s32 $0xFFFFFFE0  }
0x5f: {  	[spmem:s20] =	stream.linear.scatter [tilespmem:s28], [sflag:$0x1], $0x20, $0x38;
	[tilespmem:$0xB00] =	vst v63  }
0x60: {  	_ =	swait.ge [sflag:s29], $0x20  }
0x61: {  	[sflag:s29] =	ssyncset.done $0x0  }
0x62: {  	s21 =	rddreg [dreg:$0x11];
	[sflag:s29] =	ssyncadd.s32 $0xFFFFFFE0  }
0x63: {  	[spmem:s21] =	stream.linear.scatter [tilespmem:s28], [sflag:$0x1], $0x20, $0x38;
	[tilespmem:$0xB00] =	vst v63  }
0x64: {  	_ =	swait.ge [sflag:s29], $0x20  }
0x65: {  	[sflag:s29] =	ssyncset.done $0x0  }
0x66: {  	s19 =	rddreg [dreg:$0x12];
	[sflag:s29] =	ssyncadd.s32 $0xFFFFFFE0  }
0x67: {  	[spmem:s19] =	stream.linear.scatter [tilespmem:s28], [sflag:$0x1], $0x20, $0x38;
	[tilespmem:$0xB00] =	vst v63  }
0x68: {  	_ =	swait.ge [sflag:s29], $0x20  }
0x69: {  	[sflag:s29] =	ssyncset.done $0x0  }
0x6a: {  	s20 =	rddreg [dreg:$0x13];
	[sflag:s29] =	ssyncadd.s32 $0xFFFFFFE0  }
0x6b: {  	[spmem:s20] =	stream.linear.scatter [tilespmem:s28], [sflag:$0x1], $0x20, $0x38;
	[tilespmem:$0xB00] =	vst v63  }
0x6c: {  	_ =	swait.ge [sflag:s29], $0x20  }
0x6d: {  	[sflag:s29] =	ssyncset.done $0x0  }
0x6e: {  	[sflag:s29] =	ssyncadd.s32 $0xFFFFFFE0  }
0x6f: {  	[spmem:s22] =	stream.linear.scatter [tilespmem:s28], [sflag:$0x1], $0x20, $0x38;
	[tilespmem:$0xB00] =	vst v63  }
0x70: {  	_ =	swait.ge [sflag:s29], $0x20  }
0x71: {  	[sflag:s29] =	ssyncset.done $0x0  }
0x72: {  	[sflag:s29] =	ssyncadd.s32 $0xFFFFFFE0  }
0x73: {  	[spmem:s26] =	stream.linear.scatter [tilespmem:s28], [sflag:$0x1], $0x20, $0x38;
	[tilespmem:$0xB00] =	vst v63  }
0x74: {  	_ =	swait.ge [sflag:s29], $0x20  }
0x75: {  	[sflag:s29] =	ssyncset.done $0x0  }
0x76: {  	[sflag:s29] =	ssyncadd.s32 $0xFFFFFFE0  }
0x77: {  	[tilespmem:$0x800] =	vst v1  }
0x78: {  	[tilespmem:$0x810] =	vst v1  }
0x79: {  	[tilespmem:$0x820] =	vst v1  }
0x7a: {  	[tilespmem:$0x830] =	vst v1  }
0x7b: {  	[tilespmem:$0x840] =	vst v1  }
0x7c: {  	[tilespmem:$0x850] =	vst v1  }
0x7d: {  	s21 =	sadd.s32 $0x0, s25;
	[bflag:$0x0] =	sbarrier.arrive $0xFFFF  }
0x7e: {  	[tilespmem:s3], [sflag:$0x1] =	stream.linear.gather [hbm4b:s21+s3], $0x800, $0x38;
	[tilespmem:$0xB00] =	vst v63  }
0x7f: {  	_ =	swait.ge [sflag:s29], $0x800  }
0x80: {  	[sflag:s29] =	ssyncset.done $0x0  }
0x81: {  	[sflag:s29] =	ssyncadd.s32 $0xFFFFF800  }
0x82: {  	[spmem:s2] =	stream.indirect.scatter.add.f32 [tilespmem:s28], [sflag:$0x1], $0x1, s3, s30, $0xb8;
	[tilespmem:$0xB00] =	vst v63  }
0x83: {  	_ =	swait.ge [sflag:s29], $0x60  }
0x84: {  	[sflag:s29] =	ssyncset.done $0x0  }
0x85: {  	[sflag:s29] =	ssyncadd.s32 $0xFFFFFFA0  }
0x86: {  	[spmem:s2] =	stream.indirect.scatter.add.f32 [tilespmem:s28], [sflag:$0x1], $0x1, s31, s30, $0xb8;
	[tilespmem:$0xB00] =	vst v63  }
0x87: {  	_ =	swait.ge [sflag:s29], $0x60  }
0x88: {  	[sflag:s29] =	ssyncset.done $0x0  }
0x89: {  	[sflag:s29] =	ssyncadd.s32 $0xFFFFFFA0  }
0x8a: {  	[spmem:s2] =	stream.indirect.scatter.add.f32 [tilespmem:s28], [sflag:$0x1], $0x1, s1, s30, $0xb8;
	[tilespmem:$0xB00] =	vst v63  }
0x8b: {  	_ =	swait.ge [sflag:s29], $0x60  }
0x8c: {  	[sflag:s29] =	ssyncset.done $0x0  }
0x8d: {  	[sflag:s29] =	ssyncadd.s32 $0xFFFFFFA0  }
0x8e: {  	[spmem:s2] =	stream.indirect.scatter.add.f32 [tilespmem:s28], [sflag:$0x1], $0x1, s0, s30, $0xb8;
	[tilespmem:$0xB00] =	vst v63  }
0x8f: {  	_ =	swait.ge [sflag:s29], $0x60  }
0x90: {  	[sflag:s29] =	ssyncset.done $0x0  }
0x91: {  	[sflag:s29] =	ssyncadd.s32 $0xFFFFFFA0  }
0x92: {  	[spmem:s2] =	stream.indirect.scatter.add.f32 [tilespmem:s28], [sflag:$0x1], $0x1, s5, s30, $0xb8;
	[tilespmem:$0xB00] =	vst v63  }
0x93: {  	_ =	swait.ge [sflag:s29], $0x60  }
0x94: {  	[sflag:s29] =	ssyncset.done $0x0  }
0x95: {  	[sflag:s29] =	ssyncadd.s32 $0xFFFFFFA0  }
0x96: {  	[spmem:s2] =	stream.indirect.scatter.add.f32 [tilespmem:s28], [sflag:$0x1], $0x1, s6, s30, $0xb8;
	[tilespmem:$0xB00] =	vst v63  }
0x97: {  	_ =	swait.ge [sflag:s29], $0x60  }
0x98: {  	[sflag:s29] =	ssyncset.done $0x0  }
0x99: {  	[sflag:s29] =	ssyncadd.s32 $0xFFFFFFA0  }
0x9a: {  	[spmem:s2] =	stream.indirect.scatter.add.f32 [tilespmem:s28], [sflag:$0x1], $0x1, s7, s30, $0xb8;
	[tilespmem:$0xB00] =	vst v63  }
0x9b: {  	_ =	swait.ge [sflag:s29], $0x60  }
0x9c: {  	[sflag:s29] =	ssyncset.done $0x0  }
0x9d: {  	[sflag:s29] =	ssyncadd.s32 $0xFFFFFFA0  }
0x9e: {  	[spmem:s2] =	stream.indirect.scatter.add.f32 [tilespmem:s28], [sflag:$0x1], $0x1, s8, s30, $0xb8;
	[tilespmem:$0xB00] =	vst v63  }
0x9f: {  	_ =	swait.ge [sflag:s29], $0x60  }
0xa0: {  	[sflag:s29] =	ssyncset.done $0x0  }
0xa1: {  	[sflag:s29] =	ssyncadd.s32 $0xFFFFFFA0  }
0xa2: {  	[spmem:s2] =	stream.indirect.scatter.add.f32 [tilespmem:s28], [sflag:$0x1], $0x1, s9, s30, $0xb8;
	[tilespmem:$0xB00] =	vst v63  }
0xa3: {  	_ =	swait.ge [sflag:s29], $0x60  }
0xa4: {  	[sflag:s29] =	ssyncset.done $0x0  }
0xa5: {  	[sflag:s29] =	ssyncadd.s32 $0xFFFFFFA0  }
0xa6: {  	[spmem:s2] =	stream.indirect.scatter.add.f32 [tilespmem:s28], [sflag:$0x1], $0x1, s10, s30, $0xb8;
	[tilespmem:$0xB00] =	vst v63  }
0xa7: {  	_ =	swait.ge [sflag:s29], $0x60  }
0xa8: {  	[sflag:s29] =	ssyncset.done $0x0  }
0xa9: {  	[sflag:s29] =	ssyncadd.s32 $0xFFFFFFA0  }
0xaa: {  	[spmem:s2] =	stream.indirect.scatter.add.f32 [tilespmem:s28], [sflag:$0x1], $0x1, s11, s30, $0xb8;
	[tilespmem:$0xB00] =	vst v63  }
0xab: {  	_ =	swait.ge [sflag:s29], $0x60  }
0xac: {  	[sflag:s29] =	ssyncset.done $0x0  }
0xad: {  	[sflag:s29] =	ssyncadd.s32 $0xFFFFFFA0  }
0xae: {  	[spmem:s2] =	stream.indirect.scatter.add.f32 [tilespmem:s28], [sflag:$0x1], $0x1, s12, s30, $0xb8;
	[tilespmem:$0xB00] =	vst v63  }
0xaf: {  	_ =	swait.ge [sflag:s29], $0x60  }
0xb0: {  	[sflag:s29] =	ssyncset.done $0x0  }
0xb1: {  	[sflag:s29] =	ssyncadd.s32 $0xFFFFFFA0  }
0xb2: {  	[spmem:s2] =	stream.indirect.scatter.add.f32 [tilespmem:s28], [sflag:$0x1], $0x1, s13, s30, $0xb8;
	[tilespmem:$0xB00] =	vst v63  }
0xb3: {  	_ =	swait.ge [sflag:s29], $0x60  }
0xb4: {  	[sflag:s29] =	ssyncset.done $0x0  }
0xb5: {  	[sflag:s29] =	ssyncadd.s32 $0xFFFFFFA0  }
0xb6: {  	[spmem:s2] =	stream.indirect.scatter.add.f32 [tilespmem:s28], [sflag:$0x1], $0x1, s14, s30, $0xb8;
	[tilespmem:$0xB00] =	vst v63  }
0xb7: {  	_ =	swait.ge [sflag:s29], $0x60  }
0xb8: {  	[sflag:s29] =	ssyncset.done $0x0  }
0xb9: {  	[sflag:s29] =	ssyncadd.s32 $0xFFFFFFA0  }
0xba: {  	[spmem:s2] =	stream.indirect.scatter.add.f32 [tilespmem:s28], [sflag:$0x1], $0x1, s15, s30, $0xb8;
	[tilespmem:$0xB00] =	vst v63  }
0xbb: {  	_ =	swait.ge [sflag:s29], $0x60  }
0xbc: {  	[sflag:s29] =	ssyncset.done $0x0  }
0xbd: {  	[sflag:s29] =	ssyncadd.s32 $0xFFFFFFA0  }
0xbe: {  	[spmem:s2] =	stream.indirect.scatter.add.f32 [tilespmem:s28], [sflag:$0x1], $0x1, s16, s30, $0xb8;
	[tilespmem:$0xB00] =	vst v63  }
0xbf: {  	_ =	swait.ge [sflag:s29], $0x60  }
0xc0: {  	s18 =	simm.s32 $0x100;
	s19 =	simm.s32 $0x200;
	[sflag:s29] =	ssyncset.done $0x0  }
.LBB2_2:
0xc1: {  	s21 =	sadd.s32 s18, s25  }
0xc2: {  	[sflag:s29] =	ssyncadd.s32 $0xFFFFFFA0;
	s18 =	smov.u32 s19;
	s20 =	sadd.s32 $0x100, s19  }
0xc3: {  	[tilespmem:s3], [sflag:$0x1] =	stream.linear.gather [hbm4b:s21+s3], $0x800, $0x38;
	[tilespmem:$0xB00] =	vst v63  }
0xc4: {  	p0 =	sne.s32 s19, $0x600;
	_ =	swait.ge [sflag:s29], $0x800  }
0xc5: {  	[sflag:s29] =	ssyncset.done $0x0  }
0xc6: {  	[sflag:s29] =	ssyncadd.s32 $0xFFFFF800  }
0xc7: {  	[spmem:s2] =	stream.indirect.scatter.add.f32 [tilespmem:s28], [sflag:$0x1], $0x1, s3, s30, $0xb8;
	[tilespmem:$0xB00] =	vst v63  }
0xc8: {  	_ =	swait.ge [sflag:s29], $0x60  }
0xc9: {  	[sflag:s29] =	ssyncset.done $0x0  }
0xca: {  	[sflag:s29] =	ssyncadd.s32 $0xFFFFFFA0  }
0xcb: {  	[spmem:s2] =	stream.indirect.scatter.add.f32 [tilespmem:s28], [sflag:$0x1], $0x1, s31, s30, $0xb8;
	[tilespmem:$0xB00] =	vst v63  }
0xcc: {  	_ =	swait.ge [sflag:s29], $0x60  }
0xcd: {  	[sflag:s29] =	ssyncset.done $0x0  }
0xce: {  	[sflag:s29] =	ssyncadd.s32 $0xFFFFFFA0  }
0xcf: {  	[spmem:s2] =	stream.indirect.scatter.add.f32 [tilespmem:s28], [sflag:$0x1], $0x1, s1, s30, $0xb8;
	[tilespmem:$0xB00] =	vst v63  }
0xd0: {  	_ =	swait.ge [sflag:s29], $0x60  }
0xd1: {  	[sflag:s29] =	ssyncset.done $0x0  }
0xd2: {  	[sflag:s29] =	ssyncadd.s32 $0xFFFFFFA0  }
0xd3: {  	[spmem:s2] =	stream.indirect.scatter.add.f32 [tilespmem:s28], [sflag:$0x1], $0x1, s0, s30, $0xb8;
	[tilespmem:$0xB00] =	vst v63  }
0xd4: {  	_ =	swait.ge [sflag:s29], $0x60  }
0xd5: {  	[sflag:s29] =	ssyncset.done $0x0  }
0xd6: {  	[sflag:s29] =	ssyncadd.s32 $0xFFFFFFA0  }
0xd7: {  	[spmem:s2] =	stream.indirect.scatter.add.f32 [tilespmem:s28], [sflag:$0x1], $0x1, s5, s30, $0xb8;
	[tilespmem:$0xB00] =	vst v63  }
0xd8: {  	_ =	swait.ge [sflag:s29], $0x60  }
0xd9: {  	[sflag:s29] =	ssyncset.done $0x0  }
0xda: {  	[sflag:s29] =	ssyncadd.s32 $0xFFFFFFA0  }
0xdb: {  	[spmem:s2] =	stream.indirect.scatter.add.f32 [tilespmem:s28], [sflag:$0x1], $0x1, s6, s30, $0xb8;
	[tilespmem:$0xB00] =	vst v63  }
0xdc: {  	_ =	swait.ge [sflag:s29], $0x60  }
0xdd: {  	[sflag:s29] =	ssyncset.done $0x0  }
0xde: {  	[sflag:s29] =	ssyncadd.s32 $0xFFFFFFA0  }
0xdf: {  	[spmem:s2] =	stream.indirect.scatter.add.f32 [tilespmem:s28], [sflag:$0x1], $0x1, s7, s30, $0xb8;
	[tilespmem:$0xB00] =	vst v63  }
0xe0: {  	_ =	swait.ge [sflag:s29], $0x60  }
0xe1: {  	[sflag:s29] =	ssyncset.done $0x0  }
0xe2: {  	[sflag:s29] =	ssyncadd.s32 $0xFFFFFFA0  }
0xe3: {  	[spmem:s2] =	stream.indirect.scatter.add.f32 [tilespmem:s28], [sflag:$0x1], $0x1, s8, s30, $0xb8;
	[tilespmem:$0xB00] =	vst v63  }
0xe4: {  	_ =	swait.ge [sflag:s29], $0x60  }
0xe5: {  	[sflag:s29] =	ssyncset.done $0x0  }
0xe6: {  	[sflag:s29] =	ssyncadd.s32 $0xFFFFFFA0  }
0xe7: {  	[spmem:s2] =	stream.indirect.scatter.add.f32 [tilespmem:s28], [sflag:$0x1], $0x1, s9, s30, $0xb8;
	[tilespmem:$0xB00] =	vst v63  }
0xe8: {  	_ =	swait.ge [sflag:s29], $0x60  }
0xe9: {  	[sflag:s29] =	ssyncset.done $0x0  }
0xea: {  	[sflag:s29] =	ssyncadd.s32 $0xFFFFFFA0  }
0xeb: {  	[spmem:s2] =	stream.indirect.scatter.add.f32 [tilespmem:s28], [sflag:$0x1], $0x1, s10, s30, $0xb8;
	[tilespmem:$0xB00] =	vst v63  }
0xec: {  	_ =	swait.ge [sflag:s29], $0x60  }
0xed: {  	[sflag:s29] =	ssyncset.done $0x0  }
0xee: {  	[sflag:s29] =	ssyncadd.s32 $0xFFFFFFA0  }
0xef: {  	[spmem:s2] =	stream.indirect.scatter.add.f32 [tilespmem:s28], [sflag:$0x1], $0x1, s11, s30, $0xb8;
	[tilespmem:$0xB00] =	vst v63  }
0xf0: {  	_ =	swait.ge [sflag:s29], $0x60  }
0xf1: {  	[sflag:s29] =	ssyncset.done $0x0  }
0xf2: {  	[sflag:s29] =	ssyncadd.s32 $0xFFFFFFA0  }
0xf3: {  	[spmem:s2] =	stream.indirect.scatter.add.f32 [tilespmem:s28], [sflag:$0x1], $0x1, s12, s30, $0xb8;
	[tilespmem:$0xB00] =	vst v63  }
0xf4: {  	_ =	swait.ge [sflag:s29], $0x60  }
0xf5: {  	[sflag:s29] =	ssyncset.done $0x0  }
0xf6: {  	[sflag:s29] =	ssyncadd.s32 $0xFFFFFFA0  }
0xf7: {  	[spmem:s2] =	stream.indirect.scatter.add.f32 [tilespmem:s28], [sflag:$0x1], $0x1, s13, s30, $0xb8;
	[tilespmem:$0xB00] =	vst v63  }
0xf8: {  	_ =	swait.ge [sflag:s29], $0x60  }
0xf9: {  	[sflag:s29] =	ssyncset.done $0x0  }
0xfa: {  	[sflag:s29] =	ssyncadd.s32 $0xFFFFFFA0  }
0xfb: {  	[spmem:s2] =	stream.indirect.scatter.add.f32 [tilespmem:s28], [sflag:$0x1], $0x1, s14, s30, $0xb8;
	[tilespmem:$0xB00] =	vst v63  }
0xfc: {  	_ =	swait.ge [sflag:s29], $0x60  }
0xfd: {  	[sflag:s29] =	ssyncset.done $0x0  }
0xfe: {  	[sflag:s29] =	ssyncadd.s32 $0xFFFFFFA0  }
0xff: {  	[spmem:s2] =	stream.indirect.scatter.add.f32 [tilespmem:s28], [sflag:$0x1], $0x1, s15, s30, $0xb8;
	[tilespmem:$0xB00] =	vst v63  }
0x100: {  	_ =	swait.ge [sflag:s29], $0x60  }
.Ltmp0:
0x101: {  	[sflag:s29] =	ssyncset.done $0x0;
	(pc) =	sbr.rel @p0 .LBB2_2-.Ltmp0, $4  }
0x102: {  	[sflag:s29] =	ssyncadd.s32 $0xFFFFFFA0  }
0x103: {  	[spmem:s2] =	stream.indirect.scatter.add.f32 [tilespmem:s28], [sflag:$0x1], $0x1, s16, s30, $0xb8;
	[tilespmem:$0xB00] =	vst v63  }
0x104: {  	_ =	swait.ge [sflag:s29], $0x60  }
0x105: {  	s19 =	smov.u32 s20;
	[sflag:s29] =	ssyncset.done $0x0  }
0x106: {  	s18 =	sadd.s32 s18, s25;
	[sflag:s29] =	ssyncadd.s32 $0xFFFFFFA0  }
0x107: {  	[tilespmem:s3], [sflag:$0x1] =	stream.linear.gather [hbm4b:s18+s3], $0x800, $0x38;
	[tilespmem:$0xB00] =	vst v63  }
0x108: {  	_ =	swait.ge [sflag:s29], $0x800  }
0x109: {  	[sflag:s29] =	ssyncset.done $0x0  }
0x10a: {  	[sflag:s29] =	ssyncadd.s32 $0xFFFFF800  }
0x10b: {  	[spmem:s2] =	stream.indirect.scatter.add.f32 [tilespmem:s28], [sflag:$0x1], $0x1, s3, s30, $0xb8;
	[tilespmem:$0xB00] =	vst v63  }
0x10c: {  	_ =	swait.ge [sflag:s29], $0x60  }
0x10d: {  	[sflag:s29] =	ssyncset.done $0x0  }
0x10e: {  	[sflag:s29] =	ssyncadd.s32 $0xFFFFFFA0  }
0x10f: {  	[spmem:s2] =	stream.indirect.scatter.add.f32 [tilespmem:s28], [sflag:$0x1], $0x1, s31, s30, $0xb8;
	[tilespmem:$0xB00] =	vst v63  }
0x110: {  	_ =	swait.ge [sflag:s29], $0x60  }
0x111: {  	[sflag:s29] =	ssyncset.done $0x0  }
0x112: {  	[sflag:s29] =	ssyncadd.s32 $0xFFFFFFA0  }
0x113: {  	[spmem:s2] =	stream.indirect.scatter.add.f32 [tilespmem:s28], [sflag:$0x1], $0x1, s1, s30, $0xb8;
	[tilespmem:$0xB00] =	vst v63  }
0x114: {  	_ =	swait.ge [sflag:s29], $0x60  }
0x115: {  	[sflag:s29] =	ssyncset.done $0x0  }
0x116: {  	[sflag:s29] =	ssyncadd.s32 $0xFFFFFFA0  }
0x117: {  	[spmem:s2] =	stream.indirect.scatter.add.f32 [tilespmem:s28], [sflag:$0x1], $0x1, s0, s30, $0xb8;
	[tilespmem:$0xB00] =	vst v63  }
0x118: {  	_ =	swait.ge [sflag:s29], $0x60  }
0x119: {  	[sflag:s29] =	ssyncset.done $0x0  }
0x11a: {  	[sflag:s29] =	ssyncadd.s32 $0xFFFFFFA0  }
0x11b: {  	[spmem:s2] =	stream.indirect.scatter.add.f32 [tilespmem:s28], [sflag:$0x1], $0x1, s5, s30, $0xb8;
	[tilespmem:$0xB00] =	vst v63  }
0x11c: {  	_ =	swait.ge [sflag:s29], $0x60  }
0x11d: {  	[sflag:s29] =	ssyncset.done $0x0  }
0x11e: {  	[sflag:s29] =	ssyncadd.s32 $0xFFFFFFA0  }
0x11f: {  	[spmem:s2] =	stream.indirect.scatter.add.f32 [tilespmem:s28], [sflag:$0x1], $0x1, s6, s30, $0xb8;
	[tilespmem:$0xB00] =	vst v63  }
0x120: {  	_ =	swait.ge [sflag:s29], $0x60  }
0x121: {  	[sflag:s29] =	ssyncset.done $0x0  }
0x122: {  	[sflag:s29] =	ssyncadd.s32 $0xFFFFFFA0  }
0x123: {  	[spmem:s2] =	stream.indirect.scatter.add.f32 [tilespmem:s28], [sflag:$0x1], $0x1, s7, s30, $0xb8;
	[tilespmem:$0xB00] =	vst v63  }
0x124: {  	_ =	swait.ge [sflag:s29], $0x60  }
0x125: {  	[sflag:s29] =	ssyncset.done $0x0  }
0x126: {  	[sflag:s29] =	ssyncadd.s32 $0xFFFFFFA0  }
0x127: {  	[spmem:s2] =	stream.indirect.scatter.add.f32 [tilespmem:s28], [sflag:$0x1], $0x1, s8, s30, $0xb8;
	[tilespmem:$0xB00] =	vst v63  }
0x128: {  	_ =	swait.ge [sflag:s29], $0x60  }
0x129: {  	[sflag:s29] =	ssyncset.done $0x0  }
0x12a: {  	[sflag:s29] =	ssyncadd.s32 $0xFFFFFFA0  }
0x12b: {  	[spmem:s2] =	stream.indirect.scatter.add.f32 [tilespmem:s28], [sflag:$0x1], $0x1, s9, s30, $0xb8;
	[tilespmem:$0xB00] =	vst v63  }
0x12c: {  	_ =	swait.ge [sflag:s29], $0x60  }
0x12d: {  	[sflag:s29] =	ssyncset.done $0x0  }
0x12e: {  	[sflag:s29] =	ssyncadd.s32 $0xFFFFFFA0  }
0x12f: {  	[spmem:s2] =	stream.indirect.scatter.add.f32 [tilespmem:s28], [sflag:$0x1], $0x1, s10, s30, $0xb8;
	[tilespmem:$0xB00] =	vst v63  }
0x130: {  	_ =	swait.ge [sflag:s29], $0x60  }
0x131: {  	[sflag:s29] =	ssyncset.done $0x0  }
0x132: {  	[sflag:s29] =	ssyncadd.s32 $0xFFFFFFA0  }
0x133: {  	[spmem:s2] =	stream.indirect.scatter.add.f32 [tilespmem:s28], [sflag:$0x1], $0x1, s11, s30, $0xb8;
	[tilespmem:$0xB00] =	vst v63  }
0x134: {  	_ =	swait.ge [sflag:s29], $0x60  }
0x135: {  	[sflag:s29] =	ssyncset.done $0x0  }
0x136: {  	[sflag:s29] =	ssyncadd.s32 $0xFFFFFFA0  }
0x137: {  	[spmem:s2] =	stream.indirect.scatter.add.f32 [tilespmem:s28], [sflag:$0x1], $0x1, s12, s30, $0xb8;
	[tilespmem:$0xB00] =	vst v63  }
0x138: {  	_ =	swait.ge [sflag:s29], $0x60  }
0x139: {  	[sflag:s29] =	ssyncset.done $0x0  }
0x13a: {  	[sflag:s29] =	ssyncadd.s32 $0xFFFFFFA0  }
0x13b: {  	[spmem:s2] =	stream.indirect.scatter.add.f32 [tilespmem:s28], [sflag:$0x1], $0x1, s13, s30, $0xb8;
	[tilespmem:$0xB00] =	vst v63  }
0x13c: {  	_ =	swait.ge [sflag:s29], $0x60  }
0x13d: {  	[sflag:s29] =	ssyncset.done $0x0  }
0x13e: {  	[sflag:s29] =	ssyncadd.s32 $0xFFFFFFA0  }
0x13f: {  	[spmem:s2] =	stream.indirect.scatter.add.f32 [tilespmem:s28], [sflag:$0x1], $0x1, s14, s30, $0xb8;
	[tilespmem:$0xB00] =	vst v63  }
0x140: {  	_ =	swait.ge [sflag:s29], $0x60  }
0x141: {  	[sflag:s29] =	ssyncset.done $0x0  }
0x142: {  	[sflag:s29] =	ssyncadd.s32 $0xFFFFFFA0  }
0x143: {  	[spmem:s2] =	stream.indirect.scatter.add.f32 [tilespmem:s28], [sflag:$0x1], $0x1, s15, s30, $0xb8;
	[tilespmem:$0xB00] =	vst v63  }
0x144: {  	_ =	swait.ge [sflag:s29], $0x60  }
0x145: {  	[sflag:s29] =	ssyncset.done $0x0  }
0x146: {  	[sflag:s29] =	ssyncadd.s32 $0xFFFFFFA0  }
0x147: {  	[spmem:s2] =	stream.indirect.scatter.add.f32 [tilespmem:s28], [sflag:$0x1], $0x1, s16, s30, $0xb8;
	[tilespmem:$0xB00] =	vst v63  }
0x148: {  	s21 =	stileid.u32;
	_ =	swait.ge [sflag:s29], $0x60  }
0x149: {  	s19 =	sshrl.u32 s4, $0x3;
	s17 =	sadd.s32 $0x1, s17;
	[sflag:s29] =	ssyncset.done $0x0  }
0x14a: {  	s18 =	sshll.u32 s21, $0x6;
	p0 =	sne.s32 s17, s24;
	[sflag:s29] =	ssyncadd.s32 $0xFFFFFFA0  }
.Ltmp1:
0x14b: {  	s18 =	sor.u32 $0x1C01, s18;
	[bflag:$0x0] =	sbarrier.arrive $0xFFFF;
	(pc) =	sbr.rel @p0 .LBB2_1-.Ltmp1, $4  }
0x14c: {  	[hbm:s23], [sflag:s18] =	dma.local [spmem:s19], $0x50  }
0x14d: {  	_ =	swait.ge [sflag:s29], $0x50  }
0x14e: {  	[sflag:s29] =	ssyncset.done $0x0  }
0x14f: {  	[sflag:s29] =	ssyncadd.s32 $0xFFFFFFB0  }
0x150: {  	_ =	sfence.sel $0x180000  }
0x151: {  	[bflag:$0x0] =	sbarrier.arrive $0xFFFF  }
0x152: {  	_ =	strace $0x90000047  }
0x153: {  	s0 =	stileid.u32;
	[bflag:$0x2] =	sbarrier.arrive $0xFFFF  }
0x154: {  	p0 =	sne.s32 s0, $0x0;
	s0 =	rddreg [dreg:$0x2]  }
0x155: {  	s0 =	sadd.s32 @!p0 $0x100000, s0  }
0x156: {  	[sflag:s0] =	ssyncadd.tile.s32 @!p0 $0x1;
	_ =	shalt  }
.Lfunc_end2:
_tile_overlayer_lowered:
.L_overlay_start_2:
0x157: {  	(tag) =	ssettag $0x2  }
0x158: {  	s0 =	rddreg [dreg:$0x0];
	s2 =	stileid.u32  }
0x159: {  	s1 =	rddreg [dreg:$0x1];
	p0 =	sne.s32 s2, $0x0  }
0x15a: {  	s3 =	rddreg [dreg:$0x2];
	[bflag:$0x3] =	sbarrier.arrive $0xFFFF;
	s2 =	simm.s32 @!p0 $0x1C01  }
0x15b: {  	[timem:s3], [sflag:s2] =	dma.local @!p0 [hbm:s0], s1  }
0x15c: {  	s0 =	simm.s32 @!p0 $0x1  }
0x15d: {  	_ =	swait.ge @!p0 [sflag:s0], s1  }
0x15e: {  	s1 =	ssub.s32 @!p0 $0x0, s1;
	[sflag:s0] =	ssyncset.done @!p0 $0x0  }
0x15f: {  	[sflag:s0] =	ssyncadd.s32 @!p0 s1  }
0x160: {  	[bflag:$0x3] =	sbarrier.arrive $0xFFFF  }
0x161: {  	_ =	shalt  }

</sc_bundles>
